<compile_context>
chip_gen: v7x
topology: tpu7x:2x2x1
jax: 0.10.2.dev20260603
libtpu: 0.0.44.dev20260713+nightly
codegen_flags: <defaults>
</compile_context>

<pallas_src>
import functools

import jax
import jax.numpy as jnp
from jax import lax
from jax.experimental import pallas as pl
from jax.experimental.pallas import tpu as pltpu
from jax.experimental.pallas import tpu_sc as plsc

N = 10000
E = 320000
R = 8
D = 128
B = 1024

NC = 2
NS = 16
NW = NC * NS
EPT = E // NS
SB = 2000
L = 16

CG = 64
HB = B // 2
NSEG = HB * R
DUMP = NSEG
NSEG_PAD = NSEG + 16
CPAD = 4224
CBUF = SB + 3 * CG
SROWS = B // NW


def _sc_body(inv_hbm, src_hbm, dstt_hbm, nodes_hbm, feat_hbm,
             ones_hbm, zrow_hbm, zcnt_hbm,
             acc_out, cnt_out, self_out,
             inv_v, src_v, dstt_v, src_w, dstt_w, csrc_v, cseg_v,
             src_row, seg_row, rows_v, onesb, zcnt_v, nidx_v,
             acc_sh, cnt_sh, sem, semb, semc, semd):
    c = lax.axis_index("c")
    s = lax.axis_index("s")
    wid = c * NS + s

    NT = EPT // SB

    def stage(t, b, sbuf, dbuf, sm):
        off = s * EPT + t * SB
        return (pltpu.async_copy(src_hbm.at[pl.ds(off, SB)], sbuf, sm),
                pltpu.async_copy(dstt_hbm.at[pl.ds(off, SB)], dbuf, sm))

    d_inv = pltpu.async_copy(inv_hbm, inv_v, semc)
    descs = stage(0, 0, src_v, dstt_v, sem)
    pltpu.sync_copy(ones_hbm, onesb)
    pltpu.sync_copy(zrow_hbm, rows_v)
    pltpu.sync_copy(zcnt_hbm, zcnt_v)

    for q in range(4):
        pltpu.sync_copy(rows_v, acc_sh.at[pl.ds(s * 257 + q * CG, CG)])
    pltpu.sync_copy(rows_v.at[pl.ds(0, 1)], acc_sh.at[pl.ds(s * 257 + 256, 1)])
    pltpu.sync_copy(zcnt_v, cnt_sh.at[pl.ds(s * 264, 264)])
    plsc.subcore_barrier()

    def p1(i, cnt, dstt_v, src_v):
        base = i * L
        dstt16 = dstt_v[pl.ds(base, L)]
        src16 = src_v[pl.ds(base, L)]
        dst16 = lax.shift_right_logical(dstt16, 3)
        typ16 = dstt16 & 7
        slot16 = plsc.load_gather(inv_v, [dst16])
        m = (slot16 >= 0) & ((slot16 & 1) == c)
        seg16 = jnp.where(m, lax.shift_right_logical(slot16, 1) * R + typ16,
                          DUMP)
        plsc.store_compressed(csrc_v.at[pl.ds(cnt, L)], src16, mask=m)
        plsc.store_compressed(cseg_v.at[pl.ds(cnt, L)], seg16, mask=m)
        return cnt + jnp.sum(m.astype(jnp.int32))

    def p2(k, _):
        for j in range(CG // L):
            src_row[pl.ds(j * L, L)] = csrc_v[pl.ds(k * CG + j * L, L)]
            seg_row[pl.ds(j * L, L)] = cseg_v[pl.ds(k * CG + j * L, L)]
        pltpu.async_copy(feat_hbm.at[src_row], rows_v, semd).wait()
        pltpu.sync_copy(rows_v, acc_sh.at[seg_row], add=True)
        pltpu.sync_copy(onesb, cnt_sh.at[seg_row], add=True)
        return 0

    ebufs = ((src_v, dstt_v, sem), (src_w, dstt_w, semb))

    def make_p1(b):
        sbuf, dbuf, _ = ebufs[b]
        def p1b(i, cnt):
            return p1(i, cnt, dbuf, sbuf)
        return p1b

    cnt = jnp.int32(0)
    d_inv.wait()
    for t in range(NT):
        nxt = (stage(t + 1, (t + 1) % 2, *ebufs[(t + 1) % 2])
               if t + 1 < NT else ())
        for d in descs:
            d.wait()
        cnt = lax.fori_loop(0, SB // L, make_p1(t % 2), cnt)
        nfull = cnt // CG
        lax.fori_loop(0, nfull, p2, 0)
        for j in range(CG // L):
            sv = csrc_v[pl.ds(nfull * CG + j * L, L)]
            gv = cseg_v[pl.ds(nfull * CG + j * L, L)]
            csrc_v[pl.ds(j * L, L)] = sv
            cseg_v[pl.ds(j * L, L)] = gv
        cnt = cnt - nfull * CG
        descs = nxt

    full = jnp.ones((L,), jnp.bool_)
    for k in range(CG // L):
        plsc.store_compressed(
            cseg_v.at[pl.ds(cnt + k * L, L)],
            jnp.full((L,), DUMP, jnp.int32), mask=full)
        plsc.store_compressed(
            csrc_v.at[pl.ds(cnt + k * L, L)],
            jnp.zeros((L,), jnp.int32), mask=full)
    lax.fori_loop(0, 1, p2, 0)
    plsc.subcore_barrier()

    pltpu.sync_copy(acc_sh.at[pl.ds(s * 256, 256)],
                    acc_out.at[c, pl.ds(s * 256, 256)])
    pltpu.sync_copy(cnt_sh.at[pl.ds(s * 256, 256)],
                    cnt_out.at[c, pl.ds(s * 256, 256)])

    pltpu.sync_copy(nodes_hbm.at[pl.ds(wid * SROWS, SROWS)], nidx_v)
    pltpu.async_copy(feat_hbm.at[nidx_v], rows_v.at[pl.ds(0, SROWS)],
                     semd).wait()
    pltpu.sync_copy(rows_v.at[pl.ds(0, SROWS)],
                    self_out.at[pl.ds(wid * SROWS, SROWS)])


_sc_agg = functools.partial(
    pl.kernel,
    out_type=[
        jax.ShapeDtypeStruct((NC, NSEG, D), jnp.float32),
        jax.ShapeDtypeStruct((NC, NSEG), jnp.float32),
        jax.ShapeDtypeStruct((B, D), jnp.float32),
    ],
    mesh=plsc.VectorSubcoreMesh(
        core_axis_name="c", subcore_axis_name="s",
        num_cores=NC, num_subcores=NS),
    scratch_types=[
        pltpu.VMEM((N,), jnp.int32),
        pltpu.VMEM((SB,), jnp.int32),
        pltpu.VMEM((SB,), jnp.int32),
        pltpu.VMEM((SB,), jnp.int32),
        pltpu.VMEM((SB,), jnp.int32),
        pltpu.VMEM((CBUF,), jnp.int32),
        pltpu.VMEM((CBUF,), jnp.int32),
        pltpu.VMEM((CG,), jnp.int32),
        pltpu.VMEM((CG,), jnp.int32),
        pltpu.VMEM((CG, D), jnp.float32),
        pltpu.VMEM((CG,), jnp.float32),
        pltpu.VMEM((264,), jnp.float32),
        pltpu.VMEM((SROWS,), jnp.int32),
        pltpu.VMEM_SHARED((NSEG_PAD, D), jnp.float32),
        pltpu.VMEM_SHARED((CPAD,), jnp.float32),
        pltpu.SemaphoreType.DMA,
        pltpu.SemaphoreType.DMA,
        pltpu.SemaphoreType.DMA,
        pltpu.SemaphoreType.DMA,
    ],
    compiler_params=pltpu.CompilerParams(needs_layout_passes=False),
)(_sc_body)


BT = 256


def _tc_body(acc_ref, cnt_ref, self_ref, w_ref, rw_ref, out_ref):
    acc = acc_ref[...]
    cnt = cnt_ref[...]
    rel = jnp.zeros((BT, D), jnp.float32)
    for r in range(R):
        mean_r = acc[:, r, :] / (cnt[:, r:r + 1] + 1e-10)
        rel = rel + lax.dot_general(
            mean_r, rw_ref[r],
            (((1,), (1,)), ((), ())), preferred_element_type=jnp.float32)
    self_o = lax.dot_general(
        self_ref[...], w_ref[...],
        (((1,), (1,)), ((), ())), preferred_element_type=jnp.float32)
    out_ref[...] = jnp.maximum(self_o + rel, 0.0)


def _tc_combine(acc3, cnt2, self_rows, weight, relation_weights):
    return pl.pallas_call(
        _tc_body,
        grid=(B // BT,),
        in_specs=[
            pl.BlockSpec((BT, R, D), lambda i: (i, 0, 0)),
            pl.BlockSpec((BT, R), lambda i: (i, 0)),
            pl.BlockSpec((BT, D), lambda i: (i, 0)),
            pl.BlockSpec((D, D), lambda i: (0, 0)),
            pl.BlockSpec((R, D, D), lambda i: (0, 0, 0)),
        ],
        out_specs=pl.BlockSpec((BT, D), lambda i: (i, 0)),
        out_shape=jax.ShapeDtypeStruct((B, D), jnp.float32),
    )(acc3, cnt2, self_rows, weight, relation_weights)


def kernel(nodes, features, edge_index, edge_type, weight, relation_weights):
    nodes = nodes.astype(jnp.int32)
    src = edge_index[0].astype(jnp.int32)
    dstt = edge_index[1].astype(jnp.int32) * 8 + edge_type.astype(jnp.int32)

    inv = jnp.full((N,), -1, jnp.int32).at[nodes].set(
        jnp.arange(B, dtype=jnp.int32))

    nodes_perm = jnp.transpose(nodes.reshape(HB, 2)).reshape(B)

    ones_in = jnp.ones((CG,), jnp.float32)
    zrow = jnp.zeros((CG, D), jnp.float32)
    zcnt = jnp.zeros((264,), jnp.float32)

    acc, cnt, self_rows = _sc_agg(
        inv, src, dstt, nodes_perm, features, ones_in, zrow, zcnt)

    out_perm = _tc_combine(
        acc.reshape(B, R, D), cnt.reshape(B, R),
        self_rows, weight, relation_weights)

    canon = inv[nodes]
    return jnp.take(out_perm, (canon % 2) * HB + canon // 2, axis=0)

# --- scband reference (transcript-rebuilt; emitter-appended) ---
"""Pipeline reference for scband-relational-graph-convolution-20023137534349 (READ-ONLY COPY).

The authoritative reference and input builder live on the scoring server;
editing this copy changes nothing except your own understanding.
"""

import jax, jax.numpy as jnp
import numpy as np

N = 10000      # num_nodes
E = 320000     # num edges (avg_degree=32)
R = 8          # num_relations
D_IN = 128     # in_features
D_OUT = 128    # out_features
B = 1024       # batch of seed nodes


def setup_inputs(seed: int = 0) -> dict:
    key = jax.random.key(seed)
    ks = jax.random.split(key, 6)
    nodes = jax.random.randint(ks[0], (B,), 0, N)
    features = jax.random.normal(ks[1], (N, D_IN), dtype=jnp.float32)
    edge_index = jax.random.randint(ks[2], (2, E), 0, N)
    edge_type = jax.random.randint(ks[3], (E,), 0, R)
    # self-loop weight (out_features, in_features), xavier-like scale
    weight = jax.random.normal(ks[4], (D_OUT, D_IN), dtype=jnp.float32) * (1.0 / np.sqrt(D_IN))
    # per-relation weights (num_relations, out_features, in_features)
    relation_weights = jax.random.normal(ks[5], (R, D_OUT, D_IN), dtype=jnp.float32) * (1.0 / np.sqrt(D_IN))
    return {
        "nodes": nodes,
        "features": features,
        "edge_index": edge_index,
        "edge_type": edge_type,
        "weight": weight,
        "relation_weights": relation_weights,
    }


def reference(nodes, features, edge_index, edge_type, weight, relation_weights):
    # RelationalGraphConvolution forward (eval mode, num_sample_eval=None -> full
    # neighborhoods, regularization=None -> one dense weight per relation).
    # Original: out[n] = relu( x[n] @ W^T + sum_r mean_{u in N_r(n)} x[u] @ W_r^T )
    src = edge_index[0]
    dst = edge_index[1]
    # segment id combining destination node and relation -> per-(node, relation) mean
    seg = dst * R + edge_type
    msgs = jnp.take(features, src, axis=0)                 # gather [E, D_IN]
    sums = jax.ops.segment_sum(msgs, seg, num_segments=N * R)
    cnts = jax.ops.segment_sum(jnp.ones((E,), jnp.float32), seg, num_segments=N * R)
    mean = sums / (cnts[:, None] + 1e-10)                  # mean aggregation per relation
    mean = mean.reshape(N, R, D_IN)
    rel_out = jnp.einsum('nrd,rod->no', mean, relation_weights)
    self_out = features @ weight.T                          # self embedding term
    out = jax.nn.relu(self_out + rel_out)
    return jnp.take(out, nodes, axis=0)                     # embeddings for requested nodes

if __name__ == "__main__":
    import jax
    _d = setup_inputs()
    print(jax.jit(kernel)(*tuple(_d.values())))

</pallas_src>

<mosaic_0001>
#map = affine_map<(d0, d1) -> (0)>
#map1 = affine_map<(d0, d1) -> (0, 0)>
#map2 = affine_map<(d0, d1) -> (0, 0, 0)>
module attributes {stable_mosaic.version = 14 : i64} {
  func.func @_sc_body(%arg0: i32, %arg1: i32, %arg2: memref<10000xi32, #tpu.memory_space<hbm>>, %arg3: memref<320000xi32, #tpu.memory_space<hbm>>, %arg4: memref<320000xi32, #tpu.memory_space<hbm>>, %arg5: memref<1024xi32, #tpu.memory_space<hbm>>, %arg6: memref<10000x128xf32, #tpu.memory_space<hbm>>, %arg7: memref<64xf32, #tpu.memory_space<hbm>>, %arg8: memref<64x128xf32, #tpu.memory_space<hbm>>, %arg9: memref<264xf32, #tpu.memory_space<hbm>>, %arg10: memref<2x4096x128xf32, #tpu.memory_space<hbm>>, %arg11: memref<2x4096xf32, #tpu.memory_space<hbm>>, %arg12: memref<1024x128xf32, #tpu.memory_space<hbm>>, %arg13: memref<10000xi32, #tpu.memory_space<vmem>>, %arg14: memref<2000xi32, #tpu.memory_space<vmem>>, %arg15: memref<2000xi32, #tpu.memory_space<vmem>>, %arg16: memref<2000xi32, #tpu.memory_space<vmem>>, %arg17: memref<2000xi32, #tpu.memory_space<vmem>>, %arg18: memref<2192xi32, #tpu.memory_space<vmem>>, %arg19: memref<2192xi32, #tpu.memory_space<vmem>>, %arg20: memref<64xi32, #tpu.memory_space<vmem>>, %arg21: memref<64xi32, #tpu.memory_space<vmem>>, %arg22: memref<64x128xf32, #tpu.memory_space<vmem>>, %arg23: memref<64xf32, #tpu.memory_space<vmem>>, %arg24: memref<264xf32, #tpu.memory_space<vmem>>, %arg25: memref<32xi32, #tpu.memory_space<vmem>>, %arg26: memref<4112x128xf32, #tpu.memory_space<vmem_shared>>, %arg27: memref<4224xf32, #tpu.memory_space<vmem_shared>>, %arg28: memref<!tpu.dma_semaphore, #tpu.memory_space<semaphore_mem>>, %arg29: memref<!tpu.dma_semaphore, #tpu.memory_space<semaphore_mem>>, %arg30: memref<!tpu.dma_semaphore, #tpu.memory_space<semaphore_mem>>, %arg31: memref<!tpu.dma_semaphore, #tpu.memory_space<semaphore_mem>>) attributes {dimension_semantics = [#tpu.dimension_semantics<core_parallel>, #tpu.dimension_semantics<subcore_parallel>], iteration_bounds = array<i64: 2, 16>, scalar_prefetch = 0 : i64, scratch_operands = 19 : i64, tpu.core_type = #tpu.core_type<sc_vector_subcore>, window_params = [{transform_indices = #map}, {transform_indices = #map}, {transform_indices = #map}, {transform_indices = #map}, {transform_indices = #map1}, {transform_indices = #map}, {transform_indices = #map1}, {transform_indices = #map}, {transform_indices = #map2}, {transform_indices = #map1}, {transform_indices = #map1}]} {
    %mul3A = arith.constant 16 : i32
    %mul3A_0 = arith.muli %arg0, %mul3A : i32
    %add3A = arith.addi %mul3A_0, %arg1 : i32
    tpu.enqueue_dma source(%arg2 : memref<10000xi32, #tpu.memory_space<hbm>>) target(%arg13 : memref<10000xi32, #tpu.memory_space<vmem>>) target_semaphore(%arg30 : memref<!tpu.dma_semaphore, #tpu.memory_space<semaphore_mem>>)
    %mul3A_1 = arith.constant 20000 : i32
    %mul3A_2 = arith.muli %arg1, %mul3A_1 : i32
    %add3A_3 = arith.constant 0 : i32
    %add3A_4 = arith.addi %mul3A_2, %add3A_3 : i32
    %dma_start3A = tpu.memref_slice %arg3[%add3A_4] : memref<320000xi32, #tpu.memory_space<hbm>> -> memref<2000xi32, #tpu.memory_space<hbm>>
    %dma_start3A_5 = tpu.memref_slice %arg3[%add3A_4] : memref<320000xi32, #tpu.memory_space<hbm>> -> memref<2000xi32, #tpu.memory_space<hbm>>
    tpu.enqueue_dma source(%dma_start3A_5 : memref<2000xi32, #tpu.memory_space<hbm>>) target(%arg14 : memref<2000xi32, #tpu.memory_space<vmem>>) target_semaphore(%arg28 : memref<!tpu.dma_semaphore, #tpu.memory_space<semaphore_mem>>)
    %dma_start3A_6 = tpu.memref_slice %arg4[%add3A_4] : memref<320000xi32, #tpu.memory_space<hbm>> -> memref<2000xi32, #tpu.memory_space<hbm>>
    %dma_start3A_7 = tpu.memref_slice %arg4[%add3A_4] : memref<320000xi32, #tpu.memory_space<hbm>> -> memref<2000xi32, #tpu.memory_space<hbm>>
    tpu.enqueue_dma source(%dma_start3A_7 : memref<2000xi32, #tpu.memory_space<hbm>>) target(%arg15 : memref<2000xi32, #tpu.memory_space<vmem>>) target_semaphore(%arg28 : memref<!tpu.dma_semaphore, #tpu.memory_space<semaphore_mem>>)
    "tpu.region"() ({
      %run_scoped3A = tpu.sem_alloc : memref<!tpu.dma_semaphore, #tpu.memory_space<semaphore_mem>>
      tpu.enqueue_dma source(%arg7 : memref<64xf32, #tpu.memory_space<hbm>>) target(%arg23 : memref<64xf32, #tpu.memory_space<vmem>>) target_semaphore(%run_scoped3A : memref<!tpu.dma_semaphore, #tpu.memory_space<semaphore_mem>>)
      tpu.wait_dma2 semaphore(%run_scoped3A : memref<!tpu.dma_semaphore, #tpu.memory_space<semaphore_mem>>) src(%arg7 : memref<64xf32, #tpu.memory_space<hbm>>) dst(%arg23 : memref<64xf32, #tpu.memory_space<vmem>>)
      tpu.yield
    }) : () -> ()
    "tpu.region"() ({
      %run_scoped3A = tpu.sem_alloc : memref<!tpu.dma_semaphore, #tpu.memory_space<semaphore_mem>>
      tpu.enqueue_dma source(%arg8 : memref<64x128xf32, #tpu.memory_space<hbm>>) target(%arg22 : memref<64x128xf32, #tpu.memory_space<vmem>>) target_semaphore(%run_scoped3A : memref<!tpu.dma_semaphore, #tpu.memory_space<semaphore_mem>>)
      tpu.wait_dma2 semaphore(%run_scoped3A : memref<!tpu.dma_semaphore, #tpu.memory_space<semaphore_mem>>) src(%arg8 : memref<64x128xf32, #tpu.memory_space<hbm>>) dst(%arg22 : memref<64x128xf32, #tpu.memory_space<vmem>>)
      tpu.yield
    }) : () -> ()
    "tpu.region"() ({
      %run_scoped3A = tpu.sem_alloc : memref<!tpu.dma_semaphore, #tpu.memory_space<semaphore_mem>>
      tpu.enqueue_dma source(%arg9 : memref<264xf32, #tpu.memory_space<hbm>>) target(%arg24 : memref<264xf32, #tpu.memory_space<vmem>>) target_semaphore(%run_scoped3A : memref<!tpu.dma_semaphore, #tpu.memory_space<semaphore_mem>>)
      tpu.wait_dma2 semaphore(%run_scoped3A : memref<!tpu.dma_semaphore, #tpu.memory_space<semaphore_mem>>) src(%arg9 : memref<264xf32, #tpu.memory_space<hbm>>) dst(%arg24 : memref<264xf32, #tpu.memory_space<vmem>>)
      tpu.yield
    }) : () -> ()
    %mul3A_8 = arith.constant 257 : i32
    %mul3A_9 = arith.muli %arg1, %mul3A_8 : i32
    %add3A_10 = arith.constant 0 : i32
    %add3A_11 = arith.addi %mul3A_9, %add3A_10 : i32
    "tpu.region"() ({
      %run_scoped3A = tpu.sem_alloc : memref<!tpu.dma_semaphore, #tpu.memory_space<semaphore_mem>>
      %dma_start3A_1368 = arith.constant 0 : i32
      %dma_start3A_1369 = tpu.memref_slice %arg26[%add3A_11, %dma_start3A_1368] : memref<4112x128xf32, #tpu.memory_space<vmem_shared>> -> memref<64x128xf32, #tpu.memory_space<vmem_shared>>
      %dma_start3A_1370 = arith.constant 0 : i32
      %dma_start3A_1371 = tpu.memref_slice %arg26[%add3A_11, %dma_start3A_1370] : memref<4112x128xf32, #tpu.memory_space<vmem_shared>> -> memref<64x128xf32, #tpu.memory_space<vmem_shared>>
      tpu.enqueue_dma source(%arg22 : memref<64x128xf32, #tpu.memory_space<vmem>>) target(%dma_start3A_1371 : memref<64x128xf32, #tpu.memory_space<vmem_shared>>) target_semaphore(%run_scoped3A : memref<!tpu.dma_semaphore, #tpu.memory_space<semaphore_mem>>)
      %dma_wait3A_1372 = arith.constant 0 : i32
      %dma_wait3A_1373 = tpu.memref_slice %arg26[%add3A_11, %dma_wait3A_1372] : memref<4112x128xf32, #tpu.memory_space<vmem_shared>> -> memref<64x128xf32, #tpu.memory_space<vmem_shared>>
      %dma_wait3A_1374 = arith.constant 0 : i32
      %dma_wait3A_1375 = tpu.memref_slice %arg26[%add3A_11, %dma_wait3A_1374] : memref<4112x128xf32, #tpu.memory_space<vmem_shared>> -> memref<64x128xf32, #tpu.memory_space<vmem_shared>>
      tpu.wait_dma2 semaphore(%run_scoped3A : memref<!tpu.dma_semaphore, #tpu.memory_space<semaphore_mem>>) src(%arg22 : memref<64x128xf32, #tpu.memory_space<vmem>>) dst(%dma_wait3A_1375 : memref<64x128xf32, #tpu.memory_space<vmem_shared>>)
      tpu.yield
    }) : () -> ()
    %mul3A_12 = arith.constant 257 : i32
    %mul3A_13 = arith.muli %arg1, %mul3A_12 : i32
    %add3A_14 = arith.constant 64 : i32
    %add3A_15 = arith.addi %mul3A_13, %add3A_14 : i32
    "tpu.region"() ({
      %run_scoped3A = tpu.sem_alloc : memref<!tpu.dma_semaphore, #tpu.memory_space<semaphore_mem>>
      %dma_start3A_1368 = arith.constant 0 : i32
      %dma_start3A_1369 = tpu.memref_slice %arg26[%add3A_15, %dma_start3A_1368] : memref<4112x128xf32, #tpu.memory_space<vmem_shared>> -> memref<64x128xf32, #tpu.memory_space<vmem_shared>>
      %dma_start3A_1370 = arith.constant 0 : i32
      %dma_start3A_1371 = tpu.memref_slice %arg26[%add3A_15, %dma_start3A_1370] : memref<4112x128xf32, #tpu.memory_space<vmem_shared>> -> memref<64x128xf32, #tpu.memory_space<vmem_shared>>
      tpu.enqueue_dma source(%arg22 : memref<64x128xf32, #tpu.memory_space<vmem>>) target(%dma_start3A_1371 : memref<64x128xf32, #tpu.memory_space<vmem_shared>>) target_semaphore(%run_scoped3A : memref<!tpu.dma_semaphore, #tpu.memory_space<semaphore_mem>>)
      %dma_wait3A_1372 = arith.constant 0 : i32
      %dma_wait3A_1373 = tpu.memref_slice %arg26[%add3A_15, %dma_wait3A_1372] : memref<4112x128xf32, #tpu.memory_space<vmem_shared>> -> memref<64x128xf32, #tpu.memory_space<vmem_shared>>
      %dma_wait3A_1374 = arith.constant 0 : i32
      %dma_wait3A_1375 = tpu.memref_slice %arg26[%add3A_15, %dma_wait3A_1374] : memref<4112x128xf32, #tpu.memory_space<vmem_shared>> -> memref<64x128xf32, #tpu.memory_space<vmem_shared>>
      tpu.wait_dma2 semaphore(%run_scoped3A : memref<!tpu.dma_semaphore, #tpu.memory_space<semaphore_mem>>) src(%arg22 : memref<64x128xf32, #tpu.memory_space<vmem>>) dst(%dma_wait3A_1375 : memref<64x128xf32, #tpu.memory_space<vmem_shared>>)
      tpu.yield
    }) : () -> ()
    %mul3A_16 = arith.constant 257 : i32
    %mul3A_17 = arith.muli %arg1, %mul3A_16 : i32
    %add3A_18 = arith.constant 128 : i32
    %add3A_19 = arith.addi %mul3A_17, %add3A_18 : i32
    "tpu.region"() ({
      %run_scoped3A = tpu.sem_alloc : memref<!tpu.dma_semaphore, #tpu.memory_space<semaphore_mem>>
      %dma_start3A_1368 = arith.constant 0 : i32
      %dma_start3A_1369 = tpu.memref_slice %arg26[%add3A_19, %dma_start3A_1368] : memref<4112x128xf32, #tpu.memory_space<vmem_shared>> -> memref<64x128xf32, #tpu.memory_space<vmem_shared>>
      %dma_start3A_1370 = arith.constant 0 : i32
      %dma_start3A_1371 = tpu.memref_slice %arg26[%add3A_19, %dma_start3A_1370] : memref<4112x128xf32, #tpu.memory_space<vmem_shared>> -> memref<64x128xf32, #tpu.memory_space<vmem_shared>>
      tpu.enqueue_dma source(%arg22 : memref<64x128xf32, #tpu.memory_space<vmem>>) target(%dma_start3A_1371 : memref<64x128xf32, #tpu.memory_space<vmem_shared>>) target_semaphore(%run_scoped3A : memref<!tpu.dma_semaphore, #tpu.memory_space<semaphore_mem>>)
      %dma_wait3A_1372 = arith.constant 0 : i32
      %dma_wait3A_1373 = tpu.memref_slice %arg26[%add3A_19, %dma_wait3A_1372] : memref<4112x128xf32, #tpu.memory_space<vmem_shared>> -> memref<64x128xf32, #tpu.memory_space<vmem_shared>>
      %dma_wait3A_1374 = arith.constant 0 : i32
      %dma_wait3A_1375 = tpu.memref_slice %arg26[%add3A_19, %dma_wait3A_1374] : memref<4112x128xf32, #tpu.memory_space<vmem_shared>> -> memref<64x128xf32, #tpu.memory_space<vmem_shared>>
      tpu.wait_dma2 semaphore(%run_scoped3A : memref<!tpu.dma_semaphore, #tpu.memory_space<semaphore_mem>>) src(%arg22 : memref<64x128xf32, #tpu.memory_space<vmem>>) dst(%dma_wait3A_1375 : memref<64x128xf32, #tpu.memory_space<vmem_shared>>)
      tpu.yield
    }) : () -> ()
    %mul3A_20 = arith.constant 257 : i32
    %mul3A_21 = arith.muli %arg1, %mul3A_20 : i32
    %add3A_22 = arith.constant 192 : i32
    %add3A_23 = arith.addi %mul3A_21, %add3A_22 : i32
    "tpu.region"() ({
      %run_scoped3A = tpu.sem_alloc : memref<!tpu.dma_semaphore, #tpu.memory_space<semaphore_mem>>
      %dma_start3A_1368 = arith.constant 0 : i32
      %dma_start3A_1369 = tpu.memref_slice %arg26[%add3A_23, %dma_start3A_1368] : memref<4112x128xf32, #tpu.memory_space<vmem_shared>> -> memref<64x128xf32, #tpu.memory_space<vmem_shared>>
      %dma_start3A_1370 = arith.constant 0 : i32
      %dma_start3A_1371 = tpu.memref_slice %arg26[%add3A_23, %dma_start3A_1370] : memref<4112x128xf32, #tpu.memory_space<vmem_shared>> -> memref<64x128xf32, #tpu.memory_space<vmem_shared>>
      tpu.enqueue_dma source(%arg22 : memref<64x128xf32, #tpu.memory_space<vmem>>) target(%dma_start3A_1371 : memref<64x128xf32, #tpu.memory_space<vmem_shared>>) target_semaphore(%run_scoped3A : memref<!tpu.dma_semaphore, #tpu.memory_space<semaphore_mem>>)
      %dma_wait3A_1372 = arith.constant 0 : i32
      %dma_wait3A_1373 = tpu.memref_slice %arg26[%add3A_23, %dma_wait3A_1372] : memref<4112x128xf32, #tpu.memory_space<vmem_shared>> -> memref<64x128xf32, #tpu.memory_space<vmem_shared>>
      %dma_wait3A_1374 = arith.constant 0 : i32
      %dma_wait3A_1375 = tpu.memref_slice %arg26[%add3A_23, %dma_wait3A_1374] : memref<4112x128xf32, #tpu.memory_space<vmem_shared>> -> memref<64x128xf32, #tpu.memory_space<vmem_shared>>
      tpu.wait_dma2 semaphore(%run_scoped3A : memref<!tpu.dma_semaphore, #tpu.memory_space<semaphore_mem>>) src(%arg22 : memref<64x128xf32, #tpu.memory_space<vmem>>) dst(%dma_wait3A_1375 : memref<64x128xf32, #tpu.memory_space<vmem_shared>>)
      tpu.yield
    }) : () -> ()
    %mul3A_24 = arith.constant 257 : i32
    %mul3A_25 = arith.muli %arg1, %mul3A_24 : i32
    %add3A_26 = arith.constant 256 : i32
    %add3A_27 = arith.addi %mul3A_25, %add3A_26 : i32
    "tpu.region"() ({
      %run_scoped3A = tpu.sem_alloc : memref<!tpu.dma_semaphore, #tpu.memory_space<semaphore_mem>>
      %dma_start3A_1368 = arith.constant 0 : i32
      %dma_start3A_1369 = arith.constant 0 : i32
      %dma_start3A_1370 = tpu.memref_slice %arg22[%dma_start3A_1368, %dma_start3A_1369] : memref<64x128xf32, #tpu.memory_space<vmem>> -> memref<1x128xf32, #tpu.memory_space<vmem>>
      %dma_start3A_1371 = arith.constant 0 : i32
      %dma_start3A_1372 = tpu.memref_slice %arg26[%add3A_27, %dma_start3A_1371] : memref<4112x128xf32, #tpu.memory_space<vmem_shared>> -> memref<1x128xf32, #tpu.memory_space<vmem_shared>>
      %dma_start3A_1373 = arith.constant 0 : i32
      %dma_start3A_1374 = tpu.memref_slice %arg26[%add3A_27, %dma_start3A_1373] : memref<4112x128xf32, #tpu.memory_space<vmem_shared>> -> memref<1x128xf32, #tpu.memory_space<vmem_shared>>
      %dma_start3A_1375 = arith.constant 0 : i32
      %dma_start3A_1376 = arith.constant 0 : i32
      %dma_start3A_1377 = tpu.memref_slice %arg22[%dma_start3A_1375, %dma_start3A_1376] : memref<64x128xf32, #tpu.memory_space<vmem>> -> memref<1x128xf32, #tpu.memory_space<vmem>>
      tpu.enqueue_dma source(%dma_start3A_1377 : memref<1x128xf32, #tpu.memory_space<vmem>>) target(%dma_start3A_1374 : memref<1x128xf32, #tpu.memory_space<vmem_shared>>) target_semaphore(%run_scoped3A : memref<!tpu.dma_semaphore, #tpu.memory_space<semaphore_mem>>)
      %dma_wait3A_1378 = arith.constant 0 : i32
      %dma_wait3A_1379 = arith.constant 0 : i32
      %dma_wait3A_1380 = tpu.memref_slice %arg22[%dma_wait3A_1378, %dma_wait3A_1379] : memref<64x128xf32, #tpu.memory_space<vmem>> -> memref<1x128xf32, #tpu.memory_space<vmem>>
      %dma_wait3A_1381 = arith.constant 0 : i32
      %dma_wait3A_1382 = tpu.memref_slice %arg26[%add3A_27, %dma_wait3A_1381] : memref<4112x128xf32, #tpu.memory_space<vmem_shared>> -> memref<1x128xf32, #tpu.memory_space<vmem_shared>>
      %dma_wait3A_1383 = arith.constant 0 : i32
      %dma_wait3A_1384 = tpu.memref_slice %arg26[%add3A_27, %dma_wait3A_1383] : memref<4112x128xf32, #tpu.memory_space<vmem_shared>> -> memref<1x128xf32, #tpu.memory_space<vmem_shared>>
      %dma_wait3A_1385 = arith.constant 0 : i32
      %dma_wait3A_1386 = arith.constant 0 : i32
      %dma_wait3A_1387 = tpu.memref_slice %arg22[%dma_wait3A_1385, %dma_wait3A_1386] : memref<64x128xf32, #tpu.memory_space<vmem>> -> memref<1x128xf32, #tpu.memory_space<vmem>>
      tpu.wait_dma2 semaphore(%run_scoped3A : memref<!tpu.dma_semaphore, #tpu.memory_space<semaphore_mem>>) src(%dma_wait3A_1387 : memref<1x128xf32, #tpu.memory_space<vmem>>) dst(%dma_wait3A_1384 : memref<1x128xf32, #tpu.memory_space<vmem_shared>>)
      tpu.yield
    }) : () -> ()
    %mul3A_28 = arith.constant 264 : i32
    %mul3A_29 = arith.muli %arg1, %mul3A_28 : i32
    "tpu.region"() ({
      %run_scoped3A = tpu.sem_alloc : memref<!tpu.dma_semaphore, #tpu.memory_space<semaphore_mem>>
      %dma_start3A_1368 = tpu.memref_slice %arg27[%mul3A_29] : memref<4224xf32, #tpu.memory_space<vmem_shared>> -> memref<264xf32, #tpu.memory_space<vmem_shared>>
      %dma_start3A_1369 = tpu.memref_slice %arg27[%mul3A_29] : memref<4224xf32, #tpu.memory_space<vmem_shared>> -> memref<264xf32, #tpu.memory_space<vmem_shared>>
      tpu.enqueue_dma source(%arg24 : memref<264xf32, #tpu.memory_space<vmem>>) target(%dma_start3A_1369 : memref<264xf32, #tpu.memory_space<vmem_shared>>) target_semaphore(%run_scoped3A : memref<!tpu.dma_semaphore, #tpu.memory_space<semaphore_mem>>)
      %dma_wait3A_1370 = tpu.memref_slice %arg27[%mul3A_29] : memref<4224xf32, #tpu.memory_space<vmem_shared>> -> memref<264xf32, #tpu.memory_space<vmem_shared>>
      %dma_wait3A_1371 = tpu.memref_slice %arg27[%mul3A_29] : memref<4224xf32, #tpu.memory_space<vmem_shared>> -> memref<264xf32, #tpu.memory_space<vmem_shared>>
      tpu.wait_dma2 semaphore(%run_scoped3A : memref<!tpu.dma_semaphore, #tpu.memory_space<semaphore_mem>>) src(%arg24 : memref<264xf32, #tpu.memory_space<vmem>>) dst(%dma_wait3A_1371 : memref<264xf32, #tpu.memory_space<vmem_shared>>)
      tpu.yield
    }) : () -> ()
    %barrier3A = arith.constant 0 : index
    tpu.barrier barrier_id(%barrier3A)
    tpu.wait_dma2 semaphore(%arg30 : memref<!tpu.dma_semaphore, #tpu.memory_space<semaphore_mem>>) src(%arg2 : memref<10000xi32, #tpu.memory_space<hbm>>) dst(%arg13 : memref<10000xi32, #tpu.memory_space<vmem>>)
    %mul3A_30 = arith.constant 20000 : i32
    %mul3A_31 = arith.muli %arg1, %mul3A_30 : i32
    %add3A_32 = arith.constant 2000 : i32
    %add3A_33 = arith.addi %mul3A_31, %add3A_32 : i32
    %dma_start3A_34 = tpu.memref_slice %arg3[%add3A_33] : memref<320000xi32, #tpu.memory_space<hbm>> -> memref<2000xi32, #tpu.memory_space<hbm>>
    %dma_start3A_35 = tpu.memref_slice %arg3[%add3A_33] : memref<320000xi32, #tpu.memory_space<hbm>> -> memref<2000xi32, #tpu.memory_space<hbm>>
    tpu.enqueue_dma source(%dma_start3A_35 : memref<2000xi32, #tpu.memory_space<hbm>>) target(%arg16 : memref<2000xi32, #tpu.memory_space<vmem>>) target_semaphore(%arg29 : memref<!tpu.dma_semaphore, #tpu.memory_space<semaphore_mem>>)
    %dma_start3A_36 = tpu.memref_slice %arg4[%add3A_33] : memref<320000xi32, #tpu.memory_space<hbm>> -> memref<2000xi32, #tpu.memory_space<hbm>>
    %dma_start3A_37 = tpu.memref_slice %arg4[%add3A_33] : memref<320000xi32, #tpu.memory_space<hbm>> -> memref<2000xi32, #tpu.memory_space<hbm>>
    tpu.enqueue_dma source(%dma_start3A_37 : memref<2000xi32, #tpu.memory_space<hbm>>) target(%arg17 : memref<2000xi32, #tpu.memory_space<vmem>>) target_semaphore(%arg29 : memref<!tpu.dma_semaphore, #tpu.memory_space<semaphore_mem>>)
    %dma_wait3A = tpu.memref_slice %arg3[%add3A_4] : memref<320000xi32, #tpu.memory_space<hbm>> -> memref<2000xi32, #tpu.memory_space<hbm>>
    %dma_wait3A_38 = tpu.memref_slice %arg3[%add3A_4] : memref<320000xi32, #tpu.memory_space<hbm>> -> memref<2000xi32, #tpu.memory_space<hbm>>
    tpu.wait_dma2 semaphore(%arg28 : memref<!tpu.dma_semaphore, #tpu.memory_space<semaphore_mem>>) src(%dma_wait3A_38 : memref<2000xi32, #tpu.memory_space<hbm>>) dst(%arg14 : memref<2000xi32, #tpu.memory_space<vmem>>)
    %dma_wait3A_39 = tpu.memref_slice %arg4[%add3A_4] : memref<320000xi32, #tpu.memory_space<hbm>> -> memref<2000xi32, #tpu.memory_space<hbm>>
    %dma_wait3A_40 = tpu.memref_slice %arg4[%add3A_4] : memref<320000xi32, #tpu.memory_space<hbm>> -> memref<2000xi32, #tpu.memory_space<hbm>>
    tpu.wait_dma2 semaphore(%arg28 : memref<!tpu.dma_semaphore, #tpu.memory_space<semaphore_mem>>) src(%dma_wait3A_40 : memref<2000xi32, #tpu.memory_space<hbm>>) dst(%arg15 : memref<2000xi32, #tpu.memory_space<vmem>>)
    %scan3A = arith.constant 0 : i32
    %scan3A_41 = arith.constant 0 : i32
    %scan3A_42 = arith.constant 125 : i32
    %scan3A_43 = arith.addi %scan3A_41, %scan3A_42 : i32
    %scan3A_44 = arith.constant 1 : i32
    %scan3A_45 = scf.for %scan3A_1368 = %scan3A_41 to %scan3A_43 step %scan3A_44 iter_args(%scan3A_1369 = %scan3A) -> (i32)  : i32 {
      %mul3A_1370 = arith.constant 16 : i32
      %mul3A_1371 = arith.muli %scan3A_1368, %mul3A_1370 : i32
      %get3A_1372 = arith.index_cast %mul3A_1371 : i32 to index
      %get3A_1373 = tpu.vector_load %arg15[%get3A_1372] {strides = array<i32>} : memref<2000xi32, #tpu.memory_space<vmem>>, vector<16xi32>,
      %get3A_1374 = arith.index_cast %mul3A_1371 : i32 to index
      %get3A_1375 = tpu.vector_load %arg14[%get3A_1374] {strides = array<i32>} : memref<2000xi32, #tpu.memory_space<vmem>>, vector<16xi32>,
      %shift_right_logical3A = arith.constant 3 : i32
      %shift_right_logical3A_1376 = vector.broadcast %shift_right_logical3A : i32 to vector<16xi32>
      %shift_right_logical3A_1377 = arith.shrui %get3A_1373, %shift_right_logical3A_1376 : vector<16xi32>
      %and3A_1378 = arith.constant 7 : i32
      %and3A_1379 = vector.broadcast %and3A_1378 : i32 to vector<16xi32>
      %and3A_1380 = arith.andi %get3A_1373, %and3A_1379 : vector<16xi32>
      %gather3A = tpu.vector_load_idx %arg13[%shift_right_logical3A_1377] : memref<10000xi32, #tpu.memory_space<vmem>>[vector<16xi32>], vector<16xi32>,
      %ge3A = arith.constant 0 : i32
      %ge3A_1381 = vector.broadcast %ge3A : i32 to vector<16xi32>
      %ge3A_1382 = arith.cmpi sge, %gather3A, %ge3A_1381 : vector<16xi32>
      %and3A_1383 = arith.constant 1 : i32
      %and3A_1384 = vector.broadcast %and3A_1383 : i32 to vector<16xi32>
      %and3A_1385 = arith.andi %gather3A, %and3A_1384 : vector<16xi32>
      %eq3A = vector.broadcast %arg0 : i32 to vector<16xi32>
      %eq3A_1386 = arith.cmpi eq, %and3A_1385, %eq3A : vector<16xi32>
      %and3A_1387 = arith.andi %ge3A_1382, %eq3A_1386 : vector<16xi1>
      %shift_right_logical3A_1388 = arith.constant 1 : i32
      %shift_right_logical3A_1389 = vector.broadcast %shift_right_logical3A_1388 : i32 to vector<16xi32>
      %shift_right_logical3A_1390 = arith.shrui %gather3A, %shift_right_logical3A_1389 : vector<16xi32>
      %mul3A_1391 = arith.constant 8 : i32
      %mul3A_1392 = vector.broadcast %mul3A_1391 : i32 to vector<16xi32>
      %mul3A_1393 = arith.muli %shift_right_logical3A_1390, %mul3A_1392 : vector<16xi32>
      %add3A_1394 = arith.addi %mul3A_1393, %and3A_1380 : vector<16xi32>
      %jit3A_1395 = arith.constant 4096 : i32
      %broadcast_in_dim3A_1396 = vector.broadcast %jit3A_1395 : i32 to vector<16xi32>
      %select_n3A_1397 = arith.select %and3A_1387, %add3A_1394, %broadcast_in_dim3A_1396 : vector<16xi1>, vector<16xi32>
      %swap3A_1398 = arith.index_cast %scan3A_1369 : i32 to index
      %swap3A_1399 = tpu.vector_load %arg18[%swap3A_1398] masked %and3A_1387 {strides = array<i32>} : memref<2192xi32, #tpu.memory_space<vmem>>, vector<16xi32>, vector<16xi1>
      tpu.vector_store %arg18[%swap3A_1398], %get3A_1375 masked %and3A_1387 {strides = array<i32>} : memref<2192xi32, #tpu.memory_space<vmem>>, vector<16xi32>, vector<16xi1>
      %swap3A_1400 = arith.index_cast %scan3A_1369 : i32 to index
      %swap3A_1401 = tpu.vector_load %arg19[%swap3A_1400] masked %and3A_1387 {strides = array<i32>} : memref<2192xi32, #tpu.memory_space<vmem>>, vector<16xi32>, vector<16xi1>
      tpu.vector_store %arg19[%swap3A_1400], %select_n3A_1397 masked %and3A_1387 {strides = array<i32>} : memref<2192xi32, #tpu.memory_space<vmem>>, vector<16xi32>, vector<16xi1>
      %convert_element_type3A = arith.extui %and3A_1387 : vector<16xi1> to vector<16xi32>
      %reduce_sum3A = arith.constant true
      %reduce_sum3A_1402 = vector.broadcast %reduce_sum3A : i1 to vector<16xi1>
      %reduce_sum3A_1403 = tpu.scan <sum>, %convert_element_type3A masked %reduce_sum3A_1402 : vector<16xi32>, vector<16xi1> -> vector<16xi32>
      %reduce_sum3A_1404 = vector.extract %reduce_sum3A_1403[15] : i32 from vector<16xi32>
      %add3A_1405 = arith.addi %scan3A_1369, %reduce_sum3A_1404 : i32
      scf.yield %add3A_1405 : i32
    }
    %scan3A_46 = arith.constant 125 : i32
    %jit3A = arith.constant 64 : i32
    %div3A = arith.divsi %scan3A_45, %jit3A : i32
    %sign3A = arith.constant 0 : i32
    %sign3A_47 = arith.cmpi sgt, %scan3A_45, %sign3A : i32
    %sign3A_48 = arith.extui %sign3A_47 : i1 to i32
    %sign3A_49 = arith.constant 0 : i32
    %sign3A_50 = arith.cmpi slt, %scan3A_45, %sign3A_49 : i32
    %sign3A_51 = arith.extui %sign3A_50 : i1 to i32
    %sign3A_52 = arith.subi %sign3A_48, %sign3A_51 : i32
    %sign3A_53 = arith.constant 0 : i32
    %sign3A_54 = arith.cmpi sgt, %jit3A, %sign3A_53 : i32
    %sign3A_55 = arith.extui %sign3A_54 : i1 to i32
    %sign3A_56 = arith.constant 0 : i32
    %sign3A_57 = arith.cmpi slt, %jit3A, %sign3A_56 : i32
    %sign3A_58 = arith.extui %sign3A_57 : i1 to i32
    %sign3A_59 = arith.subi %sign3A_55, %sign3A_58 : i32
    %ne3A = arith.cmpi ne, %sign3A_52, %sign3A_59 : i32
    %rem3A = arith.remsi %scan3A_45, %jit3A : i32
    %ne3A_60 = arith.constant 0 : i32
    %ne3A_61 = arith.cmpi ne, %rem3A, %ne3A_60 : i32
    %and3A = arith.andi %ne3A, %ne3A_61 : i1
    %sub3A = arith.constant 1 : i32
    %sub3A_62 = arith.subi %div3A, %sub3A : i32
    %select_n3A = arith.select %and3A, %sub3A_62, %div3A : i32
    %while3A = arith.constant 0 : i32
    %while3A_63 = arith.constant 0 : i32
    %while3A_64 = arith.subi %select_n3A, %while3A : i32
    %while3A_65 = arith.addi %while3A, %while3A_64 : i32
    %while3A_66 = arith.constant 1 : i32
    %while3A_67 = arith.divsi %while3A_64, %while3A_66 : i32
    %while3A_68 = arith.muli %while3A_67, %while3A_66 : i32
    %while3A_69 = arith.addi %while3A, %while3A_68 : i32
    %while3A_70 = arith.constant 1 : i32
    %while3A_71 = scf.for %while3A_1368 = %while3A to %while3A_69 step %while3A_70 iter_args(%while3A_1369 = %while3A_63) -> (i32)  : i32 {
      %mul3A_1370 = arith.constant 64 : i32
      %mul3A_1371 = arith.muli %while3A_1368, %mul3A_1370 : i32
      %add3A_1372 = arith.constant 0 : i32
      %add3A_1373 = arith.addi %mul3A_1371, %add3A_1372 : i32
      %get3A_1374 = arith.index_cast %add3A_1373 : i32 to index
      %get3A_1375 = tpu.vector_load %arg18[%get3A_1374] {strides = array<i32>} : memref<2192xi32, #tpu.memory_space<vmem>>, vector<16xi32>,
      %swap3A_1376 = arith.constant 0 : index
      %swap3A_1377 = tpu.vector_load %arg20[%swap3A_1376] {strides = array<i32>} : memref<64xi32, #tpu.memory_space<vmem>>, vector<16xi32>,
      tpu.vector_store %arg20[%swap3A_1376], %get3A_1375 {strides = array<i32>} : memref<64xi32, #tpu.memory_space<vmem>>, vector<16xi32>,
      %mul3A_1378 = arith.constant 64 : i32
      %mul3A_1379 = arith.muli %while3A_1368, %mul3A_1378 : i32
      %add3A_1380 = arith.constant 0 : i32
      %add3A_1381 = arith.addi %mul3A_1379, %add3A_1380 : i32
      %get3A_1382 = arith.index_cast %add3A_1381 : i32 to index
      %get3A_1383 = tpu.vector_load %arg19[%get3A_1382] {strides = array<i32>} : memref<2192xi32, #tpu.memory_space<vmem>>, vector<16xi32>,
      %swap3A_1384 = arith.constant 0 : index
      %swap3A_1385 = tpu.vector_load %arg21[%swap3A_1384] {strides = array<i32>} : memref<64xi32, #tpu.memory_space<vmem>>, vector<16xi32>,
      tpu.vector_store %arg21[%swap3A_1384], %get3A_1383 {strides = array<i32>} : memref<64xi32, #tpu.memory_space<vmem>>, vector<16xi32>,
      %mul3A_1386 = arith.constant 64 : i32
      %mul3A_1387 = arith.muli %while3A_1368, %mul3A_1386 : i32
      %add3A_1388 = arith.constant 16 : i32
      %add3A_1389 = arith.addi %mul3A_1387, %add3A_1388 : i32
      %get3A_1390 = arith.index_cast %add3A_1389 : i32 to index
      %get3A_1391 = tpu.vector_load %arg18[%get3A_1390] {strides = array<i32>} : memref<2192xi32, #tpu.memory_space<vmem>>, vector<16xi32>,
      %swap3A_1392 = arith.constant 16 : index
      %swap3A_1393 = tpu.vector_load %arg20[%swap3A_1392] {strides = array<i32>} : memref<64xi32, #tpu.memory_space<vmem>>, vector<16xi32>,
      tpu.vector_store %arg20[%swap3A_1392], %get3A_1391 {strides = array<i32>} : memref<64xi32, #tpu.memory_space<vmem>>, vector<16xi32>,
      %mul3A_1394 = arith.constant 64 : i32
      %mul3A_1395 = arith.muli %while3A_1368, %mul3A_1394 : i32
      %add3A_1396 = arith.constant 16 : i32
      %add3A_1397 = arith.addi %mul3A_1395, %add3A_1396 : i32
      %get3A_1398 = arith.index_cast %add3A_1397 : i32 to index
      %get3A_1399 = tpu.vector_load %arg19[%get3A_1398] {strides = array<i32>} : memref<2192xi32, #tpu.memory_space<vmem>>, vector<16xi32>,
      %swap3A_1400 = arith.constant 16 : index
      %swap3A_1401 = tpu.vector_load %arg21[%swap3A_1400] {strides = array<i32>} : memref<64xi32, #tpu.memory_space<vmem>>, vector<16xi32>,
      tpu.vector_store %arg21[%swap3A_1400], %get3A_1399 {strides = array<i32>} : memref<64xi32, #tpu.memory_space<vmem>>, vector<16xi32>,
      %mul3A_1402 = arith.constant 64 : i32
      %mul3A_1403 = arith.muli %while3A_1368, %mul3A_1402 : i32
      %add3A_1404 = arith.constant 32 : i32
      %add3A_1405 = arith.addi %mul3A_1403, %add3A_1404 : i32
      %get3A_1406 = arith.index_cast %add3A_1405 : i32 to index
      %get3A_1407 = tpu.vector_load %arg18[%get3A_1406] {strides = array<i32>} : memref<2192xi32, #tpu.memory_space<vmem>>, vector<16xi32>,
      %swap3A_1408 = arith.constant 32 : index
      %swap3A_1409 = tpu.vector_load %arg20[%swap3A_1408] {strides = array<i32>} : memref<64xi32, #tpu.memory_space<vmem>>, vector<16xi32>,
      tpu.vector_store %arg20[%swap3A_1408], %get3A_1407 {strides = array<i32>} : memref<64xi32, #tpu.memory_space<vmem>>, vector<16xi32>,
      %mul3A_1410 = arith.constant 64 : i32
      %mul3A_1411 = arith.muli %while3A_1368, %mul3A_1410 : i32
      %add3A_1412 = arith.constant 32 : i32
      %add3A_1413 = arith.addi %mul3A_1411, %add3A_1412 : i32
      %get3A_1414 = arith.index_cast %add3A_1413 : i32 to index
      %get3A_1415 = tpu.vector_load %arg19[%get3A_1414] {strides = array<i32>} : memref<2192xi32, #tpu.memory_space<vmem>>, vector<16xi32>,
      %swap3A_1416 = arith.constant 32 : index
      %swap3A_1417 = tpu.vector_load %arg21[%swap3A_1416] {strides = array<i32>} : memref<64xi32, #tpu.memory_space<vmem>>, vector<16xi32>,
      tpu.vector_store %arg21[%swap3A_1416], %get3A_1415 {strides = array<i32>} : memref<64xi32, #tpu.memory_space<vmem>>, vector<16xi32>,
      %mul3A_1418 = arith.constant 64 : i32
      %mul3A_1419 = arith.muli %while3A_1368, %mul3A_1418 : i32
      %add3A_1420 = arith.constant 48 : i32
      %add3A_1421 = arith.addi %mul3A_1419, %add3A_1420 : i32
      %get3A_1422 = arith.index_cast %add3A_1421 : i32 to index
      %get3A_1423 = tpu.vector_load %arg18[%get3A_1422] {strides = array<i32>} : memref<2192xi32, #tpu.memory_space<vmem>>, vector<16xi32>,
      %swap3A_1424 = arith.constant 48 : index
      %swap3A_1425 = tpu.vector_load %arg20[%swap3A_1424] {strides = array<i32>} : memref<64xi32, #tpu.memory_space<vmem>>, vector<16xi32>,
      tpu.vector_store %arg20[%swap3A_1424], %get3A_1423 {strides = array<i32>} : memref<64xi32, #tpu.memory_space<vmem>>, vector<16xi32>,
      %mul3A_1426 = arith.constant 64 : i32
      %mul3A_1427 = arith.muli %while3A_1368, %mul3A_1426 : i32
      %add3A_1428 = arith.constant 48 : i32
      %add3A_1429 = arith.addi %mul3A_1427, %add3A_1428 : i32
      %get3A_1430 = arith.index_cast %add3A_1429 : i32 to index
      %get3A_1431 = tpu.vector_load %arg19[%get3A_1430] {strides = array<i32>} : memref<2192xi32, #tpu.memory_space<vmem>>, vector<16xi32>,
      %swap3A_1432 = arith.constant 48 : index
      %swap3A_1433 = tpu.vector_load %arg21[%swap3A_1432] {strides = array<i32>} : memref<64xi32, #tpu.memory_space<vmem>>, vector<16xi32>,
      tpu.vector_store %arg21[%swap3A_1432], %get3A_1431 {strides = array<i32>} : memref<64xi32, #tpu.memory_space<vmem>>, vector<16xi32>,
      %dma_start3A_1434 = arith.constant 0 : i32
      %dma_start3A_1435 = arith.constant 0 : i32
      %dma_start3A_1436 = tpu.memref_slice %arg6[%dma_start3A_1434, %dma_start3A_1435] : memref<10000x128xf32, #tpu.memory_space<hbm>> -> memref<10000x128xf32, #tpu.memory_space<hbm>>
      tpu.enqueue_indirect_dma source(%dma_start3A_1436 : memref<10000x128xf32, #tpu.memory_space<hbm>>) target(%arg22 : memref<64x128xf32, #tpu.memory_space<vmem>>) offsets(%arg20 : memref<64xi32, #tpu.memory_space<vmem>>) semaphore(%arg31 : memref<!tpu.dma_semaphore, #tpu.memory_space<semaphore_mem>>)
      %dma_wait3A_1437 = arith.constant 0 : i32
      %dma_wait3A_1438 = arith.constant 0 : i32
      %dma_wait3A_1439 = tpu.memref_slice %arg6[%dma_wait3A_1437, %dma_wait3A_1438] : memref<10000x128xf32, #tpu.memory_space<hbm>> -> memref<10000x128xf32, #tpu.memory_space<hbm>>
      tpu.wait_indirect_dma semaphore(%arg31 : memref<!tpu.dma_semaphore, #tpu.memory_space<semaphore_mem>>) src(%dma_wait3A_1439 : memref<10000x128xf32, #tpu.memory_space<hbm>>) dst(%arg22 : memref<64x128xf32, #tpu.memory_space<vmem>>)
      "tpu.region"() ({
        %run_scoped3A = tpu.sem_alloc : memref<!tpu.dma_semaphore, #tpu.memory_space<semaphore_mem>>
        %dma_start3A_1441 = arith.constant 0 : i32
        %dma_start3A_1442 = arith.constant 0 : i32
        %dma_start3A_1443 = tpu.memref_slice %arg26[%dma_start3A_1441, %dma_start3A_1442] : memref<4112x128xf32, #tpu.memory_space<vmem_shared>> -> memref<4112x128xf32, #tpu.memory_space<vmem_shared>>
        tpu.enqueue_indirect_dma source(%arg22 : memref<64x128xf32, #tpu.memory_space<vmem>>) target(%dma_start3A_1443 : memref<4112x128xf32, #tpu.memory_space<vmem_shared>>) offsets(%arg21 : memref<64xi32, #tpu.memory_space<vmem>>) semaphore(%run_scoped3A : memref<!tpu.dma_semaphore, #tpu.memory_space<semaphore_mem>>) {add = true}
        %dma_wait3A_1444 = arith.constant 0 : i32
        %dma_wait3A_1445 = arith.constant 0 : i32
        %dma_wait3A_1446 = tpu.memref_slice %arg26[%dma_wait3A_1444, %dma_wait3A_1445] : memref<4112x128xf32, #tpu.memory_space<vmem_shared>> -> memref<4112x128xf32, #tpu.memory_space<vmem_shared>>
        tpu.wait_indirect_dma semaphore(%run_scoped3A : memref<!tpu.dma_semaphore, #tpu.memory_space<semaphore_mem>>) src(%arg22 : memref<64x128xf32, #tpu.memory_space<vmem>>) dst(%dma_wait3A_1446 : memref<4112x128xf32, #tpu.memory_space<vmem_shared>>)
        tpu.yield
      }) : () -> ()
      "tpu.region"() ({
        %run_scoped3A = tpu.sem_alloc : memref<!tpu.dma_semaphore, #tpu.memory_space<semaphore_mem>>
        %dma_start3A_1441 = arith.constant 0 : i32
        %dma_start3A_1442 = tpu.memref_slice %arg27[%dma_start3A_1441] : memref<4224xf32, #tpu.memory_space<vmem_shared>> -> memref<4224xf32, #tpu.memory_space<vmem_shared>>
        tpu.enqueue_indirect_dma source(%arg23 : memref<64xf32, #tpu.memory_space<vmem>>) target(%dma_start3A_1442 : memref<4224xf32, #tpu.memory_space<vmem_shared>>) offsets(%arg21 : memref<64xi32, #tpu.memory_space<vmem>>) semaphore(%run_scoped3A : memref<!tpu.dma_semaphore, #tpu.memory_space<semaphore_mem>>) {add = true}
        %dma_wait3A_1443 = arith.constant 0 : i32
        %dma_wait3A_1444 = tpu.memref_slice %arg27[%dma_wait3A_1443] : memref<4224xf32, #tpu.memory_space<vmem_shared>> -> memref<4224xf32, #tpu.memory_space<vmem_shared>>
        tpu.wait_indirect_dma semaphore(%run_scoped3A : memref<!tpu.dma_semaphore, #tpu.memory_space<semaphore_mem>>) src(%arg23 : memref<64xf32, #tpu.memory_space<vmem>>) dst(%dma_wait3A_1444 : memref<4224xf32, #tpu.memory_space<vmem_shared>>)
        tpu.yield
      }) : () -> ()
      %while3A_1440 = arith.constant 0 : i32
      scf.yield %while3A_1440 : i32
    }
    %while3A_72 = arith.constant 1 : i32
    %while3A_73 = scf.for %while3A_1368 = %while3A_69 to %while3A_65 step %while3A_72 iter_args(%while3A_1369 = %while3A_71) -> (i32)  : i32 {
      %mul3A_1370 = arith.constant 64 : i32
      %mul3A_1371 = arith.muli %while3A_1368, %mul3A_1370 : i32
      %add3A_1372 = arith.constant 0 : i32
      %add3A_1373 = arith.addi %mul3A_1371, %add3A_1372 : i32
      %get3A_1374 = arith.index_cast %add3A_1373 : i32 to index
      %get3A_1375 = tpu.vector_load %arg18[%get3A_1374] {strides = array<i32>} : memref<2192xi32, #tpu.memory_space<vmem>>, vector<16xi32>,
      %swap3A_1376 = arith.constant 0 : index
      %swap3A_1377 = tpu.vector_load %arg20[%swap3A_1376] {strides = array<i32>} : memref<64xi32, #tpu.memory_space<vmem>>, vector<16xi32>,
      tpu.vector_store %arg20[%swap3A_1376], %get3A_1375 {strides = array<i32>} : memref<64xi32, #tpu.memory_space<vmem>>, vector<16xi32>,
      %mul3A_1378 = arith.constant 64 : i32
      %mul3A_1379 = arith.muli %while3A_1368, %mul3A_1378 : i32
      %add3A_1380 = arith.constant 0 : i32
      %add3A_1381 = arith.addi %mul3A_1379, %add3A_1380 : i32
      %get3A_1382 = arith.index_cast %add3A_1381 : i32 to index
      %get3A_1383 = tpu.vector_load %arg19[%get3A_1382] {strides = array<i32>} : memref<2192xi32, #tpu.memory_space<vmem>>, vector<16xi32>,
      %swap3A_1384 = arith.constant 0 : index
      %swap3A_1385 = tpu.vector_load %arg21[%swap3A_1384] {strides = array<i32>} : memref<64xi32, #tpu.memory_space<vmem>>, vector<16xi32>,
      tpu.vector_store %arg21[%swap3A_1384], %get3A_1383 {strides = array<i32>} : memref<64xi32, #tpu.memory_space<vmem>>, vector<16xi32>,
      %mul3A_1386 = arith.constant 64 : i32
      %mul3A_1387 = arith.muli %while3A_1368, %mul3A_1386 : i32
      %add3A_1388 = arith.constant 16 : i32
      %add3A_1389 = arith.addi %mul3A_1387, %add3A_1388 : i32
      %get3A_1390 = arith.index_cast %add3A_1389 : i32 to index
      %get3A_1391 = tpu.vector_load %arg18[%get3A_1390] {strides = array<i32>} : memref<2192xi32, #tpu.memory_space<vmem>>, vector<16xi32>,
      %swap3A_1392 = arith.constant 16 : index
      %swap3A_1393 = tpu.vector_load %arg20[%swap3A_1392] {strides = array<i32>} : memref<64xi32, #tpu.memory_space<vmem>>, vector<16xi32>,
      tpu.vector_store %arg20[%swap3A_1392], %get3A_1391 {strides = array<i32>} : memref<64xi32, #tpu.memory_space<vmem>>, vector<16xi32>,
      %mul3A_1394 = arith.constant 64 : i32
      %mul3A_1395 = arith.muli %while3A_1368, %mul3A_1394 : i32
      %add3A_1396 = arith.constant 16 : i32
      %add3A_1397 = arith.addi %mul3A_1395, %add3A_1396 : i32
      %get3A_1398 = arith.index_cast %add3A_1397 : i32 to index
      %get3A_1399 = tpu.vector_load %arg19[%get3A_1398] {strides = array<i32>} : memref<2192xi32, #tpu.memory_space<vmem>>, vector<16xi32>,
      %swap3A_1400 = arith.constant 16 : index
      %swap3A_1401 = tpu.vector_load %arg21[%swap3A_1400] {strides = array<i32>} : memref<64xi32, #tpu.memory_space<vmem>>, vector<16xi32>,
      tpu.vector_store %arg21[%swap3A_1400], %get3A_1399 {strides = array<i32>} : memref<64xi32, #tpu.memory_space<vmem>>, vector<16xi32>,
      %mul3A_1402 = arith.constant 64 : i32
      %mul3A_1403 = arith.muli %while3A_1368, %mul3A_1402 : i32
      %add3A_1404 = arith.constant 32 : i32
      %add3A_1405 = arith.addi %mul3A_1403, %add3A_1404 : i32
      %get3A_1406 = arith.index_cast %add3A_1405 : i32 to index
      %get3A_1407 = tpu.vector_load %arg18[%get3A_1406] {strides = array<i32>} : memref<2192xi32, #tpu.memory_space<vmem>>, vector<16xi32>,
      %swap3A_1408 = arith.constant 32 : index
      %swap3A_1409 = tpu.vector_load %arg20[%swap3A_1408] {strides = array<i32>} : memref<64xi32, #tpu.memory_space<vmem>>, vector<16xi32>,
      tpu.vector_store %arg20[%swap3A_1408], %get3A_1407 {strides = array<i32>} : memref<64xi32, #tpu.memory_space<vmem>>, vector<16xi32>,
      %mul3A_1410 = arith.constant 64 : i32
      %mul3A_1411 = arith.muli %while3A_1368, %mul3A_1410 : i32
      %add3A_1412 = arith.constant 32 : i32
      %add3A_1413 = arith.addi %mul3A_1411, %add3A_1412 : i32
      %get3A_1414 = arith.index_cast %add3A_1413 : i32 to index
      %get3A_1415 = tpu.vector_load %arg19[%get3A_1414] {strides = array<i32>} : memref<2192xi32, #tpu.memory_space<vmem>>, vector<16xi32>,
      %swap3A_1416 = arith.constant 32 : index
      %swap3A_1417 = tpu.vector_load %arg21[%swap3A_1416] {strides = array<i32>} : memref<64xi32, #tpu.memory_space<vmem>>, vector<16xi32>,
      tpu.vector_store %arg21[%swap3A_1416], %get3A_1415 {strides = array<i32>} : memref<64xi32, #tpu.memory_space<vmem>>, vector<16xi32>,
      %mul3A_1418 = arith.constant 64 : i32
      %mul3A_1419 = arith.muli %while3A_1368, %mul3A_1418 : i32
      %add3A_1420 = arith.constant 48 : i32
      %add3A_1421 = arith.addi %mul3A_1419, %add3A_1420 : i32
      %get3A_1422 = arith.index_cast %add3A_1421 : i32 to index
      %get3A_1423 = tpu.vector_load %arg18[%get3A_1422] {strides = array<i32>} : memref<2192xi32, #tpu.memory_space<vmem>>, vector<16xi32>,
      %swap3A_1424 = arith.constant 48 : index
      %swap3A_1425 = tpu.vector_load %arg20[%swap3A_1424] {strides = array<i32>} : memref<64xi32, #tpu.memory_space<vmem>>, vector<16xi32>,
      tpu.vector_store %arg20[%swap3A_1424], %get3A_1423 {strides = array<i32>} : memref<64xi32, #tpu.memory_space<vmem>>, vector<16xi32>,
      %mul3A_1426 = arith.constant 64 : i32
      %mul3A_1427 = arith.muli %while3A_1368, %mul3A_1426 : i32
      %add3A_1428 = arith.constant 48 : i32
      %add3A_1429 = arith.addi %mul3A_1427, %add3A_1428 : i32
      %get3A_1430 = arith.index_cast %add3A_1429 : i32 to index
      %get3A_1431 = tpu.vector_load %arg19[%get3A_1430] {strides = array<i32>} : memref<2192xi32, #tpu.memory_space<vmem>>, vector<16xi32>,
      %swap3A_1432 = arith.constant 48 : index
      %swap3A_1433 = tpu.vector_load %arg21[%swap3A_1432] {strides = array<i32>} : memref<64xi32, #tpu.memory_space<vmem>>, vector<16xi32>,
      tpu.vector_store %arg21[%swap3A_1432], %get3A_1431 {strides = array<i32>} : memref<64xi32, #tpu.memory_space<vmem>>, vector<16xi32>,
      %dma_start3A_1434 = arith.constant 0 : i32
      %dma_start3A_1435 = arith.constant 0 : i32
      %dma_start3A_1436 = tpu.memref_slice %arg6[%dma_start3A_1434, %dma_start3A_1435] : memref<10000x128xf32, #tpu.memory_space<hbm>> -> memref<10000x128xf32, #tpu.memory_space<hbm>>
      tpu.enqueue_indirect_dma source(%dma_start3A_1436 : memref<10000x128xf32, #tpu.memory_space<hbm>>) target(%arg22 : memref<64x128xf32, #tpu.memory_space<vmem>>) offsets(%arg20 : memref<64xi32, #tpu.memory_space<vmem>>) semaphore(%arg31 : memref<!tpu.dma_semaphore, #tpu.memory_space<semaphore_mem>>)
      %dma_wait3A_1437 = arith.constant 0 : i32
      %dma_wait3A_1438 = arith.constant 0 : i32
      %dma_wait3A_1439 = tpu.memref_slice %arg6[%dma_wait3A_1437, %dma_wait3A_1438] : memref<10000x128xf32, #tpu.memory_space<hbm>> -> memref<10000x128xf32, #tpu.memory_space<hbm>>
      tpu.wait_indirect_dma semaphore(%arg31 : memref<!tpu.dma_semaphore, #tpu.memory_space<semaphore_mem>>) src(%dma_wait3A_1439 : memref<10000x128xf32, #tpu.memory_space<hbm>>) dst(%arg22 : memref<64x128xf32, #tpu.memory_space<vmem>>)
      "tpu.region"() ({
        %run_scoped3A = tpu.sem_alloc : memref<!tpu.dma_semaphore, #tpu.memory_space<semaphore_mem>>
        %dma_start3A_1441 = arith.constant 0 : i32
        %dma_start3A_1442 = arith.constant 0 : i32
        %dma_start3A_1443 = tpu.memref_slice %arg26[%dma_start3A_1441, %dma_start3A_1442] : memref<4112x128xf32, #tpu.memory_space<vmem_shared>> -> memref<4112x128xf32, #tpu.memory_space<vmem_shared>>
        tpu.enqueue_indirect_dma source(%arg22 : memref<64x128xf32, #tpu.memory_space<vmem>>) target(%dma_start3A_1443 : memref<4112x128xf32, #tpu.memory_space<vmem_shared>>) offsets(%arg21 : memref<64xi32, #tpu.memory_space<vmem>>) semaphore(%run_scoped3A : memref<!tpu.dma_semaphore, #tpu.memory_space<semaphore_mem>>) {add = true}
        %dma_wait3A_1444 = arith.constant 0 : i32
        %dma_wait3A_1445 = arith.constant 0 : i32
        %dma_wait3A_1446 = tpu.memref_slice %arg26[%dma_wait3A_1444, %dma_wait3A_1445] : memref<4112x128xf32, #tpu.memory_space<vmem_shared>> -> memref<4112x128xf32, #tpu.memory_space<vmem_shared>>
        tpu.wait_indirect_dma semaphore(%run_scoped3A : memref<!tpu.dma_semaphore, #tpu.memory_space<semaphore_mem>>) src(%arg22 : memref<64x128xf32, #tpu.memory_space<vmem>>) dst(%dma_wait3A_1446 : memref<4112x128xf32, #tpu.memory_space<vmem_shared>>)
        tpu.yield
      }) : () -> ()
      "tpu.region"() ({
        %run_scoped3A = tpu.sem_alloc : memref<!tpu.dma_semaphore, #tpu.memory_space<semaphore_mem>>
        %dma_start3A_1441 = arith.constant 0 : i32
        %dma_start3A_1442 = tpu.memref_slice %arg27[%dma_start3A_1441] : memref<4224xf32, #tpu.memory_space<vmem_shared>> -> memref<4224xf32, #tpu.memory_space<vmem_shared>>
        tpu.enqueue_indirect_dma source(%arg23 : memref<64xf32, #tpu.memory_space<vmem>>) target(%dma_start3A_1442 : memref<4224xf32, #tpu.memory_space<vmem_shared>>) offsets(%arg21 : memref<64xi32, #tpu.memory_space<vmem>>) semaphore(%run_scoped3A : memref<!tpu.dma_semaphore, #tpu.memory_space<semaphore_mem>>) {add = true}
        %dma_wait3A_1443 = arith.constant 0 : i32
        %dma_wait3A_1444 = tpu.memref_slice %arg27[%dma_wait3A_1443] : memref<4224xf32, #tpu.memory_space<vmem_shared>> -> memref<4224xf32, #tpu.memory_space<vmem_shared>>
        tpu.wait_indirect_dma semaphore(%run_scoped3A : memref<!tpu.dma_semaphore, #tpu.memory_space<semaphore_mem>>) src(%arg23 : memref<64xf32, #tpu.memory_space<vmem>>) dst(%dma_wait3A_1444 : memref<4224xf32, #tpu.memory_space<vmem_shared>>)
        tpu.yield
      }) : () -> ()
      %while3A_1440 = arith.constant 0 : i32
      scf.yield %while3A_1440 : i32
    }
    %mul3A_74 = arith.constant 64 : i32
    %mul3A_75 = arith.muli %select_n3A, %mul3A_74 : i32
    %add3A_76 = arith.constant 0 : i32
    %add3A_77 = arith.addi %mul3A_75, %add3A_76 : i32
    %get3A = arith.index_cast %add3A_77 : i32 to index
    %get3A_78 = tpu.vector_load %arg18[%get3A] {strides = array<i32>} : memref<2192xi32, #tpu.memory_space<vmem>>, vector<16xi32>,
    %mul3A_79 = arith.constant 64 : i32
    %mul3A_80 = arith.muli %select_n3A, %mul3A_79 : i32
    %add3A_81 = arith.constant 0 : i32
    %add3A_82 = arith.addi %mul3A_80, %add3A_81 : i32
    %get3A_83 = arith.index_cast %add3A_82 : i32 to index
    %get3A_84 = tpu.vector_load %arg19[%get3A_83] {strides = array<i32>} : memref<2192xi32, #tpu.memory_space<vmem>>, vector<16xi32>,
    %swap3A = arith.constant 0 : index
    %swap3A_85 = tpu.vector_load %arg18[%swap3A] {strides = array<i32>} : memref<2192xi32, #tpu.memory_space<vmem>>, vector<16xi32>,
    tpu.vector_store %arg18[%swap3A], %get3A_78 {strides = array<i32>} : memref<2192xi32, #tpu.memory_space<vmem>>, vector<16xi32>,
    %swap3A_86 = arith.constant 0 : index
    %swap3A_87 = tpu.vector_load %arg19[%swap3A_86] {strides = array<i32>} : memref<2192xi32, #tpu.memory_space<vmem>>, vector<16xi32>,
    tpu.vector_store %arg19[%swap3A_86], %get3A_84 {strides = array<i32>} : memref<2192xi32, #tpu.memory_space<vmem>>, vector<16xi32>,
    %mul3A_88 = arith.constant 64 : i32
    %mul3A_89 = arith.muli %select_n3A, %mul3A_88 : i32
    %add3A_90 = arith.constant 16 : i32
    %add3A_91 = arith.addi %mul3A_89, %add3A_90 : i32
    %get3A_92 = arith.index_cast %add3A_91 : i32 to index
    %get3A_93 = tpu.vector_load %arg18[%get3A_92] {strides = array<i32>} : memref<2192xi32, #tpu.memory_space<vmem>>, vector<16xi32>,
    %mul3A_94 = arith.constant 64 : i32
    %mul3A_95 = arith.muli %select_n3A, %mul3A_94 : i32
    %add3A_96 = arith.constant 16 : i32
    %add3A_97 = arith.addi %mul3A_95, %add3A_96 : i32
    %get3A_98 = arith.index_cast %add3A_97 : i32 to index
    %get3A_99 = tpu.vector_load %arg19[%get3A_98] {strides = array<i32>} : memref<2192xi32, #tpu.memory_space<vmem>>, vector<16xi32>,
    %swap3A_100 = arith.constant 16 : index
    %swap3A_101 = tpu.vector_load %arg18[%swap3A_100] {strides = array<i32>} : memref<2192xi32, #tpu.memory_space<vmem>>, vector<16xi32>,
    tpu.vector_store %arg18[%swap3A_100], %get3A_93 {strides = array<i32>} : memref<2192xi32, #tpu.memory_space<vmem>>, vector<16xi32>,
    %swap3A_102 = arith.constant 16 : index
    %swap3A_103 = tpu.vector_load %arg19[%swap3A_102] {strides = array<i32>} : memref<2192xi32, #tpu.memory_space<vmem>>, vector<16xi32>,
    tpu.vector_store %arg19[%swap3A_102], %get3A_99 {strides = array<i32>} : memref<2192xi32, #tpu.memory_space<vmem>>, vector<16xi32>,
    %mul3A_104 = arith.constant 64 : i32
    %mul3A_105 = arith.muli %select_n3A, %mul3A_104 : i32
    %add3A_106 = arith.constant 32 : i32
    %add3A_107 = arith.addi %mul3A_105, %add3A_106 : i32
    %get3A_108 = arith.index_cast %add3A_107 : i32 to index
    %get3A_109 = tpu.vector_load %arg18[%get3A_108] {strides = array<i32>} : memref<2192xi32, #tpu.memory_space<vmem>>, vector<16xi32>,
    %mul3A_110 = arith.constant 64 : i32
    %mul3A_111 = arith.muli %select_n3A, %mul3A_110 : i32
    %add3A_112 = arith.constant 32 : i32
    %add3A_113 = arith.addi %mul3A_111, %add3A_112 : i32
    %get3A_114 = arith.index_cast %add3A_113 : i32 to index
    %get3A_115 = tpu.vector_load %arg19[%get3A_114] {strides = array<i32>} : memref<2192xi32, #tpu.memory_space<vmem>>, vector<16xi32>,
    %swap3A_116 = arith.constant 32 : index
    %swap3A_117 = tpu.vector_load %arg18[%swap3A_116] {strides = array<i32>} : memref<2192xi32, #tpu.memory_space<vmem>>, vector<16xi32>,
    tpu.vector_store %arg18[%swap3A_116], %get3A_109 {strides = array<i32>} : memref<2192xi32, #tpu.memory_space<vmem>>, vector<16xi32>,
    %swap3A_118 = arith.constant 32 : index
    %swap3A_119 = tpu.vector_load %arg19[%swap3A_118] {strides = array<i32>} : memref<2192xi32, #tpu.memory_space<vmem>>, vector<16xi32>,
    tpu.vector_store %arg19[%swap3A_118], %get3A_115 {strides = array<i32>} : memref<2192xi32, #tpu.memory_space<vmem>>, vector<16xi32>,
    %mul3A_120 = arith.constant 64 : i32
    %mul3A_121 = arith.muli %select_n3A, %mul3A_120 : i32
    %add3A_122 = arith.constant 48 : i32
    %add3A_123 = arith.addi %mul3A_121, %add3A_122 : i32
    %get3A_124 = arith.index_cast %add3A_123 : i32 to index
    %get3A_125 = tpu.vector_load %arg18[%get3A_124] {strides = array<i32>} : memref<2192xi32, #tpu.memory_space<vmem>>, vector<16xi32>,
    %mul3A_126 = arith.constant 64 : i32
    %mul3A_127 = arith.muli %select_n3A, %mul3A_126 : i32
    %add3A_128 = arith.constant 48 : i32
    %add3A_129 = arith.addi %mul3A_127, %add3A_128 : i32
    %get3A_130 = arith.index_cast %add3A_129 : i32 to index
    %get3A_131 = tpu.vector_load %arg19[%get3A_130] {strides = array<i32>} : memref<2192xi32, #tpu.memory_space<vmem>>, vector<16xi32>,
    %swap3A_132 = arith.constant 48 : index
    %swap3A_133 = tpu.vector_load %arg18[%swap3A_132] {strides = array<i32>} : memref<2192xi32, #tpu.memory_space<vmem>>, vector<16xi32>,
    tpu.vector_store %arg18[%swap3A_132], %get3A_125 {strides = array<i32>} : memref<2192xi32, #tpu.memory_space<vmem>>, vector<16xi32>,
    %swap3A_134 = arith.constant 48 : index
    %swap3A_135 = tpu.vector_load %arg19[%swap3A_134] {strides = array<i32>} : memref<2192xi32, #tpu.memory_space<vmem>>, vector<16xi32>,
    tpu.vector_store %arg19[%swap3A_134], %get3A_131 {strides = array<i32>} : memref<2192xi32, #tpu.memory_space<vmem>>, vector<16xi32>,
    %mul3A_136 = arith.constant 64 : i32
    %mul3A_137 = arith.muli %select_n3A, %mul3A_136 : i32
    %sub3A_138 = arith.subi %scan3A_45, %mul3A_137 : i32
    %mul3A_139 = arith.constant 20000 : i32
    %mul3A_140 = arith.muli %arg1, %mul3A_139 : i32
    %add3A_141 = arith.constant 4000 : i32
    %add3A_142 = arith.addi %mul3A_140, %add3A_141 : i32
    %dma_start3A_143 = tpu.memref_slice %arg3[%add3A_142] : memref<320000xi32, #tpu.memory_space<hbm>> -> memref<2000xi32, #tpu.memory_space<hbm>>
    %dma_start3A_144 = tpu.memref_slice %arg3[%add3A_142] : memref<320000xi32, #tpu.memory_space<hbm>> -> memref<2000xi32, #tpu.memory_space<hbm>>
    tpu.enqueue_dma source(%dma_start3A_144 : memref<2000xi32, #tpu.memory_space<hbm>>) target(%arg14 : memref<2000xi32, #tpu.memory_space<vmem>>) target_semaphore(%arg28 : memref<!tpu.dma_semaphore, #tpu.memory_space<semaphore_mem>>)
    %dma_start3A_145 = tpu.memref_slice %arg4[%add3A_142] : memref<320000xi32, #tpu.memory_space<hbm>> -> memref<2000xi32, #tpu.memory_space<hbm>>
    %dma_start3A_146 = tpu.memref_slice %arg4[%add3A_142] : memref<320000xi32, #tpu.memory_space<hbm>> -> memref<2000xi32, #tpu.memory_space<hbm>>
    tpu.enqueue_dma source(%dma_start3A_146 : memref<2000xi32, #tpu.memory_space<hbm>>) target(%arg15 : memref<2000xi32, #tpu.memory_space<vmem>>) target_semaphore(%arg28 : memref<!tpu.dma_semaphore, #tpu.memory_space<semaphore_mem>>)
    %dma_wait3A_147 = tpu.memref_slice %arg3[%add3A_33] : memref<320000xi32, #tpu.memory_space<hbm>> -> memref<2000xi32, #tpu.memory_space<hbm>>
    %dma_wait3A_148 = tpu.memref_slice %arg3[%add3A_33] : memref<320000xi32, #tpu.memory_space<hbm>> -> memref<2000xi32, #tpu.memory_space<hbm>>
    tpu.wait_dma2 semaphore(%arg29 : memref<!tpu.dma_semaphore, #tpu.memory_space<semaphore_mem>>) src(%dma_wait3A_148 : memref<2000xi32, #tpu.memory_space<hbm>>) dst(%arg16 : memref<2000xi32, #tpu.memory_space<vmem>>)
    %dma_wait3A_149 = tpu.memref_slice %arg4[%add3A_33] : memref<320000xi32, #tpu.memory_space<hbm>> -> memref<2000xi32, #tpu.memory_space<hbm>>
    %dma_wait3A_150 = tpu.memref_slice %arg4[%add3A_33] : memref<320000xi32, #tpu.memory_space<hbm>> -> memref<2000xi32, #tpu.memory_space<hbm>>
    tpu.wait_dma2 semaphore(%arg29 : memref<!tpu.dma_semaphore, #tpu.memory_space<semaphore_mem>>) src(%dma_wait3A_150 : memref<2000xi32, #tpu.memory_space<hbm>>) dst(%arg17 : memref<2000xi32, #tpu.memory_space<vmem>>)
    %scan3A_151 = arith.constant 0 : i32
    %scan3A_152 = arith.constant 125 : i32
    %scan3A_153 = arith.addi %scan3A_151, %scan3A_152 : i32
    %scan3A_154 = arith.constant 1 : i32
    %scan3A_155 = scf.for %scan3A_1368 = %scan3A_151 to %scan3A_153 step %scan3A_154 iter_args(%scan3A_1369 = %sub3A_138) -> (i32)  : i32 {
      %mul3A_1370 = arith.constant 16 : i32
      %mul3A_1371 = arith.muli %scan3A_1368, %mul3A_1370 : i32
      %get3A_1372 = arith.index_cast %mul3A_1371 : i32 to index
      %get3A_1373 = tpu.vector_load %arg17[%get3A_1372] {strides = array<i32>} : memref<2000xi32, #tpu.memory_space<vmem>>, vector<16xi32>,
      %get3A_1374 = arith.index_cast %mul3A_1371 : i32 to index
      %get3A_1375 = tpu.vector_load %arg16[%get3A_1374] {strides = array<i32>} : memref<2000xi32, #tpu.memory_space<vmem>>, vector<16xi32>,
      %shift_right_logical3A = arith.constant 3 : i32
      %shift_right_logical3A_1376 = vector.broadcast %shift_right_logical3A : i32 to vector<16xi32>
      %shift_right_logical3A_1377 = arith.shrui %get3A_1373, %shift_right_logical3A_1376 : vector<16xi32>
      %and3A_1378 = arith.constant 7 : i32
      %and3A_1379 = vector.broadcast %and3A_1378 : i32 to vector<16xi32>
      %and3A_1380 = arith.andi %get3A_1373, %and3A_1379 : vector<16xi32>
      %gather3A = tpu.vector_load_idx %arg13[%shift_right_logical3A_1377] : memref<10000xi32, #tpu.memory_space<vmem>>[vector<16xi32>], vector<16xi32>,
      %ge3A = arith.constant 0 : i32
      %ge3A_1381 = vector.broadcast %ge3A : i32 to vector<16xi32>
      %ge3A_1382 = arith.cmpi sge, %gather3A, %ge3A_1381 : vector<16xi32>
      %and3A_1383 = arith.constant 1 : i32
      %and3A_1384 = vector.broadcast %and3A_1383 : i32 to vector<16xi32>
      %and3A_1385 = arith.andi %gather3A, %and3A_1384 : vector<16xi32>
      %eq3A = vector.broadcast %arg0 : i32 to vector<16xi32>
      %eq3A_1386 = arith.cmpi eq, %and3A_1385, %eq3A : vector<16xi32>
      %and3A_1387 = arith.andi %ge3A_1382, %eq3A_1386 : vector<16xi1>
      %shift_right_logical3A_1388 = arith.constant 1 : i32
      %shift_right_logical3A_1389 = vector.broadcast %shift_right_logical3A_1388 : i32 to vector<16xi32>
      %shift_right_logical3A_1390 = arith.shrui %gather3A, %shift_right_logical3A_1389 : vector<16xi32>
      %mul3A_1391 = arith.constant 8 : i32
      %mul3A_1392 = vector.broadcast %mul3A_1391 : i32 to vector<16xi32>
      %mul3A_1393 = arith.muli %shift_right_logical3A_1390, %mul3A_1392 : vector<16xi32>
      %add3A_1394 = arith.addi %mul3A_1393, %and3A_1380 : vector<16xi32>
      %jit3A_1395 = arith.constant 4096 : i32
      %broadcast_in_dim3A_1396 = vector.broadcast %jit3A_1395 : i32 to vector<16xi32>
      %select_n3A_1397 = arith.select %and3A_1387, %add3A_1394, %broadcast_in_dim3A_1396 : vector<16xi1>, vector<16xi32>
      %swap3A_1398 = arith.index_cast %scan3A_1369 : i32 to index
      %swap3A_1399 = tpu.vector_load %arg18[%swap3A_1398] masked %and3A_1387 {strides = array<i32>} : memref<2192xi32, #tpu.memory_space<vmem>>, vector<16xi32>, vector<16xi1>
      tpu.vector_store %arg18[%swap3A_1398], %get3A_1375 masked %and3A_1387 {strides = array<i32>} : memref<2192xi32, #tpu.memory_space<vmem>>, vector<16xi32>, vector<16xi1>
      %swap3A_1400 = arith.index_cast %scan3A_1369 : i32 to index
      %swap3A_1401 = tpu.vector_load %arg19[%swap3A_1400] masked %and3A_1387 {strides = array<i32>} : memref<2192xi32, #tpu.memory_space<vmem>>, vector<16xi32>, vector<16xi1>
      tpu.vector_store %arg19[%swap3A_1400], %select_n3A_1397 masked %and3A_1387 {strides = array<i32>} : memref<2192xi32, #tpu.memory_space<vmem>>, vector<16xi32>, vector<16xi1>
      %convert_element_type3A = arith.extui %and3A_1387 : vector<16xi1> to vector<16xi32>
      %reduce_sum3A = arith.constant true
      %reduce_sum3A_1402 = vector.broadcast %reduce_sum3A : i1 to vector<16xi1>
      %reduce_sum3A_1403 = tpu.scan <sum>, %convert_element_type3A masked %reduce_sum3A_1402 : vector<16xi32>, vector<16xi1> -> vector<16xi32>
      %reduce_sum3A_1404 = vector.extract %reduce_sum3A_1403[15] : i32 from vector<16xi32>
      %add3A_1405 = arith.addi %scan3A_1369, %reduce_sum3A_1404 : i32
      scf.yield %add3A_1405 : i32
    }
    %scan3A_156 = arith.constant 125 : i32
    %jit3A_157 = arith.constant 64 : i32
    %div3A_158 = arith.divsi %scan3A_155, %jit3A_157 : i32
    %sign3A_159 = arith.constant 0 : i32
    %sign3A_160 = arith.cmpi sgt, %scan3A_155, %sign3A_159 : i32
    %sign3A_161 = arith.extui %sign3A_160 : i1 to i32
    %sign3A_162 = arith.constant 0 : i32
    %sign3A_163 = arith.cmpi slt, %scan3A_155, %sign3A_162 : i32
    %sign3A_164 = arith.extui %sign3A_163 : i1 to i32
    %sign3A_165 = arith.subi %sign3A_161, %sign3A_164 : i32
    %sign3A_166 = arith.constant 0 : i32
    %sign3A_167 = arith.cmpi sgt, %jit3A_157, %sign3A_166 : i32
    %sign3A_168 = arith.extui %sign3A_167 : i1 to i32
    %sign3A_169 = arith.constant 0 : i32
    %sign3A_170 = arith.cmpi slt, %jit3A_157, %sign3A_169 : i32
    %sign3A_171 = arith.extui %sign3A_170 : i1 to i32
    %sign3A_172 = arith.subi %sign3A_168, %sign3A_171 : i32
    %ne3A_173 = arith.cmpi ne, %sign3A_165, %sign3A_172 : i32
    %rem3A_174 = arith.remsi %scan3A_155, %jit3A_157 : i32
    %ne3A_175 = arith.constant 0 : i32
    %ne3A_176 = arith.cmpi ne, %rem3A_174, %ne3A_175 : i32
    %and3A_177 = arith.andi %ne3A_173, %ne3A_176 : i1
    %sub3A_178 = arith.constant 1 : i32
    %sub3A_179 = arith.subi %div3A_158, %sub3A_178 : i32
    %select_n3A_180 = arith.select %and3A_177, %sub3A_179, %div3A_158 : i32
    %while3A_181 = arith.constant 0 : i32
    %while3A_182 = arith.constant 0 : i32
    %while3A_183 = arith.subi %select_n3A_180, %while3A_181 : i32
    %while3A_184 = arith.addi %while3A_181, %while3A_183 : i32
    %while3A_185 = arith.constant 1 : i32
    %while3A_186 = arith.divsi %while3A_183, %while3A_185 : i32
    %while3A_187 = arith.muli %while3A_186, %while3A_185 : i32
    %while3A_188 = arith.addi %while3A_181, %while3A_187 : i32
    %while3A_189 = arith.constant 1 : i32
    %while3A_190 = scf.for %while3A_1368 = %while3A_181 to %while3A_188 step %while3A_189 iter_args(%while3A_1369 = %while3A_182) -> (i32)  : i32 {
      %mul3A_1370 = arith.constant 64 : i32
      %mul3A_1371 = arith.muli %while3A_1368, %mul3A_1370 : i32
      %add3A_1372 = arith.constant 0 : i32
      %add3A_1373 = arith.addi %mul3A_1371, %add3A_1372 : i32
      %get3A_1374 = arith.index_cast %add3A_1373 : i32 to index
      %get3A_1375 = tpu.vector_load %arg18[%get3A_1374] {strides = array<i32>} : memref<2192xi32, #tpu.memory_space<vmem>>, vector<16xi32>,
      %swap3A_1376 = arith.constant 0 : index
      %swap3A_1377 = tpu.vector_load %arg20[%swap3A_1376] {strides = array<i32>} : memref<64xi32, #tpu.memory_space<vmem>>, vector<16xi32>,
      tpu.vector_store %arg20[%swap3A_1376], %get3A_1375 {strides = array<i32>} : memref<64xi32, #tpu.memory_space<vmem>>, vector<16xi32>,
      %mul3A_1378 = arith.constant 64 : i32
      %mul3A_1379 = arith.muli %while3A_1368, %mul3A_1378 : i32
      %add3A_1380 = arith.constant 0 : i32
      %add3A_1381 = arith.addi %mul3A_1379, %add3A_1380 : i32
      %get3A_1382 = arith.index_cast %add3A_1381 : i32 to index
      %get3A_1383 = tpu.vector_load %arg19[%get3A_1382] {strides = array<i32>} : memref<2192xi32, #tpu.memory_space<vmem>>, vector<16xi32>,
      %swap3A_1384 = arith.constant 0 : index
      %swap3A_1385 = tpu.vector_load %arg21[%swap3A_1384] {strides = array<i32>} : memref<64xi32, #tpu.memory_space<vmem>>, vector<16xi32>,
      tpu.vector_store %arg21[%swap3A_1384], %get3A_1383 {strides = array<i32>} : memref<64xi32, #tpu.memory_space<vmem>>, vector<16xi32>,
      %mul3A_1386 = arith.constant 64 : i32
      %mul3A_1387 = arith.muli %while3A_1368, %mul3A_1386 : i32
      %add3A_1388 = arith.constant 16 : i32
      %add3A_1389 = arith.addi %mul3A_1387, %add3A_1388 : i32
      %get3A_1390 = arith.index_cast %add3A_1389 : i32 to index
      %get3A_1391 = tpu.vector_load %arg18[%get3A_1390] {strides = array<i32>} : memref<2192xi32, #tpu.memory_space<vmem>>, vector<16xi32>,
      %swap3A_1392 = arith.constant 16 : index
      %swap3A_1393 = tpu.vector_load %arg20[%swap3A_1392] {strides = array<i32>} : memref<64xi32, #tpu.memory_space<vmem>>, vector<16xi32>,
      tpu.vector_store %arg20[%swap3A_1392], %get3A_1391 {strides = array<i32>} : memref<64xi32, #tpu.memory_space<vmem>>, vector<16xi32>,
      %mul3A_1394 = arith.constant 64 : i32
      %mul3A_1395 = arith.muli %while3A_1368, %mul3A_1394 : i32
      %add3A_1396 = arith.constant 16 : i32
      %add3A_1397 = arith.addi %mul3A_1395, %add3A_1396 : i32
      %get3A_1398 = arith.index_cast %add3A_1397 : i32 to index
      %get3A_1399 = tpu.vector_load %arg19[%get3A_1398] {strides = array<i32>} : memref<2192xi32, #tpu.memory_space<vmem>>, vector<16xi32>,
      %swap3A_1400 = arith.constant 16 : index
      %swap3A_1401 = tpu.vector_load %arg21[%swap3A_1400] {strides = array<i32>} : memref<64xi32, #tpu.memory_space<vmem>>, vector<16xi32>,
      tpu.vector_store %arg21[%swap3A_1400], %get3A_1399 {strides = array<i32>} : memref<64xi32, #tpu.memory_space<vmem>>, vector<16xi32>,
      %mul3A_1402 = arith.constant 64 : i32
      %mul3A_1403 = arith.muli %while3A_1368, %mul3A_1402 : i32
      %add3A_1404 = arith.constant 32 : i32
      %add3A_1405 = arith.addi %mul3A_1403, %add3A_1404 : i32
      %get3A_1406 = arith.index_cast %add3A_1405 : i32 to index
      %get3A_1407 = tpu.vector_load %arg18[%get3A_1406] {strides = array<i32>} : memref<2192xi32, #tpu.memory_space<vmem>>, vector<16xi32>,
      %swap3A_1408 = arith.constant 32 : index
      %swap3A_1409 = tpu.vector_load %arg20[%swap3A_1408] {strides = array<i32>} : memref<64xi32, #tpu.memory_space<vmem>>, vector<16xi32>,
      tpu.vector_store %arg20[%swap3A_1408], %get3A_1407 {strides = array<i32>} : memref<64xi32, #tpu.memory_space<vmem>>, vector<16xi32>,
      %mul3A_1410 = arith.constant 64 : i32
      %mul3A_1411 = arith.muli %while3A_1368, %mul3A_1410 : i32
      %add3A_1412 = arith.constant 32 : i32
      %add3A_1413 = arith.addi %mul3A_1411, %add3A_1412 : i32
      %get3A_1414 = arith.index_cast %add3A_1413 : i32 to index
      %get3A_1415 = tpu.vector_load %arg19[%get3A_1414] {strides = array<i32>} : memref<2192xi32, #tpu.memory_space<vmem>>, vector<16xi32>,
      %swap3A_1416 = arith.constant 32 : index
      %swap3A_1417 = tpu.vector_load %arg21[%swap3A_1416] {strides = array<i32>} : memref<64xi32, #tpu.memory_space<vmem>>, vector<16xi32>,
      tpu.vector_store %arg21[%swap3A_1416], %get3A_1415 {strides = array<i32>} : memref<64xi32, #tpu.memory_space<vmem>>, vector<16xi32>,
      %mul3A_1418 = arith.constant 64 : i32
      %mul3A_1419 = arith.muli %while3A_1368, %mul3A_1418 : i32
      %add3A_1420 = arith.constant 48 : i32
      %add3A_1421 = arith.addi %mul3A_1419, %add3A_1420 : i32
      %get3A_1422 = arith.index_cast %add3A_1421 : i32 to index
      %get3A_1423 = tpu.vector_load %arg18[%get3A_1422] {strides = array<i32>} : memref<2192xi32, #tpu.memory_space<vmem>>, vector<16xi32>,
      %swap3A_1424 = arith.constant 48 : index
      %swap3A_1425 = tpu.vector_load %arg20[%swap3A_1424] {strides = array<i32>} : memref<64xi32, #tpu.memory_space<vmem>>, vector<16xi32>,
      tpu.vector_store %arg20[%swap3A_1424], %get3A_1423 {strides = array<i32>} : memref<64xi32, #tpu.memory_space<vmem>>, vector<16xi32>,
      %mul3A_1426 = arith.constant 64 : i32
      %mul3A_1427 = arith.muli %while3A_1368, %mul3A_1426 : i32
      %add3A_1428 = arith.constant 48 : i32
      %add3A_1429 = arith.addi %mul3A_1427, %add3A_1428 : i32
      %get3A_1430 = arith.index_cast %add3A_1429 : i32 to index
      %get3A_1431 = tpu.vector_load %arg19[%get3A_1430] {strides = array<i32>} : memref<2192xi32, #tpu.memory_space<vmem>>, vector<16xi32>,
      %swap3A_1432 = arith.constant 48 : index
      %swap3A_1433 = tpu.vector_load %arg21[%swap3A_1432] {strides = array<i32>} : memref<64xi32, #tpu.memory_space<vmem>>, vector<16xi32>,
      tpu.vector_store %arg21[%swap3A_1432], %get3A_1431 {strides = array<i32>} : memref<64xi32, #tpu.memory_space<vmem>>, vector<16xi32>,
      %dma_start3A_1434 = arith.constant 0 : i32
      %dma_start3A_1435 = arith.constant 0 : i32
      %dma_start3A_1436 = tpu.memref_slice %arg6[%dma_start3A_1434, %dma_start3A_1435] : memref<10000x128xf32, #tpu.memory_space<hbm>> -> memref<10000x128xf32, #tpu.memory_space<hbm>>
      tpu.enqueue_indirect_dma source(%dma_start3A_1436 : memref<10000x128xf32, #tpu.memory_space<hbm>>) target(%arg22 : memref<64x128xf32, #tpu.memory_space<vmem>>) offsets(%arg20 : memref<64xi32, #tpu.memory_space<vmem>>) semaphore(%arg31 : memref<!tpu.dma_semaphore, #tpu.memory_space<semaphore_mem>>)
      %dma_wait3A_1437 = arith.constant 0 : i32
      %dma_wait3A_1438 = arith.constant 0 : i32
      %dma_wait3A_1439 = tpu.memref_slice %arg6[%dma_wait3A_1437, %dma_wait3A_1438] : memref<10000x128xf32, #tpu.memory_space<hbm>> -> memref<10000x128xf32, #tpu.memory_space<hbm>>
      tpu.wait_indirect_dma semaphore(%arg31 : memref<!tpu.dma_semaphore, #tpu.memory_space<semaphore_mem>>) src(%dma_wait3A_1439 : memref<10000x128xf32, #tpu.memory_space<hbm>>) dst(%arg22 : memref<64x128xf32, #tpu.memory_space<vmem>>)
      "tpu.region"() ({
        %run_scoped3A = tpu.sem_alloc : memref<!tpu.dma_semaphore, #tpu.memory_space<semaphore_mem>>
        %dma_start3A_1441 = arith.constant 0 : i32
        %dma_start3A_1442 = arith.constant 0 : i32
        %dma_start3A_1443 = tpu.memref_slice %arg26[%dma_start3A_1441, %dma_start3A_1442] : memref<4112x128xf32, #tpu.memory_space<vmem_shared>> -> memref<4112x128xf32, #tpu.memory_space<vmem_shared>>
        tpu.enqueue_indirect_dma source(%arg22 : memref<64x128xf32, #tpu.memory_space<vmem>>) target(%dma_start3A_1443 : memref<4112x128xf32, #tpu.memory_space<vmem_shared>>) offsets(%arg21 : memref<64xi32, #tpu.memory_space<vmem>>) semaphore(%run_scoped3A : memref<!tpu.dma_semaphore, #tpu.memory_space<semaphore_mem>>) {add = true}
        %dma_wait3A_1444 = arith.constant 0 : i32
        %dma_wait3A_1445 = arith.constant 0 : i32
        %dma_wait3A_1446 = tpu.memref_slice %arg26[%dma_wait3A_1444, %dma_wait3A_1445] : memref<4112x128xf32, #tpu.memory_space<vmem_shared>> -> memref<4112x128xf32, #tpu.memory_space<vmem_shared>>
        tpu.wait_indirect_dma semaphore(%run_scoped3A : memref<!tpu.dma_semaphore, #tpu.memory_space<semaphore_mem>>) src(%arg22 : memref<64x128xf32, #tpu.memory_space<vmem>>) dst(%dma_wait3A_1446 : memref<4112x128xf32, #tpu.memory_space<vmem_shared>>)
        tpu.yield
      }) : () -> ()
      "tpu.region"() ({
        %run_scoped3A = tpu.sem_alloc : memref<!tpu.dma_semaphore, #tpu.memory_space<semaphore_mem>>
        %dma_start3A_1441 = arith.constant 0 : i32
        %dma_start3A_1442 = tpu.memref_slice %arg27[%dma_start3A_1441] : memref<4224xf32, #tpu.memory_space<vmem_shared>> -> memref<4224xf32, #tpu.memory_space<vmem_shared>>
        tpu.enqueue_indirect_dma source(%arg23 : memref<64xf32, #tpu.memory_space<vmem>>) target(%dma_start3A_1442 : memref<4224xf32, #tpu.memory_space<vmem_shared>>) offsets(%arg21 : memref<64xi32, #tpu.memory_space<vmem>>) semaphore(%run_scoped3A : memref<!tpu.dma_semaphore, #tpu.memory_space<semaphore_mem>>) {add = true}
        %dma_wait3A_1443 = arith.constant 0 : i32
        %dma_wait3A_1444 = tpu.memref_slice %arg27[%dma_wait3A_1443] : memref<4224xf32, #tpu.memory_space<vmem_shared>> -> memref<4224xf32, #tpu.memory_space<vmem_shared>>
        tpu.wait_indirect_dma semaphore(%run_scoped3A : memref<!tpu.dma_semaphore, #tpu.memory_space<semaphore_mem>>) src(%arg23 : memref<64xf32, #tpu.memory_space<vmem>>) dst(%dma_wait3A_1444 : memref<4224xf32, #tpu.memory_space<vmem_shared>>)
        tpu.yield
      }) : () -> ()
      %while3A_1440 = arith.constant 0 : i32
      scf.yield %while3A_1440 : i32
    }
    %while3A_191 = arith.constant 1 : i32
    %while3A_192 = scf.for %while3A_1368 = %while3A_188 to %while3A_184 step %while3A_191 iter_args(%while3A_1369 = %while3A_190) -> (i32)  : i32 {
      %mul3A_1370 = arith.constant 64 : i32
      %mul3A_1371 = arith.muli %while3A_1368, %mul3A_1370 : i32
      %add3A_1372 = arith.constant 0 : i32
      %add3A_1373 = arith.addi %mul3A_1371, %add3A_1372 : i32
      %get3A_1374 = arith.index_cast %add3A_1373 : i32 to index
      %get3A_1375 = tpu.vector_load %arg18[%get3A_1374] {strides = array<i32>} : memref<2192xi32, #tpu.memory_space<vmem>>, vector<16xi32>,
      %swap3A_1376 = arith.constant 0 : index
      %swap3A_1377 = tpu.vector_load %arg20[%swap3A_1376] {strides = array<i32>} : memref<64xi32, #tpu.memory_space<vmem>>, vector<16xi32>,
      tpu.vector_store %arg20[%swap3A_1376], %get3A_1375 {strides = array<i32>} : memref<64xi32, #tpu.memory_space<vmem>>, vector<16xi32>,
      %mul3A_1378 = arith.constant 64 : i32
      %mul3A_1379 = arith.muli %while3A_1368, %mul3A_1378 : i32
      %add3A_1380 = arith.constant 0 : i32
      %add3A_1381 = arith.addi %mul3A_1379, %add3A_1380 : i32
      %get3A_1382 = arith.index_cast %add3A_1381 : i32 to index
      %get3A_1383 = tpu.vector_load %arg19[%get3A_1382] {strides = array<i32>} : memref<2192xi32, #tpu.memory_space<vmem>>, vector<16xi32>,
      %swap3A_1384 = arith.constant 0 : index
      %swap3A_1385 = tpu.vector_load %arg21[%swap3A_1384] {strides = array<i32>} : memref<64xi32, #tpu.memory_space<vmem>>, vector<16xi32>,
      tpu.vector_store %arg21[%swap3A_1384], %get3A_1383 {strides = array<i32>} : memref<64xi32, #tpu.memory_space<vmem>>, vector<16xi32>,
      %mul3A_1386 = arith.constant 64 : i32
      %mul3A_1387 = arith.muli %while3A_1368, %mul3A_1386 : i32
      %add3A_1388 = arith.constant 16 : i32
      %add3A_1389 = arith.addi %mul3A_1387, %add3A_1388 : i32
      %get3A_1390 = arith.index_cast %add3A_1389 : i32 to index
      %get3A_1391 = tpu.vector_load %arg18[%get3A_1390] {strides = array<i32>} : memref<2192xi32, #tpu.memory_space<vmem>>, vector<16xi32>,
      %swap3A_1392 = arith.constant 16 : index
      %swap3A_1393 = tpu.vector_load %arg20[%swap3A_1392] {strides = array<i32>} : memref<64xi32, #tpu.memory_space<vmem>>, vector<16xi32>,
      tpu.vector_store %arg20[%swap3A_1392], %get3A_1391 {strides = array<i32>} : memref<64xi32, #tpu.memory_space<vmem>>, vector<16xi32>,
      %mul3A_1394 = arith.constant 64 : i32
      %mul3A_1395 = arith.muli %while3A_1368, %mul3A_1394 : i32
      %add3A_1396 = arith.constant 16 : i32
      %add3A_1397 = arith.addi %mul3A_1395, %add3A_1396 : i32
      %get3A_1398 = arith.index_cast %add3A_1397 : i32 to index
      %get3A_1399 = tpu.vector_load %arg19[%get3A_1398] {strides = array<i32>} : memref<2192xi32, #tpu.memory_space<vmem>>, vector<16xi32>,
      %swap3A_1400 = arith.constant 16 : index
      %swap3A_1401 = tpu.vector_load %arg21[%swap3A_1400] {strides = array<i32>} : memref<64xi32, #tpu.memory_space<vmem>>, vector<16xi32>,
      tpu.vector_store %arg21[%swap3A_1400], %get3A_1399 {strides = array<i32>} : memref<64xi32, #tpu.memory_space<vmem>>, vector<16xi32>,
      %mul3A_1402 = arith.constant 64 : i32
      %mul3A_1403 = arith.muli %while3A_1368, %mul3A_1402 : i32
      %add3A_1404 = arith.constant 32 : i32
      %add3A_1405 = arith.addi %mul3A_1403, %add3A_1404 : i32
      %get3A_1406 = arith.index_cast %add3A_1405 : i32 to index
      %get3A_1407 = tpu.vector_load %arg18[%get3A_1406] {strides = array<i32>} : memref<2192xi32, #tpu.memory_space<vmem>>, vector<16xi32>,
      %swap3A_1408 = arith.constant 32 : index
      %swap3A_1409 = tpu.vector_load %arg20[%swap3A_1408] {strides = array<i32>} : memref<64xi32, #tpu.memory_space<vmem>>, vector<16xi32>,
      tpu.vector_store %arg20[%swap3A_1408], %get3A_1407 {strides = array<i32>} : memref<64xi32, #tpu.memory_space<vmem>>, vector<16xi32>,
      %mul3A_1410 = arith.constant 64 : i32
      %mul3A_1411 = arith.muli %while3A_1368, %mul3A_1410 : i32
      %add3A_1412 = arith.constant 32 : i32
      %add3A_1413 = arith.addi %mul3A_1411, %add3A_1412 : i32
      %get3A_1414 = arith.index_cast %add3A_1413 : i32 to index
      %get3A_1415 = tpu.vector_load %arg19[%get3A_1414] {strides = array<i32>} : memref<2192xi32, #tpu.memory_space<vmem>>, vector<16xi32>,
      %swap3A_1416 = arith.constant 32 : index
      %swap3A_1417 = tpu.vector_load %arg21[%swap3A_1416] {strides = array<i32>} : memref<64xi32, #tpu.memory_space<vmem>>, vector<16xi32>,
      tpu.vector_store %arg21[%swap3A_1416], %get3A_1415 {strides = array<i32>} : memref<64xi32, #tpu.memory_space<vmem>>, vector<16xi32>,
      %mul3A_1418 = arith.constant 64 : i32
      %mul3A_1419 = arith.muli %while3A_1368, %mul3A_1418 : i32
      %add3A_1420 = arith.constant 48 : i32
      %add3A_1421 = arith.addi %mul3A_1419, %add3A_1420 : i32
      %get3A_1422 = arith.index_cast %add3A_1421 : i32 to index
      %get3A_1423 = tpu.vector_load %arg18[%get3A_1422] {strides = array<i32>} : memref<2192xi32, #tpu.memory_space<vmem>>, vector<16xi32>,
      %swap3A_1424 = arith.constant 48 : index
      %swap3A_1425 = tpu.vector_load %arg20[%swap3A_1424] {strides = array<i32>} : memref<64xi32, #tpu.memory_space<vmem>>, vector<16xi32>,
      tpu.vector_store %arg20[%swap3A_1424], %get3A_1423 {strides = array<i32>} : memref<64xi32, #tpu.memory_space<vmem>>, vector<16xi32>,
      %mul3A_1426 = arith.constant 64 : i32
      %mul3A_1427 = arith.muli %while3A_1368, %mul3A_1426 : i32
      %add3A_1428 = arith.constant 48 : i32
      %add3A_1429 = arith.addi %mul3A_1427, %add3A_1428 : i32
      %get3A_1430 = arith.index_cast %add3A_1429 : i32 to index
      %get3A_1431 = tpu.vector_load %arg19[%get3A_1430] {strides = array<i32>} : memref<2192xi32, #tpu.memory_space<vmem>>, vector<16xi32>,
      %swap3A_1432 = arith.constant 48 : index
      %swap3A_1433 = tpu.vector_load %arg21[%swap3A_1432] {strides = array<i32>} : memref<64xi32, #tpu.memory_space<vmem>>, vector<16xi32>,
      tpu.vector_store %arg21[%swap3A_1432], %get3A_1431 {strides = array<i32>} : memref<64xi32, #tpu.memory_space<vmem>>, vector<16xi32>,
      %dma_start3A_1434 = arith.constant 0 : i32
      %dma_start3A_1435 = arith.constant 0 : i32
      %dma_start3A_1436 = tpu.memref_slice %arg6[%dma_start3A_1434, %dma_start3A_1435] : memref<10000x128xf32, #tpu.memory_space<hbm>> -> memref<10000x128xf32, #tpu.memory_space<hbm>>
      tpu.enqueue_indirect_dma source(%dma_start3A_1436 : memref<10000x128xf32, #tpu.memory_space<hbm>>) target(%arg22 : memref<64x128xf32, #tpu.memory_space<vmem>>) offsets(%arg20 : memref<64xi32, #tpu.memory_space<vmem>>) semaphore(%arg31 : memref<!tpu.dma_semaphore, #tpu.memory_space<semaphore_mem>>)
      %dma_wait3A_1437 = arith.constant 0 : i32
      %dma_wait3A_1438 = arith.constant 0 : i32
      %dma_wait3A_1439 = tpu.memref_slice %arg6[%dma_wait3A_1437, %dma_wait3A_1438] : memref<10000x128xf32, #tpu.memory_space<hbm>> -> memref<10000x128xf32, #tpu.memory_space<hbm>>
      tpu.wait_indirect_dma semaphore(%arg31 : memref<!tpu.dma_semaphore, #tpu.memory_space<semaphore_mem>>) src(%dma_wait3A_1439 : memref<10000x128xf32, #tpu.memory_space<hbm>>) dst(%arg22 : memref<64x128xf32, #tpu.memory_space<vmem>>)
      "tpu.region"() ({
        %run_scoped3A = tpu.sem_alloc : memref<!tpu.dma_semaphore, #tpu.memory_space<semaphore_mem>>
        %dma_start3A_1441 = arith.constant 0 : i32
        %dma_start3A_1442 = arith.constant 0 : i32
        %dma_start3A_1443 = tpu.memref_slice %arg26[%dma_start3A_1441, %dma_start3A_1442] : memref<4112x128xf32, #tpu.memory_space<vmem_shared>> -> memref<4112x128xf32, #tpu.memory_space<vmem_shared>>
        tpu.enqueue_indirect_dma source(%arg22 : memref<64x128xf32, #tpu.memory_space<vmem>>) target(%dma_start3A_1443 : memref<4112x128xf32, #tpu.memory_space<vmem_shared>>) offsets(%arg21 : memref<64xi32, #tpu.memory_space<vmem>>) semaphore(%run_scoped3A : memref<!tpu.dma_semaphore, #tpu.memory_space<semaphore_mem>>) {add = true}
        %dma_wait3A_1444 = arith.constant 0 : i32
        %dma_wait3A_1445 = arith.constant 0 : i32
        %dma_wait3A_1446 = tpu.memref_slice %arg26[%dma_wait3A_1444, %dma_wait3A_1445] : memref<4112x128xf32, #tpu.memory_space<vmem_shared>> -> memref<4112x128xf32, #tpu.memory_space<vmem_shared>>
        tpu.wait_indirect_dma semaphore(%run_scoped3A : memref<!tpu.dma_semaphore, #tpu.memory_space<semaphore_mem>>) src(%arg22 : memref<64x128xf32, #tpu.memory_space<vmem>>) dst(%dma_wait3A_1446 : memref<4112x128xf32, #tpu.memory_space<vmem_shared>>)
        tpu.yield
      }) : () -> ()
      "tpu.region"() ({
        %run_scoped3A = tpu.sem_alloc : memref<!tpu.dma_semaphore, #tpu.memory_space<semaphore_mem>>
        %dma_start3A_1441 = arith.constant 0 : i32
        %dma_start3A_1442 = tpu.memref_slice %arg27[%dma_start3A_1441] : memref<4224xf32, #tpu.memory_space<vmem_shared>> -> memref<4224xf32, #tpu.memory_space<vmem_shared>>
        tpu.enqueue_indirect_dma source(%arg23 : memref<64xf32, #tpu.memory_space<vmem>>) target(%dma_start3A_1442 : memref<4224xf32, #tpu.memory_space<vmem_shared>>) offsets(%arg21 : memref<64xi32, #tpu.memory_space<vmem>>) semaphore(%run_scoped3A : memref<!tpu.dma_semaphore, #tpu.memory_space<semaphore_mem>>) {add = true}
        %dma_wait3A_1443 = arith.constant 0 : i32
        %dma_wait3A_1444 = tpu.memref_slice %arg27[%dma_wait3A_1443] : memref<4224xf32, #tpu.memory_space<vmem_shared>> -> memref<4224xf32, #tpu.memory_space<vmem_shared>>
        tpu.wait_indirect_dma semaphore(%run_scoped3A : memref<!tpu.dma_semaphore, #tpu.memory_space<semaphore_mem>>) src(%arg23 : memref<64xf32, #tpu.memory_space<vmem>>) dst(%dma_wait3A_1444 : memref<4224xf32, #tpu.memory_space<vmem_shared>>)
        tpu.yield
      }) : () -> ()
      %while3A_1440 = arith.constant 0 : i32
      scf.yield %while3A_1440 : i32
    }
    %mul3A_193 = arith.constant 64 : i32
    %mul3A_194 = arith.muli %select_n3A_180, %mul3A_193 : i32
    %add3A_195 = arith.constant 0 : i32
    %add3A_196 = arith.addi %mul3A_194, %add3A_195 : i32
    %get3A_197 = arith.index_cast %add3A_196 : i32 to index
    %get3A_198 = tpu.vector_load %arg18[%get3A_197] {strides = array<i32>} : memref<2192xi32, #tpu.memory_space<vmem>>, vector<16xi32>,
    %mul3A_199 = arith.constant 64 : i32
    %mul3A_200 = arith.muli %select_n3A_180, %mul3A_199 : i32
    %add3A_201 = arith.constant 0 : i32
    %add3A_202 = arith.addi %mul3A_200, %add3A_201 : i32
    %get3A_203 = arith.index_cast %add3A_202 : i32 to index
    %get3A_204 = tpu.vector_load %arg19[%get3A_203] {strides = array<i32>} : memref<2192xi32, #tpu.memory_space<vmem>>, vector<16xi32>,
    %swap3A_205 = arith.constant 0 : index
    %swap3A_206 = tpu.vector_load %arg18[%swap3A_205] {strides = array<i32>} : memref<2192xi32, #tpu.memory_space<vmem>>, vector<16xi32>,
    tpu.vector_store %arg18[%swap3A_205], %get3A_198 {strides = array<i32>} : memref<2192xi32, #tpu.memory_space<vmem>>, vector<16xi32>,
    %swap3A_207 = arith.constant 0 : index
    %swap3A_208 = tpu.vector_load %arg19[%swap3A_207] {strides = array<i32>} : memref<2192xi32, #tpu.memory_space<vmem>>, vector<16xi32>,
    tpu.vector_store %arg19[%swap3A_207], %get3A_204 {strides = array<i32>} : memref<2192xi32, #tpu.memory_space<vmem>>, vector<16xi32>,
    %mul3A_209 = arith.constant 64 : i32
    %mul3A_210 = arith.muli %select_n3A_180, %mul3A_209 : i32
    %add3A_211 = arith.constant 16 : i32
    %add3A_212 = arith.addi %mul3A_210, %add3A_211 : i32
    %get3A_213 = arith.index_cast %add3A_212 : i32 to index
    %get3A_214 = tpu.vector_load %arg18[%get3A_213] {strides = array<i32>} : memref<2192xi32, #tpu.memory_space<vmem>>, vector<16xi32>,
    %mul3A_215 = arith.constant 64 : i32
    %mul3A_216 = arith.muli %select_n3A_180, %mul3A_215 : i32
    %add3A_217 = arith.constant 16 : i32
    %add3A_218 = arith.addi %mul3A_216, %add3A_217 : i32
    %get3A_219 = arith.index_cast %add3A_218 : i32 to index
    %get3A_220 = tpu.vector_load %arg19[%get3A_219] {strides = array<i32>} : memref<2192xi32, #tpu.memory_space<vmem>>, vector<16xi32>,
    %swap3A_221 = arith.constant 16 : index
    %swap3A_222 = tpu.vector_load %arg18[%swap3A_221] {strides = array<i32>} : memref<2192xi32, #tpu.memory_space<vmem>>, vector<16xi32>,
    tpu.vector_store %arg18[%swap3A_221], %get3A_214 {strides = array<i32>} : memref<2192xi32, #tpu.memory_space<vmem>>, vector<16xi32>,
    %swap3A_223 = arith.constant 16 : index
    %swap3A_224 = tpu.vector_load %arg19[%swap3A_223] {strides = array<i32>} : memref<2192xi32, #tpu.memory_space<vmem>>, vector<16xi32>,
    tpu.vector_store %arg19[%swap3A_223], %get3A_220 {strides = array<i32>} : memref<2192xi32, #tpu.memory_space<vmem>>, vector<16xi32>,
    %mul3A_225 = arith.constant 64 : i32
    %mul3A_226 = arith.muli %select_n3A_180, %mul3A_225 : i32
    %add3A_227 = arith.constant 32 : i32
    %add3A_228 = arith.addi %mul3A_226, %add3A_227 : i32
    %get3A_229 = arith.index_cast %add3A_228 : i32 to index
    %get3A_230 = tpu.vector_load %arg18[%get3A_229] {strides = array<i32>} : memref<2192xi32, #tpu.memory_space<vmem>>, vector<16xi32>,
    %mul3A_231 = arith.constant 64 : i32
    %mul3A_232 = arith.muli %select_n3A_180, %mul3A_231 : i32
    %add3A_233 = arith.constant 32 : i32
    %add3A_234 = arith.addi %mul3A_232, %add3A_233 : i32
    %get3A_235 = arith.index_cast %add3A_234 : i32 to index
    %get3A_236 = tpu.vector_load %arg19[%get3A_235] {strides = array<i32>} : memref<2192xi32, #tpu.memory_space<vmem>>, vector<16xi32>,
    %swap3A_237 = arith.constant 32 : index
    %swap3A_238 = tpu.vector_load %arg18[%swap3A_237] {strides = array<i32>} : memref<2192xi32, #tpu.memory_space<vmem>>, vector<16xi32>,
    tpu.vector_store %arg18[%swap3A_237], %get3A_230 {strides = array<i32>} : memref<2192xi32, #tpu.memory_space<vmem>>, vector<16xi32>,
    %swap3A_239 = arith.constant 32 : index
    %swap3A_240 = tpu.vector_load %arg19[%swap3A_239] {strides = array<i32>} : memref<2192xi32, #tpu.memory_space<vmem>>, vector<16xi32>,
    tpu.vector_store %arg19[%swap3A_239], %get3A_236 {strides = array<i32>} : memref<2192xi32, #tpu.memory_space<vmem>>, vector<16xi32>,
    %mul3A_241 = arith.constant 64 : i32
    %mul3A_242 = arith.muli %select_n3A_180, %mul3A_241 : i32
    %add3A_243 = arith.constant 48 : i32
    %add3A_244 = arith.addi %mul3A_242, %add3A_243 : i32
    %get3A_245 = arith.index_cast %add3A_244 : i32 to index
    %get3A_246 = tpu.vector_load %arg18[%get3A_245] {strides = array<i32>} : memref<2192xi32, #tpu.memory_space<vmem>>, vector<16xi32>,
    %mul3A_247 = arith.constant 64 : i32
    %mul3A_248 = arith.muli %select_n3A_180, %mul3A_247 : i32
    %add3A_249 = arith.constant 48 : i32
    %add3A_250 = arith.addi %mul3A_248, %add3A_249 : i32
    %get3A_251 = arith.index_cast %add3A_250 : i32 to index
    %get3A_252 = tpu.vector_load %arg19[%get3A_251] {strides = array<i32>} : memref<2192xi32, #tpu.memory_space<vmem>>, vector<16xi32>,
    %swap3A_253 = arith.constant 48 : index
    %swap3A_254 = tpu.vector_load %arg18[%swap3A_253] {strides = array<i32>} : memref<2192xi32, #tpu.memory_space<vmem>>, vector<16xi32>,
    tpu.vector_store %arg18[%swap3A_253], %get3A_246 {strides = array<i32>} : memref<2192xi32, #tpu.memory_space<vmem>>, vector<16xi32>,
    %swap3A_255 = arith.constant 48 : index
    %swap3A_256 = tpu.vector_load %arg19[%swap3A_255] {strides = array<i32>} : memref<2192xi32, #tpu.memory_space<vmem>>, vector<16xi32>,
    tpu.vector_store %arg19[%swap3A_255], %get3A_252 {strides = array<i32>} : memref<2192xi32, #tpu.memory_space<vmem>>, vector<16xi32>,
    %mul3A_257 = arith.constant 64 : i32
    %mul3A_258 = arith.muli %select_n3A_180, %mul3A_257 : i32
    %sub3A_259 = arith.subi %scan3A_155, %mul3A_258 : i32
    %mul3A_260 = arith.constant 20000 : i32
    %mul3A_261 = arith.muli %arg1, %mul3A_260 : i32
    %add3A_262 = arith.constant 6000 : i32
    %add3A_263 = arith.addi %mul3A_261, %add3A_262 : i32
    %dma_start3A_264 = tpu.memref_slice %arg3[%add3A_263] : memref<320000xi32, #tpu.memory_space<hbm>> -> memref<2000xi32, #tpu.memory_space<hbm>>
    %dma_start3A_265 = tpu.memref_slice %arg3[%add3A_263] : memref<320000xi32, #tpu.memory_space<hbm>> -> memref<2000xi32, #tpu.memory_space<hbm>>
    tpu.enqueue_dma source(%dma_start3A_265 : memref<2000xi32, #tpu.memory_space<hbm>>) target(%arg16 : memref<2000xi32, #tpu.memory_space<vmem>>) target_semaphore(%arg29 : memref<!tpu.dma_semaphore, #tpu.memory_space<semaphore_mem>>)
    %dma_start3A_266 = tpu.memref_slice %arg4[%add3A_263] : memref<320000xi32, #tpu.memory_space<hbm>> -> memref<2000xi32, #tpu.memory_space<hbm>>
    %dma_start3A_267 = tpu.memref_slice %arg4[%add3A_263] : memref<320000xi32, #tpu.memory_space<hbm>> -> memref<2000xi32, #tpu.memory_space<hbm>>
    tpu.enqueue_dma source(%dma_start3A_267 : memref<2000xi32, #tpu.memory_space<hbm>>) target(%arg17 : memref<2000xi32, #tpu.memory_space<vmem>>) target_semaphore(%arg29 : memref<!tpu.dma_semaphore, #tpu.memory_space<semaphore_mem>>)
    %dma_wait3A_268 = tpu.memref_slice %arg3[%add3A_142] : memref<320000xi32, #tpu.memory_space<hbm>> -> memref<2000xi32, #tpu.memory_space<hbm>>
    %dma_wait3A_269 = tpu.memref_slice %arg3[%add3A_142] : memref<320000xi32, #tpu.memory_space<hbm>> -> memref<2000xi32, #tpu.memory_space<hbm>>
    tpu.wait_dma2 semaphore(%arg28 : memref<!tpu.dma_semaphore, #tpu.memory_space<semaphore_mem>>) src(%dma_wait3A_269 : memref<2000xi32, #tpu.memory_space<hbm>>) dst(%arg14 : memref<2000xi32, #tpu.memory_space<vmem>>)
    %dma_wait3A_270 = tpu.memref_slice %arg4[%add3A_142] : memref<320000xi32, #tpu.memory_space<hbm>> -> memref<2000xi32, #tpu.memory_space<hbm>>
    %dma_wait3A_271 = tpu.memref_slice %arg4[%add3A_142] : memref<320000xi32, #tpu.memory_space<hbm>> -> memref<2000xi32, #tpu.memory_space<hbm>>
    tpu.wait_dma2 semaphore(%arg28 : memref<!tpu.dma_semaphore, #tpu.memory_space<semaphore_mem>>) src(%dma_wait3A_271 : memref<2000xi32, #tpu.memory_space<hbm>>) dst(%arg15 : memref<2000xi32, #tpu.memory_space<vmem>>)
    %scan3A_272 = arith.constant 0 : i32
    %scan3A_273 = arith.constant 125 : i32
    %scan3A_274 = arith.addi %scan3A_272, %scan3A_273 : i32
    %scan3A_275 = arith.constant 1 : i32
    %scan3A_276 = scf.for %scan3A_1368 = %scan3A_272 to %scan3A_274 step %scan3A_275 iter_args(%scan3A_1369 = %sub3A_259) -> (i32)  : i32 {
      %mul3A_1370 = arith.constant 16 : i32
      %mul3A_1371 = arith.muli %scan3A_1368, %mul3A_1370 : i32
      %get3A_1372 = arith.index_cast %mul3A_1371 : i32 to index
      %get3A_1373 = tpu.vector_load %arg15[%get3A_1372] {strides = array<i32>} : memref<2000xi32, #tpu.memory_space<vmem>>, vector<16xi32>,
      %get3A_1374 = arith.index_cast %mul3A_1371 : i32 to index
      %get3A_1375 = tpu.vector_load %arg14[%get3A_1374] {strides = array<i32>} : memref<2000xi32, #tpu.memory_space<vmem>>, vector<16xi32>,
      %shift_right_logical3A = arith.constant 3 : i32
      %shift_right_logical3A_1376 = vector.broadcast %shift_right_logical3A : i32 to vector<16xi32>
      %shift_right_logical3A_1377 = arith.shrui %get3A_1373, %shift_right_logical3A_1376 : vector<16xi32>
      %and3A_1378 = arith.constant 7 : i32
      %and3A_1379 = vector.broadcast %and3A_1378 : i32 to vector<16xi32>
      %and3A_1380 = arith.andi %get3A_1373, %and3A_1379 : vector<16xi32>
      %gather3A = tpu.vector_load_idx %arg13[%shift_right_logical3A_1377] : memref<10000xi32, #tpu.memory_space<vmem>>[vector<16xi32>], vector<16xi32>,
      %ge3A = arith.constant 0 : i32
      %ge3A_1381 = vector.broadcast %ge3A : i32 to vector<16xi32>
      %ge3A_1382 = arith.cmpi sge, %gather3A, %ge3A_1381 : vector<16xi32>
      %and3A_1383 = arith.constant 1 : i32
      %and3A_1384 = vector.broadcast %and3A_1383 : i32 to vector<16xi32>
      %and3A_1385 = arith.andi %gather3A, %and3A_1384 : vector<16xi32>
      %eq3A = vector.broadcast %arg0 : i32 to vector<16xi32>
      %eq3A_1386 = arith.cmpi eq, %and3A_1385, %eq3A : vector<16xi32>
      %and3A_1387 = arith.andi %ge3A_1382, %eq3A_1386 : vector<16xi1>
      %shift_right_logical3A_1388 = arith.constant 1 : i32
      %shift_right_logical3A_1389 = vector.broadcast %shift_right_logical3A_1388 : i32 to vector<16xi32>
      %shift_right_logical3A_1390 = arith.shrui %gather3A, %shift_right_logical3A_1389 : vector<16xi32>
      %mul3A_1391 = arith.constant 8 : i32
      %mul3A_1392 = vector.broadcast %mul3A_1391 : i32 to vector<16xi32>
      %mul3A_1393 = arith.muli %shift_right_logical3A_1390, %mul3A_1392 : vector<16xi32>
      %add3A_1394 = arith.addi %mul3A_1393, %and3A_1380 : vector<16xi32>
      %jit3A_1395 = arith.constant 4096 : i32
      %broadcast_in_dim3A_1396 = vector.broadcast %jit3A_1395 : i32 to vector<16xi32>
      %select_n3A_1397 = arith.select %and3A_1387, %add3A_1394, %broadcast_in_dim3A_1396 : vector<16xi1>, vector<16xi32>
      %swap3A_1398 = arith.index_cast %scan3A_1369 : i32 to index
      %swap3A_1399 = tpu.vector_load %arg18[%swap3A_1398] masked %and3A_1387 {strides = array<i32>} : memref<2192xi32, #tpu.memory_space<vmem>>, vector<16xi32>, vector<16xi1>
      tpu.vector_store %arg18[%swap3A_1398], %get3A_1375 masked %and3A_1387 {strides = array<i32>} : memref<2192xi32, #tpu.memory_space<vmem>>, vector<16xi32>, vector<16xi1>
      %swap3A_1400 = arith.index_cast %scan3A_1369 : i32 to index
      %swap3A_1401 = tpu.vector_load %arg19[%swap3A_1400] masked %and3A_1387 {strides = array<i32>} : memref<2192xi32, #tpu.memory_space<vmem>>, vector<16xi32>, vector<16xi1>
      tpu.vector_store %arg19[%swap3A_1400], %select_n3A_1397 masked %and3A_1387 {strides = array<i32>} : memref<2192xi32, #tpu.memory_space<vmem>>, vector<16xi32>, vector<16xi1>
      %convert_element_type3A = arith.extui %and3A_1387 : vector<16xi1> to vector<16xi32>
      %reduce_sum3A = arith.constant true
      %reduce_sum3A_1402 = vector.broadcast %reduce_sum3A : i1 to vector<16xi1>
      %reduce_sum3A_1403 = tpu.scan <sum>, %convert_element_type3A masked %reduce_sum3A_1402 : vector<16xi32>, vector<16xi1> -> vector<16xi32>
      %reduce_sum3A_1404 = vector.extract %reduce_sum3A_1403[15] : i32 from vector<16xi32>
      %add3A_1405 = arith.addi %scan3A_1369, %reduce_sum3A_1404 : i32
      scf.yield %add3A_1405 : i32
    }
    %scan3A_277 = arith.constant 125 : i32
    %jit3A_278 = arith.constant 64 : i32
    %div3A_279 = arith.divsi %scan3A_276, %jit3A_278 : i32
    %sign3A_280 = arith.constant 0 : i32
    %sign3A_281 = arith.cmpi sgt, %scan3A_276, %sign3A_280 : i32
    %sign3A_282 = arith.extui %sign3A_281 : i1 to i32
    %sign3A_283 = arith.constant 0 : i32
    %sign3A_284 = arith.cmpi slt, %scan3A_276, %sign3A_283 : i32
    %sign3A_285 = arith.extui %sign3A_284 : i1 to i32
    %sign3A_286 = arith.subi %sign3A_282, %sign3A_285 : i32
    %sign3A_287 = arith.constant 0 : i32
    %sign3A_288 = arith.cmpi sgt, %jit3A_278, %sign3A_287 : i32
    %sign3A_289 = arith.extui %sign3A_288 : i1 to i32
    %sign3A_290 = arith.constant 0 : i32
    %sign3A_291 = arith.cmpi slt, %jit3A_278, %sign3A_290 : i32
    %sign3A_292 = arith.extui %sign3A_291 : i1 to i32
    %sign3A_293 = arith.subi %sign3A_289, %sign3A_292 : i32
    %ne3A_294 = arith.cmpi ne, %sign3A_286, %sign3A_293 : i32
    %rem3A_295 = arith.remsi %scan3A_276, %jit3A_278 : i32
    %ne3A_296 = arith.constant 0 : i32
    %ne3A_297 = arith.cmpi ne, %rem3A_295, %ne3A_296 : i32
    %and3A_298 = arith.andi %ne3A_294, %ne3A_297 : i1
    %sub3A_299 = arith.constant 1 : i32
    %sub3A_300 = arith.subi %div3A_279, %sub3A_299 : i32
    %select_n3A_301 = arith.select %and3A_298, %sub3A_300, %div3A_279 : i32
    %while3A_302 = arith.constant 0 : i32
    %while3A_303 = arith.constant 0 : i32
    %while3A_304 = arith.subi %select_n3A_301, %while3A_302 : i32
    %while3A_305 = arith.addi %while3A_302, %while3A_304 : i32
    %while3A_306 = arith.constant 1 : i32
    %while3A_307 = arith.divsi %while3A_304, %while3A_306 : i32
    %while3A_308 = arith.muli %while3A_307, %while3A_306 : i32
    %while3A_309 = arith.addi %while3A_302, %while3A_308 : i32
    %while3A_310 = arith.constant 1 : i32
    %while3A_311 = scf.for %while3A_1368 = %while3A_302 to %while3A_309 step %while3A_310 iter_args(%while3A_1369 = %while3A_303) -> (i32)  : i32 {
      %mul3A_1370 = arith.constant 64 : i32
      %mul3A_1371 = arith.muli %while3A_1368, %mul3A_1370 : i32
      %add3A_1372 = arith.constant 0 : i32
      %add3A_1373 = arith.addi %mul3A_1371, %add3A_1372 : i32
      %get3A_1374 = arith.index_cast %add3A_1373 : i32 to index
      %get3A_1375 = tpu.vector_load %arg18[%get3A_1374] {strides = array<i32>} : memref<2192xi32, #tpu.memory_space<vmem>>, vector<16xi32>,
      %swap3A_1376 = arith.constant 0 : index
      %swap3A_1377 = tpu.vector_load %arg20[%swap3A_1376] {strides = array<i32>} : memref<64xi32, #tpu.memory_space<vmem>>, vector<16xi32>,
      tpu.vector_store %arg20[%swap3A_1376], %get3A_1375 {strides = array<i32>} : memref<64xi32, #tpu.memory_space<vmem>>, vector<16xi32>,
      %mul3A_1378 = arith.constant 64 : i32
      %mul3A_1379 = arith.muli %while3A_1368, %mul3A_1378 : i32
      %add3A_1380 = arith.constant 0 : i32
      %add3A_1381 = arith.addi %mul3A_1379, %add3A_1380 : i32
      %get3A_1382 = arith.index_cast %add3A_1381 : i32 to index
      %get3A_1383 = tpu.vector_load %arg19[%get3A_1382] {strides = array<i32>} : memref<2192xi32, #tpu.memory_space<vmem>>, vector<16xi32>,
      %swap3A_1384 = arith.constant 0 : index
      %swap3A_1385 = tpu.vector_load %arg21[%swap3A_1384] {strides = array<i32>} : memref<64xi32, #tpu.memory_space<vmem>>, vector<16xi32>,
      tpu.vector_store %arg21[%swap3A_1384], %get3A_1383 {strides = array<i32>} : memref<64xi32, #tpu.memory_space<vmem>>, vector<16xi32>,
      %mul3A_1386 = arith.constant 64 : i32
      %mul3A_1387 = arith.muli %while3A_1368, %mul3A_1386 : i32
      %add3A_1388 = arith.constant 16 : i32
      %add3A_1389 = arith.addi %mul3A_1387, %add3A_1388 : i32
      %get3A_1390 = arith.index_cast %add3A_1389 : i32 to index
      %get3A_1391 = tpu.vector_load %arg18[%get3A_1390] {strides = array<i32>} : memref<2192xi32, #tpu.memory_space<vmem>>, vector<16xi32>,
      %swap3A_1392 = arith.constant 16 : index
      %swap3A_1393 = tpu.vector_load %arg20[%swap3A_1392] {strides = array<i32>} : memref<64xi32, #tpu.memory_space<vmem>>, vector<16xi32>,
      tpu.vector_store %arg20[%swap3A_1392], %get3A_1391 {strides = array<i32>} : memref<64xi32, #tpu.memory_space<vmem>>, vector<16xi32>,
      %mul3A_1394 = arith.constant 64 : i32
      %mul3A_1395 = arith.muli %while3A_1368, %mul3A_1394 : i32
      %add3A_1396 = arith.constant 16 : i32
      %add3A_1397 = arith.addi %mul3A_1395, %add3A_1396 : i32
      %get3A_1398 = arith.index_cast %add3A_1397 : i32 to index
      %get3A_1399 = tpu.vector_load %arg19[%get3A_1398] {strides = array<i32>} : memref<2192xi32, #tpu.memory_space<vmem>>, vector<16xi32>,
      %swap3A_1400 = arith.constant 16 : index
      %swap3A_1401 = tpu.vector_load %arg21[%swap3A_1400] {strides = array<i32>} : memref<64xi32, #tpu.memory_space<vmem>>, vector<16xi32>,
      tpu.vector_store %arg21[%swap3A_1400], %get3A_1399 {strides = array<i32>} : memref<64xi32, #tpu.memory_space<vmem>>, vector<16xi32>,
      %mul3A_1402 = arith.constant 64 : i32
      %mul3A_1403 = arith.muli %while3A_1368, %mul3A_1402 : i32
      %add3A_1404 = arith.constant 32 : i32
      %add3A_1405 = arith.addi %mul3A_1403, %add3A_1404 : i32
      %get3A_1406 = arith.index_cast %add3A_1405 : i32 to index
      %get3A_1407 = tpu.vector_load %arg18[%get3A_1406] {strides = array<i32>} : memref<2192xi32, #tpu.memory_space<vmem>>, vector<16xi32>,
      %swap3A_1408 = arith.constant 32 : index
      %swap3A_1409 = tpu.vector_load %arg20[%swap3A_1408] {strides = array<i32>} : memref<64xi32, #tpu.memory_space<vmem>>, vector<16xi32>,
      tpu.vector_store %arg20[%swap3A_1408], %get3A_1407 {strides = array<i32>} : memref<64xi32, #tpu.memory_space<vmem>>, vector<16xi32>,
      %mul3A_1410 = arith.constant 64 : i32
      %mul3A_1411 = arith.muli %while3A_1368, %mul3A_1410 : i32
      %add3A_1412 = arith.constant 32 : i32
      %add3A_1413 = arith.addi %mul3A_1411, %add3A_1412 : i32
      %get3A_1414 = arith.index_cast %add3A_1413 : i32 to index
      %get3A_1415 = tpu.vector_load %arg19[%get3A_1414] {strides = array<i32>} : memref<2192xi32, #tpu.memory_space<vmem>>, vector<16xi32>,
      %swap3A_1416 = arith.constant 32 : index
      %swap3A_1417 = tpu.vector_load %arg21[%swap3A_1416] {strides = array<i32>} : memref<64xi32, #tpu.memory_space<vmem>>, vector<16xi32>,
      tpu.vector_store %arg21[%swap3A_1416], %get3A_1415 {strides = array<i32>} : memref<64xi32, #tpu.memory_space<vmem>>, vector<16xi32>,
      %mul3A_1418 = arith.constant 64 : i32
      %mul3A_1419 = arith.muli %while3A_1368, %mul3A_1418 : i32
      %add3A_1420 = arith.constant 48 : i32
      %add3A_1421 = arith.addi %mul3A_1419, %add3A_1420 : i32
      %get3A_1422 = arith.index_cast %add3A_1421 : i32 to index
      %get3A_1423 = tpu.vector_load %arg18[%get3A_1422] {strides = array<i32>} : memref<2192xi32, #tpu.memory_space<vmem>>, vector<16xi32>,
      %swap3A_1424 = arith.constant 48 : index
      %swap3A_1425 = tpu.vector_load %arg20[%swap3A_1424] {strides = array<i32>} : memref<64xi32, #tpu.memory_space<vmem>>, vector<16xi32>,
      tpu.vector_store %arg20[%swap3A_1424], %get3A_1423 {strides = array<i32>} : memref<64xi32, #tpu.memory_space<vmem>>, vector<16xi32>,
      %mul3A_1426 = arith.constant 64 : i32
      %mul3A_1427 = arith.muli %while3A_1368, %mul3A_1426 : i32
      %add3A_1428 = arith.constant 48 : i32
      %add3A_1429 = arith.addi %mul3A_1427, %add3A_1428 : i32
      %get3A_1430 = arith.index_cast %add3A_1429 : i32 to index
      %get3A_1431 = tpu.vector_load %arg19[%get3A_1430] {strides = array<i32>} : memref<2192xi32, #tpu.memory_space<vmem>>, vector<16xi32>,
      %swap3A_1432 = arith.constant 48 : index
      %swap3A_1433 = tpu.vector_load %arg21[%swap3A_1432] {strides = array<i32>} : memref<64xi32, #tpu.memory_space<vmem>>, vector<16xi32>,
      tpu.vector_store %arg21[%swap3A_1432], %get3A_1431 {strides = array<i32>} : memref<64xi32, #tpu.memory_space<vmem>>, vector<16xi32>,
      %dma_start3A_1434 = arith.constant 0 : i32
      %dma_start3A_1435 = arith.constant 0 : i32
      %dma_start3A_1436 = tpu.memref_slice %arg6[%dma_start3A_1434, %dma_start3A_1435] : memref<10000x128xf32, #tpu.memory_space<hbm>> -> memref<10000x128xf32, #tpu.memory_space<hbm>>
      tpu.enqueue_indirect_dma source(%dma_start3A_1436 : memref<10000x128xf32, #tpu.memory_space<hbm>>) target(%arg22 : memref<64x128xf32, #tpu.memory_space<vmem>>) offsets(%arg20 : memref<64xi32, #tpu.memory_space<vmem>>) semaphore(%arg31 : memref<!tpu.dma_semaphore, #tpu.memory_space<semaphore_mem>>)
      %dma_wait3A_1437 = arith.constant 0 : i32
      %dma_wait3A_1438 = arith.constant 0 : i32
      %dma_wait3A_1439 = tpu.memref_slice %arg6[%dma_wait3A_1437, %dma_wait3A_1438] : memref<10000x128xf32, #tpu.memory_space<hbm>> -> memref<10000x128xf32, #tpu.memory_space<hbm>>
      tpu.wait_indirect_dma semaphore(%arg31 : memref<!tpu.dma_semaphore, #tpu.memory_space<semaphore_mem>>) src(%dma_wait3A_1439 : memref<10000x128xf32, #tpu.memory_space<hbm>>) dst(%arg22 : memref<64x128xf32, #tpu.memory_space<vmem>>)
      "tpu.region"() ({
        %run_scoped3A = tpu.sem_alloc : memref<!tpu.dma_semaphore, #tpu.memory_space<semaphore_mem>>
        %dma_start3A_1441 = arith.constant 0 : i32
        %dma_start3A_1442 = arith.constant 0 : i32
        %dma_start3A_1443 = tpu.memref_slice %arg26[%dma_start3A_1441, %dma_start3A_1442] : memref<4112x128xf32, #tpu.memory_space<vmem_shared>> -> memref<4112x128xf32, #tpu.memory_space<vmem_shared>>
        tpu.enqueue_indirect_dma source(%arg22 : memref<64x128xf32, #tpu.memory_space<vmem>>) target(%dma_start3A_1443 : memref<4112x128xf32, #tpu.memory_space<vmem_shared>>) offsets(%arg21 : memref<64xi32, #tpu.memory_space<vmem>>) semaphore(%run_scoped3A : memref<!tpu.dma_semaphore, #tpu.memory_space<semaphore_mem>>) {add = true}
        %dma_wait3A_1444 = arith.constant 0 : i32
        %dma_wait3A_1445 = arith.constant 0 : i32
        %dma_wait3A_1446 = tpu.memref_slice %arg26[%dma_wait3A_1444, %dma_wait3A_1445] : memref<4112x128xf32, #tpu.memory_space<vmem_shared>> -> memref<4112x128xf32, #tpu.memory_space<vmem_shared>>
        tpu.wait_indirect_dma semaphore(%run_scoped3A : memref<!tpu.dma_semaphore, #tpu.memory_space<semaphore_mem>>) src(%arg22 : memref<64x128xf32, #tpu.memory_space<vmem>>) dst(%dma_wait3A_1446 : memref<4112x128xf32, #tpu.memory_space<vmem_shared>>)
        tpu.yield
      }) : () -> ()
      "tpu.region"() ({
        %run_scoped3A = tpu.sem_alloc : memref<!tpu.dma_semaphore, #tpu.memory_space<semaphore_mem>>
        %dma_start3A_1441 = arith.constant 0 : i32
        %dma_start3A_1442 = tpu.memref_slice %arg27[%dma_start3A_1441] : memref<4224xf32, #tpu.memory_space<vmem_shared>> -> memref<4224xf32, #tpu.memory_space<vmem_shared>>
        tpu.enqueue_indirect_dma source(%arg23 : memref<64xf32, #tpu.memory_space<vmem>>) target(%dma_start3A_1442 : memref<4224xf32, #tpu.memory_space<vmem_shared>>) offsets(%arg21 : memref<64xi32, #tpu.memory_space<vmem>>) semaphore(%run_scoped3A : memref<!tpu.dma_semaphore, #tpu.memory_space<semaphore_mem>>) {add = true}
        %dma_wait3A_1443 = arith.constant 0 : i32
        %dma_wait3A_1444 = tpu.memref_slice %arg27[%dma_wait3A_1443] : memref<4224xf32, #tpu.memory_space<vmem_shared>> -> memref<4224xf32, #tpu.memory_space<vmem_shared>>
        tpu.wait_indirect_dma semaphore(%run_scoped3A : memref<!tpu.dma_semaphore, #tpu.memory_space<semaphore_mem>>) src(%arg23 : memref<64xf32, #tpu.memory_space<vmem>>) dst(%dma_wait3A_1444 : memref<4224xf32, #tpu.memory_space<vmem_shared>>)
        tpu.yield
      }) : () -> ()
      %while3A_1440 = arith.constant 0 : i32
      scf.yield %while3A_1440 : i32
    }
    %while3A_312 = arith.constant 1 : i32
    %while3A_313 = scf.for %while3A_1368 = %while3A_309 to %while3A_305 step %while3A_312 iter_args(%while3A_1369 = %while3A_311) -> (i32)  : i32 {
      %mul3A_1370 = arith.constant 64 : i32
      %mul3A_1371 = arith.muli %while3A_1368, %mul3A_1370 : i32
      %add3A_1372 = arith.constant 0 : i32
      %add3A_1373 = arith.addi %mul3A_1371, %add3A_1372 : i32
      %get3A_1374 = arith.index_cast %add3A_1373 : i32 to index
      %get3A_1375 = tpu.vector_load %arg18[%get3A_1374] {strides = array<i32>} : memref<2192xi32, #tpu.memory_space<vmem>>, vector<16xi32>,
      %swap3A_1376 = arith.constant 0 : index
      %swap3A_1377 = tpu.vector_load %arg20[%swap3A_1376] {strides = array<i32>} : memref<64xi32, #tpu.memory_space<vmem>>, vector<16xi32>,
      tpu.vector_store %arg20[%swap3A_1376], %get3A_1375 {strides = array<i32>} : memref<64xi32, #tpu.memory_space<vmem>>, vector<16xi32>,
      %mul3A_1378 = arith.constant 64 : i32
      %mul3A_1379 = arith.muli %while3A_1368, %mul3A_1378 : i32
      %add3A_1380 = arith.constant 0 : i32
      %add3A_1381 = arith.addi %mul3A_1379, %add3A_1380 : i32
      %get3A_1382 = arith.index_cast %add3A_1381 : i32 to index
      %get3A_1383 = tpu.vector_load %arg19[%get3A_1382] {strides = array<i32>} : memref<2192xi32, #tpu.memory_space<vmem>>, vector<16xi32>,
      %swap3A_1384 = arith.constant 0 : index
      %swap3A_1385 = tpu.vector_load %arg21[%swap3A_1384] {strides = array<i32>} : memref<64xi32, #tpu.memory_space<vmem>>, vector<16xi32>,
      tpu.vector_store %arg21[%swap3A_1384], %get3A_1383 {strides = array<i32>} : memref<64xi32, #tpu.memory_space<vmem>>, vector<16xi32>,
      %mul3A_1386 = arith.constant 64 : i32
      %mul3A_1387 = arith.muli %while3A_1368, %mul3A_1386 : i32
      %add3A_1388 = arith.constant 16 : i32
      %add3A_1389 = arith.addi %mul3A_1387, %add3A_1388 : i32
      %get3A_1390 = arith.index_cast %add3A_1389 : i32 to index
      %get3A_1391 = tpu.vector_load %arg18[%get3A_1390] {strides = array<i32>} : memref<2192xi32, #tpu.memory_space<vmem>>, vector<16xi32>,
      %swap3A_1392 = arith.constant 16 : index
      %swap3A_1393 = tpu.vector_load %arg20[%swap3A_1392] {strides = array<i32>} : memref<64xi32, #tpu.memory_space<vmem>>, vector<16xi32>,
      tpu.vector_store %arg20[%swap3A_1392], %get3A_1391 {strides = array<i32>} : memref<64xi32, #tpu.memory_space<vmem>>, vector<16xi32>,
      %mul3A_1394 = arith.constant 64 : i32
      %mul3A_1395 = arith.muli %while3A_1368, %mul3A_1394 : i32
      %add3A_1396 = arith.constant 16 : i32
      %add3A_1397 = arith.addi %mul3A_1395, %add3A_1396 : i32
      %get3A_1398 = arith.index_cast %add3A_1397 : i32 to index
      %get3A_1399 = tpu.vector_load %arg19[%get3A_1398] {strides = array<i32>} : memref<2192xi32, #tpu.memory_space<vmem>>, vector<16xi32>,
      %swap3A_1400 = arith.constant 16 : index
      %swap3A_1401 = tpu.vector_load %arg21[%swap3A_1400] {strides = array<i32>} : memref<64xi32, #tpu.memory_space<vmem>>, vector<16xi32>,
      tpu.vector_store %arg21[%swap3A_1400], %get3A_1399 {strides = array<i32>} : memref<64xi32, #tpu.memory_space<vmem>>, vector<16xi32>,
      %mul3A_1402 = arith.constant 64 : i32
      %mul3A_1403 = arith.muli %while3A_1368, %mul3A_1402 : i32
      %add3A_1404 = arith.constant 32 : i32
      %add3A_1405 = arith.addi %mul3A_1403, %add3A_1404 : i32
      %get3A_1406 = arith.index_cast %add3A_1405 : i32 to index
      %get3A_1407 = tpu.vector_load %arg18[%get3A_1406] {strides = array<i32>} : memref<2192xi32, #tpu.memory_space<vmem>>, vector<16xi32>,
      %swap3A_1408 = arith.constant 32 : index
      %swap3A_1409 = tpu.vector_load %arg20[%swap3A_1408] {strides = array<i32>} : memref<64xi32, #tpu.memory_space<vmem>>, vector<16xi32>,
      tpu.vector_store %arg20[%swap3A_1408], %get3A_1407 {strides = array<i32>} : memref<64xi32, #tpu.memory_space<vmem>>, vector<16xi32>,
      %mul3A_1410 = arith.constant 64 : i32
      %mul3A_1411 = arith.muli %while3A_1368, %mul3A_1410 : i32
      %add3A_1412 = arith.constant 32 : i32
      %add3A_1413 = arith.addi %mul3A_1411, %add3A_1412 : i32
      %get3A_1414 = arith.index_cast %add3A_1413 : i32 to index
      %get3A_1415 = tpu.vector_load %arg19[%get3A_1414] {strides = array<i32>} : memref<2192xi32, #tpu.memory_space<vmem>>, vector<16xi32>,
      %swap3A_1416 = arith.constant 32 : index
      %swap3A_1417 = tpu.vector_load %arg21[%swap3A_1416] {strides = array<i32>} : memref<64xi32, #tpu.memory_space<vmem>>, vector<16xi32>,
      tpu.vector_store %arg21[%swap3A_1416], %get3A_1415 {strides = array<i32>} : memref<64xi32, #tpu.memory_space<vmem>>, vector<16xi32>,
      %mul3A_1418 = arith.constant 64 : i32
      %mul3A_1419 = arith.muli %while3A_1368, %mul3A_1418 : i32
      %add3A_1420 = arith.constant 48 : i32
      %add3A_1421 = arith.addi %mul3A_1419, %add3A_1420 : i32
      %get3A_1422 = arith.index_cast %add3A_1421 : i32 to index
      %get3A_1423 = tpu.vector_load %arg18[%get3A_1422] {strides = array<i32>} : memref<2192xi32, #tpu.memory_space<vmem>>, vector<16xi32>,
      %swap3A_1424 = arith.constant 48 : index
      %swap3A_1425 = tpu.vector_load %arg20[%swap3A_1424] {strides = array<i32>} : memref<64xi32, #tpu.memory_space<vmem>>, vector<16xi32>,
      tpu.vector_store %arg20[%swap3A_1424], %get3A_1423 {strides = array<i32>} : memref<64xi32, #tpu.memory_space<vmem>>, vector<16xi32>,
      %mul3A_1426 = arith.constant 64 : i32
      %mul3A_1427 = arith.muli %while3A_1368, %mul3A_1426 : i32
      %add3A_1428 = arith.constant 48 : i32
      %add3A_1429 = arith.addi %mul3A_1427, %add3A_1428 : i32
      %get3A_1430 = arith.index_cast %add3A_1429 : i32 to index
      %get3A_1431 = tpu.vector_load %arg19[%get3A_1430] {strides = array<i32>} : memref<2192xi32, #tpu.memory_space<vmem>>, vector<16xi32>,
      %swap3A_1432 = arith.constant 48 : index
      %swap3A_1433 = tpu.vector_load %arg21[%swap3A_1432] {strides = array<i32>} : memref<64xi32, #tpu.memory_space<vmem>>, vector<16xi32>,
      tpu.vector_store %arg21[%swap3A_1432], %get3A_1431 {strides = array<i32>} : memref<64xi32, #tpu.memory_space<vmem>>, vector<16xi32>,
      %dma_start3A_1434 = arith.constant 0 : i32
      %dma_start3A_1435 = arith.constant 0 : i32
      %dma_start3A_1436 = tpu.memref_slice %arg6[%dma_start3A_1434, %dma_start3A_1435] : memref<10000x128xf32, #tpu.memory_space<hbm>> -> memref<10000x128xf32, #tpu.memory_space<hbm>>
      tpu.enqueue_indirect_dma source(%dma_start3A_1436 : memref<10000x128xf32, #tpu.memory_space<hbm>>) target(%arg22 : memref<64x128xf32, #tpu.memory_space<vmem>>) offsets(%arg20 : memref<64xi32, #tpu.memory_space<vmem>>) semaphore(%arg31 : memref<!tpu.dma_semaphore, #tpu.memory_space<semaphore_mem>>)
      %dma_wait3A_1437 = arith.constant 0 : i32
      %dma_wait3A_1438 = arith.constant 0 : i32
      %dma_wait3A_1439 = tpu.memref_slice %arg6[%dma_wait3A_1437, %dma_wait3A_1438] : memref<10000x128xf32, #tpu.memory_space<hbm>> -> memref<10000x128xf32, #tpu.memory_space<hbm>>
      tpu.wait_indirect_dma semaphore(%arg31 : memref<!tpu.dma_semaphore, #tpu.memory_space<semaphore_mem>>) src(%dma_wait3A_1439 : memref<10000x128xf32, #tpu.memory_space<hbm>>) dst(%arg22 : memref<64x128xf32, #tpu.memory_space<vmem>>)
      "tpu.region"() ({
        %run_scoped3A = tpu.sem_alloc : memref<!tpu.dma_semaphore, #tpu.memory_space<semaphore_mem>>
        %dma_start3A_1441 = arith.constant 0 : i32
        %dma_start3A_1442 = arith.constant 0 : i32
        %dma_start3A_1443 = tpu.memref_slice %arg26[%dma_start3A_1441, %dma_start3A_1442] : memref<4112x128xf32, #tpu.memory_space<vmem_shared>> -> memref<4112x128xf32, #tpu.memory_space<vmem_shared>>
        tpu.enqueue_indirect_dma source(%arg22 : memref<64x128xf32, #tpu.memory_space<vmem>>) target(%dma_start3A_1443 : memref<4112x128xf32, #tpu.memory_space<vmem_shared>>) offsets(%arg21 : memref<64xi32, #tpu.memory_space<vmem>>) semaphore(%run_scoped3A : memref<!tpu.dma_semaphore, #tpu.memory_space<semaphore_mem>>) {add = true}
        %dma_wait3A_1444 = arith.constant 0 : i32
        %dma_wait3A_1445 = arith.constant 0 : i32
        %dma_wait3A_1446 = tpu.memref_slice %arg26[%dma_wait3A_1444, %dma_wait3A_1445] : memref<4112x128xf32, #tpu.memory_space<vmem_shared>> -> memref<4112x128xf32, #tpu.memory_space<vmem_shared>>
        tpu.wait_indirect_dma semaphore(%run_scoped3A : memref<!tpu.dma_semaphore, #tpu.memory_space<semaphore_mem>>) src(%arg22 : memref<64x128xf32, #tpu.memory_space<vmem>>) dst(%dma_wait3A_1446 : memref<4112x128xf32, #tpu.memory_space<vmem_shared>>)
        tpu.yield
      }) : () -> ()
      "tpu.region"() ({
        %run_scoped3A = tpu.sem_alloc : memref<!tpu.dma_semaphore, #tpu.memory_space<semaphore_mem>>
        %dma_start3A_1441 = arith.constant 0 : i32
        %dma_start3A_1442 = tpu.memref_slice %arg27[%dma_start3A_1441] : memref<4224xf32, #tpu.memory_space<vmem_shared>> -> memref<4224xf32, #tpu.memory_space<vmem_shared>>
        tpu.enqueue_indirect_dma source(%arg23 : memref<64xf32, #tpu.memory_space<vmem>>) target(%dma_start3A_1442 : memref<4224xf32, #tpu.memory_space<vmem_shared>>) offsets(%arg21 : memref<64xi32, #tpu.memory_space<vmem>>) semaphore(%run_scoped3A : memref<!tpu.dma_semaphore, #tpu.memory_space<semaphore_mem>>) {add = true}
        %dma_wait3A_1443 = arith.constant 0 : i32
        %dma_wait3A_1444 = tpu.memref_slice %arg27[%dma_wait3A_1443] : memref<4224xf32, #tpu.memory_space<vmem_shared>> -> memref<4224xf32, #tpu.memory_space<vmem_shared>>
        tpu.wait_indirect_dma semaphore(%run_scoped3A : memref<!tpu.dma_semaphore, #tpu.memory_space<semaphore_mem>>) src(%arg23 : memref<64xf32, #tpu.memory_space<vmem>>) dst(%dma_wait3A_1444 : memref<4224xf32, #tpu.memory_space<vmem_shared>>)
        tpu.yield
      }) : () -> ()
      %while3A_1440 = arith.constant 0 : i32
      scf.yield %while3A_1440 : i32
    }
    %mul3A_314 = arith.constant 64 : i32
    %mul3A_315 = arith.muli %select_n3A_301, %mul3A_314 : i32
    %add3A_316 = arith.constant 0 : i32
    %add3A_317 = arith.addi %mul3A_315, %add3A_316 : i32
    %get3A_318 = arith.index_cast %add3A_317 : i32 to index
    %get3A_319 = tpu.vector_load %arg18[%get3A_318] {strides = array<i32>} : memref<2192xi32, #tpu.memory_space<vmem>>, vector<16xi32>,
    %mul3A_320 = arith.constant 64 : i32
    %mul3A_321 = arith.muli %select_n3A_301, %mul3A_320 : i32
    %add3A_322 = arith.constant 0 : i32
    %add3A_323 = arith.addi %mul3A_321, %add3A_322 : i32
    %get3A_324 = arith.index_cast %add3A_323 : i32 to index
    %get3A_325 = tpu.vector_load %arg19[%get3A_324] {strides = array<i32>} : memref<2192xi32, #tpu.memory_space<vmem>>, vector<16xi32>,
    %swap3A_326 = arith.constant 0 : index
    %swap3A_327 = tpu.vector_load %arg18[%swap3A_326] {strides = array<i32>} : memref<2192xi32, #tpu.memory_space<vmem>>, vector<16xi32>,
    tpu.vector_store %arg18[%swap3A_326], %get3A_319 {strides = array<i32>} : memref<2192xi32, #tpu.memory_space<vmem>>, vector<16xi32>,
    %swap3A_328 = arith.constant 0 : index
    %swap3A_329 = tpu.vector_load %arg19[%swap3A_328] {strides = array<i32>} : memref<2192xi32, #tpu.memory_space<vmem>>, vector<16xi32>,
    tpu.vector_store %arg19[%swap3A_328], %get3A_325 {strides = array<i32>} : memref<2192xi32, #tpu.memory_space<vmem>>, vector<16xi32>,
    %mul3A_330 = arith.constant 64 : i32
    %mul3A_331 = arith.muli %select_n3A_301, %mul3A_330 : i32
    %add3A_332 = arith.constant 16 : i32
    %add3A_333 = arith.addi %mul3A_331, %add3A_332 : i32
    %get3A_334 = arith.index_cast %add3A_333 : i32 to index
    %get3A_335 = tpu.vector_load %arg18[%get3A_334] {strides = array<i32>} : memref<2192xi32, #tpu.memory_space<vmem>>, vector<16xi32>,
    %mul3A_336 = arith.constant 64 : i32
    %mul3A_337 = arith.muli %select_n3A_301, %mul3A_336 : i32
    %add3A_338 = arith.constant 16 : i32
    %add3A_339 = arith.addi %mul3A_337, %add3A_338 : i32
    %get3A_340 = arith.index_cast %add3A_339 : i32 to index
    %get3A_341 = tpu.vector_load %arg19[%get3A_340] {strides = array<i32>} : memref<2192xi32, #tpu.memory_space<vmem>>, vector<16xi32>,
    %swap3A_342 = arith.constant 16 : index
    %swap3A_343 = tpu.vector_load %arg18[%swap3A_342] {strides = array<i32>} : memref<2192xi32, #tpu.memory_space<vmem>>, vector<16xi32>,
    tpu.vector_store %arg18[%swap3A_342], %get3A_335 {strides = array<i32>} : memref<2192xi32, #tpu.memory_space<vmem>>, vector<16xi32>,
    %swap3A_344 = arith.constant 16 : index
    %swap3A_345 = tpu.vector_load %arg19[%swap3A_344] {strides = array<i32>} : memref<2192xi32, #tpu.memory_space<vmem>>, vector<16xi32>,
    tpu.vector_store %arg19[%swap3A_344], %get3A_341 {strides = array<i32>} : memref<2192xi32, #tpu.memory_space<vmem>>, vector<16xi32>,
    %mul3A_346 = arith.constant 64 : i32
    %mul3A_347 = arith.muli %select_n3A_301, %mul3A_346 : i32
    %add3A_348 = arith.constant 32 : i32
    %add3A_349 = arith.addi %mul3A_347, %add3A_348 : i32
    %get3A_350 = arith.index_cast %add3A_349 : i32 to index
    %get3A_351 = tpu.vector_load %arg18[%get3A_350] {strides = array<i32>} : memref<2192xi32, #tpu.memory_space<vmem>>, vector<16xi32>,
    %mul3A_352 = arith.constant 64 : i32
    %mul3A_353 = arith.muli %select_n3A_301, %mul3A_352 : i32
    %add3A_354 = arith.constant 32 : i32
    %add3A_355 = arith.addi %mul3A_353, %add3A_354 : i32
    %get3A_356 = arith.index_cast %add3A_355 : i32 to index
    %get3A_357 = tpu.vector_load %arg19[%get3A_356] {strides = array<i32>} : memref<2192xi32, #tpu.memory_space<vmem>>, vector<16xi32>,
    %swap3A_358 = arith.constant 32 : index
    %swap3A_359 = tpu.vector_load %arg18[%swap3A_358] {strides = array<i32>} : memref<2192xi32, #tpu.memory_space<vmem>>, vector<16xi32>,
    tpu.vector_store %arg18[%swap3A_358], %get3A_351 {strides = array<i32>} : memref<2192xi32, #tpu.memory_space<vmem>>, vector<16xi32>,
    %swap3A_360 = arith.constant 32 : index
    %swap3A_361 = tpu.vector_load %arg19[%swap3A_360] {strides = array<i32>} : memref<2192xi32, #tpu.memory_space<vmem>>, vector<16xi32>,
    tpu.vector_store %arg19[%swap3A_360], %get3A_357 {strides = array<i32>} : memref<2192xi32, #tpu.memory_space<vmem>>, vector<16xi32>,
    %mul3A_362 = arith.constant 64 : i32
    %mul3A_363 = arith.muli %select_n3A_301, %mul3A_362 : i32
    %add3A_364 = arith.constant 48 : i32
    %add3A_365 = arith.addi %mul3A_363, %add3A_364 : i32
    %get3A_366 = arith.index_cast %add3A_365 : i32 to index
    %get3A_367 = tpu.vector_load %arg18[%get3A_366] {strides = array<i32>} : memref<2192xi32, #tpu.memory_space<vmem>>, vector<16xi32>,
    %mul3A_368 = arith.constant 64 : i32
    %mul3A_369 = arith.muli %select_n3A_301, %mul3A_368 : i32
    %add3A_370 = arith.constant 48 : i32
    %add3A_371 = arith.addi %mul3A_369, %add3A_370 : i32
    %get3A_372 = arith.index_cast %add3A_371 : i32 to index
    %get3A_373 = tpu.vector_load %arg19[%get3A_372] {strides = array<i32>} : memref<2192xi32, #tpu.memory_space<vmem>>, vector<16xi32>,
    %swap3A_374 = arith.constant 48 : index
    %swap3A_375 = tpu.vector_load %arg18[%swap3A_374] {strides = array<i32>} : memref<2192xi32, #tpu.memory_space<vmem>>, vector<16xi32>,
    tpu.vector_store %arg18[%swap3A_374], %get3A_367 {strides = array<i32>} : memref<2192xi32, #tpu.memory_space<vmem>>, vector<16xi32>,
    %swap3A_376 = arith.constant 48 : index
    %swap3A_377 = tpu.vector_load %arg19[%swap3A_376] {strides = array<i32>} : memref<2192xi32, #tpu.memory_space<vmem>>, vector<16xi32>,
    tpu.vector_store %arg19[%swap3A_376], %get3A_373 {strides = array<i32>} : memref<2192xi32, #tpu.memory_space<vmem>>, vector<16xi32>,
    %mul3A_378 = arith.constant 64 : i32
    %mul3A_379 = arith.muli %select_n3A_301, %mul3A_378 : i32
    %sub3A_380 = arith.subi %scan3A_276, %mul3A_379 : i32
    %mul3A_381 = arith.constant 20000 : i32
    %mul3A_382 = arith.muli %arg1, %mul3A_381 : i32
    %add3A_383 = arith.constant 8000 : i32
    %add3A_384 = arith.addi %mul3A_382, %add3A_383 : i32
    %dma_start3A_385 = tpu.memref_slice %arg3[%add3A_384] : memref<320000xi32, #tpu.memory_space<hbm>> -> memref<2000xi32, #tpu.memory_space<hbm>>
    %dma_start3A_386 = tpu.memref_slice %arg3[%add3A_384] : memref<320000xi32, #tpu.memory_space<hbm>> -> memref<2000xi32, #tpu.memory_space<hbm>>
    tpu.enqueue_dma source(%dma_start3A_386 : memref<2000xi32, #tpu.memory_space<hbm>>) target(%arg14 : memref<2000xi32, #tpu.memory_space<vmem>>) target_semaphore(%arg28 : memref<!tpu.dma_semaphore, #tpu.memory_space<semaphore_mem>>)
    %dma_start3A_387 = tpu.memref_slice %arg4[%add3A_384] : memref<320000xi32, #tpu.memory_space<hbm>> -> memref<2000xi32, #tpu.memory_space<hbm>>
    %dma_start3A_388 = tpu.memref_slice %arg4[%add3A_384] : memref<320000xi32, #tpu.memory_space<hbm>> -> memref<2000xi32, #tpu.memory_space<hbm>>
    tpu.enqueue_dma source(%dma_start3A_388 : memref<2000xi32, #tpu.memory_space<hbm>>) target(%arg15 : memref<2000xi32, #tpu.memory_space<vmem>>) target_semaphore(%arg28 : memref<!tpu.dma_semaphore, #tpu.memory_space<semaphore_mem>>)
    %dma_wait3A_389 = tpu.memref_slice %arg3[%add3A_263] : memref<320000xi32, #tpu.memory_space<hbm>> -> memref<2000xi32, #tpu.memory_space<hbm>>
    %dma_wait3A_390 = tpu.memref_slice %arg3[%add3A_263] : memref<320000xi32, #tpu.memory_space<hbm>> -> memref<2000xi32, #tpu.memory_space<hbm>>
    tpu.wait_dma2 semaphore(%arg29 : memref<!tpu.dma_semaphore, #tpu.memory_space<semaphore_mem>>) src(%dma_wait3A_390 : memref<2000xi32, #tpu.memory_space<hbm>>) dst(%arg16 : memref<2000xi32, #tpu.memory_space<vmem>>)
    %dma_wait3A_391 = tpu.memref_slice %arg4[%add3A_263] : memref<320000xi32, #tpu.memory_space<hbm>> -> memref<2000xi32, #tpu.memory_space<hbm>>
    %dma_wait3A_392 = tpu.memref_slice %arg4[%add3A_263] : memref<320000xi32, #tpu.memory_space<hbm>> -> memref<2000xi32, #tpu.memory_space<hbm>>
    tpu.wait_dma2 semaphore(%arg29 : memref<!tpu.dma_semaphore, #tpu.memory_space<semaphore_mem>>) src(%dma_wait3A_392 : memref<2000xi32, #tpu.memory_space<hbm>>) dst(%arg17 : memref<2000xi32, #tpu.memory_space<vmem>>)
    %scan3A_393 = arith.constant 0 : i32
    %scan3A_394 = arith.constant 125 : i32
    %scan3A_395 = arith.addi %scan3A_393, %scan3A_394 : i32
    %scan3A_396 = arith.constant 1 : i32
    %scan3A_397 = scf.for %scan3A_1368 = %scan3A_393 to %scan3A_395 step %scan3A_396 iter_args(%scan3A_1369 = %sub3A_380) -> (i32)  : i32 {
      %mul3A_1370 = arith.constant 16 : i32
      %mul3A_1371 = arith.muli %scan3A_1368, %mul3A_1370 : i32
      %get3A_1372 = arith.index_cast %mul3A_1371 : i32 to index
      %get3A_1373 = tpu.vector_load %arg17[%get3A_1372] {strides = array<i32>} : memref<2000xi32, #tpu.memory_space<vmem>>, vector<16xi32>,
      %get3A_1374 = arith.index_cast %mul3A_1371 : i32 to index
      %get3A_1375 = tpu.vector_load %arg16[%get3A_1374] {strides = array<i32>} : memref<2000xi32, #tpu.memory_space<vmem>>, vector<16xi32>,
      %shift_right_logical3A = arith.constant 3 : i32
      %shift_right_logical3A_1376 = vector.broadcast %shift_right_logical3A : i32 to vector<16xi32>
      %shift_right_logical3A_1377 = arith.shrui %get3A_1373, %shift_right_logical3A_1376 : vector<16xi32>
      %and3A_1378 = arith.constant 7 : i32
      %and3A_1379 = vector.broadcast %and3A_1378 : i32 to vector<16xi32>
      %and3A_1380 = arith.andi %get3A_1373, %and3A_1379 : vector<16xi32>
      %gather3A = tpu.vector_load_idx %arg13[%shift_right_logical3A_1377] : memref<10000xi32, #tpu.memory_space<vmem>>[vector<16xi32>], vector<16xi32>,
      %ge3A = arith.constant 0 : i32
      %ge3A_1381 = vector.broadcast %ge3A : i32 to vector<16xi32>
      %ge3A_1382 = arith.cmpi sge, %gather3A, %ge3A_1381 : vector<16xi32>
      %and3A_1383 = arith.constant 1 : i32
      %and3A_1384 = vector.broadcast %and3A_1383 : i32 to vector<16xi32>
      %and3A_1385 = arith.andi %gather3A, %and3A_1384 : vector<16xi32>
      %eq3A = vector.broadcast %arg0 : i32 to vector<16xi32>
      %eq3A_1386 = arith.cmpi eq, %and3A_1385, %eq3A : vector<16xi32>
      %and3A_1387 = arith.andi %ge3A_1382, %eq3A_1386 : vector<16xi1>
      %shift_right_logical3A_1388 = arith.constant 1 : i32
      %shift_right_logical3A_1389 = vector.broadcast %shift_right_logical3A_1388 : i32 to vector<16xi32>
      %shift_right_logical3A_1390 = arith.shrui %gather3A, %shift_right_logical3A_1389 : vector<16xi32>
      %mul3A_1391 = arith.constant 8 : i32
      %mul3A_1392 = vector.broadcast %mul3A_1391 : i32 to vector<16xi32>
      %mul3A_1393 = arith.muli %shift_right_logical3A_1390, %mul3A_1392 : vector<16xi32>
      %add3A_1394 = arith.addi %mul3A_1393, %and3A_1380 : vector<16xi32>
      %jit3A_1395 = arith.constant 4096 : i32
      %broadcast_in_dim3A_1396 = vector.broadcast %jit3A_1395 : i32 to vector<16xi32>
      %select_n3A_1397 = arith.select %and3A_1387, %add3A_1394, %broadcast_in_dim3A_1396 : vector<16xi1>, vector<16xi32>
      %swap3A_1398 = arith.index_cast %scan3A_1369 : i32 to index
      %swap3A_1399 = tpu.vector_load %arg18[%swap3A_1398] masked %and3A_1387 {strides = array<i32>} : memref<2192xi32, #tpu.memory_space<vmem>>, vector<16xi32>, vector<16xi1>
      tpu.vector_store %arg18[%swap3A_1398], %get3A_1375 masked %and3A_1387 {strides = array<i32>} : memref<2192xi32, #tpu.memory_space<vmem>>, vector<16xi32>, vector<16xi1>
      %swap3A_1400 = arith.index_cast %scan3A_1369 : i32 to index
      %swap3A_1401 = tpu.vector_load %arg19[%swap3A_1400] masked %and3A_1387 {strides = array<i32>} : memref<2192xi32, #tpu.memory_space<vmem>>, vector<16xi32>, vector<16xi1>
      tpu.vector_store %arg19[%swap3A_1400], %select_n3A_1397 masked %and3A_1387 {strides = array<i32>} : memref<2192xi32, #tpu.memory_space<vmem>>, vector<16xi32>, vector<16xi1>
      %convert_element_type3A = arith.extui %and3A_1387 : vector<16xi1> to vector<16xi32>
      %reduce_sum3A = arith.constant true
      %reduce_sum3A_1402 = vector.broadcast %reduce_sum3A : i1 to vector<16xi1>
      %reduce_sum3A_1403 = tpu.scan <sum>, %convert_element_type3A masked %reduce_sum3A_1402 : vector<16xi32>, vector<16xi1> -> vector<16xi32>
      %reduce_sum3A_1404 = vector.extract %reduce_sum3A_1403[15] : i32 from vector<16xi32>
      %add3A_1405 = arith.addi %scan3A_1369, %reduce_sum3A_1404 : i32
      scf.yield %add3A_1405 : i32
    }
    %scan3A_398 = arith.constant 125 : i32
    %jit3A_399 = arith.constant 64 : i32
    %div3A_400 = arith.divsi %scan3A_397, %jit3A_399 : i32
    %sign3A_401 = arith.constant 0 : i32
    %sign3A_402 = arith.cmpi sgt, %scan3A_397, %sign3A_401 : i32
    %sign3A_403 = arith.extui %sign3A_402 : i1 to i32
    %sign3A_404 = arith.constant 0 : i32
    %sign3A_405 = arith.cmpi slt, %scan3A_397, %sign3A_404 : i32
    %sign3A_406 = arith.extui %sign3A_405 : i1 to i32
    %sign3A_407 = arith.subi %sign3A_403, %sign3A_406 : i32
    %sign3A_408 = arith.constant 0 : i32
    %sign3A_409 = arith.cmpi sgt, %jit3A_399, %sign3A_408 : i32
    %sign3A_410 = arith.extui %sign3A_409 : i1 to i32
    %sign3A_411 = arith.constant 0 : i32
    %sign3A_412 = arith.cmpi slt, %jit3A_399, %sign3A_411 : i32
    %sign3A_413 = arith.extui %sign3A_412 : i1 to i32
    %sign3A_414 = arith.subi %sign3A_410, %sign3A_413 : i32
    %ne3A_415 = arith.cmpi ne, %sign3A_407, %sign3A_414 : i32
    %rem3A_416 = arith.remsi %scan3A_397, %jit3A_399 : i32
    %ne3A_417 = arith.constant 0 : i32
    %ne3A_418 = arith.cmpi ne, %rem3A_416, %ne3A_417 : i32
    %and3A_419 = arith.andi %ne3A_415, %ne3A_418 : i1
    %sub3A_420 = arith.constant 1 : i32
    %sub3A_421 = arith.subi %div3A_400, %sub3A_420 : i32
    %select_n3A_422 = arith.select %and3A_419, %sub3A_421, %div3A_400 : i32
    %while3A_423 = arith.constant 0 : i32
    %while3A_424 = arith.constant 0 : i32
    %while3A_425 = arith.subi %select_n3A_422, %while3A_423 : i32
    %while3A_426 = arith.addi %while3A_423, %while3A_425 : i32
    %while3A_427 = arith.constant 1 : i32
    %while3A_428 = arith.divsi %while3A_425, %while3A_427 : i32
    %while3A_429 = arith.muli %while3A_428, %while3A_427 : i32
    %while3A_430 = arith.addi %while3A_423, %while3A_429 : i32
    %while3A_431 = arith.constant 1 : i32
    %while3A_432 = scf.for %while3A_1368 = %while3A_423 to %while3A_430 step %while3A_431 iter_args(%while3A_1369 = %while3A_424) -> (i32)  : i32 {
      %mul3A_1370 = arith.constant 64 : i32
      %mul3A_1371 = arith.muli %while3A_1368, %mul3A_1370 : i32
      %add3A_1372 = arith.constant 0 : i32
      %add3A_1373 = arith.addi %mul3A_1371, %add3A_1372 : i32
      %get3A_1374 = arith.index_cast %add3A_1373 : i32 to index
      %get3A_1375 = tpu.vector_load %arg18[%get3A_1374] {strides = array<i32>} : memref<2192xi32, #tpu.memory_space<vmem>>, vector<16xi32>,
      %swap3A_1376 = arith.constant 0 : index
      %swap3A_1377 = tpu.vector_load %arg20[%swap3A_1376] {strides = array<i32>} : memref<64xi32, #tpu.memory_space<vmem>>, vector<16xi32>,
      tpu.vector_store %arg20[%swap3A_1376], %get3A_1375 {strides = array<i32>} : memref<64xi32, #tpu.memory_space<vmem>>, vector<16xi32>,
      %mul3A_1378 = arith.constant 64 : i32
      %mul3A_1379 = arith.muli %while3A_1368, %mul3A_1378 : i32
      %add3A_1380 = arith.constant 0 : i32
      %add3A_1381 = arith.addi %mul3A_1379, %add3A_1380 : i32
      %get3A_1382 = arith.index_cast %add3A_1381 : i32 to index
      %get3A_1383 = tpu.vector_load %arg19[%get3A_1382] {strides = array<i32>} : memref<2192xi32, #tpu.memory_space<vmem>>, vector<16xi32>,
      %swap3A_1384 = arith.constant 0 : index
      %swap3A_1385 = tpu.vector_load %arg21[%swap3A_1384] {strides = array<i32>} : memref<64xi32, #tpu.memory_space<vmem>>, vector<16xi32>,
      tpu.vector_store %arg21[%swap3A_1384], %get3A_1383 {strides = array<i32>} : memref<64xi32, #tpu.memory_space<vmem>>, vector<16xi32>,
      %mul3A_1386 = arith.constant 64 : i32
      %mul3A_1387 = arith.muli %while3A_1368, %mul3A_1386 : i32
      %add3A_1388 = arith.constant 16 : i32
      %add3A_1389 = arith.addi %mul3A_1387, %add3A_1388 : i32
      %get3A_1390 = arith.index_cast %add3A_1389 : i32 to index
      %get3A_1391 = tpu.vector_load %arg18[%get3A_1390] {strides = array<i32>} : memref<2192xi32, #tpu.memory_space<vmem>>, vector<16xi32>,
      %swap3A_1392 = arith.constant 16 : index
      %swap3A_1393 = tpu.vector_load %arg20[%swap3A_1392] {strides = array<i32>} : memref<64xi32, #tpu.memory_space<vmem>>, vector<16xi32>,
      tpu.vector_store %arg20[%swap3A_1392], %get3A_1391 {strides = array<i32>} : memref<64xi32, #tpu.memory_space<vmem>>, vector<16xi32>,
      %mul3A_1394 = arith.constant 64 : i32
      %mul3A_1395 = arith.muli %while3A_1368, %mul3A_1394 : i32
      %add3A_1396 = arith.constant 16 : i32
      %add3A_1397 = arith.addi %mul3A_1395, %add3A_1396 : i32
      %get3A_1398 = arith.index_cast %add3A_1397 : i32 to index
      %get3A_1399 = tpu.vector_load %arg19[%get3A_1398] {strides = array<i32>} : memref<2192xi32, #tpu.memory_space<vmem>>, vector<16xi32>,
      %swap3A_1400 = arith.constant 16 : index
      %swap3A_1401 = tpu.vector_load %arg21[%swap3A_1400] {strides = array<i32>} : memref<64xi32, #tpu.memory_space<vmem>>, vector<16xi32>,
      tpu.vector_store %arg21[%swap3A_1400], %get3A_1399 {strides = array<i32>} : memref<64xi32, #tpu.memory_space<vmem>>, vector<16xi32>,
      %mul3A_1402 = arith.constant 64 : i32
      %mul3A_1403 = arith.muli %while3A_1368, %mul3A_1402 : i32
      %add3A_1404 = arith.constant 32 : i32
      %add3A_1405 = arith.addi %mul3A_1403, %add3A_1404 : i32
      %get3A_1406 = arith.index_cast %add3A_1405 : i32 to index
      %get3A_1407 = tpu.vector_load %arg18[%get3A_1406] {strides = array<i32>} : memref<2192xi32, #tpu.memory_space<vmem>>, vector<16xi32>,
      %swap3A_1408 = arith.constant 32 : index
      %swap3A_1409 = tpu.vector_load %arg20[%swap3A_1408] {strides = array<i32>} : memref<64xi32, #tpu.memory_space<vmem>>, vector<16xi32>,
      tpu.vector_store %arg20[%swap3A_1408], %get3A_1407 {strides = array<i32>} : memref<64xi32, #tpu.memory_space<vmem>>, vector<16xi32>,
      %mul3A_1410 = arith.constant 64 : i32
      %mul3A_1411 = arith.muli %while3A_1368, %mul3A_1410 : i32
      %add3A_1412 = arith.constant 32 : i32
      %add3A_1413 = arith.addi %mul3A_1411, %add3A_1412 : i32
      %get3A_1414 = arith.index_cast %add3A_1413 : i32 to index
      %get3A_1415 = tpu.vector_load %arg19[%get3A_1414] {strides = array<i32>} : memref<2192xi32, #tpu.memory_space<vmem>>, vector<16xi32>,
      %swap3A_1416 = arith.constant 32 : index
      %swap3A_1417 = tpu.vector_load %arg21[%swap3A_1416] {strides = array<i32>} : memref<64xi32, #tpu.memory_space<vmem>>, vector<16xi32>,
      tpu.vector_store %arg21[%swap3A_1416], %get3A_1415 {strides = array<i32>} : memref<64xi32, #tpu.memory_space<vmem>>, vector<16xi32>,
      %mul3A_1418 = arith.constant 64 : i32
      %mul3A_1419 = arith.muli %while3A_1368, %mul3A_1418 : i32
      %add3A_1420 = arith.constant 48 : i32
      %add3A_1421 = arith.addi %mul3A_1419, %add3A_1420 : i32
      %get3A_1422 = arith.index_cast %add3A_1421 : i32 to index
      %get3A_1423 = tpu.vector_load %arg18[%get3A_1422] {strides = array<i32>} : memref<2192xi32, #tpu.memory_space<vmem>>, vector<16xi32>,
      %swap3A_1424 = arith.constant 48 : index
      %swap3A_1425 = tpu.vector_load %arg20[%swap3A_1424] {strides = array<i32>} : memref<64xi32, #tpu.memory_space<vmem>>, vector<16xi32>,
      tpu.vector_store %arg20[%swap3A_1424], %get3A_1423 {strides = array<i32>} : memref<64xi32, #tpu.memory_space<vmem>>, vector<16xi32>,
      %mul3A_1426 = arith.constant 64 : i32
      %mul3A_1427 = arith.muli %while3A_1368, %mul3A_1426 : i32
      %add3A_1428 = arith.constant 48 : i32
      %add3A_1429 = arith.addi %mul3A_1427, %add3A_1428 : i32
      %get3A_1430 = arith.index_cast %add3A_1429 : i32 to index
      %get3A_1431 = tpu.vector_load %arg19[%get3A_1430] {strides = array<i32>} : memref<2192xi32, #tpu.memory_space<vmem>>, vector<16xi32>,
      %swap3A_1432 = arith.constant 48 : index
      %swap3A_1433 = tpu.vector_load %arg21[%swap3A_1432] {strides = array<i32>} : memref<64xi32, #tpu.memory_space<vmem>>, vector<16xi32>,
      tpu.vector_store %arg21[%swap3A_1432], %get3A_1431 {strides = array<i32>} : memref<64xi32, #tpu.memory_space<vmem>>, vector<16xi32>,
      %dma_start3A_1434 = arith.constant 0 : i32
      %dma_start3A_1435 = arith.constant 0 : i32
      %dma_start3A_1436 = tpu.memref_slice %arg6[%dma_start3A_1434, %dma_start3A_1435] : memref<10000x128xf32, #tpu.memory_space<hbm>> -> memref<10000x128xf32, #tpu.memory_space<hbm>>
      tpu.enqueue_indirect_dma source(%dma_start3A_1436 : memref<10000x128xf32, #tpu.memory_space<hbm>>) target(%arg22 : memref<64x128xf32, #tpu.memory_space<vmem>>) offsets(%arg20 : memref<64xi32, #tpu.memory_space<vmem>>) semaphore(%arg31 : memref<!tpu.dma_semaphore, #tpu.memory_space<semaphore_mem>>)
      %dma_wait3A_1437 = arith.constant 0 : i32
      %dma_wait3A_1438 = arith.constant 0 : i32
      %dma_wait3A_1439 = tpu.memref_slice %arg6[%dma_wait3A_1437, %dma_wait3A_1438] : memref<10000x128xf32, #tpu.memory_space<hbm>> -> memref<10000x128xf32, #tpu.memory_space<hbm>>
      tpu.wait_indirect_dma semaphore(%arg31 : memref<!tpu.dma_semaphore, #tpu.memory_space<semaphore_mem>>) src(%dma_wait3A_1439 : memref<10000x128xf32, #tpu.memory_space<hbm>>) dst(%arg22 : memref<64x128xf32, #tpu.memory_space<vmem>>)
      "tpu.region"() ({
        %run_scoped3A = tpu.sem_alloc : memref<!tpu.dma_semaphore, #tpu.memory_space<semaphore_mem>>
        %dma_start3A_1441 = arith.constant 0 : i32
        %dma_start3A_1442 = arith.constant 0 : i32
        %dma_start3A_1443 = tpu.memref_slice %arg26[%dma_start3A_1441, %dma_start3A_1442] : memref<4112x128xf32, #tpu.memory_space<vmem_shared>> -> memref<4112x128xf32, #tpu.memory_space<vmem_shared>>
        tpu.enqueue_indirect_dma source(%arg22 : memref<64x128xf32, #tpu.memory_space<vmem>>) target(%dma_start3A_1443 : memref<4112x128xf32, #tpu.memory_space<vmem_shared>>) offsets(%arg21 : memref<64xi32, #tpu.memory_space<vmem>>) semaphore(%run_scoped3A : memref<!tpu.dma_semaphore, #tpu.memory_space<semaphore_mem>>) {add = true}
        %dma_wait3A_1444 = arith.constant 0 : i32
        %dma_wait3A_1445 = arith.constant 0 : i32
        %dma_wait3A_1446 = tpu.memref_slice %arg26[%dma_wait3A_1444, %dma_wait3A_1445] : memref<4112x128xf32, #tpu.memory_space<vmem_shared>> -> memref<4112x128xf32, #tpu.memory_space<vmem_shared>>
        tpu.wait_indirect_dma semaphore(%run_scoped3A : memref<!tpu.dma_semaphore, #tpu.memory_space<semaphore_mem>>) src(%arg22 : memref<64x128xf32, #tpu.memory_space<vmem>>) dst(%dma_wait3A_1446 : memref<4112x128xf32, #tpu.memory_space<vmem_shared>>)
        tpu.yield
      }) : () -> ()
      "tpu.region"() ({
        %run_scoped3A = tpu.sem_alloc : memref<!tpu.dma_semaphore, #tpu.memory_space<semaphore_mem>>
        %dma_start3A_1441 = arith.constant 0 : i32
        %dma_start3A_1442 = tpu.memref_slice %arg27[%dma_start3A_1441] : memref<4224xf32, #tpu.memory_space<vmem_shared>> -> memref<4224xf32, #tpu.memory_space<vmem_shared>>
        tpu.enqueue_indirect_dma source(%arg23 : memref<64xf32, #tpu.memory_space<vmem>>) target(%dma_start3A_1442 : memref<4224xf32, #tpu.memory_space<vmem_shared>>) offsets(%arg21 : memref<64xi32, #tpu.memory_space<vmem>>) semaphore(%run_scoped3A : memref<!tpu.dma_semaphore, #tpu.memory_space<semaphore_mem>>) {add = true}
        %dma_wait3A_1443 = arith.constant 0 : i32
        %dma_wait3A_1444 = tpu.memref_slice %arg27[%dma_wait3A_1443] : memref<4224xf32, #tpu.memory_space<vmem_shared>> -> memref<4224xf32, #tpu.memory_space<vmem_shared>>
        tpu.wait_indirect_dma semaphore(%run_scoped3A : memref<!tpu.dma_semaphore, #tpu.memory_space<semaphore_mem>>) src(%arg23 : memref<64xf32, #tpu.memory_space<vmem>>) dst(%dma_wait3A_1444 : memref<4224xf32, #tpu.memory_space<vmem_shared>>)
        tpu.yield
      }) : () -> ()
      %while3A_1440 = arith.constant 0 : i32
      scf.yield %while3A_1440 : i32
    }
    %while3A_433 = arith.constant 1 : i32
    %while3A_434 = scf.for %while3A_1368 = %while3A_430 to %while3A_426 step %while3A_433 iter_args(%while3A_1369 = %while3A_432) -> (i32)  : i32 {
      %mul3A_1370 = arith.constant 64 : i32
      %mul3A_1371 = arith.muli %while3A_1368, %mul3A_1370 : i32
      %add3A_1372 = arith.constant 0 : i32
      %add3A_1373 = arith.addi %mul3A_1371, %add3A_1372 : i32
      %get3A_1374 = arith.index_cast %add3A_1373 : i32 to index
      %get3A_1375 = tpu.vector_load %arg18[%get3A_1374] {strides = array<i32>} : memref<2192xi32, #tpu.memory_space<vmem>>, vector<16xi32>,
      %swap3A_1376 = arith.constant 0 : index
      %swap3A_1377 = tpu.vector_load %arg20[%swap3A_1376] {strides = array<i32>} : memref<64xi32, #tpu.memory_space<vmem>>, vector<16xi32>,
      tpu.vector_store %arg20[%swap3A_1376], %get3A_1375 {strides = array<i32>} : memref<64xi32, #tpu.memory_space<vmem>>, vector<16xi32>,
      %mul3A_1378 = arith.constant 64 : i32
      %mul3A_1379 = arith.muli %while3A_1368, %mul3A_1378 : i32
      %add3A_1380 = arith.constant 0 : i32
      %add3A_1381 = arith.addi %mul3A_1379, %add3A_1380 : i32
      %get3A_1382 = arith.index_cast %add3A_1381 : i32 to index
      %get3A_1383 = tpu.vector_load %arg19[%get3A_1382] {strides = array<i32>} : memref<2192xi32, #tpu.memory_space<vmem>>, vector<16xi32>,
      %swap3A_1384 = arith.constant 0 : index
      %swap3A_1385 = tpu.vector_load %arg21[%swap3A_1384] {strides = array<i32>} : memref<64xi32, #tpu.memory_space<vmem>>, vector<16xi32>,
      tpu.vector_store %arg21[%swap3A_1384], %get3A_1383 {strides = array<i32>} : memref<64xi32, #tpu.memory_space<vmem>>, vector<16xi32>,
      %mul3A_1386 = arith.constant 64 : i32
      %mul3A_1387 = arith.muli %while3A_1368, %mul3A_1386 : i32
      %add3A_1388 = arith.constant 16 : i32
      %add3A_1389 = arith.addi %mul3A_1387, %add3A_1388 : i32
      %get3A_1390 = arith.index_cast %add3A_1389 : i32 to index
      %get3A_1391 = tpu.vector_load %arg18[%get3A_1390] {strides = array<i32>} : memref<2192xi32, #tpu.memory_space<vmem>>, vector<16xi32>,
      %swap3A_1392 = arith.constant 16 : index
      %swap3A_1393 = tpu.vector_load %arg20[%swap3A_1392] {strides = array<i32>} : memref<64xi32, #tpu.memory_space<vmem>>, vector<16xi32>,
      tpu.vector_store %arg20[%swap3A_1392], %get3A_1391 {strides = array<i32>} : memref<64xi32, #tpu.memory_space<vmem>>, vector<16xi32>,
      %mul3A_1394 = arith.constant 64 : i32
      %mul3A_1395 = arith.muli %while3A_1368, %mul3A_1394 : i32
      %add3A_1396 = arith.constant 16 : i32
      %add3A_1397 = arith.addi %mul3A_1395, %add3A_1396 : i32
      %get3A_1398 = arith.index_cast %add3A_1397 : i32 to index
      %get3A_1399 = tpu.vector_load %arg19[%get3A_1398] {strides = array<i32>} : memref<2192xi32, #tpu.memory_space<vmem>>, vector<16xi32>,
      %swap3A_1400 = arith.constant 16 : index
      %swap3A_1401 = tpu.vector_load %arg21[%swap3A_1400] {strides = array<i32>} : memref<64xi32, #tpu.memory_space<vmem>>, vector<16xi32>,
      tpu.vector_store %arg21[%swap3A_1400], %get3A_1399 {strides = array<i32>} : memref<64xi32, #tpu.memory_space<vmem>>, vector<16xi32>,
      %mul3A_1402 = arith.constant 64 : i32
      %mul3A_1403 = arith.muli %while3A_1368, %mul3A_1402 : i32
      %add3A_1404 = arith.constant 32 : i32
      %add3A_1405 = arith.addi %mul3A_1403, %add3A_1404 : i32
      %get3A_1406 = arith.index_cast %add3A_1405 : i32 to index
      %get3A_1407 = tpu.vector_load %arg18[%get3A_1406] {strides = array<i32>} : memref<2192xi32, #tpu.memory_space<vmem>>, vector<16xi32>,
      %swap3A_1408 = arith.constant 32 : index
      %swap3A_1409 = tpu.vector_load %arg20[%swap3A_1408] {strides = array<i32>} : memref<64xi32, #tpu.memory_space<vmem>>, vector<16xi32>,
      tpu.vector_store %arg20[%swap3A_1408], %get3A_1407 {strides = array<i32>} : memref<64xi32, #tpu.memory_space<vmem>>, vector<16xi32>,
      %mul3A_1410 = arith.constant 64 : i32
      %mul3A_1411 = arith.muli %while3A_1368, %mul3A_1410 : i32
      %add3A_1412 = arith.constant 32 : i32
      %add3A_1413 = arith.addi %mul3A_1411, %add3A_1412 : i32
      %get3A_1414 = arith.index_cast %add3A_1413 : i32 to index
      %get3A_1415 = tpu.vector_load %arg19[%get3A_1414] {strides = array<i32>} : memref<2192xi32, #tpu.memory_space<vmem>>, vector<16xi32>,
      %swap3A_1416 = arith.constant 32 : index
      %swap3A_1417 = tpu.vector_load %arg21[%swap3A_1416] {strides = array<i32>} : memref<64xi32, #tpu.memory_space<vmem>>, vector<16xi32>,
      tpu.vector_store %arg21[%swap3A_1416], %get3A_1415 {strides = array<i32>} : memref<64xi32, #tpu.memory_space<vmem>>, vector<16xi32>,
      %mul3A_1418 = arith.constant 64 : i32
      %mul3A_1419 = arith.muli %while3A_1368, %mul3A_1418 : i32
      %add3A_1420 = arith.constant 48 : i32
      %add3A_1421 = arith.addi %mul3A_1419, %add3A_1420 : i32
      %get3A_1422 = arith.index_cast %add3A_1421 : i32 to index
      %get3A_1423 = tpu.vector_load %arg18[%get3A_1422] {strides = array<i32>} : memref<2192xi32, #tpu.memory_space<vmem>>, vector<16xi32>,
      %swap3A_1424 = arith.constant 48 : index
      %swap3A_1425 = tpu.vector_load %arg20[%swap3A_1424] {strides = array<i32>} : memref<64xi32, #tpu.memory_space<vmem>>, vector<16xi32>,
      tpu.vector_store %arg20[%swap3A_1424], %get3A_1423 {strides = array<i32>} : memref<64xi32, #tpu.memory_space<vmem>>, vector<16xi32>,
      %mul3A_1426 = arith.constant 64 : i32
      %mul3A_1427 = arith.muli %while3A_1368, %mul3A_1426 : i32
      %add3A_1428 = arith.constant 48 : i32
      %add3A_1429 = arith.addi %mul3A_1427, %add3A_1428 : i32
      %get3A_1430 = arith.index_cast %add3A_1429 : i32 to index
      %get3A_1431 = tpu.vector_load %arg19[%get3A_1430] {strides = array<i32>} : memref<2192xi32, #tpu.memory_space<vmem>>, vector<16xi32>,
      %swap3A_1432 = arith.constant 48 : index
      %swap3A_1433 = tpu.vector_load %arg21[%swap3A_1432] {strides = array<i32>} : memref<64xi32, #tpu.memory_space<vmem>>, vector<16xi32>,
      tpu.vector_store %arg21[%swap3A_1432], %get3A_1431 {strides = array<i32>} : memref<64xi32, #tpu.memory_space<vmem>>, vector<16xi32>,
      %dma_start3A_1434 = arith.constant 0 : i32
      %dma_start3A_1435 = arith.constant 0 : i32
      %dma_start3A_1436 = tpu.memref_slice %arg6[%dma_start3A_1434, %dma_start3A_1435] : memref<10000x128xf32, #tpu.memory_space<hbm>> -> memref<10000x128xf32, #tpu.memory_space<hbm>>
      tpu.enqueue_indirect_dma source(%dma_start3A_1436 : memref<10000x128xf32, #tpu.memory_space<hbm>>) target(%arg22 : memref<64x128xf32, #tpu.memory_space<vmem>>) offsets(%arg20 : memref<64xi32, #tpu.memory_space<vmem>>) semaphore(%arg31 : memref<!tpu.dma_semaphore, #tpu.memory_space<semaphore_mem>>)
      %dma_wait3A_1437 = arith.constant 0 : i32
      %dma_wait3A_1438 = arith.constant 0 : i32
      %dma_wait3A_1439 = tpu.memref_slice %arg6[%dma_wait3A_1437, %dma_wait3A_1438] : memref<10000x128xf32, #tpu.memory_space<hbm>> -> memref<10000x128xf32, #tpu.memory_space<hbm>>
      tpu.wait_indirect_dma semaphore(%arg31 : memref<!tpu.dma_semaphore, #tpu.memory_space<semaphore_mem>>) src(%dma_wait3A_1439 : memref<10000x128xf32, #tpu.memory_space<hbm>>) dst(%arg22 : memref<64x128xf32, #tpu.memory_space<vmem>>)
      "tpu.region"() ({
        %run_scoped3A = tpu.sem_alloc : memref<!tpu.dma_semaphore, #tpu.memory_space<semaphore_mem>>
        %dma_start3A_1441 = arith.constant 0 : i32
        %dma_start3A_1442 = arith.constant 0 : i32
        %dma_start3A_1443 = tpu.memref_slice %arg26[%dma_start3A_1441, %dma_start3A_1442] : memref<4112x128xf32, #tpu.memory_space<vmem_shared>> -> memref<4112x128xf32, #tpu.memory_space<vmem_shared>>
        tpu.enqueue_indirect_dma source(%arg22 : memref<64x128xf32, #tpu.memory_space<vmem>>) target(%dma_start3A_1443 : memref<4112x128xf32, #tpu.memory_space<vmem_shared>>) offsets(%arg21 : memref<64xi32, #tpu.memory_space<vmem>>) semaphore(%run_scoped3A : memref<!tpu.dma_semaphore, #tpu.memory_space<semaphore_mem>>) {add = true}
        %dma_wait3A_1444 = arith.constant 0 : i32
        %dma_wait3A_1445 = arith.constant 0 : i32
        %dma_wait3A_1446 = tpu.memref_slice %arg26[%dma_wait3A_1444, %dma_wait3A_1445] : memref<4112x128xf32, #tpu.memory_space<vmem_shared>> -> memref<4112x128xf32, #tpu.memory_space<vmem_shared>>
        tpu.wait_indirect_dma semaphore(%run_scoped3A : memref<!tpu.dma_semaphore, #tpu.memory_space<semaphore_mem>>) src(%arg22 : memref<64x128xf32, #tpu.memory_space<vmem>>) dst(%dma_wait3A_1446 : memref<4112x128xf32, #tpu.memory_space<vmem_shared>>)
        tpu.yield
      }) : () -> ()
      "tpu.region"() ({
        %run_scoped3A = tpu.sem_alloc : memref<!tpu.dma_semaphore, #tpu.memory_space<semaphore_mem>>
        %dma_start3A_1441 = arith.constant 0 : i32
        %dma_start3A_1442 = tpu.memref_slice %arg27[%dma_start3A_1441] : memref<4224xf32, #tpu.memory_space<vmem_shared>> -> memref<4224xf32, #tpu.memory_space<vmem_shared>>
        tpu.enqueue_indirect_dma source(%arg23 : memref<64xf32, #tpu.memory_space<vmem>>) target(%dma_start3A_1442 : memref<4224xf32, #tpu.memory_space<vmem_shared>>) offsets(%arg21 : memref<64xi32, #tpu.memory_space<vmem>>) semaphore(%run_scoped3A : memref<!tpu.dma_semaphore, #tpu.memory_space<semaphore_mem>>) {add = true}
        %dma_wait3A_1443 = arith.constant 0 : i32
        %dma_wait3A_1444 = tpu.memref_slice %arg27[%dma_wait3A_1443] : memref<4224xf32, #tpu.memory_space<vmem_shared>> -> memref<4224xf32, #tpu.memory_space<vmem_shared>>
        tpu.wait_indirect_dma semaphore(%run_scoped3A : memref<!tpu.dma_semaphore, #tpu.memory_space<semaphore_mem>>) src(%arg23 : memref<64xf32, #tpu.memory_space<vmem>>) dst(%dma_wait3A_1444 : memref<4224xf32, #tpu.memory_space<vmem_shared>>)
        tpu.yield
      }) : () -> ()
      %while3A_1440 = arith.constant 0 : i32
      scf.yield %while3A_1440 : i32
    }
    %mul3A_435 = arith.constant 64 : i32
    %mul3A_436 = arith.muli %select_n3A_422, %mul3A_435 : i32
    %add3A_437 = arith.constant 0 : i32
    %add3A_438 = arith.addi %mul3A_436, %add3A_437 : i32
    %get3A_439 = arith.index_cast %add3A_438 : i32 to index
    %get3A_440 = tpu.vector_load %arg18[%get3A_439] {strides = array<i32>} : memref<2192xi32, #tpu.memory_space<vmem>>, vector<16xi32>,
    %mul3A_441 = arith.constant 64 : i32
    %mul3A_442 = arith.muli %select_n3A_422, %mul3A_441 : i32
    %add3A_443 = arith.constant 0 : i32
    %add3A_444 = arith.addi %mul3A_442, %add3A_443 : i32
    %get3A_445 = arith.index_cast %add3A_444 : i32 to index
    %get3A_446 = tpu.vector_load %arg19[%get3A_445] {strides = array<i32>} : memref<2192xi32, #tpu.memory_space<vmem>>, vector<16xi32>,
    %swap3A_447 = arith.constant 0 : index
    %swap3A_448 = tpu.vector_load %arg18[%swap3A_447] {strides = array<i32>} : memref<2192xi32, #tpu.memory_space<vmem>>, vector<16xi32>,
    tpu.vector_store %arg18[%swap3A_447], %get3A_440 {strides = array<i32>} : memref<2192xi32, #tpu.memory_space<vmem>>, vector<16xi32>,
    %swap3A_449 = arith.constant 0 : index
    %swap3A_450 = tpu.vector_load %arg19[%swap3A_449] {strides = array<i32>} : memref<2192xi32, #tpu.memory_space<vmem>>, vector<16xi32>,
    tpu.vector_store %arg19[%swap3A_449], %get3A_446 {strides = array<i32>} : memref<2192xi32, #tpu.memory_space<vmem>>, vector<16xi32>,
    %mul3A_451 = arith.constant 64 : i32
    %mul3A_452 = arith.muli %select_n3A_422, %mul3A_451 : i32
    %add3A_453 = arith.constant 16 : i32
    %add3A_454 = arith.addi %mul3A_452, %add3A_453 : i32
    %get3A_455 = arith.index_cast %add3A_454 : i32 to index
    %get3A_456 = tpu.vector_load %arg18[%get3A_455] {strides = array<i32>} : memref<2192xi32, #tpu.memory_space<vmem>>, vector<16xi32>,
    %mul3A_457 = arith.constant 64 : i32
    %mul3A_458 = arith.muli %select_n3A_422, %mul3A_457 : i32
    %add3A_459 = arith.constant 16 : i32
    %add3A_460 = arith.addi %mul3A_458, %add3A_459 : i32
    %get3A_461 = arith.index_cast %add3A_460 : i32 to index
    %get3A_462 = tpu.vector_load %arg19[%get3A_461] {strides = array<i32>} : memref<2192xi32, #tpu.memory_space<vmem>>, vector<16xi32>,
    %swap3A_463 = arith.constant 16 : index
    %swap3A_464 = tpu.vector_load %arg18[%swap3A_463] {strides = array<i32>} : memref<2192xi32, #tpu.memory_space<vmem>>, vector<16xi32>,
    tpu.vector_store %arg18[%swap3A_463], %get3A_456 {strides = array<i32>} : memref<2192xi32, #tpu.memory_space<vmem>>, vector<16xi32>,
    %swap3A_465 = arith.constant 16 : index
    %swap3A_466 = tpu.vector_load %arg19[%swap3A_465] {strides = array<i32>} : memref<2192xi32, #tpu.memory_space<vmem>>, vector<16xi32>,
    tpu.vector_store %arg19[%swap3A_465], %get3A_462 {strides = array<i32>} : memref<2192xi32, #tpu.memory_space<vmem>>, vector<16xi32>,
    %mul3A_467 = arith.constant 64 : i32
    %mul3A_468 = arith.muli %select_n3A_422, %mul3A_467 : i32
    %add3A_469 = arith.constant 32 : i32
    %add3A_470 = arith.addi %mul3A_468, %add3A_469 : i32
    %get3A_471 = arith.index_cast %add3A_470 : i32 to index
    %get3A_472 = tpu.vector_load %arg18[%get3A_471] {strides = array<i32>} : memref<2192xi32, #tpu.memory_space<vmem>>, vector<16xi32>,
    %mul3A_473 = arith.constant 64 : i32
    %mul3A_474 = arith.muli %select_n3A_422, %mul3A_473 : i32
    %add3A_475 = arith.constant 32 : i32
    %add3A_476 = arith.addi %mul3A_474, %add3A_475 : i32
    %get3A_477 = arith.index_cast %add3A_476 : i32 to index
    %get3A_478 = tpu.vector_load %arg19[%get3A_477] {strides = array<i32>} : memref<2192xi32, #tpu.memory_space<vmem>>, vector<16xi32>,
    %swap3A_479 = arith.constant 32 : index
    %swap3A_480 = tpu.vector_load %arg18[%swap3A_479] {strides = array<i32>} : memref<2192xi32, #tpu.memory_space<vmem>>, vector<16xi32>,
    tpu.vector_store %arg18[%swap3A_479], %get3A_472 {strides = array<i32>} : memref<2192xi32, #tpu.memory_space<vmem>>, vector<16xi32>,
    %swap3A_481 = arith.constant 32 : index
    %swap3A_482 = tpu.vector_load %arg19[%swap3A_481] {strides = array<i32>} : memref<2192xi32, #tpu.memory_space<vmem>>, vector<16xi32>,
    tpu.vector_store %arg19[%swap3A_481], %get3A_478 {strides = array<i32>} : memref<2192xi32, #tpu.memory_space<vmem>>, vector<16xi32>,
    %mul3A_483 = arith.constant 64 : i32
    %mul3A_484 = arith.muli %select_n3A_422, %mul3A_483 : i32
    %add3A_485 = arith.constant 48 : i32
    %add3A_486 = arith.addi %mul3A_484, %add3A_485 : i32
    %get3A_487 = arith.index_cast %add3A_486 : i32 to index
    %get3A_488 = tpu.vector_load %arg18[%get3A_487] {strides = array<i32>} : memref<2192xi32, #tpu.memory_space<vmem>>, vector<16xi32>,
    %mul3A_489 = arith.constant 64 : i32
    %mul3A_490 = arith.muli %select_n3A_422, %mul3A_489 : i32
    %add3A_491 = arith.constant 48 : i32
    %add3A_492 = arith.addi %mul3A_490, %add3A_491 : i32
    %get3A_493 = arith.index_cast %add3A_492 : i32 to index
    %get3A_494 = tpu.vector_load %arg19[%get3A_493] {strides = array<i32>} : memref<2192xi32, #tpu.memory_space<vmem>>, vector<16xi32>,
    %swap3A_495 = arith.constant 48 : index
    %swap3A_496 = tpu.vector_load %arg18[%swap3A_495] {strides = array<i32>} : memref<2192xi32, #tpu.memory_space<vmem>>, vector<16xi32>,
    tpu.vector_store %arg18[%swap3A_495], %get3A_488 {strides = array<i32>} : memref<2192xi32, #tpu.memory_space<vmem>>, vector<16xi32>,
    %swap3A_497 = arith.constant 48 : index
    %swap3A_498 = tpu.vector_load %arg19[%swap3A_497] {strides = array<i32>} : memref<2192xi32, #tpu.memory_space<vmem>>, vector<16xi32>,
    tpu.vector_store %arg19[%swap3A_497], %get3A_494 {strides = array<i32>} : memref<2192xi32, #tpu.memory_space<vmem>>, vector<16xi32>,
    %mul3A_499 = arith.constant 64 : i32
    %mul3A_500 = arith.muli %select_n3A_422, %mul3A_499 : i32
    %sub3A_501 = arith.subi %scan3A_397, %mul3A_500 : i32
    %mul3A_502 = arith.constant 20000 : i32
    %mul3A_503 = arith.muli %arg1, %mul3A_502 : i32
    %add3A_504 = arith.constant 10000 : i32
    %add3A_505 = arith.addi %mul3A_503, %add3A_504 : i32
    %dma_start3A_506 = tpu.memref_slice %arg3[%add3A_505] : memref<320000xi32, #tpu.memory_space<hbm>> -> memref<2000xi32, #tpu.memory_space<hbm>>
    %dma_start3A_507 = tpu.memref_slice %arg3[%add3A_505] : memref<320000xi32, #tpu.memory_space<hbm>> -> memref<2000xi32, #tpu.memory_space<hbm>>
    tpu.enqueue_dma source(%dma_start3A_507 : memref<2000xi32, #tpu.memory_space<hbm>>) target(%arg16 : memref<2000xi32, #tpu.memory_space<vmem>>) target_semaphore(%arg29 : memref<!tpu.dma_semaphore, #tpu.memory_space<semaphore_mem>>)
    %dma_start3A_508 = tpu.memref_slice %arg4[%add3A_505] : memref<320000xi32, #tpu.memory_space<hbm>> -> memref<2000xi32, #tpu.memory_space<hbm>>
    %dma_start3A_509 = tpu.memref_slice %arg4[%add3A_505] : memref<320000xi32, #tpu.memory_space<hbm>> -> memref<2000xi32, #tpu.memory_space<hbm>>
    tpu.enqueue_dma source(%dma_start3A_509 : memref<2000xi32, #tpu.memory_space<hbm>>) target(%arg17 : memref<2000xi32, #tpu.memory_space<vmem>>) target_semaphore(%arg29 : memref<!tpu.dma_semaphore, #tpu.memory_space<semaphore_mem>>)
    %dma_wait3A_510 = tpu.memref_slice %arg3[%add3A_384] : memref<320000xi32, #tpu.memory_space<hbm>> -> memref<2000xi32, #tpu.memory_space<hbm>>
    %dma_wait3A_511 = tpu.memref_slice %arg3[%add3A_384] : memref<320000xi32, #tpu.memory_space<hbm>> -> memref<2000xi32, #tpu.memory_space<hbm>>
    tpu.wait_dma2 semaphore(%arg28 : memref<!tpu.dma_semaphore, #tpu.memory_space<semaphore_mem>>) src(%dma_wait3A_511 : memref<2000xi32, #tpu.memory_space<hbm>>) dst(%arg14 : memref<2000xi32, #tpu.memory_space<vmem>>)
    %dma_wait3A_512 = tpu.memref_slice %arg4[%add3A_384] : memref<320000xi32, #tpu.memory_space<hbm>> -> memref<2000xi32, #tpu.memory_space<hbm>>
    %dma_wait3A_513 = tpu.memref_slice %arg4[%add3A_384] : memref<320000xi32, #tpu.memory_space<hbm>> -> memref<2000xi32, #tpu.memory_space<hbm>>
    tpu.wait_dma2 semaphore(%arg28 : memref<!tpu.dma_semaphore, #tpu.memory_space<semaphore_mem>>) src(%dma_wait3A_513 : memref<2000xi32, #tpu.memory_space<hbm>>) dst(%arg15 : memref<2000xi32, #tpu.memory_space<vmem>>)
    %scan3A_514 = arith.constant 0 : i32
    %scan3A_515 = arith.constant 125 : i32
    %scan3A_516 = arith.addi %scan3A_514, %scan3A_515 : i32
    %scan3A_517 = arith.constant 1 : i32
    %scan3A_518 = scf.for %scan3A_1368 = %scan3A_514 to %scan3A_516 step %scan3A_517 iter_args(%scan3A_1369 = %sub3A_501) -> (i32)  : i32 {
      %mul3A_1370 = arith.constant 16 : i32
      %mul3A_1371 = arith.muli %scan3A_1368, %mul3A_1370 : i32
      %get3A_1372 = arith.index_cast %mul3A_1371 : i32 to index
      %get3A_1373 = tpu.vector_load %arg15[%get3A_1372] {strides = array<i32>} : memref<2000xi32, #tpu.memory_space<vmem>>, vector<16xi32>,
      %get3A_1374 = arith.index_cast %mul3A_1371 : i32 to index
      %get3A_1375 = tpu.vector_load %arg14[%get3A_1374] {strides = array<i32>} : memref<2000xi32, #tpu.memory_space<vmem>>, vector<16xi32>,
      %shift_right_logical3A = arith.constant 3 : i32
      %shift_right_logical3A_1376 = vector.broadcast %shift_right_logical3A : i32 to vector<16xi32>
      %shift_right_logical3A_1377 = arith.shrui %get3A_1373, %shift_right_logical3A_1376 : vector<16xi32>
      %and3A_1378 = arith.constant 7 : i32
      %and3A_1379 = vector.broadcast %and3A_1378 : i32 to vector<16xi32>
      %and3A_1380 = arith.andi %get3A_1373, %and3A_1379 : vector<16xi32>
      %gather3A = tpu.vector_load_idx %arg13[%shift_right_logical3A_1377] : memref<10000xi32, #tpu.memory_space<vmem>>[vector<16xi32>], vector<16xi32>,
      %ge3A = arith.constant 0 : i32
      %ge3A_1381 = vector.broadcast %ge3A : i32 to vector<16xi32>
      %ge3A_1382 = arith.cmpi sge, %gather3A, %ge3A_1381 : vector<16xi32>
      %and3A_1383 = arith.constant 1 : i32
      %and3A_1384 = vector.broadcast %and3A_1383 : i32 to vector<16xi32>
      %and3A_1385 = arith.andi %gather3A, %and3A_1384 : vector<16xi32>
      %eq3A = vector.broadcast %arg0 : i32 to vector<16xi32>
      %eq3A_1386 = arith.cmpi eq, %and3A_1385, %eq3A : vector<16xi32>
      %and3A_1387 = arith.andi %ge3A_1382, %eq3A_1386 : vector<16xi1>
      %shift_right_logical3A_1388 = arith.constant 1 : i32
      %shift_right_logical3A_1389 = vector.broadcast %shift_right_logical3A_1388 : i32 to vector<16xi32>
      %shift_right_logical3A_1390 = arith.shrui %gather3A, %shift_right_logical3A_1389 : vector<16xi32>
      %mul3A_1391 = arith.constant 8 : i32
      %mul3A_1392 = vector.broadcast %mul3A_1391 : i32 to vector<16xi32>
      %mul3A_1393 = arith.muli %shift_right_logical3A_1390, %mul3A_1392 : vector<16xi32>
      %add3A_1394 = arith.addi %mul3A_1393, %and3A_1380 : vector<16xi32>
      %jit3A_1395 = arith.constant 4096 : i32
      %broadcast_in_dim3A_1396 = vector.broadcast %jit3A_1395 : i32 to vector<16xi32>
      %select_n3A_1397 = arith.select %and3A_1387, %add3A_1394, %broadcast_in_dim3A_1396 : vector<16xi1>, vector<16xi32>
      %swap3A_1398 = arith.index_cast %scan3A_1369 : i32 to index
      %swap3A_1399 = tpu.vector_load %arg18[%swap3A_1398] masked %and3A_1387 {strides = array<i32>} : memref<2192xi32, #tpu.memory_space<vmem>>, vector<16xi32>, vector<16xi1>
      tpu.vector_store %arg18[%swap3A_1398], %get3A_1375 masked %and3A_1387 {strides = array<i32>} : memref<2192xi32, #tpu.memory_space<vmem>>, vector<16xi32>, vector<16xi1>
      %swap3A_1400 = arith.index_cast %scan3A_1369 : i32 to index
      %swap3A_1401 = tpu.vector_load %arg19[%swap3A_1400] masked %and3A_1387 {strides = array<i32>} : memref<2192xi32, #tpu.memory_space<vmem>>, vector<16xi32>, vector<16xi1>
      tpu.vector_store %arg19[%swap3A_1400], %select_n3A_1397 masked %and3A_1387 {strides = array<i32>} : memref<2192xi32, #tpu.memory_space<vmem>>, vector<16xi32>, vector<16xi1>
      %convert_element_type3A = arith.extui %and3A_1387 : vector<16xi1> to vector<16xi32>
      %reduce_sum3A = arith.constant true
      %reduce_sum3A_1402 = vector.broadcast %reduce_sum3A : i1 to vector<16xi1>
      %reduce_sum3A_1403 = tpu.scan <sum>, %convert_element_type3A masked %reduce_sum3A_1402 : vector<16xi32>, vector<16xi1> -> vector<16xi32>
      %reduce_sum3A_1404 = vector.extract %reduce_sum3A_1403[15] : i32 from vector<16xi32>
      %add3A_1405 = arith.addi %scan3A_1369, %reduce_sum3A_1404 : i32
      scf.yield %add3A_1405 : i32
    }
    %scan3A_519 = arith.constant 125 : i32
    %jit3A_520 = arith.constant 64 : i32
    %div3A_521 = arith.divsi %scan3A_518, %jit3A_520 : i32
    %sign3A_522 = arith.constant 0 : i32
    %sign3A_523 = arith.cmpi sgt, %scan3A_518, %sign3A_522 : i32
    %sign3A_524 = arith.extui %sign3A_523 : i1 to i32
    %sign3A_525 = arith.constant 0 : i32
    %sign3A_526 = arith.cmpi slt, %scan3A_518, %sign3A_525 : i32
    %sign3A_527 = arith.extui %sign3A_526 : i1 to i32
    %sign3A_528 = arith.subi %sign3A_524, %sign3A_527 : i32
    %sign3A_529 = arith.constant 0 : i32
    %sign3A_530 = arith.cmpi sgt, %jit3A_520, %sign3A_529 : i32
    %sign3A_531 = arith.extui %sign3A_530 : i1 to i32
    %sign3A_532 = arith.constant 0 : i32
    %sign3A_533 = arith.cmpi slt, %jit3A_520, %sign3A_532 : i32
    %sign3A_534 = arith.extui %sign3A_533 : i1 to i32
    %sign3A_535 = arith.subi %sign3A_531, %sign3A_534 : i32
    %ne3A_536 = arith.cmpi ne, %sign3A_528, %sign3A_535 : i32
    %rem3A_537 = arith.remsi %scan3A_518, %jit3A_520 : i32
    %ne3A_538 = arith.constant 0 : i32
    %ne3A_539 = arith.cmpi ne, %rem3A_537, %ne3A_538 : i32
    %and3A_540 = arith.andi %ne3A_536, %ne3A_539 : i1
    %sub3A_541 = arith.constant 1 : i32
    %sub3A_542 = arith.subi %div3A_521, %sub3A_541 : i32
    %select_n3A_543 = arith.select %and3A_540, %sub3A_542, %div3A_521 : i32
    %while3A_544 = arith.constant 0 : i32
    %while3A_545 = arith.constant 0 : i32
    %while3A_546 = arith.subi %select_n3A_543, %while3A_544 : i32
    %while3A_547 = arith.addi %while3A_544, %while3A_546 : i32
    %while3A_548 = arith.constant 1 : i32
    %while3A_549 = arith.divsi %while3A_546, %while3A_548 : i32
    %while3A_550 = arith.muli %while3A_549, %while3A_548 : i32
    %while3A_551 = arith.addi %while3A_544, %while3A_550 : i32
    %while3A_552 = arith.constant 1 : i32
    %while3A_553 = scf.for %while3A_1368 = %while3A_544 to %while3A_551 step %while3A_552 iter_args(%while3A_1369 = %while3A_545) -> (i32)  : i32 {
      %mul3A_1370 = arith.constant 64 : i32
      %mul3A_1371 = arith.muli %while3A_1368, %mul3A_1370 : i32
      %add3A_1372 = arith.constant 0 : i32
      %add3A_1373 = arith.addi %mul3A_1371, %add3A_1372 : i32
      %get3A_1374 = arith.index_cast %add3A_1373 : i32 to index
      %get3A_1375 = tpu.vector_load %arg18[%get3A_1374] {strides = array<i32>} : memref<2192xi32, #tpu.memory_space<vmem>>, vector<16xi32>,
      %swap3A_1376 = arith.constant 0 : index
      %swap3A_1377 = tpu.vector_load %arg20[%swap3A_1376] {strides = array<i32>} : memref<64xi32, #tpu.memory_space<vmem>>, vector<16xi32>,
      tpu.vector_store %arg20[%swap3A_1376], %get3A_1375 {strides = array<i32>} : memref<64xi32, #tpu.memory_space<vmem>>, vector<16xi32>,
      %mul3A_1378 = arith.constant 64 : i32
      %mul3A_1379 = arith.muli %while3A_1368, %mul3A_1378 : i32
      %add3A_1380 = arith.constant 0 : i32
      %add3A_1381 = arith.addi %mul3A_1379, %add3A_1380 : i32
      %get3A_1382 = arith.index_cast %add3A_1381 : i32 to index
      %get3A_1383 = tpu.vector_load %arg19[%get3A_1382] {strides = array<i32>} : memref<2192xi32, #tpu.memory_space<vmem>>, vector<16xi32>,
      %swap3A_1384 = arith.constant 0 : index
      %swap3A_1385 = tpu.vector_load %arg21[%swap3A_1384] {strides = array<i32>} : memref<64xi32, #tpu.memory_space<vmem>>, vector<16xi32>,
      tpu.vector_store %arg21[%swap3A_1384], %get3A_1383 {strides = array<i32>} : memref<64xi32, #tpu.memory_space<vmem>>, vector<16xi32>,
      %mul3A_1386 = arith.constant 64 : i32
      %mul3A_1387 = arith.muli %while3A_1368, %mul3A_1386 : i32
      %add3A_1388 = arith.constant 16 : i32
      %add3A_1389 = arith.addi %mul3A_1387, %add3A_1388 : i32
      %get3A_1390 = arith.index_cast %add3A_1389 : i32 to index
      %get3A_1391 = tpu.vector_load %arg18[%get3A_1390] {strides = array<i32>} : memref<2192xi32, #tpu.memory_space<vmem>>, vector<16xi32>,
      %swap3A_1392 = arith.constant 16 : index
      %swap3A_1393 = tpu.vector_load %arg20[%swap3A_1392] {strides = array<i32>} : memref<64xi32, #tpu.memory_space<vmem>>, vector<16xi32>,
      tpu.vector_store %arg20[%swap3A_1392], %get3A_1391 {strides = array<i32>} : memref<64xi32, #tpu.memory_space<vmem>>, vector<16xi32>,
      %mul3A_1394 = arith.constant 64 : i32
      %mul3A_1395 = arith.muli %while3A_1368, %mul3A_1394 : i32
      %add3A_1396 = arith.constant 16 : i32
      %add3A_1397 = arith.addi %mul3A_1395, %add3A_1396 : i32
      %get3A_1398 = arith.index_cast %add3A_1397 : i32 to index
      %get3A_1399 = tpu.vector_load %arg19[%get3A_1398] {strides = array<i32>} : memref<2192xi32, #tpu.memory_space<vmem>>, vector<16xi32>,
      %swap3A_1400 = arith.constant 16 : index
      %swap3A_1401 = tpu.vector_load %arg21[%swap3A_1400] {strides = array<i32>} : memref<64xi32, #tpu.memory_space<vmem>>, vector<16xi32>,
      tpu.vector_store %arg21[%swap3A_1400], %get3A_1399 {strides = array<i32>} : memref<64xi32, #tpu.memory_space<vmem>>, vector<16xi32>,
      %mul3A_1402 = arith.constant 64 : i32
      %mul3A_1403 = arith.muli %while3A_1368, %mul3A_1402 : i32
      %add3A_1404 = arith.constant 32 : i32
      %add3A_1405 = arith.addi %mul3A_1403, %add3A_1404 : i32
      %get3A_1406 = arith.index_cast %add3A_1405 : i32 to index
      %get3A_1407 = tpu.vector_load %arg18[%get3A_1406] {strides = array<i32>} : memref<2192xi32, #tpu.memory_space<vmem>>, vector<16xi32>,
      %swap3A_1408 = arith.constant 32 : index
      %swap3A_1409 = tpu.vector_load %arg20[%swap3A_1408] {strides = array<i32>} : memref<64xi32, #tpu.memory_space<vmem>>, vector<16xi32>,
      tpu.vector_store %arg20[%swap3A_1408], %get3A_1407 {strides = array<i32>} : memref<64xi32, #tpu.memory_space<vmem>>, vector<16xi32>,
      %mul3A_1410 = arith.constant 64 : i32
      %mul3A_1411 = arith.muli %while3A_1368, %mul3A_1410 : i32
      %add3A_1412 = arith.constant 32 : i32
      %add3A_1413 = arith.addi %mul3A_1411, %add3A_1412 : i32
      %get3A_1414 = arith.index_cast %add3A_1413 : i32 to index
      %get3A_1415 = tpu.vector_load %arg19[%get3A_1414] {strides = array<i32>} : memref<2192xi32, #tpu.memory_space<vmem>>, vector<16xi32>,
      %swap3A_1416 = arith.constant 32 : index
      %swap3A_1417 = tpu.vector_load %arg21[%swap3A_1416] {strides = array<i32>} : memref<64xi32, #tpu.memory_space<vmem>>, vector<16xi32>,
      tpu.vector_store %arg21[%swap3A_1416], %get3A_1415 {strides = array<i32>} : memref<64xi32, #tpu.memory_space<vmem>>, vector<16xi32>,
      %mul3A_1418 = arith.constant 64 : i32
      %mul3A_1419 = arith.muli %while3A_1368, %mul3A_1418 : i32
      %add3A_1420 = arith.constant 48 : i32
      %add3A_1421 = arith.addi %mul3A_1419, %add3A_1420 : i32
      %get3A_1422 = arith.index_cast %add3A_1421 : i32 to index
      %get3A_1423 = tpu.vector_load %arg18[%get3A_1422] {strides = array<i32>} : memref<2192xi32, #tpu.memory_space<vmem>>, vector<16xi32>,
      %swap3A_1424 = arith.constant 48 : index
      %swap3A_1425 = tpu.vector_load %arg20[%swap3A_1424] {strides = array<i32>} : memref<64xi32, #tpu.memory_space<vmem>>, vector<16xi32>,
      tpu.vector_store %arg20[%swap3A_1424], %get3A_1423 {strides = array<i32>} : memref<64xi32, #tpu.memory_space<vmem>>, vector<16xi32>,
      %mul3A_1426 = arith.constant 64 : i32
      %mul3A_1427 = arith.muli %while3A_1368, %mul3A_1426 : i32
      %add3A_1428 = arith.constant 48 : i32
      %add3A_1429 = arith.addi %mul3A_1427, %add3A_1428 : i32
      %get3A_1430 = arith.index_cast %add3A_1429 : i32 to index
      %get3A_1431 = tpu.vector_load %arg19[%get3A_1430] {strides = array<i32>} : memref<2192xi32, #tpu.memory_space<vmem>>, vector<16xi32>,
      %swap3A_1432 = arith.constant 48 : index
      %swap3A_1433 = tpu.vector_load %arg21[%swap3A_1432] {strides = array<i32>} : memref<64xi32, #tpu.memory_space<vmem>>, vector<16xi32>,
      tpu.vector_store %arg21[%swap3A_1432], %get3A_1431 {strides = array<i32>} : memref<64xi32, #tpu.memory_space<vmem>>, vector<16xi32>,
      %dma_start3A_1434 = arith.constant 0 : i32
      %dma_start3A_1435 = arith.constant 0 : i32
      %dma_start3A_1436 = tpu.memref_slice %arg6[%dma_start3A_1434, %dma_start3A_1435] : memref<10000x128xf32, #tpu.memory_space<hbm>> -> memref<10000x128xf32, #tpu.memory_space<hbm>>
      tpu.enqueue_indirect_dma source(%dma_start3A_1436 : memref<10000x128xf32, #tpu.memory_space<hbm>>) target(%arg22 : memref<64x128xf32, #tpu.memory_space<vmem>>) offsets(%arg20 : memref<64xi32, #tpu.memory_space<vmem>>) semaphore(%arg31 : memref<!tpu.dma_semaphore, #tpu.memory_space<semaphore_mem>>)
      %dma_wait3A_1437 = arith.constant 0 : i32
      %dma_wait3A_1438 = arith.constant 0 : i32
      %dma_wait3A_1439 = tpu.memref_slice %arg6[%dma_wait3A_1437, %dma_wait3A_1438] : memref<10000x128xf32, #tpu.memory_space<hbm>> -> memref<10000x128xf32, #tpu.memory_space<hbm>>
      tpu.wait_indirect_dma semaphore(%arg31 : memref<!tpu.dma_semaphore, #tpu.memory_space<semaphore_mem>>) src(%dma_wait3A_1439 : memref<10000x128xf32, #tpu.memory_space<hbm>>) dst(%arg22 : memref<64x128xf32, #tpu.memory_space<vmem>>)
      "tpu.region"() ({
        %run_scoped3A = tpu.sem_alloc : memref<!tpu.dma_semaphore, #tpu.memory_space<semaphore_mem>>
        %dma_start3A_1441 = arith.constant 0 : i32
        %dma_start3A_1442 = arith.constant 0 : i32
        %dma_start3A_1443 = tpu.memref_slice %arg26[%dma_start3A_1441, %dma_start3A_1442] : memref<4112x128xf32, #tpu.memory_space<vmem_shared>> -> memref<4112x128xf32, #tpu.memory_space<vmem_shared>>
        tpu.enqueue_indirect_dma source(%arg22 : memref<64x128xf32, #tpu.memory_space<vmem>>) target(%dma_start3A_1443 : memref<4112x128xf32, #tpu.memory_space<vmem_shared>>) offsets(%arg21 : memref<64xi32, #tpu.memory_space<vmem>>) semaphore(%run_scoped3A : memref<!tpu.dma_semaphore, #tpu.memory_space<semaphore_mem>>) {add = true}
        %dma_wait3A_1444 = arith.constant 0 : i32
        %dma_wait3A_1445 = arith.constant 0 : i32
        %dma_wait3A_1446 = tpu.memref_slice %arg26[%dma_wait3A_1444, %dma_wait3A_1445] : memref<4112x128xf32, #tpu.memory_space<vmem_shared>> -> memref<4112x128xf32, #tpu.memory_space<vmem_shared>>
        tpu.wait_indirect_dma semaphore(%run_scoped3A : memref<!tpu.dma_semaphore, #tpu.memory_space<semaphore_mem>>) src(%arg22 : memref<64x128xf32, #tpu.memory_space<vmem>>) dst(%dma_wait3A_1446 : memref<4112x128xf32, #tpu.memory_space<vmem_shared>>)
        tpu.yield
      }) : () -> ()
      "tpu.region"() ({
        %run_scoped3A = tpu.sem_alloc : memref<!tpu.dma_semaphore, #tpu.memory_space<semaphore_mem>>
        %dma_start3A_1441 = arith.constant 0 : i32
        %dma_start3A_1442 = tpu.memref_slice %arg27[%dma_start3A_1441] : memref<4224xf32, #tpu.memory_space<vmem_shared>> -> memref<4224xf32, #tpu.memory_space<vmem_shared>>
        tpu.enqueue_indirect_dma source(%arg23 : memref<64xf32, #tpu.memory_space<vmem>>) target(%dma_start3A_1442 : memref<4224xf32, #tpu.memory_space<vmem_shared>>) offsets(%arg21 : memref<64xi32, #tpu.memory_space<vmem>>) semaphore(%run_scoped3A : memref<!tpu.dma_semaphore, #tpu.memory_space<semaphore_mem>>) {add = true}
        %dma_wait3A_1443 = arith.constant 0 : i32
        %dma_wait3A_1444 = tpu.memref_slice %arg27[%dma_wait3A_1443] : memref<4224xf32, #tpu.memory_space<vmem_shared>> -> memref<4224xf32, #tpu.memory_space<vmem_shared>>
        tpu.wait_indirect_dma semaphore(%run_scoped3A : memref<!tpu.dma_semaphore, #tpu.memory_space<semaphore_mem>>) src(%arg23 : memref<64xf32, #tpu.memory_space<vmem>>) dst(%dma_wait3A_1444 : memref<4224xf32, #tpu.memory_space<vmem_shared>>)
        tpu.yield
      }) : () -> ()
      %while3A_1440 = arith.constant 0 : i32
      scf.yield %while3A_1440 : i32
    }
    %while3A_554 = arith.constant 1 : i32
    %while3A_555 = scf.for %while3A_1368 = %while3A_551 to %while3A_547 step %while3A_554 iter_args(%while3A_1369 = %while3A_553) -> (i32)  : i32 {
      %mul3A_1370 = arith.constant 64 : i32
      %mul3A_1371 = arith.muli %while3A_1368, %mul3A_1370 : i32
      %add3A_1372 = arith.constant 0 : i32
      %add3A_1373 = arith.addi %mul3A_1371, %add3A_1372 : i32
      %get3A_1374 = arith.index_cast %add3A_1373 : i32 to index
      %get3A_1375 = tpu.vector_load %arg18[%get3A_1374] {strides = array<i32>} : memref<2192xi32, #tpu.memory_space<vmem>>, vector<16xi32>,
      %swap3A_1376 = arith.constant 0 : index
      %swap3A_1377 = tpu.vector_load %arg20[%swap3A_1376] {strides = array<i32>} : memref<64xi32, #tpu.memory_space<vmem>>, vector<16xi32>,
      tpu.vector_store %arg20[%swap3A_1376], %get3A_1375 {strides = array<i32>} : memref<64xi32, #tpu.memory_space<vmem>>, vector<16xi32>,
      %mul3A_1378 = arith.constant 64 : i32
      %mul3A_1379 = arith.muli %while3A_1368, %mul3A_1378 : i32
      %add3A_1380 = arith.constant 0 : i32
      %add3A_1381 = arith.addi %mul3A_1379, %add3A_1380 : i32
      %get3A_1382 = arith.index_cast %add3A_1381 : i32 to index
      %get3A_1383 = tpu.vector_load %arg19[%get3A_1382] {strides = array<i32>} : memref<2192xi32, #tpu.memory_space<vmem>>, vector<16xi32>,
      %swap3A_1384 = arith.constant 0 : index
      %swap3A_1385 = tpu.vector_load %arg21[%swap3A_1384] {strides = array<i32>} : memref<64xi32, #tpu.memory_space<vmem>>, vector<16xi32>,
      tpu.vector_store %arg21[%swap3A_1384], %get3A_1383 {strides = array<i32>} : memref<64xi32, #tpu.memory_space<vmem>>, vector<16xi32>,
      %mul3A_1386 = arith.constant 64 : i32
      %mul3A_1387 = arith.muli %while3A_1368, %mul3A_1386 : i32
      %add3A_1388 = arith.constant 16 : i32
      %add3A_1389 = arith.addi %mul3A_1387, %add3A_1388 : i32
      %get3A_1390 = arith.index_cast %add3A_1389 : i32 to index
      %get3A_1391 = tpu.vector_load %arg18[%get3A_1390] {strides = array<i32>} : memref<2192xi32, #tpu.memory_space<vmem>>, vector<16xi32>,
      %swap3A_1392 = arith.constant 16 : index
      %swap3A_1393 = tpu.vector_load %arg20[%swap3A_1392] {strides = array<i32>} : memref<64xi32, #tpu.memory_space<vmem>>, vector<16xi32>,
      tpu.vector_store %arg20[%swap3A_1392], %get3A_1391 {strides = array<i32>} : memref<64xi32, #tpu.memory_space<vmem>>, vector<16xi32>,
      %mul3A_1394 = arith.constant 64 : i32
      %mul3A_1395 = arith.muli %while3A_1368, %mul3A_1394 : i32
      %add3A_1396 = arith.constant 16 : i32
      %add3A_1397 = arith.addi %mul3A_1395, %add3A_1396 : i32
      %get3A_1398 = arith.index_cast %add3A_1397 : i32 to index
      %get3A_1399 = tpu.vector_load %arg19[%get3A_1398] {strides = array<i32>} : memref<2192xi32, #tpu.memory_space<vmem>>, vector<16xi32>,
      %swap3A_1400 = arith.constant 16 : index
      %swap3A_1401 = tpu.vector_load %arg21[%swap3A_1400] {strides = array<i32>} : memref<64xi32, #tpu.memory_space<vmem>>, vector<16xi32>,
      tpu.vector_store %arg21[%swap3A_1400], %get3A_1399 {strides = array<i32>} : memref<64xi32, #tpu.memory_space<vmem>>, vector<16xi32>,
      %mul3A_1402 = arith.constant 64 : i32
      %mul3A_1403 = arith.muli %while3A_1368, %mul3A_1402 : i32
      %add3A_1404 = arith.constant 32 : i32
      %add3A_1405 = arith.addi %mul3A_1403, %add3A_1404 : i32
      %get3A_1406 = arith.index_cast %add3A_1405 : i32 to index
      %get3A_1407 = tpu.vector_load %arg18[%get3A_1406] {strides = array<i32>} : memref<2192xi32, #tpu.memory_space<vmem>>, vector<16xi32>,
      %swap3A_1408 = arith.constant 32 : index
      %swap3A_1409 = tpu.vector_load %arg20[%swap3A_1408] {strides = array<i32>} : memref<64xi32, #tpu.memory_space<vmem>>, vector<16xi32>,
      tpu.vector_store %arg20[%swap3A_1408], %get3A_1407 {strides = array<i32>} : memref<64xi32, #tpu.memory_space<vmem>>, vector<16xi32>,
      %mul3A_1410 = arith.constant 64 : i32
      %mul3A_1411 = arith.muli %while3A_1368, %mul3A_1410 : i32
      %add3A_1412 = arith.constant 32 : i32
      %add3A_1413 = arith.addi %mul3A_1411, %add3A_1412 : i32
      %get3A_1414 = arith.index_cast %add3A_1413 : i32 to index
      %get3A_1415 = tpu.vector_load %arg19[%get3A_1414] {strides = array<i32>} : memref<2192xi32, #tpu.memory_space<vmem>>, vector<16xi32>,
      %swap3A_1416 = arith.constant 32 : index
      %swap3A_1417 = tpu.vector_load %arg21[%swap3A_1416] {strides = array<i32>} : memref<64xi32, #tpu.memory_space<vmem>>, vector<16xi32>,
      tpu.vector_store %arg21[%swap3A_1416], %get3A_1415 {strides = array<i32>} : memref<64xi32, #tpu.memory_space<vmem>>, vector<16xi32>,
      %mul3A_1418 = arith.constant 64 : i32
      %mul3A_1419 = arith.muli %while3A_1368, %mul3A_1418 : i32
      %add3A_1420 = arith.constant 48 : i32
      %add3A_1421 = arith.addi %mul3A_1419, %add3A_1420 : i32
      %get3A_1422 = arith.index_cast %add3A_1421 : i32 to index
      %get3A_1423 = tpu.vector_load %arg18[%get3A_1422] {strides = array<i32>} : memref<2192xi32, #tpu.memory_space<vmem>>, vector<16xi32>,
      %swap3A_1424 = arith.constant 48 : index
      %swap3A_1425 = tpu.vector_load %arg20[%swap3A_1424] {strides = array<i32>} : memref<64xi32, #tpu.memory_space<vmem>>, vector<16xi32>,
      tpu.vector_store %arg20[%swap3A_1424], %get3A_1423 {strides = array<i32>} : memref<64xi32, #tpu.memory_space<vmem>>, vector<16xi32>,
      %mul3A_1426 = arith.constant 64 : i32
      %mul3A_1427 = arith.muli %while3A_1368, %mul3A_1426 : i32
      %add3A_1428 = arith.constant 48 : i32
      %add3A_1429 = arith.addi %mul3A_1427, %add3A_1428 : i32
      %get3A_1430 = arith.index_cast %add3A_1429 : i32 to index
      %get3A_1431 = tpu.vector_load %arg19[%get3A_1430] {strides = array<i32>} : memref<2192xi32, #tpu.memory_space<vmem>>, vector<16xi32>,
      %swap3A_1432 = arith.constant 48 : index
      %swap3A_1433 = tpu.vector_load %arg21[%swap3A_1432] {strides = array<i32>} : memref<64xi32, #tpu.memory_space<vmem>>, vector<16xi32>,
      tpu.vector_store %arg21[%swap3A_1432], %get3A_1431 {strides = array<i32>} : memref<64xi32, #tpu.memory_space<vmem>>, vector<16xi32>,
      %dma_start3A_1434 = arith.constant 0 : i32
      %dma_start3A_1435 = arith.constant 0 : i32
      %dma_start3A_1436 = tpu.memref_slice %arg6[%dma_start3A_1434, %dma_start3A_1435] : memref<10000x128xf32, #tpu.memory_space<hbm>> -> memref<10000x128xf32, #tpu.memory_space<hbm>>
      tpu.enqueue_indirect_dma source(%dma_start3A_1436 : memref<10000x128xf32, #tpu.memory_space<hbm>>) target(%arg22 : memref<64x128xf32, #tpu.memory_space<vmem>>) offsets(%arg20 : memref<64xi32, #tpu.memory_space<vmem>>) semaphore(%arg31 : memref<!tpu.dma_semaphore, #tpu.memory_space<semaphore_mem>>)
      %dma_wait3A_1437 = arith.constant 0 : i32
      %dma_wait3A_1438 = arith.constant 0 : i32
      %dma_wait3A_1439 = tpu.memref_slice %arg6[%dma_wait3A_1437, %dma_wait3A_1438] : memref<10000x128xf32, #tpu.memory_space<hbm>> -> memref<10000x128xf32, #tpu.memory_space<hbm>>
      tpu.wait_indirect_dma semaphore(%arg31 : memref<!tpu.dma_semaphore, #tpu.memory_space<semaphore_mem>>) src(%dma_wait3A_1439 : memref<10000x128xf32, #tpu.memory_space<hbm>>) dst(%arg22 : memref<64x128xf32, #tpu.memory_space<vmem>>)
      "tpu.region"() ({
        %run_scoped3A = tpu.sem_alloc : memref<!tpu.dma_semaphore, #tpu.memory_space<semaphore_mem>>
        %dma_start3A_1441 = arith.constant 0 : i32
        %dma_start3A_1442 = arith.constant 0 : i32
        %dma_start3A_1443 = tpu.memref_slice %arg26[%dma_start3A_1441, %dma_start3A_1442] : memref<4112x128xf32, #tpu.memory_space<vmem_shared>> -> memref<4112x128xf32, #tpu.memory_space<vmem_shared>>
        tpu.enqueue_indirect_dma source(%arg22 : memref<64x128xf32, #tpu.memory_space<vmem>>) target(%dma_start3A_1443 : memref<4112x128xf32, #tpu.memory_space<vmem_shared>>) offsets(%arg21 : memref<64xi32, #tpu.memory_space<vmem>>) semaphore(%run_scoped3A : memref<!tpu.dma_semaphore, #tpu.memory_space<semaphore_mem>>) {add = true}
        %dma_wait3A_1444 = arith.constant 0 : i32
        %dma_wait3A_1445 = arith.constant 0 : i32
        %dma_wait3A_1446 = tpu.memref_slice %arg26[%dma_wait3A_1444, %dma_wait3A_1445] : memref<4112x128xf32, #tpu.memory_space<vmem_shared>> -> memref<4112x128xf32, #tpu.memory_space<vmem_shared>>
        tpu.wait_indirect_dma semaphore(%run_scoped3A : memref<!tpu.dma_semaphore, #tpu.memory_space<semaphore_mem>>) src(%arg22 : memref<64x128xf32, #tpu.memory_space<vmem>>) dst(%dma_wait3A_1446 : memref<4112x128xf32, #tpu.memory_space<vmem_shared>>)
        tpu.yield
      }) : () -> ()
      "tpu.region"() ({
        %run_scoped3A = tpu.sem_alloc : memref<!tpu.dma_semaphore, #tpu.memory_space<semaphore_mem>>
        %dma_start3A_1441 = arith.constant 0 : i32
        %dma_start3A_1442 = tpu.memref_slice %arg27[%dma_start3A_1441] : memref<4224xf32, #tpu.memory_space<vmem_shared>> -> memref<4224xf32, #tpu.memory_space<vmem_shared>>
        tpu.enqueue_indirect_dma source(%arg23 : memref<64xf32, #tpu.memory_space<vmem>>) target(%dma_start3A_1442 : memref<4224xf32, #tpu.memory_space<vmem_shared>>) offsets(%arg21 : memref<64xi32, #tpu.memory_space<vmem>>) semaphore(%run_scoped3A : memref<!tpu.dma_semaphore, #tpu.memory_space<semaphore_mem>>) {add = true}
        %dma_wait3A_1443 = arith.constant 0 : i32
        %dma_wait3A_1444 = tpu.memref_slice %arg27[%dma_wait3A_1443] : memref<4224xf32, #tpu.memory_space<vmem_shared>> -> memref<4224xf32, #tpu.memory_space<vmem_shared>>
        tpu.wait_indirect_dma semaphore(%run_scoped3A : memref<!tpu.dma_semaphore, #tpu.memory_space<semaphore_mem>>) src(%arg23 : memref<64xf32, #tpu.memory_space<vmem>>) dst(%dma_wait3A_1444 : memref<4224xf32, #tpu.memory_space<vmem_shared>>)
        tpu.yield
      }) : () -> ()
      %while3A_1440 = arith.constant 0 : i32
      scf.yield %while3A_1440 : i32
    }
    %mul3A_556 = arith.constant 64 : i32
    %mul3A_557 = arith.muli %select_n3A_543, %mul3A_556 : i32
    %add3A_558 = arith.constant 0 : i32
    %add3A_559 = arith.addi %mul3A_557, %add3A_558 : i32
    %get3A_560 = arith.index_cast %add3A_559 : i32 to index
    %get3A_561 = tpu.vector_load %arg18[%get3A_560] {strides = array<i32>} : memref<2192xi32, #tpu.memory_space<vmem>>, vector<16xi32>,
    %mul3A_562 = arith.constant 64 : i32
    %mul3A_563 = arith.muli %select_n3A_543, %mul3A_562 : i32
    %add3A_564 = arith.constant 0 : i32
    %add3A_565 = arith.addi %mul3A_563, %add3A_564 : i32
    %get3A_566 = arith.index_cast %add3A_565 : i32 to index
    %get3A_567 = tpu.vector_load %arg19[%get3A_566] {strides = array<i32>} : memref<2192xi32, #tpu.memory_space<vmem>>, vector<16xi32>,
    %swap3A_568 = arith.constant 0 : index
    %swap3A_569 = tpu.vector_load %arg18[%swap3A_568] {strides = array<i32>} : memref<2192xi32, #tpu.memory_space<vmem>>, vector<16xi32>,
    tpu.vector_store %arg18[%swap3A_568], %get3A_561 {strides = array<i32>} : memref<2192xi32, #tpu.memory_space<vmem>>, vector<16xi32>,
    %swap3A_570 = arith.constant 0 : index
    %swap3A_571 = tpu.vector_load %arg19[%swap3A_570] {strides = array<i32>} : memref<2192xi32, #tpu.memory_space<vmem>>, vector<16xi32>,
    tpu.vector_store %arg19[%swap3A_570], %get3A_567 {strides = array<i32>} : memref<2192xi32, #tpu.memory_space<vmem>>, vector<16xi32>,
    %mul3A_572 = arith.constant 64 : i32
    %mul3A_573 = arith.muli %select_n3A_543, %mul3A_572 : i32
    %add3A_574 = arith.constant 16 : i32
    %add3A_575 = arith.addi %mul3A_573, %add3A_574 : i32
    %get3A_576 = arith.index_cast %add3A_575 : i32 to index
    %get3A_577 = tpu.vector_load %arg18[%get3A_576] {strides = array<i32>} : memref<2192xi32, #tpu.memory_space<vmem>>, vector<16xi32>,
    %mul3A_578 = arith.constant 64 : i32
    %mul3A_579 = arith.muli %select_n3A_543, %mul3A_578 : i32
    %add3A_580 = arith.constant 16 : i32
    %add3A_581 = arith.addi %mul3A_579, %add3A_580 : i32
    %get3A_582 = arith.index_cast %add3A_581 : i32 to index
    %get3A_583 = tpu.vector_load %arg19[%get3A_582] {strides = array<i32>} : memref<2192xi32, #tpu.memory_space<vmem>>, vector<16xi32>,
    %swap3A_584 = arith.constant 16 : index
    %swap3A_585 = tpu.vector_load %arg18[%swap3A_584] {strides = array<i32>} : memref<2192xi32, #tpu.memory_space<vmem>>, vector<16xi32>,
    tpu.vector_store %arg18[%swap3A_584], %get3A_577 {strides = array<i32>} : memref<2192xi32, #tpu.memory_space<vmem>>, vector<16xi32>,
    %swap3A_586 = arith.constant 16 : index
    %swap3A_587 = tpu.vector_load %arg19[%swap3A_586] {strides = array<i32>} : memref<2192xi32, #tpu.memory_space<vmem>>, vector<16xi32>,
    tpu.vector_store %arg19[%swap3A_586], %get3A_583 {strides = array<i32>} : memref<2192xi32, #tpu.memory_space<vmem>>, vector<16xi32>,
    %mul3A_588 = arith.constant 64 : i32
    %mul3A_589 = arith.muli %select_n3A_543, %mul3A_588 : i32
    %add3A_590 = arith.constant 32 : i32
    %add3A_591 = arith.addi %mul3A_589, %add3A_590 : i32
    %get3A_592 = arith.index_cast %add3A_591 : i32 to index
    %get3A_593 = tpu.vector_load %arg18[%get3A_592] {strides = array<i32>} : memref<2192xi32, #tpu.memory_space<vmem>>, vector<16xi32>,
    %mul3A_594 = arith.constant 64 : i32
    %mul3A_595 = arith.muli %select_n3A_543, %mul3A_594 : i32
    %add3A_596 = arith.constant 32 : i32
    %add3A_597 = arith.addi %mul3A_595, %add3A_596 : i32
    %get3A_598 = arith.index_cast %add3A_597 : i32 to index
    %get3A_599 = tpu.vector_load %arg19[%get3A_598] {strides = array<i32>} : memref<2192xi32, #tpu.memory_space<vmem>>, vector<16xi32>,
    %swap3A_600 = arith.constant 32 : index
    %swap3A_601 = tpu.vector_load %arg18[%swap3A_600] {strides = array<i32>} : memref<2192xi32, #tpu.memory_space<vmem>>, vector<16xi32>,
    tpu.vector_store %arg18[%swap3A_600], %get3A_593 {strides = array<i32>} : memref<2192xi32, #tpu.memory_space<vmem>>, vector<16xi32>,
    %swap3A_602 = arith.constant 32 : index
    %swap3A_603 = tpu.vector_load %arg19[%swap3A_602] {strides = array<i32>} : memref<2192xi32, #tpu.memory_space<vmem>>, vector<16xi32>,
    tpu.vector_store %arg19[%swap3A_602], %get3A_599 {strides = array<i32>} : memref<2192xi32, #tpu.memory_space<vmem>>, vector<16xi32>,
    %mul3A_604 = arith.constant 64 : i32
    %mul3A_605 = arith.muli %select_n3A_543, %mul3A_604 : i32
    %add3A_606 = arith.constant 48 : i32
    %add3A_607 = arith.addi %mul3A_605, %add3A_606 : i32
    %get3A_608 = arith.index_cast %add3A_607 : i32 to index
    %get3A_609 = tpu.vector_load %arg18[%get3A_608] {strides = array<i32>} : memref<2192xi32, #tpu.memory_space<vmem>>, vector<16xi32>,
    %mul3A_610 = arith.constant 64 : i32
    %mul3A_611 = arith.muli %select_n3A_543, %mul3A_610 : i32
    %add3A_612 = arith.constant 48 : i32
    %add3A_613 = arith.addi %mul3A_611, %add3A_612 : i32
    %get3A_614 = arith.index_cast %add3A_613 : i32 to index
    %get3A_615 = tpu.vector_load %arg19[%get3A_614] {strides = array<i32>} : memref<2192xi32, #tpu.memory_space<vmem>>, vector<16xi32>,
    %swap3A_616 = arith.constant 48 : index
    %swap3A_617 = tpu.vector_load %arg18[%swap3A_616] {strides = array<i32>} : memref<2192xi32, #tpu.memory_space<vmem>>, vector<16xi32>,
    tpu.vector_store %arg18[%swap3A_616], %get3A_609 {strides = array<i32>} : memref<2192xi32, #tpu.memory_space<vmem>>, vector<16xi32>,
    %swap3A_618 = arith.constant 48 : index
    %swap3A_619 = tpu.vector_load %arg19[%swap3A_618] {strides = array<i32>} : memref<2192xi32, #tpu.memory_space<vmem>>, vector<16xi32>,
    tpu.vector_store %arg19[%swap3A_618], %get3A_615 {strides = array<i32>} : memref<2192xi32, #tpu.memory_space<vmem>>, vector<16xi32>,
    %mul3A_620 = arith.constant 64 : i32
    %mul3A_621 = arith.muli %select_n3A_543, %mul3A_620 : i32
    %sub3A_622 = arith.subi %scan3A_518, %mul3A_621 : i32
    %mul3A_623 = arith.constant 20000 : i32
    %mul3A_624 = arith.muli %arg1, %mul3A_623 : i32
    %add3A_625 = arith.constant 12000 : i32
    %add3A_626 = arith.addi %mul3A_624, %add3A_625 : i32
    %dma_start3A_627 = tpu.memref_slice %arg3[%add3A_626] : memref<320000xi32, #tpu.memory_space<hbm>> -> memref<2000xi32, #tpu.memory_space<hbm>>
    %dma_start3A_628 = tpu.memref_slice %arg3[%add3A_626] : memref<320000xi32, #tpu.memory_space<hbm>> -> memref<2000xi32, #tpu.memory_space<hbm>>
    tpu.enqueue_dma source(%dma_start3A_628 : memref<2000xi32, #tpu.memory_space<hbm>>) target(%arg14 : memref<2000xi32, #tpu.memory_space<vmem>>) target_semaphore(%arg28 : memref<!tpu.dma_semaphore, #tpu.memory_space<semaphore_mem>>)
    %dma_start3A_629 = tpu.memref_slice %arg4[%add3A_626] : memref<320000xi32, #tpu.memory_space<hbm>> -> memref<2000xi32, #tpu.memory_space<hbm>>
    %dma_start3A_630 = tpu.memref_slice %arg4[%add3A_626] : memref<320000xi32, #tpu.memory_space<hbm>> -> memref<2000xi32, #tpu.memory_space<hbm>>
    tpu.enqueue_dma source(%dma_start3A_630 : memref<2000xi32, #tpu.memory_space<hbm>>) target(%arg15 : memref<2000xi32, #tpu.memory_space<vmem>>) target_semaphore(%arg28 : memref<!tpu.dma_semaphore, #tpu.memory_space<semaphore_mem>>)
    %dma_wait3A_631 = tpu.memref_slice %arg3[%add3A_505] : memref<320000xi32, #tpu.memory_space<hbm>> -> memref<2000xi32, #tpu.memory_space<hbm>>
    %dma_wait3A_632 = tpu.memref_slice %arg3[%add3A_505] : memref<320000xi32, #tpu.memory_space<hbm>> -> memref<2000xi32, #tpu.memory_space<hbm>>
    tpu.wait_dma2 semaphore(%arg29 : memref<!tpu.dma_semaphore, #tpu.memory_space<semaphore_mem>>) src(%dma_wait3A_632 : memref<2000xi32, #tpu.memory_space<hbm>>) dst(%arg16 : memref<2000xi32, #tpu.memory_space<vmem>>)
    %dma_wait3A_633 = tpu.memref_slice %arg4[%add3A_505] : memref<320000xi32, #tpu.memory_space<hbm>> -> memref<2000xi32, #tpu.memory_space<hbm>>
    %dma_wait3A_634 = tpu.memref_slice %arg4[%add3A_505] : memref<320000xi32, #tpu.memory_space<hbm>> -> memref<2000xi32, #tpu.memory_space<hbm>>
    tpu.wait_dma2 semaphore(%arg29 : memref<!tpu.dma_semaphore, #tpu.memory_space<semaphore_mem>>) src(%dma_wait3A_634 : memref<2000xi32, #tpu.memory_space<hbm>>) dst(%arg17 : memref<2000xi32, #tpu.memory_space<vmem>>)
    %scan3A_635 = arith.constant 0 : i32
    %scan3A_636 = arith.constant 125 : i32
    %scan3A_637 = arith.addi %scan3A_635, %scan3A_636 : i32
    %scan3A_638 = arith.constant 1 : i32
    %scan3A_639 = scf.for %scan3A_1368 = %scan3A_635 to %scan3A_637 step %scan3A_638 iter_args(%scan3A_1369 = %sub3A_622) -> (i32)  : i32 {
      %mul3A_1370 = arith.constant 16 : i32
      %mul3A_1371 = arith.muli %scan3A_1368, %mul3A_1370 : i32
      %get3A_1372 = arith.index_cast %mul3A_1371 : i32 to index
      %get3A_1373 = tpu.vector_load %arg17[%get3A_1372] {strides = array<i32>} : memref<2000xi32, #tpu.memory_space<vmem>>, vector<16xi32>,
      %get3A_1374 = arith.index_cast %mul3A_1371 : i32 to index
      %get3A_1375 = tpu.vector_load %arg16[%get3A_1374] {strides = array<i32>} : memref<2000xi32, #tpu.memory_space<vmem>>, vector<16xi32>,
      %shift_right_logical3A = arith.constant 3 : i32
      %shift_right_logical3A_1376 = vector.broadcast %shift_right_logical3A : i32 to vector<16xi32>
      %shift_right_logical3A_1377 = arith.shrui %get3A_1373, %shift_right_logical3A_1376 : vector<16xi32>
      %and3A_1378 = arith.constant 7 : i32
      %and3A_1379 = vector.broadcast %and3A_1378 : i32 to vector<16xi32>
      %and3A_1380 = arith.andi %get3A_1373, %and3A_1379 : vector<16xi32>
      %gather3A = tpu.vector_load_idx %arg13[%shift_right_logical3A_1377] : memref<10000xi32, #tpu.memory_space<vmem>>[vector<16xi32>], vector<16xi32>,
      %ge3A = arith.constant 0 : i32
      %ge3A_1381 = vector.broadcast %ge3A : i32 to vector<16xi32>
      %ge3A_1382 = arith.cmpi sge, %gather3A, %ge3A_1381 : vector<16xi32>
      %and3A_1383 = arith.constant 1 : i32
      %and3A_1384 = vector.broadcast %and3A_1383 : i32 to vector<16xi32>
      %and3A_1385 = arith.andi %gather3A, %and3A_1384 : vector<16xi32>
      %eq3A = vector.broadcast %arg0 : i32 to vector<16xi32>
      %eq3A_1386 = arith.cmpi eq, %and3A_1385, %eq3A : vector<16xi32>
      %and3A_1387 = arith.andi %ge3A_1382, %eq3A_1386 : vector<16xi1>
      %shift_right_logical3A_1388 = arith.constant 1 : i32
      %shift_right_logical3A_1389 = vector.broadcast %shift_right_logical3A_1388 : i32 to vector<16xi32>
      %shift_right_logical3A_1390 = arith.shrui %gather3A, %shift_right_logical3A_1389 : vector<16xi32>
      %mul3A_1391 = arith.constant 8 : i32
      %mul3A_1392 = vector.broadcast %mul3A_1391 : i32 to vector<16xi32>
      %mul3A_1393 = arith.muli %shift_right_logical3A_1390, %mul3A_1392 : vector<16xi32>
      %add3A_1394 = arith.addi %mul3A_1393, %and3A_1380 : vector<16xi32>
      %jit3A_1395 = arith.constant 4096 : i32
      %broadcast_in_dim3A_1396 = vector.broadcast %jit3A_1395 : i32 to vector<16xi32>
      %select_n3A_1397 = arith.select %and3A_1387, %add3A_1394, %broadcast_in_dim3A_1396 : vector<16xi1>, vector<16xi32>
      %swap3A_1398 = arith.index_cast %scan3A_1369 : i32 to index
      %swap3A_1399 = tpu.vector_load %arg18[%swap3A_1398] masked %and3A_1387 {strides = array<i32>} : memref<2192xi32, #tpu.memory_space<vmem>>, vector<16xi32>, vector<16xi1>
      tpu.vector_store %arg18[%swap3A_1398], %get3A_1375 masked %and3A_1387 {strides = array<i32>} : memref<2192xi32, #tpu.memory_space<vmem>>, vector<16xi32>, vector<16xi1>
      %swap3A_1400 = arith.index_cast %scan3A_1369 : i32 to index
      %swap3A_1401 = tpu.vector_load %arg19[%swap3A_1400] masked %and3A_1387 {strides = array<i32>} : memref<2192xi32, #tpu.memory_space<vmem>>, vector<16xi32>, vector<16xi1>
      tpu.vector_store %arg19[%swap3A_1400], %select_n3A_1397 masked %and3A_1387 {strides = array<i32>} : memref<2192xi32, #tpu.memory_space<vmem>>, vector<16xi32>, vector<16xi1>
      %convert_element_type3A = arith.extui %and3A_1387 : vector<16xi1> to vector<16xi32>
      %reduce_sum3A = arith.constant true
      %reduce_sum3A_1402 = vector.broadcast %reduce_sum3A : i1 to vector<16xi1>
      %reduce_sum3A_1403 = tpu.scan <sum>, %convert_element_type3A masked %reduce_sum3A_1402 : vector<16xi32>, vector<16xi1> -> vector<16xi32>
      %reduce_sum3A_1404 = vector.extract %reduce_sum3A_1403[15] : i32 from vector<16xi32>
      %add3A_1405 = arith.addi %scan3A_1369, %reduce_sum3A_1404 : i32
      scf.yield %add3A_1405 : i32
    }
    %scan3A_640 = arith.constant 125 : i32
    %jit3A_641 = arith.constant 64 : i32
    %div3A_642 = arith.divsi %scan3A_639, %jit3A_641 : i32
    %sign3A_643 = arith.constant 0 : i32
    %sign3A_644 = arith.cmpi sgt, %scan3A_639, %sign3A_643 : i32
    %sign3A_645 = arith.extui %sign3A_644 : i1 to i32
    %sign3A_646 = arith.constant 0 : i32
    %sign3A_647 = arith.cmpi slt, %scan3A_639, %sign3A_646 : i32
    %sign3A_648 = arith.extui %sign3A_647 : i1 to i32
    %sign3A_649 = arith.subi %sign3A_645, %sign3A_648 : i32
    %sign3A_650 = arith.constant 0 : i32
    %sign3A_651 = arith.cmpi sgt, %jit3A_641, %sign3A_650 : i32
    %sign3A_652 = arith.extui %sign3A_651 : i1 to i32
    %sign3A_653 = arith.constant 0 : i32
    %sign3A_654 = arith.cmpi slt, %jit3A_641, %sign3A_653 : i32
    %sign3A_655 = arith.extui %sign3A_654 : i1 to i32
    %sign3A_656 = arith.subi %sign3A_652, %sign3A_655 : i32
    %ne3A_657 = arith.cmpi ne, %sign3A_649, %sign3A_656 : i32
    %rem3A_658 = arith.remsi %scan3A_639, %jit3A_641 : i32
    %ne3A_659 = arith.constant 0 : i32
    %ne3A_660 = arith.cmpi ne, %rem3A_658, %ne3A_659 : i32
    %and3A_661 = arith.andi %ne3A_657, %ne3A_660 : i1
    %sub3A_662 = arith.constant 1 : i32
    %sub3A_663 = arith.subi %div3A_642, %sub3A_662 : i32
    %select_n3A_664 = arith.select %and3A_661, %sub3A_663, %div3A_642 : i32
    %while3A_665 = arith.constant 0 : i32
    %while3A_666 = arith.constant 0 : i32
    %while3A_667 = arith.subi %select_n3A_664, %while3A_665 : i32
    %while3A_668 = arith.addi %while3A_665, %while3A_667 : i32
    %while3A_669 = arith.constant 1 : i32
    %while3A_670 = arith.divsi %while3A_667, %while3A_669 : i32
    %while3A_671 = arith.muli %while3A_670, %while3A_669 : i32
    %while3A_672 = arith.addi %while3A_665, %while3A_671 : i32
    %while3A_673 = arith.constant 1 : i32
    %while3A_674 = scf.for %while3A_1368 = %while3A_665 to %while3A_672 step %while3A_673 iter_args(%while3A_1369 = %while3A_666) -> (i32)  : i32 {
      %mul3A_1370 = arith.constant 64 : i32
      %mul3A_1371 = arith.muli %while3A_1368, %mul3A_1370 : i32
      %add3A_1372 = arith.constant 0 : i32
      %add3A_1373 = arith.addi %mul3A_1371, %add3A_1372 : i32
      %get3A_1374 = arith.index_cast %add3A_1373 : i32 to index
      %get3A_1375 = tpu.vector_load %arg18[%get3A_1374] {strides = array<i32>} : memref<2192xi32, #tpu.memory_space<vmem>>, vector<16xi32>,
      %swap3A_1376 = arith.constant 0 : index
      %swap3A_1377 = tpu.vector_load %arg20[%swap3A_1376] {strides = array<i32>} : memref<64xi32, #tpu.memory_space<vmem>>, vector<16xi32>,
      tpu.vector_store %arg20[%swap3A_1376], %get3A_1375 {strides = array<i32>} : memref<64xi32, #tpu.memory_space<vmem>>, vector<16xi32>,
      %mul3A_1378 = arith.constant 64 : i32
      %mul3A_1379 = arith.muli %while3A_1368, %mul3A_1378 : i32
      %add3A_1380 = arith.constant 0 : i32
      %add3A_1381 = arith.addi %mul3A_1379, %add3A_1380 : i32
      %get3A_1382 = arith.index_cast %add3A_1381 : i32 to index
      %get3A_1383 = tpu.vector_load %arg19[%get3A_1382] {strides = array<i32>} : memref<2192xi32, #tpu.memory_space<vmem>>, vector<16xi32>,
      %swap3A_1384 = arith.constant 0 : index
      %swap3A_1385 = tpu.vector_load %arg21[%swap3A_1384] {strides = array<i32>} : memref<64xi32, #tpu.memory_space<vmem>>, vector<16xi32>,
      tpu.vector_store %arg21[%swap3A_1384], %get3A_1383 {strides = array<i32>} : memref<64xi32, #tpu.memory_space<vmem>>, vector<16xi32>,
      %mul3A_1386 = arith.constant 64 : i32
      %mul3A_1387 = arith.muli %while3A_1368, %mul3A_1386 : i32
      %add3A_1388 = arith.constant 16 : i32
      %add3A_1389 = arith.addi %mul3A_1387, %add3A_1388 : i32
      %get3A_1390 = arith.index_cast %add3A_1389 : i32 to index
      %get3A_1391 = tpu.vector_load %arg18[%get3A_1390] {strides = array<i32>} : memref<2192xi32, #tpu.memory_space<vmem>>, vector<16xi32>,
      %swap3A_1392 = arith.constant 16 : index
      %swap3A_1393 = tpu.vector_load %arg20[%swap3A_1392] {strides = array<i32>} : memref<64xi32, #tpu.memory_space<vmem>>, vector<16xi32>,
      tpu.vector_store %arg20[%swap3A_1392], %get3A_1391 {strides = array<i32>} : memref<64xi32, #tpu.memory_space<vmem>>, vector<16xi32>,
      %mul3A_1394 = arith.constant 64 : i32
      %mul3A_1395 = arith.muli %while3A_1368, %mul3A_1394 : i32
      %add3A_1396 = arith.constant 16 : i32
      %add3A_1397 = arith.addi %mul3A_1395, %add3A_1396 : i32
      %get3A_1398 = arith.index_cast %add3A_1397 : i32 to index
      %get3A_1399 = tpu.vector_load %arg19[%get3A_1398] {strides = array<i32>} : memref<2192xi32, #tpu.memory_space<vmem>>, vector<16xi32>,
      %swap3A_1400 = arith.constant 16 : index
      %swap3A_1401 = tpu.vector_load %arg21[%swap3A_1400] {strides = array<i32>} : memref<64xi32, #tpu.memory_space<vmem>>, vector<16xi32>,
      tpu.vector_store %arg21[%swap3A_1400], %get3A_1399 {strides = array<i32>} : memref<64xi32, #tpu.memory_space<vmem>>, vector<16xi32>,
      %mul3A_1402 = arith.constant 64 : i32
      %mul3A_1403 = arith.muli %while3A_1368, %mul3A_1402 : i32
      %add3A_1404 = arith.constant 32 : i32
      %add3A_1405 = arith.addi %mul3A_1403, %add3A_1404 : i32
      %get3A_1406 = arith.index_cast %add3A_1405 : i32 to index
      %get3A_1407 = tpu.vector_load %arg18[%get3A_1406] {strides = array<i32>} : memref<2192xi32, #tpu.memory_space<vmem>>, vector<16xi32>,
      %swap3A_1408 = arith.constant 32 : index
      %swap3A_1409 = tpu.vector_load %arg20[%swap3A_1408] {strides = array<i32>} : memref<64xi32, #tpu.memory_space<vmem>>, vector<16xi32>,
      tpu.vector_store %arg20[%swap3A_1408], %get3A_1407 {strides = array<i32>} : memref<64xi32, #tpu.memory_space<vmem>>, vector<16xi32>,
      %mul3A_1410 = arith.constant 64 : i32
      %mul3A_1411 = arith.muli %while3A_1368, %mul3A_1410 : i32
      %add3A_1412 = arith.constant 32 : i32
      %add3A_1413 = arith.addi %mul3A_1411, %add3A_1412 : i32
      %get3A_1414 = arith.index_cast %add3A_1413 : i32 to index
      %get3A_1415 = tpu.vector_load %arg19[%get3A_1414] {strides = array<i32>} : memref<2192xi32, #tpu.memory_space<vmem>>, vector<16xi32>,
      %swap3A_1416 = arith.constant 32 : index
      %swap3A_1417 = tpu.vector_load %arg21[%swap3A_1416] {strides = array<i32>} : memref<64xi32, #tpu.memory_space<vmem>>, vector<16xi32>,
      tpu.vector_store %arg21[%swap3A_1416], %get3A_1415 {strides = array<i32>} : memref<64xi32, #tpu.memory_space<vmem>>, vector<16xi32>,
      %mul3A_1418 = arith.constant 64 : i32
      %mul3A_1419 = arith.muli %while3A_1368, %mul3A_1418 : i32
      %add3A_1420 = arith.constant 48 : i32
      %add3A_1421 = arith.addi %mul3A_1419, %add3A_1420 : i32
      %get3A_1422 = arith.index_cast %add3A_1421 : i32 to index
      %get3A_1423 = tpu.vector_load %arg18[%get3A_1422] {strides = array<i32>} : memref<2192xi32, #tpu.memory_space<vmem>>, vector<16xi32>,
      %swap3A_1424 = arith.constant 48 : index
      %swap3A_1425 = tpu.vector_load %arg20[%swap3A_1424] {strides = array<i32>} : memref<64xi32, #tpu.memory_space<vmem>>, vector<16xi32>,
      tpu.vector_store %arg20[%swap3A_1424], %get3A_1423 {strides = array<i32>} : memref<64xi32, #tpu.memory_space<vmem>>, vector<16xi32>,
      %mul3A_1426 = arith.constant 64 : i32
      %mul3A_1427 = arith.muli %while3A_1368, %mul3A_1426 : i32
      %add3A_1428 = arith.constant 48 : i32
      %add3A_1429 = arith.addi %mul3A_1427, %add3A_1428 : i32
      %get3A_1430 = arith.index_cast %add3A_1429 : i32 to index
      %get3A_1431 = tpu.vector_load %arg19[%get3A_1430] {strides = array<i32>} : memref<2192xi32, #tpu.memory_space<vmem>>, vector<16xi32>,
      %swap3A_1432 = arith.constant 48 : index
      %swap3A_1433 = tpu.vector_load %arg21[%swap3A_1432] {strides = array<i32>} : memref<64xi32, #tpu.memory_space<vmem>>, vector<16xi32>,
      tpu.vector_store %arg21[%swap3A_1432], %get3A_1431 {strides = array<i32>} : memref<64xi32, #tpu.memory_space<vmem>>, vector<16xi32>,
      %dma_start3A_1434 = arith.constant 0 : i32
      %dma_start3A_1435 = arith.constant 0 : i32
      %dma_start3A_1436 = tpu.memref_slice %arg6[%dma_start3A_1434, %dma_start3A_1435] : memref<10000x128xf32, #tpu.memory_space<hbm>> -> memref<10000x128xf32, #tpu.memory_space<hbm>>
      tpu.enqueue_indirect_dma source(%dma_start3A_1436 : memref<10000x128xf32, #tpu.memory_space<hbm>>) target(%arg22 : memref<64x128xf32, #tpu.memory_space<vmem>>) offsets(%arg20 : memref<64xi32, #tpu.memory_space<vmem>>) semaphore(%arg31 : memref<!tpu.dma_semaphore, #tpu.memory_space<semaphore_mem>>)
      %dma_wait3A_1437 = arith.constant 0 : i32
      %dma_wait3A_1438 = arith.constant 0 : i32
      %dma_wait3A_1439 = tpu.memref_slice %arg6[%dma_wait3A_1437, %dma_wait3A_1438] : memref<10000x128xf32, #tpu.memory_space<hbm>> -> memref<10000x128xf32, #tpu.memory_space<hbm>>
      tpu.wait_indirect_dma semaphore(%arg31 : memref<!tpu.dma_semaphore, #tpu.memory_space<semaphore_mem>>) src(%dma_wait3A_1439 : memref<10000x128xf32, #tpu.memory_space<hbm>>) dst(%arg22 : memref<64x128xf32, #tpu.memory_space<vmem>>)
      "tpu.region"() ({
        %run_scoped3A = tpu.sem_alloc : memref<!tpu.dma_semaphore, #tpu.memory_space<semaphore_mem>>
        %dma_start3A_1441 = arith.constant 0 : i32
        %dma_start3A_1442 = arith.constant 0 : i32
        %dma_start3A_1443 = tpu.memref_slice %arg26[%dma_start3A_1441, %dma_start3A_1442] : memref<4112x128xf32, #tpu.memory_space<vmem_shared>> -> memref<4112x128xf32, #tpu.memory_space<vmem_shared>>
        tpu.enqueue_indirect_dma source(%arg22 : memref<64x128xf32, #tpu.memory_space<vmem>>) target(%dma_start3A_1443 : memref<4112x128xf32, #tpu.memory_space<vmem_shared>>) offsets(%arg21 : memref<64xi32, #tpu.memory_space<vmem>>) semaphore(%run_scoped3A : memref<!tpu.dma_semaphore, #tpu.memory_space<semaphore_mem>>) {add = true}
        %dma_wait3A_1444 = arith.constant 0 : i32
        %dma_wait3A_1445 = arith.constant 0 : i32
        %dma_wait3A_1446 = tpu.memref_slice %arg26[%dma_wait3A_1444, %dma_wait3A_1445] : memref<4112x128xf32, #tpu.memory_space<vmem_shared>> -> memref<4112x128xf32, #tpu.memory_space<vmem_shared>>
        tpu.wait_indirect_dma semaphore(%run_scoped3A : memref<!tpu.dma_semaphore, #tpu.memory_space<semaphore_mem>>) src(%arg22 : memref<64x128xf32, #tpu.memory_space<vmem>>) dst(%dma_wait3A_1446 : memref<4112x128xf32, #tpu.memory_space<vmem_shared>>)
        tpu.yield
      }) : () -> ()
      "tpu.region"() ({
        %run_scoped3A = tpu.sem_alloc : memref<!tpu.dma_semaphore, #tpu.memory_space<semaphore_mem>>
        %dma_start3A_1441 = arith.constant 0 : i32
        %dma_start3A_1442 = tpu.memref_slice %arg27[%dma_start3A_1441] : memref<4224xf32, #tpu.memory_space<vmem_shared>> -> memref<4224xf32, #tpu.memory_space<vmem_shared>>
        tpu.enqueue_indirect_dma source(%arg23 : memref<64xf32, #tpu.memory_space<vmem>>) target(%dma_start3A_1442 : memref<4224xf32, #tpu.memory_space<vmem_shared>>) offsets(%arg21 : memref<64xi32, #tpu.memory_space<vmem>>) semaphore(%run_scoped3A : memref<!tpu.dma_semaphore, #tpu.memory_space<semaphore_mem>>) {add = true}
        %dma_wait3A_1443 = arith.constant 0 : i32
        %dma_wait3A_1444 = tpu.memref_slice %arg27[%dma_wait3A_1443] : memref<4224xf32, #tpu.memory_space<vmem_shared>> -> memref<4224xf32, #tpu.memory_space<vmem_shared>>
        tpu.wait_indirect_dma semaphore(%run_scoped3A : memref<!tpu.dma_semaphore, #tpu.memory_space<semaphore_mem>>) src(%arg23 : memref<64xf32, #tpu.memory_space<vmem>>) dst(%dma_wait3A_1444 : memref<4224xf32, #tpu.memory_space<vmem_shared>>)
        tpu.yield
      }) : () -> ()
      %while3A_1440 = arith.constant 0 : i32
      scf.yield %while3A_1440 : i32
    }
    %while3A_675 = arith.constant 1 : i32
    %while3A_676 = scf.for %while3A_1368 = %while3A_672 to %while3A_668 step %while3A_675 iter_args(%while3A_1369 = %while3A_674) -> (i32)  : i32 {
      %mul3A_1370 = arith.constant 64 : i32
      %mul3A_1371 = arith.muli %while3A_1368, %mul3A_1370 : i32
      %add3A_1372 = arith.constant 0 : i32
      %add3A_1373 = arith.addi %mul3A_1371, %add3A_1372 : i32
      %get3A_1374 = arith.index_cast %add3A_1373 : i32 to index
      %get3A_1375 = tpu.vector_load %arg18[%get3A_1374] {strides = array<i32>} : memref<2192xi32, #tpu.memory_space<vmem>>, vector<16xi32>,
      %swap3A_1376 = arith.constant 0 : index
      %swap3A_1377 = tpu.vector_load %arg20[%swap3A_1376] {strides = array<i32>} : memref<64xi32, #tpu.memory_space<vmem>>, vector<16xi32>,
      tpu.vector_store %arg20[%swap3A_1376], %get3A_1375 {strides = array<i32>} : memref<64xi32, #tpu.memory_space<vmem>>, vector<16xi32>,
      %mul3A_1378 = arith.constant 64 : i32
      %mul3A_1379 = arith.muli %while3A_1368, %mul3A_1378 : i32
      %add3A_1380 = arith.constant 0 : i32
      %add3A_1381 = arith.addi %mul3A_1379, %add3A_1380 : i32
      %get3A_1382 = arith.index_cast %add3A_1381 : i32 to index
      %get3A_1383 = tpu.vector_load %arg19[%get3A_1382] {strides = array<i32>} : memref<2192xi32, #tpu.memory_space<vmem>>, vector<16xi32>,
      %swap3A_1384 = arith.constant 0 : index
      %swap3A_1385 = tpu.vector_load %arg21[%swap3A_1384] {strides = array<i32>} : memref<64xi32, #tpu.memory_space<vmem>>, vector<16xi32>,
      tpu.vector_store %arg21[%swap3A_1384], %get3A_1383 {strides = array<i32>} : memref<64xi32, #tpu.memory_space<vmem>>, vector<16xi32>,
      %mul3A_1386 = arith.constant 64 : i32
      %mul3A_1387 = arith.muli %while3A_1368, %mul3A_1386 : i32
      %add3A_1388 = arith.constant 16 : i32
      %add3A_1389 = arith.addi %mul3A_1387, %add3A_1388 : i32
      %get3A_1390 = arith.index_cast %add3A_1389 : i32 to index
      %get3A_1391 = tpu.vector_load %arg18[%get3A_1390] {strides = array<i32>} : memref<2192xi32, #tpu.memory_space<vmem>>, vector<16xi32>,
      %swap3A_1392 = arith.constant 16 : index
      %swap3A_1393 = tpu.vector_load %arg20[%swap3A_1392] {strides = array<i32>} : memref<64xi32, #tpu.memory_space<vmem>>, vector<16xi32>,
      tpu.vector_store %arg20[%swap3A_1392], %get3A_1391 {strides = array<i32>} : memref<64xi32, #tpu.memory_space<vmem>>, vector<16xi32>,
      %mul3A_1394 = arith.constant 64 : i32
      %mul3A_1395 = arith.muli %while3A_1368, %mul3A_1394 : i32
      %add3A_1396 = arith.constant 16 : i32
      %add3A_1397 = arith.addi %mul3A_1395, %add3A_1396 : i32
      %get3A_1398 = arith.index_cast %add3A_1397 : i32 to index
      %get3A_1399 = tpu.vector_load %arg19[%get3A_1398] {strides = array<i32>} : memref<2192xi32, #tpu.memory_space<vmem>>, vector<16xi32>,
      %swap3A_1400 = arith.constant 16 : index
      %swap3A_1401 = tpu.vector_load %arg21[%swap3A_1400] {strides = array<i32>} : memref<64xi32, #tpu.memory_space<vmem>>, vector<16xi32>,
      tpu.vector_store %arg21[%swap3A_1400], %get3A_1399 {strides = array<i32>} : memref<64xi32, #tpu.memory_space<vmem>>, vector<16xi32>,
      %mul3A_1402 = arith.constant 64 : i32
      %mul3A_1403 = arith.muli %while3A_1368, %mul3A_1402 : i32
      %add3A_1404 = arith.constant 32 : i32
      %add3A_1405 = arith.addi %mul3A_1403, %add3A_1404 : i32
      %get3A_1406 = arith.index_cast %add3A_1405 : i32 to index
      %get3A_1407 = tpu.vector_load %arg18[%get3A_1406] {strides = array<i32>} : memref<2192xi32, #tpu.memory_space<vmem>>, vector<16xi32>,
      %swap3A_1408 = arith.constant 32 : index
      %swap3A_1409 = tpu.vector_load %arg20[%swap3A_1408] {strides = array<i32>} : memref<64xi32, #tpu.memory_space<vmem>>, vector<16xi32>,
      tpu.vector_store %arg20[%swap3A_1408], %get3A_1407 {strides = array<i32>} : memref<64xi32, #tpu.memory_space<vmem>>, vector<16xi32>,
      %mul3A_1410 = arith.constant 64 : i32
      %mul3A_1411 = arith.muli %while3A_1368, %mul3A_1410 : i32
      %add3A_1412 = arith.constant 32 : i32
      %add3A_1413 = arith.addi %mul3A_1411, %add3A_1412 : i32
      %get3A_1414 = arith.index_cast %add3A_1413 : i32 to index
      %get3A_1415 = tpu.vector_load %arg19[%get3A_1414] {strides = array<i32>} : memref<2192xi32, #tpu.memory_space<vmem>>, vector<16xi32>,
      %swap3A_1416 = arith.constant 32 : index
      %swap3A_1417 = tpu.vector_load %arg21[%swap3A_1416] {strides = array<i32>} : memref<64xi32, #tpu.memory_space<vmem>>, vector<16xi32>,
      tpu.vector_store %arg21[%swap3A_1416], %get3A_1415 {strides = array<i32>} : memref<64xi32, #tpu.memory_space<vmem>>, vector<16xi32>,
      %mul3A_1418 = arith.constant 64 : i32
      %mul3A_1419 = arith.muli %while3A_1368, %mul3A_1418 : i32
      %add3A_1420 = arith.constant 48 : i32
      %add3A_1421 = arith.addi %mul3A_1419, %add3A_1420 : i32
      %get3A_1422 = arith.index_cast %add3A_1421 : i32 to index
      %get3A_1423 = tpu.vector_load %arg18[%get3A_1422] {strides = array<i32>} : memref<2192xi32, #tpu.memory_space<vmem>>, vector<16xi32>,
      %swap3A_1424 = arith.constant 48 : index
      %swap3A_1425 = tpu.vector_load %arg20[%swap3A_1424] {strides = array<i32>} : memref<64xi32, #tpu.memory_space<vmem>>, vector<16xi32>,
      tpu.vector_store %arg20[%swap3A_1424], %get3A_1423 {strides = array<i32>} : memref<64xi32, #tpu.memory_space<vmem>>, vector<16xi32>,
      %mul3A_1426 = arith.constant 64 : i32
      %mul3A_1427 = arith.muli %while3A_1368, %mul3A_1426 : i32
      %add3A_1428 = arith.constant 48 : i32
      %add3A_1429 = arith.addi %mul3A_1427, %add3A_1428 : i32
      %get3A_1430 = arith.index_cast %add3A_1429 : i32 to index
      %get3A_1431 = tpu.vector_load %arg19[%get3A_1430] {strides = array<i32>} : memref<2192xi32, #tpu.memory_space<vmem>>, vector<16xi32>,
      %swap3A_1432 = arith.constant 48 : index
      %swap3A_1433 = tpu.vector_load %arg21[%swap3A_1432] {strides = array<i32>} : memref<64xi32, #tpu.memory_space<vmem>>, vector<16xi32>,
      tpu.vector_store %arg21[%swap3A_1432], %get3A_1431 {strides = array<i32>} : memref<64xi32, #tpu.memory_space<vmem>>, vector<16xi32>,
      %dma_start3A_1434 = arith.constant 0 : i32
      %dma_start3A_1435 = arith.constant 0 : i32
      %dma_start3A_1436 = tpu.memref_slice %arg6[%dma_start3A_1434, %dma_start3A_1435] : memref<10000x128xf32, #tpu.memory_space<hbm>> -> memref<10000x128xf32, #tpu.memory_space<hbm>>
      tpu.enqueue_indirect_dma source(%dma_start3A_1436 : memref<10000x128xf32, #tpu.memory_space<hbm>>) target(%arg22 : memref<64x128xf32, #tpu.memory_space<vmem>>) offsets(%arg20 : memref<64xi32, #tpu.memory_space<vmem>>) semaphore(%arg31 : memref<!tpu.dma_semaphore, #tpu.memory_space<semaphore_mem>>)
      %dma_wait3A_1437 = arith.constant 0 : i32
      %dma_wait3A_1438 = arith.constant 0 : i32
      %dma_wait3A_1439 = tpu.memref_slice %arg6[%dma_wait3A_1437, %dma_wait3A_1438] : memref<10000x128xf32, #tpu.memory_space<hbm>> -> memref<10000x128xf32, #tpu.memory_space<hbm>>
      tpu.wait_indirect_dma semaphore(%arg31 : memref<!tpu.dma_semaphore, #tpu.memory_space<semaphore_mem>>) src(%dma_wait3A_1439 : memref<10000x128xf32, #tpu.memory_space<hbm>>) dst(%arg22 : memref<64x128xf32, #tpu.memory_space<vmem>>)
      "tpu.region"() ({
        %run_scoped3A = tpu.sem_alloc : memref<!tpu.dma_semaphore, #tpu.memory_space<semaphore_mem>>
        %dma_start3A_1441 = arith.constant 0 : i32
        %dma_start3A_1442 = arith.constant 0 : i32
        %dma_start3A_1443 = tpu.memref_slice %arg26[%dma_start3A_1441, %dma_start3A_1442] : memref<4112x128xf32, #tpu.memory_space<vmem_shared>> -> memref<4112x128xf32, #tpu.memory_space<vmem_shared>>
        tpu.enqueue_indirect_dma source(%arg22 : memref<64x128xf32, #tpu.memory_space<vmem>>) target(%dma_start3A_1443 : memref<4112x128xf32, #tpu.memory_space<vmem_shared>>) offsets(%arg21 : memref<64xi32, #tpu.memory_space<vmem>>) semaphore(%run_scoped3A : memref<!tpu.dma_semaphore, #tpu.memory_space<semaphore_mem>>) {add = true}
        %dma_wait3A_1444 = arith.constant 0 : i32
        %dma_wait3A_1445 = arith.constant 0 : i32
        %dma_wait3A_1446 = tpu.memref_slice %arg26[%dma_wait3A_1444, %dma_wait3A_1445] : memref<4112x128xf32, #tpu.memory_space<vmem_shared>> -> memref<4112x128xf32, #tpu.memory_space<vmem_shared>>
        tpu.wait_indirect_dma semaphore(%run_scoped3A : memref<!tpu.dma_semaphore, #tpu.memory_space<semaphore_mem>>) src(%arg22 : memref<64x128xf32, #tpu.memory_space<vmem>>) dst(%dma_wait3A_1446 : memref<4112x128xf32, #tpu.memory_space<vmem_shared>>)
        tpu.yield
      }) : () -> ()
      "tpu.region"() ({
        %run_scoped3A = tpu.sem_alloc : memref<!tpu.dma_semaphore, #tpu.memory_space<semaphore_mem>>
        %dma_start3A_1441 = arith.constant 0 : i32
        %dma_start3A_1442 = tpu.memref_slice %arg27[%dma_start3A_1441] : memref<4224xf32, #tpu.memory_space<vmem_shared>> -> memref<4224xf32, #tpu.memory_space<vmem_shared>>
        tpu.enqueue_indirect_dma source(%arg23 : memref<64xf32, #tpu.memory_space<vmem>>) target(%dma_start3A_1442 : memref<4224xf32, #tpu.memory_space<vmem_shared>>) offsets(%arg21 : memref<64xi32, #tpu.memory_space<vmem>>) semaphore(%run_scoped3A : memref<!tpu.dma_semaphore, #tpu.memory_space<semaphore_mem>>) {add = true}
        %dma_wait3A_1443 = arith.constant 0 : i32
        %dma_wait3A_1444 = tpu.memref_slice %arg27[%dma_wait3A_1443] : memref<4224xf32, #tpu.memory_space<vmem_shared>> -> memref<4224xf32, #tpu.memory_space<vmem_shared>>
        tpu.wait_indirect_dma semaphore(%run_scoped3A : memref<!tpu.dma_semaphore, #tpu.memory_space<semaphore_mem>>) src(%arg23 : memref<64xf32, #tpu.memory_space<vmem>>) dst(%dma_wait3A_1444 : memref<4224xf32, #tpu.memory_space<vmem_shared>>)
        tpu.yield
      }) : () -> ()
      %while3A_1440 = arith.constant 0 : i32
      scf.yield %while3A_1440 : i32
    }
    %mul3A_677 = arith.constant 64 : i32
    %mul3A_678 = arith.muli %select_n3A_664, %mul3A_677 : i32
    %add3A_679 = arith.constant 0 : i32
    %add3A_680 = arith.addi %mul3A_678, %add3A_679 : i32
    %get3A_681 = arith.index_cast %add3A_680 : i32 to index
    %get3A_682 = tpu.vector_load %arg18[%get3A_681] {strides = array<i32>} : memref<2192xi32, #tpu.memory_space<vmem>>, vector<16xi32>,
    %mul3A_683 = arith.constant 64 : i32
    %mul3A_684 = arith.muli %select_n3A_664, %mul3A_683 : i32
    %add3A_685 = arith.constant 0 : i32
    %add3A_686 = arith.addi %mul3A_684, %add3A_685 : i32
    %get3A_687 = arith.index_cast %add3A_686 : i32 to index
    %get3A_688 = tpu.vector_load %arg19[%get3A_687] {strides = array<i32>} : memref<2192xi32, #tpu.memory_space<vmem>>, vector<16xi32>,
    %swap3A_689 = arith.constant 0 : index
    %swap3A_690 = tpu.vector_load %arg18[%swap3A_689] {strides = array<i32>} : memref<2192xi32, #tpu.memory_space<vmem>>, vector<16xi32>,
    tpu.vector_store %arg18[%swap3A_689], %get3A_682 {strides = array<i32>} : memref<2192xi32, #tpu.memory_space<vmem>>, vector<16xi32>,
    %swap3A_691 = arith.constant 0 : index
    %swap3A_692 = tpu.vector_load %arg19[%swap3A_691] {strides = array<i32>} : memref<2192xi32, #tpu.memory_space<vmem>>, vector<16xi32>,
    tpu.vector_store %arg19[%swap3A_691], %get3A_688 {strides = array<i32>} : memref<2192xi32, #tpu.memory_space<vmem>>, vector<16xi32>,
    %mul3A_693 = arith.constant 64 : i32
    %mul3A_694 = arith.muli %select_n3A_664, %mul3A_693 : i32
    %add3A_695 = arith.constant 16 : i32
    %add3A_696 = arith.addi %mul3A_694, %add3A_695 : i32
    %get3A_697 = arith.index_cast %add3A_696 : i32 to index
    %get3A_698 = tpu.vector_load %arg18[%get3A_697] {strides = array<i32>} : memref<2192xi32, #tpu.memory_space<vmem>>, vector<16xi32>,
    %mul3A_699 = arith.constant 64 : i32
    %mul3A_700 = arith.muli %select_n3A_664, %mul3A_699 : i32
    %add3A_701 = arith.constant 16 : i32
    %add3A_702 = arith.addi %mul3A_700, %add3A_701 : i32
    %get3A_703 = arith.index_cast %add3A_702 : i32 to index
    %get3A_704 = tpu.vector_load %arg19[%get3A_703] {strides = array<i32>} : memref<2192xi32, #tpu.memory_space<vmem>>, vector<16xi32>,
    %swap3A_705 = arith.constant 16 : index
    %swap3A_706 = tpu.vector_load %arg18[%swap3A_705] {strides = array<i32>} : memref<2192xi32, #tpu.memory_space<vmem>>, vector<16xi32>,
    tpu.vector_store %arg18[%swap3A_705], %get3A_698 {strides = array<i32>} : memref<2192xi32, #tpu.memory_space<vmem>>, vector<16xi32>,
    %swap3A_707 = arith.constant 16 : index
    %swap3A_708 = tpu.vector_load %arg19[%swap3A_707] {strides = array<i32>} : memref<2192xi32, #tpu.memory_space<vmem>>, vector<16xi32>,
    tpu.vector_store %arg19[%swap3A_707], %get3A_704 {strides = array<i32>} : memref<2192xi32, #tpu.memory_space<vmem>>, vector<16xi32>,
    %mul3A_709 = arith.constant 64 : i32
    %mul3A_710 = arith.muli %select_n3A_664, %mul3A_709 : i32
    %add3A_711 = arith.constant 32 : i32
    %add3A_712 = arith.addi %mul3A_710, %add3A_711 : i32
    %get3A_713 = arith.index_cast %add3A_712 : i32 to index
    %get3A_714 = tpu.vector_load %arg18[%get3A_713] {strides = array<i32>} : memref<2192xi32, #tpu.memory_space<vmem>>, vector<16xi32>,
    %mul3A_715 = arith.constant 64 : i32
    %mul3A_716 = arith.muli %select_n3A_664, %mul3A_715 : i32
    %add3A_717 = arith.constant 32 : i32
    %add3A_718 = arith.addi %mul3A_716, %add3A_717 : i32
    %get3A_719 = arith.index_cast %add3A_718 : i32 to index
    %get3A_720 = tpu.vector_load %arg19[%get3A_719] {strides = array<i32>} : memref<2192xi32, #tpu.memory_space<vmem>>, vector<16xi32>,
    %swap3A_721 = arith.constant 32 : index
    %swap3A_722 = tpu.vector_load %arg18[%swap3A_721] {strides = array<i32>} : memref<2192xi32, #tpu.memory_space<vmem>>, vector<16xi32>,
    tpu.vector_store %arg18[%swap3A_721], %get3A_714 {strides = array<i32>} : memref<2192xi32, #tpu.memory_space<vmem>>, vector<16xi32>,
    %swap3A_723 = arith.constant 32 : index
    %swap3A_724 = tpu.vector_load %arg19[%swap3A_723] {strides = array<i32>} : memref<2192xi32, #tpu.memory_space<vmem>>, vector<16xi32>,
    tpu.vector_store %arg19[%swap3A_723], %get3A_720 {strides = array<i32>} : memref<2192xi32, #tpu.memory_space<vmem>>, vector<16xi32>,
    %mul3A_725 = arith.constant 64 : i32
    %mul3A_726 = arith.muli %select_n3A_664, %mul3A_725 : i32
    %add3A_727 = arith.constant 48 : i32
    %add3A_728 = arith.addi %mul3A_726, %add3A_727 : i32
    %get3A_729 = arith.index_cast %add3A_728 : i32 to index
    %get3A_730 = tpu.vector_load %arg18[%get3A_729] {strides = array<i32>} : memref<2192xi32, #tpu.memory_space<vmem>>, vector<16xi32>,
    %mul3A_731 = arith.constant 64 : i32
    %mul3A_732 = arith.muli %select_n3A_664, %mul3A_731 : i32
    %add3A_733 = arith.constant 48 : i32
    %add3A_734 = arith.addi %mul3A_732, %add3A_733 : i32
    %get3A_735 = arith.index_cast %add3A_734 : i32 to index
    %get3A_736 = tpu.vector_load %arg19[%get3A_735] {strides = array<i32>} : memref<2192xi32, #tpu.memory_space<vmem>>, vector<16xi32>,
    %swap3A_737 = arith.constant 48 : index
    %swap3A_738 = tpu.vector_load %arg18[%swap3A_737] {strides = array<i32>} : memref<2192xi32, #tpu.memory_space<vmem>>, vector<16xi32>,
    tpu.vector_store %arg18[%swap3A_737], %get3A_730 {strides = array<i32>} : memref<2192xi32, #tpu.memory_space<vmem>>, vector<16xi32>,
    %swap3A_739 = arith.constant 48 : index
    %swap3A_740 = tpu.vector_load %arg19[%swap3A_739] {strides = array<i32>} : memref<2192xi32, #tpu.memory_space<vmem>>, vector<16xi32>,
    tpu.vector_store %arg19[%swap3A_739], %get3A_736 {strides = array<i32>} : memref<2192xi32, #tpu.memory_space<vmem>>, vector<16xi32>,
    %mul3A_741 = arith.constant 64 : i32
    %mul3A_742 = arith.muli %select_n3A_664, %mul3A_741 : i32
    %sub3A_743 = arith.subi %scan3A_639, %mul3A_742 : i32
    %mul3A_744 = arith.constant 20000 : i32
    %mul3A_745 = arith.muli %arg1, %mul3A_744 : i32
    %add3A_746 = arith.constant 14000 : i32
    %add3A_747 = arith.addi %mul3A_745, %add3A_746 : i32
    %dma_start3A_748 = tpu.memref_slice %arg3[%add3A_747] : memref<320000xi32, #tpu.memory_space<hbm>> -> memref<2000xi32, #tpu.memory_space<hbm>>
    %dma_start3A_749 = tpu.memref_slice %arg3[%add3A_747] : memref<320000xi32, #tpu.memory_space<hbm>> -> memref<2000xi32, #tpu.memory_space<hbm>>
    tpu.enqueue_dma source(%dma_start3A_749 : memref<2000xi32, #tpu.memory_space<hbm>>) target(%arg16 : memref<2000xi32, #tpu.memory_space<vmem>>) target_semaphore(%arg29 : memref<!tpu.dma_semaphore, #tpu.memory_space<semaphore_mem>>)
    %dma_start3A_750 = tpu.memref_slice %arg4[%add3A_747] : memref<320000xi32, #tpu.memory_space<hbm>> -> memref<2000xi32, #tpu.memory_space<hbm>>
    %dma_start3A_751 = tpu.memref_slice %arg4[%add3A_747] : memref<320000xi32, #tpu.memory_space<hbm>> -> memref<2000xi32, #tpu.memory_space<hbm>>
    tpu.enqueue_dma source(%dma_start3A_751 : memref<2000xi32, #tpu.memory_space<hbm>>) target(%arg17 : memref<2000xi32, #tpu.memory_space<vmem>>) target_semaphore(%arg29 : memref<!tpu.dma_semaphore, #tpu.memory_space<semaphore_mem>>)
    %dma_wait3A_752 = tpu.memref_slice %arg3[%add3A_626] : memref<320000xi32, #tpu.memory_space<hbm>> -> memref<2000xi32, #tpu.memory_space<hbm>>
    %dma_wait3A_753 = tpu.memref_slice %arg3[%add3A_626] : memref<320000xi32, #tpu.memory_space<hbm>> -> memref<2000xi32, #tpu.memory_space<hbm>>
    tpu.wait_dma2 semaphore(%arg28 : memref<!tpu.dma_semaphore, #tpu.memory_space<semaphore_mem>>) src(%dma_wait3A_753 : memref<2000xi32, #tpu.memory_space<hbm>>) dst(%arg14 : memref<2000xi32, #tpu.memory_space<vmem>>)
    %dma_wait3A_754 = tpu.memref_slice %arg4[%add3A_626] : memref<320000xi32, #tpu.memory_space<hbm>> -> memref<2000xi32, #tpu.memory_space<hbm>>
    %dma_wait3A_755 = tpu.memref_slice %arg4[%add3A_626] : memref<320000xi32, #tpu.memory_space<hbm>> -> memref<2000xi32, #tpu.memory_space<hbm>>
    tpu.wait_dma2 semaphore(%arg28 : memref<!tpu.dma_semaphore, #tpu.memory_space<semaphore_mem>>) src(%dma_wait3A_755 : memref<2000xi32, #tpu.memory_space<hbm>>) dst(%arg15 : memref<2000xi32, #tpu.memory_space<vmem>>)
    %scan3A_756 = arith.constant 0 : i32
    %scan3A_757 = arith.constant 125 : i32
    %scan3A_758 = arith.addi %scan3A_756, %scan3A_757 : i32
    %scan3A_759 = arith.constant 1 : i32
    %scan3A_760 = scf.for %scan3A_1368 = %scan3A_756 to %scan3A_758 step %scan3A_759 iter_args(%scan3A_1369 = %sub3A_743) -> (i32)  : i32 {
      %mul3A_1370 = arith.constant 16 : i32
      %mul3A_1371 = arith.muli %scan3A_1368, %mul3A_1370 : i32
      %get3A_1372 = arith.index_cast %mul3A_1371 : i32 to index
      %get3A_1373 = tpu.vector_load %arg15[%get3A_1372] {strides = array<i32>} : memref<2000xi32, #tpu.memory_space<vmem>>, vector<16xi32>,
      %get3A_1374 = arith.index_cast %mul3A_1371 : i32 to index
      %get3A_1375 = tpu.vector_load %arg14[%get3A_1374] {strides = array<i32>} : memref<2000xi32, #tpu.memory_space<vmem>>, vector<16xi32>,
      %shift_right_logical3A = arith.constant 3 : i32
      %shift_right_logical3A_1376 = vector.broadcast %shift_right_logical3A : i32 to vector<16xi32>
      %shift_right_logical3A_1377 = arith.shrui %get3A_1373, %shift_right_logical3A_1376 : vector<16xi32>
      %and3A_1378 = arith.constant 7 : i32
      %and3A_1379 = vector.broadcast %and3A_1378 : i32 to vector<16xi32>
      %and3A_1380 = arith.andi %get3A_1373, %and3A_1379 : vector<16xi32>
      %gather3A = tpu.vector_load_idx %arg13[%shift_right_logical3A_1377] : memref<10000xi32, #tpu.memory_space<vmem>>[vector<16xi32>], vector<16xi32>,
      %ge3A = arith.constant 0 : i32
      %ge3A_1381 = vector.broadcast %ge3A : i32 to vector<16xi32>
      %ge3A_1382 = arith.cmpi sge, %gather3A, %ge3A_1381 : vector<16xi32>
      %and3A_1383 = arith.constant 1 : i32
      %and3A_1384 = vector.broadcast %and3A_1383 : i32 to vector<16xi32>
      %and3A_1385 = arith.andi %gather3A, %and3A_1384 : vector<16xi32>
      %eq3A = vector.broadcast %arg0 : i32 to vector<16xi32>
      %eq3A_1386 = arith.cmpi eq, %and3A_1385, %eq3A : vector<16xi32>
      %and3A_1387 = arith.andi %ge3A_1382, %eq3A_1386 : vector<16xi1>
      %shift_right_logical3A_1388 = arith.constant 1 : i32
      %shift_right_logical3A_1389 = vector.broadcast %shift_right_logical3A_1388 : i32 to vector<16xi32>
      %shift_right_logical3A_1390 = arith.shrui %gather3A, %shift_right_logical3A_1389 : vector<16xi32>
      %mul3A_1391 = arith.constant 8 : i32
      %mul3A_1392 = vector.broadcast %mul3A_1391 : i32 to vector<16xi32>
      %mul3A_1393 = arith.muli %shift_right_logical3A_1390, %mul3A_1392 : vector<16xi32>
      %add3A_1394 = arith.addi %mul3A_1393, %and3A_1380 : vector<16xi32>
      %jit3A_1395 = arith.constant 4096 : i32
      %broadcast_in_dim3A_1396 = vector.broadcast %jit3A_1395 : i32 to vector<16xi32>
      %select_n3A_1397 = arith.select %and3A_1387, %add3A_1394, %broadcast_in_dim3A_1396 : vector<16xi1>, vector<16xi32>
      %swap3A_1398 = arith.index_cast %scan3A_1369 : i32 to index
      %swap3A_1399 = tpu.vector_load %arg18[%swap3A_1398] masked %and3A_1387 {strides = array<i32>} : memref<2192xi32, #tpu.memory_space<vmem>>, vector<16xi32>, vector<16xi1>
      tpu.vector_store %arg18[%swap3A_1398], %get3A_1375 masked %and3A_1387 {strides = array<i32>} : memref<2192xi32, #tpu.memory_space<vmem>>, vector<16xi32>, vector<16xi1>
      %swap3A_1400 = arith.index_cast %scan3A_1369 : i32 to index
      %swap3A_1401 = tpu.vector_load %arg19[%swap3A_1400] masked %and3A_1387 {strides = array<i32>} : memref<2192xi32, #tpu.memory_space<vmem>>, vector<16xi32>, vector<16xi1>
      tpu.vector_store %arg19[%swap3A_1400], %select_n3A_1397 masked %and3A_1387 {strides = array<i32>} : memref<2192xi32, #tpu.memory_space<vmem>>, vector<16xi32>, vector<16xi1>
      %convert_element_type3A = arith.extui %and3A_1387 : vector<16xi1> to vector<16xi32>
      %reduce_sum3A = arith.constant true
      %reduce_sum3A_1402 = vector.broadcast %reduce_sum3A : i1 to vector<16xi1>
      %reduce_sum3A_1403 = tpu.scan <sum>, %convert_element_type3A masked %reduce_sum3A_1402 : vector<16xi32>, vector<16xi1> -> vector<16xi32>
      %reduce_sum3A_1404 = vector.extract %reduce_sum3A_1403[15] : i32 from vector<16xi32>
      %add3A_1405 = arith.addi %scan3A_1369, %reduce_sum3A_1404 : i32
      scf.yield %add3A_1405 : i32
    }
    %scan3A_761 = arith.constant 125 : i32
    %jit3A_762 = arith.constant 64 : i32
    %div3A_763 = arith.divsi %scan3A_760, %jit3A_762 : i32
    %sign3A_764 = arith.constant 0 : i32
    %sign3A_765 = arith.cmpi sgt, %scan3A_760, %sign3A_764 : i32
    %sign3A_766 = arith.extui %sign3A_765 : i1 to i32
    %sign3A_767 = arith.constant 0 : i32
    %sign3A_768 = arith.cmpi slt, %scan3A_760, %sign3A_767 : i32
    %sign3A_769 = arith.extui %sign3A_768 : i1 to i32
    %sign3A_770 = arith.subi %sign3A_766, %sign3A_769 : i32
    %sign3A_771 = arith.constant 0 : i32
    %sign3A_772 = arith.cmpi sgt, %jit3A_762, %sign3A_771 : i32
    %sign3A_773 = arith.extui %sign3A_772 : i1 to i32
    %sign3A_774 = arith.constant 0 : i32
    %sign3A_775 = arith.cmpi slt, %jit3A_762, %sign3A_774 : i32
    %sign3A_776 = arith.extui %sign3A_775 : i1 to i32
    %sign3A_777 = arith.subi %sign3A_773, %sign3A_776 : i32
    %ne3A_778 = arith.cmpi ne, %sign3A_770, %sign3A_777 : i32
    %rem3A_779 = arith.remsi %scan3A_760, %jit3A_762 : i32
    %ne3A_780 = arith.constant 0 : i32
    %ne3A_781 = arith.cmpi ne, %rem3A_779, %ne3A_780 : i32
    %and3A_782 = arith.andi %ne3A_778, %ne3A_781 : i1
    %sub3A_783 = arith.constant 1 : i32
    %sub3A_784 = arith.subi %div3A_763, %sub3A_783 : i32
    %select_n3A_785 = arith.select %and3A_782, %sub3A_784, %div3A_763 : i32
    %while3A_786 = arith.constant 0 : i32
    %while3A_787 = arith.constant 0 : i32
    %while3A_788 = arith.subi %select_n3A_785, %while3A_786 : i32
    %while3A_789 = arith.addi %while3A_786, %while3A_788 : i32
    %while3A_790 = arith.constant 1 : i32
    %while3A_791 = arith.divsi %while3A_788, %while3A_790 : i32
    %while3A_792 = arith.muli %while3A_791, %while3A_790 : i32
    %while3A_793 = arith.addi %while3A_786, %while3A_792 : i32
    %while3A_794 = arith.constant 1 : i32
    %while3A_795 = scf.for %while3A_1368 = %while3A_786 to %while3A_793 step %while3A_794 iter_args(%while3A_1369 = %while3A_787) -> (i32)  : i32 {
      %mul3A_1370 = arith.constant 64 : i32
      %mul3A_1371 = arith.muli %while3A_1368, %mul3A_1370 : i32
      %add3A_1372 = arith.constant 0 : i32
      %add3A_1373 = arith.addi %mul3A_1371, %add3A_1372 : i32
      %get3A_1374 = arith.index_cast %add3A_1373 : i32 to index
      %get3A_1375 = tpu.vector_load %arg18[%get3A_1374] {strides = array<i32>} : memref<2192xi32, #tpu.memory_space<vmem>>, vector<16xi32>,
      %swap3A_1376 = arith.constant 0 : index
      %swap3A_1377 = tpu.vector_load %arg20[%swap3A_1376] {strides = array<i32>} : memref<64xi32, #tpu.memory_space<vmem>>, vector<16xi32>,
      tpu.vector_store %arg20[%swap3A_1376], %get3A_1375 {strides = array<i32>} : memref<64xi32, #tpu.memory_space<vmem>>, vector<16xi32>,
      %mul3A_1378 = arith.constant 64 : i32
      %mul3A_1379 = arith.muli %while3A_1368, %mul3A_1378 : i32
      %add3A_1380 = arith.constant 0 : i32
      %add3A_1381 = arith.addi %mul3A_1379, %add3A_1380 : i32
      %get3A_1382 = arith.index_cast %add3A_1381 : i32 to index
      %get3A_1383 = tpu.vector_load %arg19[%get3A_1382] {strides = array<i32>} : memref<2192xi32, #tpu.memory_space<vmem>>, vector<16xi32>,
      %swap3A_1384 = arith.constant 0 : index
      %swap3A_1385 = tpu.vector_load %arg21[%swap3A_1384] {strides = array<i32>} : memref<64xi32, #tpu.memory_space<vmem>>, vector<16xi32>,
      tpu.vector_store %arg21[%swap3A_1384], %get3A_1383 {strides = array<i32>} : memref<64xi32, #tpu.memory_space<vmem>>, vector<16xi32>,
      %mul3A_1386 = arith.constant 64 : i32
      %mul3A_1387 = arith.muli %while3A_1368, %mul3A_1386 : i32
      %add3A_1388 = arith.constant 16 : i32
      %add3A_1389 = arith.addi %mul3A_1387, %add3A_1388 : i32
      %get3A_1390 = arith.index_cast %add3A_1389 : i32 to index
      %get3A_1391 = tpu.vector_load %arg18[%get3A_1390] {strides = array<i32>} : memref<2192xi32, #tpu.memory_space<vmem>>, vector<16xi32>,
      %swap3A_1392 = arith.constant 16 : index
      %swap3A_1393 = tpu.vector_load %arg20[%swap3A_1392] {strides = array<i32>} : memref<64xi32, #tpu.memory_space<vmem>>, vector<16xi32>,
      tpu.vector_store %arg20[%swap3A_1392], %get3A_1391 {strides = array<i32>} : memref<64xi32, #tpu.memory_space<vmem>>, vector<16xi32>,
      %mul3A_1394 = arith.constant 64 : i32
      %mul3A_1395 = arith.muli %while3A_1368, %mul3A_1394 : i32
      %add3A_1396 = arith.constant 16 : i32
      %add3A_1397 = arith.addi %mul3A_1395, %add3A_1396 : i32
      %get3A_1398 = arith.index_cast %add3A_1397 : i32 to index
      %get3A_1399 = tpu.vector_load %arg19[%get3A_1398] {strides = array<i32>} : memref<2192xi32, #tpu.memory_space<vmem>>, vector<16xi32>,
      %swap3A_1400 = arith.constant 16 : index
      %swap3A_1401 = tpu.vector_load %arg21[%swap3A_1400] {strides = array<i32>} : memref<64xi32, #tpu.memory_space<vmem>>, vector<16xi32>,
      tpu.vector_store %arg21[%swap3A_1400], %get3A_1399 {strides = array<i32>} : memref<64xi32, #tpu.memory_space<vmem>>, vector<16xi32>,
      %mul3A_1402 = arith.constant 64 : i32
      %mul3A_1403 = arith.muli %while3A_1368, %mul3A_1402 : i32
      %add3A_1404 = arith.constant 32 : i32
      %add3A_1405 = arith.addi %mul3A_1403, %add3A_1404 : i32
      %get3A_1406 = arith.index_cast %add3A_1405 : i32 to index
      %get3A_1407 = tpu.vector_load %arg18[%get3A_1406] {strides = array<i32>} : memref<2192xi32, #tpu.memory_space<vmem>>, vector<16xi32>,
      %swap3A_1408 = arith.constant 32 : index
      %swap3A_1409 = tpu.vector_load %arg20[%swap3A_1408] {strides = array<i32>} : memref<64xi32, #tpu.memory_space<vmem>>, vector<16xi32>,
      tpu.vector_store %arg20[%swap3A_1408], %get3A_1407 {strides = array<i32>} : memref<64xi32, #tpu.memory_space<vmem>>, vector<16xi32>,
      %mul3A_1410 = arith.constant 64 : i32
      %mul3A_1411 = arith.muli %while3A_1368, %mul3A_1410 : i32
      %add3A_1412 = arith.constant 32 : i32
      %add3A_1413 = arith.addi %mul3A_1411, %add3A_1412 : i32
      %get3A_1414 = arith.index_cast %add3A_1413 : i32 to index
      %get3A_1415 = tpu.vector_load %arg19[%get3A_1414] {strides = array<i32>} : memref<2192xi32, #tpu.memory_space<vmem>>, vector<16xi32>,
      %swap3A_1416 = arith.constant 32 : index
      %swap3A_1417 = tpu.vector_load %arg21[%swap3A_1416] {strides = array<i32>} : memref<64xi32, #tpu.memory_space<vmem>>, vector<16xi32>,
      tpu.vector_store %arg21[%swap3A_1416], %get3A_1415 {strides = array<i32>} : memref<64xi32, #tpu.memory_space<vmem>>, vector<16xi32>,
      %mul3A_1418 = arith.constant 64 : i32
      %mul3A_1419 = arith.muli %while3A_1368, %mul3A_1418 : i32
      %add3A_1420 = arith.constant 48 : i32
      %add3A_1421 = arith.addi %mul3A_1419, %add3A_1420 : i32
      %get3A_1422 = arith.index_cast %add3A_1421 : i32 to index
      %get3A_1423 = tpu.vector_load %arg18[%get3A_1422] {strides = array<i32>} : memref<2192xi32, #tpu.memory_space<vmem>>, vector<16xi32>,
      %swap3A_1424 = arith.constant 48 : index
      %swap3A_1425 = tpu.vector_load %arg20[%swap3A_1424] {strides = array<i32>} : memref<64xi32, #tpu.memory_space<vmem>>, vector<16xi32>,
      tpu.vector_store %arg20[%swap3A_1424], %get3A_1423 {strides = array<i32>} : memref<64xi32, #tpu.memory_space<vmem>>, vector<16xi32>,
      %mul3A_1426 = arith.constant 64 : i32
      %mul3A_1427 = arith.muli %while3A_1368, %mul3A_1426 : i32
      %add3A_1428 = arith.constant 48 : i32
      %add3A_1429 = arith.addi %mul3A_1427, %add3A_1428 : i32
      %get3A_1430 = arith.index_cast %add3A_1429 : i32 to index
      %get3A_1431 = tpu.vector_load %arg19[%get3A_1430] {strides = array<i32>} : memref<2192xi32, #tpu.memory_space<vmem>>, vector<16xi32>,
      %swap3A_1432 = arith.constant 48 : index
      %swap3A_1433 = tpu.vector_load %arg21[%swap3A_1432] {strides = array<i32>} : memref<64xi32, #tpu.memory_space<vmem>>, vector<16xi32>,
      tpu.vector_store %arg21[%swap3A_1432], %get3A_1431 {strides = array<i32>} : memref<64xi32, #tpu.memory_space<vmem>>, vector<16xi32>,
      %dma_start3A_1434 = arith.constant 0 : i32
      %dma_start3A_1435 = arith.constant 0 : i32
      %dma_start3A_1436 = tpu.memref_slice %arg6[%dma_start3A_1434, %dma_start3A_1435] : memref<10000x128xf32, #tpu.memory_space<hbm>> -> memref<10000x128xf32, #tpu.memory_space<hbm>>
      tpu.enqueue_indirect_dma source(%dma_start3A_1436 : memref<10000x128xf32, #tpu.memory_space<hbm>>) target(%arg22 : memref<64x128xf32, #tpu.memory_space<vmem>>) offsets(%arg20 : memref<64xi32, #tpu.memory_space<vmem>>) semaphore(%arg31 : memref<!tpu.dma_semaphore, #tpu.memory_space<semaphore_mem>>)
      %dma_wait3A_1437 = arith.constant 0 : i32
      %dma_wait3A_1438 = arith.constant 0 : i32
      %dma_wait3A_1439 = tpu.memref_slice %arg6[%dma_wait3A_1437, %dma_wait3A_1438] : memref<10000x128xf32, #tpu.memory_space<hbm>> -> memref<10000x128xf32, #tpu.memory_space<hbm>>
      tpu.wait_indirect_dma semaphore(%arg31 : memref<!tpu.dma_semaphore, #tpu.memory_space<semaphore_mem>>) src(%dma_wait3A_1439 : memref<10000x128xf32, #tpu.memory_space<hbm>>) dst(%arg22 : memref<64x128xf32, #tpu.memory_space<vmem>>)
      "tpu.region"() ({
        %run_scoped3A = tpu.sem_alloc : memref<!tpu.dma_semaphore, #tpu.memory_space<semaphore_mem>>
        %dma_start3A_1441 = arith.constant 0 : i32
        %dma_start3A_1442 = arith.constant 0 : i32
        %dma_start3A_1443 = tpu.memref_slice %arg26[%dma_start3A_1441, %dma_start3A_1442] : memref<4112x128xf32, #tpu.memory_space<vmem_shared>> -> memref<4112x128xf32, #tpu.memory_space<vmem_shared>>
        tpu.enqueue_indirect_dma source(%arg22 : memref<64x128xf32, #tpu.memory_space<vmem>>) target(%dma_start3A_1443 : memref<4112x128xf32, #tpu.memory_space<vmem_shared>>) offsets(%arg21 : memref<64xi32, #tpu.memory_space<vmem>>) semaphore(%run_scoped3A : memref<!tpu.dma_semaphore, #tpu.memory_space<semaphore_mem>>) {add = true}
        %dma_wait3A_1444 = arith.constant 0 : i32
        %dma_wait3A_1445 = arith.constant 0 : i32
        %dma_wait3A_1446 = tpu.memref_slice %arg26[%dma_wait3A_1444, %dma_wait3A_1445] : memref<4112x128xf32, #tpu.memory_space<vmem_shared>> -> memref<4112x128xf32, #tpu.memory_space<vmem_shared>>
        tpu.wait_indirect_dma semaphore(%run_scoped3A : memref<!tpu.dma_semaphore, #tpu.memory_space<semaphore_mem>>) src(%arg22 : memref<64x128xf32, #tpu.memory_space<vmem>>) dst(%dma_wait3A_1446 : memref<4112x128xf32, #tpu.memory_space<vmem_shared>>)
        tpu.yield
      }) : () -> ()
      "tpu.region"() ({
        %run_scoped3A = tpu.sem_alloc : memref<!tpu.dma_semaphore, #tpu.memory_space<semaphore_mem>>
        %dma_start3A_1441 = arith.constant 0 : i32
        %dma_start3A_1442 = tpu.memref_slice %arg27[%dma_start3A_1441] : memref<4224xf32, #tpu.memory_space<vmem_shared>> -> memref<4224xf32, #tpu.memory_space<vmem_shared>>
        tpu.enqueue_indirect_dma source(%arg23 : memref<64xf32, #tpu.memory_space<vmem>>) target(%dma_start3A_1442 : memref<4224xf32, #tpu.memory_space<vmem_shared>>) offsets(%arg21 : memref<64xi32, #tpu.memory_space<vmem>>) semaphore(%run_scoped3A : memref<!tpu.dma_semaphore, #tpu.memory_space<semaphore_mem>>) {add = true}
        %dma_wait3A_1443 = arith.constant 0 : i32
        %dma_wait3A_1444 = tpu.memref_slice %arg27[%dma_wait3A_1443] : memref<4224xf32, #tpu.memory_space<vmem_shared>> -> memref<4224xf32, #tpu.memory_space<vmem_shared>>
        tpu.wait_indirect_dma semaphore(%run_scoped3A : memref<!tpu.dma_semaphore, #tpu.memory_space<semaphore_mem>>) src(%arg23 : memref<64xf32, #tpu.memory_space<vmem>>) dst(%dma_wait3A_1444 : memref<4224xf32, #tpu.memory_space<vmem_shared>>)
        tpu.yield
      }) : () -> ()
      %while3A_1440 = arith.constant 0 : i32
      scf.yield %while3A_1440 : i32
    }
    %while3A_796 = arith.constant 1 : i32
    %while3A_797 = scf.for %while3A_1368 = %while3A_793 to %while3A_789 step %while3A_796 iter_args(%while3A_1369 = %while3A_795) -> (i32)  : i32 {
      %mul3A_1370 = arith.constant 64 : i32
      %mul3A_1371 = arith.muli %while3A_1368, %mul3A_1370 : i32
      %add3A_1372 = arith.constant 0 : i32
      %add3A_1373 = arith.addi %mul3A_1371, %add3A_1372 : i32
      %get3A_1374 = arith.index_cast %add3A_1373 : i32 to index
      %get3A_1375 = tpu.vector_load %arg18[%get3A_1374] {strides = array<i32>} : memref<2192xi32, #tpu.memory_space<vmem>>, vector<16xi32>,
      %swap3A_1376 = arith.constant 0 : index
      %swap3A_1377 = tpu.vector_load %arg20[%swap3A_1376] {strides = array<i32>} : memref<64xi32, #tpu.memory_space<vmem>>, vector<16xi32>,
      tpu.vector_store %arg20[%swap3A_1376], %get3A_1375 {strides = array<i32>} : memref<64xi32, #tpu.memory_space<vmem>>, vector<16xi32>,
      %mul3A_1378 = arith.constant 64 : i32
      %mul3A_1379 = arith.muli %while3A_1368, %mul3A_1378 : i32
      %add3A_1380 = arith.constant 0 : i32
      %add3A_1381 = arith.addi %mul3A_1379, %add3A_1380 : i32
      %get3A_1382 = arith.index_cast %add3A_1381 : i32 to index
      %get3A_1383 = tpu.vector_load %arg19[%get3A_1382] {strides = array<i32>} : memref<2192xi32, #tpu.memory_space<vmem>>, vector<16xi32>,
      %swap3A_1384 = arith.constant 0 : index
      %swap3A_1385 = tpu.vector_load %arg21[%swap3A_1384] {strides = array<i32>} : memref<64xi32, #tpu.memory_space<vmem>>, vector<16xi32>,
      tpu.vector_store %arg21[%swap3A_1384], %get3A_1383 {strides = array<i32>} : memref<64xi32, #tpu.memory_space<vmem>>, vector<16xi32>,
      %mul3A_1386 = arith.constant 64 : i32
      %mul3A_1387 = arith.muli %while3A_1368, %mul3A_1386 : i32
      %add3A_1388 = arith.constant 16 : i32
      %add3A_1389 = arith.addi %mul3A_1387, %add3A_1388 : i32
      %get3A_1390 = arith.index_cast %add3A_1389 : i32 to index
      %get3A_1391 = tpu.vector_load %arg18[%get3A_1390] {strides = array<i32>} : memref<2192xi32, #tpu.memory_space<vmem>>, vector<16xi32>,
      %swap3A_1392 = arith.constant 16 : index
      %swap3A_1393 = tpu.vector_load %arg20[%swap3A_1392] {strides = array<i32>} : memref<64xi32, #tpu.memory_space<vmem>>, vector<16xi32>,
      tpu.vector_store %arg20[%swap3A_1392], %get3A_1391 {strides = array<i32>} : memref<64xi32, #tpu.memory_space<vmem>>, vector<16xi32>,
      %mul3A_1394 = arith.constant 64 : i32
      %mul3A_1395 = arith.muli %while3A_1368, %mul3A_1394 : i32
      %add3A_1396 = arith.constant 16 : i32
      %add3A_1397 = arith.addi %mul3A_1395, %add3A_1396 : i32
      %get3A_1398 = arith.index_cast %add3A_1397 : i32 to index
      %get3A_1399 = tpu.vector_load %arg19[%get3A_1398] {strides = array<i32>} : memref<2192xi32, #tpu.memory_space<vmem>>, vector<16xi32>,
      %swap3A_1400 = arith.constant 16 : index
      %swap3A_1401 = tpu.vector_load %arg21[%swap3A_1400] {strides = array<i32>} : memref<64xi32, #tpu.memory_space<vmem>>, vector<16xi32>,
      tpu.vector_store %arg21[%swap3A_1400], %get3A_1399 {strides = array<i32>} : memref<64xi32, #tpu.memory_space<vmem>>, vector<16xi32>,
      %mul3A_1402 = arith.constant 64 : i32
      %mul3A_1403 = arith.muli %while3A_1368, %mul3A_1402 : i32
      %add3A_1404 = arith.constant 32 : i32
      %add3A_1405 = arith.addi %mul3A_1403, %add3A_1404 : i32
      %get3A_1406 = arith.index_cast %add3A_1405 : i32 to index
      %get3A_1407 = tpu.vector_load %arg18[%get3A_1406] {strides = array<i32>} : memref<2192xi32, #tpu.memory_space<vmem>>, vector<16xi32>,
      %swap3A_1408 = arith.constant 32 : index
      %swap3A_1409 = tpu.vector_load %arg20[%swap3A_1408] {strides = array<i32>} : memref<64xi32, #tpu.memory_space<vmem>>, vector<16xi32>,
      tpu.vector_store %arg20[%swap3A_1408], %get3A_1407 {strides = array<i32>} : memref<64xi32, #tpu.memory_space<vmem>>, vector<16xi32>,
      %mul3A_1410 = arith.constant 64 : i32
      %mul3A_1411 = arith.muli %while3A_1368, %mul3A_1410 : i32
      %add3A_1412 = arith.constant 32 : i32
      %add3A_1413 = arith.addi %mul3A_1411, %add3A_1412 : i32
      %get3A_1414 = arith.index_cast %add3A_1413 : i32 to index
      %get3A_1415 = tpu.vector_load %arg19[%get3A_1414] {strides = array<i32>} : memref<2192xi32, #tpu.memory_space<vmem>>, vector<16xi32>,
      %swap3A_1416 = arith.constant 32 : index
      %swap3A_1417 = tpu.vector_load %arg21[%swap3A_1416] {strides = array<i32>} : memref<64xi32, #tpu.memory_space<vmem>>, vector<16xi32>,
      tpu.vector_store %arg21[%swap3A_1416], %get3A_1415 {strides = array<i32>} : memref<64xi32, #tpu.memory_space<vmem>>, vector<16xi32>,
      %mul3A_1418 = arith.constant 64 : i32
      %mul3A_1419 = arith.muli %while3A_1368, %mul3A_1418 : i32
      %add3A_1420 = arith.constant 48 : i32
      %add3A_1421 = arith.addi %mul3A_1419, %add3A_1420 : i32
      %get3A_1422 = arith.index_cast %add3A_1421 : i32 to index
      %get3A_1423 = tpu.vector_load %arg18[%get3A_1422] {strides = array<i32>} : memref<2192xi32, #tpu.memory_space<vmem>>, vector<16xi32>,
      %swap3A_1424 = arith.constant 48 : index
      %swap3A_1425 = tpu.vector_load %arg20[%swap3A_1424] {strides = array<i32>} : memref<64xi32, #tpu.memory_space<vmem>>, vector<16xi32>,
      tpu.vector_store %arg20[%swap3A_1424], %get3A_1423 {strides = array<i32>} : memref<64xi32, #tpu.memory_space<vmem>>, vector<16xi32>,
      %mul3A_1426 = arith.constant 64 : i32
      %mul3A_1427 = arith.muli %while3A_1368, %mul3A_1426 : i32
      %add3A_1428 = arith.constant 48 : i32
      %add3A_1429 = arith.addi %mul3A_1427, %add3A_1428 : i32
      %get3A_1430 = arith.index_cast %add3A_1429 : i32 to index
      %get3A_1431 = tpu.vector_load %arg19[%get3A_1430] {strides = array<i32>} : memref<2192xi32, #tpu.memory_space<vmem>>, vector<16xi32>,
      %swap3A_1432 = arith.constant 48 : index
      %swap3A_1433 = tpu.vector_load %arg21[%swap3A_1432] {strides = array<i32>} : memref<64xi32, #tpu.memory_space<vmem>>, vector<16xi32>,
      tpu.vector_store %arg21[%swap3A_1432], %get3A_1431 {strides = array<i32>} : memref<64xi32, #tpu.memory_space<vmem>>, vector<16xi32>,
      %dma_start3A_1434 = arith.constant 0 : i32
      %dma_start3A_1435 = arith.constant 0 : i32
      %dma_start3A_1436 = tpu.memref_slice %arg6[%dma_start3A_1434, %dma_start3A_1435] : memref<10000x128xf32, #tpu.memory_space<hbm>> -> memref<10000x128xf32, #tpu.memory_space<hbm>>
      tpu.enqueue_indirect_dma source(%dma_start3A_1436 : memref<10000x128xf32, #tpu.memory_space<hbm>>) target(%arg22 : memref<64x128xf32, #tpu.memory_space<vmem>>) offsets(%arg20 : memref<64xi32, #tpu.memory_space<vmem>>) semaphore(%arg31 : memref<!tpu.dma_semaphore, #tpu.memory_space<semaphore_mem>>)
      %dma_wait3A_1437 = arith.constant 0 : i32
      %dma_wait3A_1438 = arith.constant 0 : i32
      %dma_wait3A_1439 = tpu.memref_slice %arg6[%dma_wait3A_1437, %dma_wait3A_1438] : memref<10000x128xf32, #tpu.memory_space<hbm>> -> memref<10000x128xf32, #tpu.memory_space<hbm>>
      tpu.wait_indirect_dma semaphore(%arg31 : memref<!tpu.dma_semaphore, #tpu.memory_space<semaphore_mem>>) src(%dma_wait3A_1439 : memref<10000x128xf32, #tpu.memory_space<hbm>>) dst(%arg22 : memref<64x128xf32, #tpu.memory_space<vmem>>)
      "tpu.region"() ({
        %run_scoped3A = tpu.sem_alloc : memref<!tpu.dma_semaphore, #tpu.memory_space<semaphore_mem>>
        %dma_start3A_1441 = arith.constant 0 : i32
        %dma_start3A_1442 = arith.constant 0 : i32
        %dma_start3A_1443 = tpu.memref_slice %arg26[%dma_start3A_1441, %dma_start3A_1442] : memref<4112x128xf32, #tpu.memory_space<vmem_shared>> -> memref<4112x128xf32, #tpu.memory_space<vmem_shared>>
        tpu.enqueue_indirect_dma source(%arg22 : memref<64x128xf32, #tpu.memory_space<vmem>>) target(%dma_start3A_1443 : memref<4112x128xf32, #tpu.memory_space<vmem_shared>>) offsets(%arg21 : memref<64xi32, #tpu.memory_space<vmem>>) semaphore(%run_scoped3A : memref<!tpu.dma_semaphore, #tpu.memory_space<semaphore_mem>>) {add = true}
        %dma_wait3A_1444 = arith.constant 0 : i32
        %dma_wait3A_1445 = arith.constant 0 : i32
        %dma_wait3A_1446 = tpu.memref_slice %arg26[%dma_wait3A_1444, %dma_wait3A_1445] : memref<4112x128xf32, #tpu.memory_space<vmem_shared>> -> memref<4112x128xf32, #tpu.memory_space<vmem_shared>>
        tpu.wait_indirect_dma semaphore(%run_scoped3A : memref<!tpu.dma_semaphore, #tpu.memory_space<semaphore_mem>>) src(%arg22 : memref<64x128xf32, #tpu.memory_space<vmem>>) dst(%dma_wait3A_1446 : memref<4112x128xf32, #tpu.memory_space<vmem_shared>>)
        tpu.yield
      }) : () -> ()
      "tpu.region"() ({
        %run_scoped3A = tpu.sem_alloc : memref<!tpu.dma_semaphore, #tpu.memory_space<semaphore_mem>>
        %dma_start3A_1441 = arith.constant 0 : i32
        %dma_start3A_1442 = tpu.memref_slice %arg27[%dma_start3A_1441] : memref<4224xf32, #tpu.memory_space<vmem_shared>> -> memref<4224xf32, #tpu.memory_space<vmem_shared>>
        tpu.enqueue_indirect_dma source(%arg23 : memref<64xf32, #tpu.memory_space<vmem>>) target(%dma_start3A_1442 : memref<4224xf32, #tpu.memory_space<vmem_shared>>) offsets(%arg21 : memref<64xi32, #tpu.memory_space<vmem>>) semaphore(%run_scoped3A : memref<!tpu.dma_semaphore, #tpu.memory_space<semaphore_mem>>) {add = true}
        %dma_wait3A_1443 = arith.constant 0 : i32
        %dma_wait3A_1444 = tpu.memref_slice %arg27[%dma_wait3A_1443] : memref<4224xf32, #tpu.memory_space<vmem_shared>> -> memref<4224xf32, #tpu.memory_space<vmem_shared>>
        tpu.wait_indirect_dma semaphore(%run_scoped3A : memref<!tpu.dma_semaphore, #tpu.memory_space<semaphore_mem>>) src(%arg23 : memref<64xf32, #tpu.memory_space<vmem>>) dst(%dma_wait3A_1444 : memref<4224xf32, #tpu.memory_space<vmem_shared>>)
        tpu.yield
      }) : () -> ()
      %while3A_1440 = arith.constant 0 : i32
      scf.yield %while3A_1440 : i32
    }
    %mul3A_798 = arith.constant 64 : i32
    %mul3A_799 = arith.muli %select_n3A_785, %mul3A_798 : i32
    %add3A_800 = arith.constant 0 : i32
    %add3A_801 = arith.addi %mul3A_799, %add3A_800 : i32
    %get3A_802 = arith.index_cast %add3A_801 : i32 to index
    %get3A_803 = tpu.vector_load %arg18[%get3A_802] {strides = array<i32>} : memref<2192xi32, #tpu.memory_space<vmem>>, vector<16xi32>,
    %mul3A_804 = arith.constant 64 : i32
    %mul3A_805 = arith.muli %select_n3A_785, %mul3A_804 : i32
    %add3A_806 = arith.constant 0 : i32
    %add3A_807 = arith.addi %mul3A_805, %add3A_806 : i32
    %get3A_808 = arith.index_cast %add3A_807 : i32 to index
    %get3A_809 = tpu.vector_load %arg19[%get3A_808] {strides = array<i32>} : memref<2192xi32, #tpu.memory_space<vmem>>, vector<16xi32>,
    %swap3A_810 = arith.constant 0 : index
    %swap3A_811 = tpu.vector_load %arg18[%swap3A_810] {strides = array<i32>} : memref<2192xi32, #tpu.memory_space<vmem>>, vector<16xi32>,
    tpu.vector_store %arg18[%swap3A_810], %get3A_803 {strides = array<i32>} : memref<2192xi32, #tpu.memory_space<vmem>>, vector<16xi32>,
    %swap3A_812 = arith.constant 0 : index
    %swap3A_813 = tpu.vector_load %arg19[%swap3A_812] {strides = array<i32>} : memref<2192xi32, #tpu.memory_space<vmem>>, vector<16xi32>,
    tpu.vector_store %arg19[%swap3A_812], %get3A_809 {strides = array<i32>} : memref<2192xi32, #tpu.memory_space<vmem>>, vector<16xi32>,
    %mul3A_814 = arith.constant 64 : i32
    %mul3A_815 = arith.muli %select_n3A_785, %mul3A_814 : i32
    %add3A_816 = arith.constant 16 : i32
    %add3A_817 = arith.addi %mul3A_815, %add3A_816 : i32
    %get3A_818 = arith.index_cast %add3A_817 : i32 to index
    %get3A_819 = tpu.vector_load %arg18[%get3A_818] {strides = array<i32>} : memref<2192xi32, #tpu.memory_space<vmem>>, vector<16xi32>,
    %mul3A_820 = arith.constant 64 : i32
    %mul3A_821 = arith.muli %select_n3A_785, %mul3A_820 : i32
    %add3A_822 = arith.constant 16 : i32
    %add3A_823 = arith.addi %mul3A_821, %add3A_822 : i32
    %get3A_824 = arith.index_cast %add3A_823 : i32 to index
    %get3A_825 = tpu.vector_load %arg19[%get3A_824] {strides = array<i32>} : memref<2192xi32, #tpu.memory_space<vmem>>, vector<16xi32>,
    %swap3A_826 = arith.constant 16 : index
    %swap3A_827 = tpu.vector_load %arg18[%swap3A_826] {strides = array<i32>} : memref<2192xi32, #tpu.memory_space<vmem>>, vector<16xi32>,
    tpu.vector_store %arg18[%swap3A_826], %get3A_819 {strides = array<i32>} : memref<2192xi32, #tpu.memory_space<vmem>>, vector<16xi32>,
    %swap3A_828 = arith.constant 16 : index
    %swap3A_829 = tpu.vector_load %arg19[%swap3A_828] {strides = array<i32>} : memref<2192xi32, #tpu.memory_space<vmem>>, vector<16xi32>,
    tpu.vector_store %arg19[%swap3A_828], %get3A_825 {strides = array<i32>} : memref<2192xi32, #tpu.memory_space<vmem>>, vector<16xi32>,
    %mul3A_830 = arith.constant 64 : i32
    %mul3A_831 = arith.muli %select_n3A_785, %mul3A_830 : i32
    %add3A_832 = arith.constant 32 : i32
    %add3A_833 = arith.addi %mul3A_831, %add3A_832 : i32
    %get3A_834 = arith.index_cast %add3A_833 : i32 to index
    %get3A_835 = tpu.vector_load %arg18[%get3A_834] {strides = array<i32>} : memref<2192xi32, #tpu.memory_space<vmem>>, vector<16xi32>,
    %mul3A_836 = arith.constant 64 : i32
    %mul3A_837 = arith.muli %select_n3A_785, %mul3A_836 : i32
    %add3A_838 = arith.constant 32 : i32
    %add3A_839 = arith.addi %mul3A_837, %add3A_838 : i32
    %get3A_840 = arith.index_cast %add3A_839 : i32 to index
    %get3A_841 = tpu.vector_load %arg19[%get3A_840] {strides = array<i32>} : memref<2192xi32, #tpu.memory_space<vmem>>, vector<16xi32>,
    %swap3A_842 = arith.constant 32 : index
    %swap3A_843 = tpu.vector_load %arg18[%swap3A_842] {strides = array<i32>} : memref<2192xi32, #tpu.memory_space<vmem>>, vector<16xi32>,
    tpu.vector_store %arg18[%swap3A_842], %get3A_835 {strides = array<i32>} : memref<2192xi32, #tpu.memory_space<vmem>>, vector<16xi32>,
    %swap3A_844 = arith.constant 32 : index
    %swap3A_845 = tpu.vector_load %arg19[%swap3A_844] {strides = array<i32>} : memref<2192xi32, #tpu.memory_space<vmem>>, vector<16xi32>,
    tpu.vector_store %arg19[%swap3A_844], %get3A_841 {strides = array<i32>} : memref<2192xi32, #tpu.memory_space<vmem>>, vector<16xi32>,
    %mul3A_846 = arith.constant 64 : i32
    %mul3A_847 = arith.muli %select_n3A_785, %mul3A_846 : i32
    %add3A_848 = arith.constant 48 : i32
    %add3A_849 = arith.addi %mul3A_847, %add3A_848 : i32
    %get3A_850 = arith.index_cast %add3A_849 : i32 to index
    %get3A_851 = tpu.vector_load %arg18[%get3A_850] {strides = array<i32>} : memref<2192xi32, #tpu.memory_space<vmem>>, vector<16xi32>,
    %mul3A_852 = arith.constant 64 : i32
    %mul3A_853 = arith.muli %select_n3A_785, %mul3A_852 : i32
    %add3A_854 = arith.constant 48 : i32
    %add3A_855 = arith.addi %mul3A_853, %add3A_854 : i32
    %get3A_856 = arith.index_cast %add3A_855 : i32 to index
    %get3A_857 = tpu.vector_load %arg19[%get3A_856] {strides = array<i32>} : memref<2192xi32, #tpu.memory_space<vmem>>, vector<16xi32>,
    %swap3A_858 = arith.constant 48 : index
    %swap3A_859 = tpu.vector_load %arg18[%swap3A_858] {strides = array<i32>} : memref<2192xi32, #tpu.memory_space<vmem>>, vector<16xi32>,
    tpu.vector_store %arg18[%swap3A_858], %get3A_851 {strides = array<i32>} : memref<2192xi32, #tpu.memory_space<vmem>>, vector<16xi32>,
    %swap3A_860 = arith.constant 48 : index
    %swap3A_861 = tpu.vector_load %arg19[%swap3A_860] {strides = array<i32>} : memref<2192xi32, #tpu.memory_space<vmem>>, vector<16xi32>,
    tpu.vector_store %arg19[%swap3A_860], %get3A_857 {strides = array<i32>} : memref<2192xi32, #tpu.memory_space<vmem>>, vector<16xi32>,
    %mul3A_862 = arith.constant 64 : i32
    %mul3A_863 = arith.muli %select_n3A_785, %mul3A_862 : i32
    %sub3A_864 = arith.subi %scan3A_760, %mul3A_863 : i32
    %mul3A_865 = arith.constant 20000 : i32
    %mul3A_866 = arith.muli %arg1, %mul3A_865 : i32
    %add3A_867 = arith.constant 16000 : i32
    %add3A_868 = arith.addi %mul3A_866, %add3A_867 : i32
    %dma_start3A_869 = tpu.memref_slice %arg3[%add3A_868] : memref<320000xi32, #tpu.memory_space<hbm>> -> memref<2000xi32, #tpu.memory_space<hbm>>
    %dma_start3A_870 = tpu.memref_slice %arg3[%add3A_868] : memref<320000xi32, #tpu.memory_space<hbm>> -> memref<2000xi32, #tpu.memory_space<hbm>>
    tpu.enqueue_dma source(%dma_start3A_870 : memref<2000xi32, #tpu.memory_space<hbm>>) target(%arg14 : memref<2000xi32, #tpu.memory_space<vmem>>) target_semaphore(%arg28 : memref<!tpu.dma_semaphore, #tpu.memory_space<semaphore_mem>>)
    %dma_start3A_871 = tpu.memref_slice %arg4[%add3A_868] : memref<320000xi32, #tpu.memory_space<hbm>> -> memref<2000xi32, #tpu.memory_space<hbm>>
    %dma_start3A_872 = tpu.memref_slice %arg4[%add3A_868] : memref<320000xi32, #tpu.memory_space<hbm>> -> memref<2000xi32, #tpu.memory_space<hbm>>
    tpu.enqueue_dma source(%dma_start3A_872 : memref<2000xi32, #tpu.memory_space<hbm>>) target(%arg15 : memref<2000xi32, #tpu.memory_space<vmem>>) target_semaphore(%arg28 : memref<!tpu.dma_semaphore, #tpu.memory_space<semaphore_mem>>)
    %dma_wait3A_873 = tpu.memref_slice %arg3[%add3A_747] : memref<320000xi32, #tpu.memory_space<hbm>> -> memref<2000xi32, #tpu.memory_space<hbm>>
    %dma_wait3A_874 = tpu.memref_slice %arg3[%add3A_747] : memref<320000xi32, #tpu.memory_space<hbm>> -> memref<2000xi32, #tpu.memory_space<hbm>>
    tpu.wait_dma2 semaphore(%arg29 : memref<!tpu.dma_semaphore, #tpu.memory_space<semaphore_mem>>) src(%dma_wait3A_874 : memref<2000xi32, #tpu.memory_space<hbm>>) dst(%arg16 : memref<2000xi32, #tpu.memory_space<vmem>>)
    %dma_wait3A_875 = tpu.memref_slice %arg4[%add3A_747] : memref<320000xi32, #tpu.memory_space<hbm>> -> memref<2000xi32, #tpu.memory_space<hbm>>
    %dma_wait3A_876 = tpu.memref_slice %arg4[%add3A_747] : memref<320000xi32, #tpu.memory_space<hbm>> -> memref<2000xi32, #tpu.memory_space<hbm>>
    tpu.wait_dma2 semaphore(%arg29 : memref<!tpu.dma_semaphore, #tpu.memory_space<semaphore_mem>>) src(%dma_wait3A_876 : memref<2000xi32, #tpu.memory_space<hbm>>) dst(%arg17 : memref<2000xi32, #tpu.memory_space<vmem>>)
    %scan3A_877 = arith.constant 0 : i32
    %scan3A_878 = arith.constant 125 : i32
    %scan3A_879 = arith.addi %scan3A_877, %scan3A_878 : i32
    %scan3A_880 = arith.constant 1 : i32
    %scan3A_881 = scf.for %scan3A_1368 = %scan3A_877 to %scan3A_879 step %scan3A_880 iter_args(%scan3A_1369 = %sub3A_864) -> (i32)  : i32 {
      %mul3A_1370 = arith.constant 16 : i32
      %mul3A_1371 = arith.muli %scan3A_1368, %mul3A_1370 : i32
      %get3A_1372 = arith.index_cast %mul3A_1371 : i32 to index
      %get3A_1373 = tpu.vector_load %arg17[%get3A_1372] {strides = array<i32>} : memref<2000xi32, #tpu.memory_space<vmem>>, vector<16xi32>,
      %get3A_1374 = arith.index_cast %mul3A_1371 : i32 to index
      %get3A_1375 = tpu.vector_load %arg16[%get3A_1374] {strides = array<i32>} : memref<2000xi32, #tpu.memory_space<vmem>>, vector<16xi32>,
      %shift_right_logical3A = arith.constant 3 : i32
      %shift_right_logical3A_1376 = vector.broadcast %shift_right_logical3A : i32 to vector<16xi32>
      %shift_right_logical3A_1377 = arith.shrui %get3A_1373, %shift_right_logical3A_1376 : vector<16xi32>
      %and3A_1378 = arith.constant 7 : i32
      %and3A_1379 = vector.broadcast %and3A_1378 : i32 to vector<16xi32>
      %and3A_1380 = arith.andi %get3A_1373, %and3A_1379 : vector<16xi32>
      %gather3A = tpu.vector_load_idx %arg13[%shift_right_logical3A_1377] : memref<10000xi32, #tpu.memory_space<vmem>>[vector<16xi32>], vector<16xi32>,
      %ge3A = arith.constant 0 : i32
      %ge3A_1381 = vector.broadcast %ge3A : i32 to vector<16xi32>
      %ge3A_1382 = arith.cmpi sge, %gather3A, %ge3A_1381 : vector<16xi32>
      %and3A_1383 = arith.constant 1 : i32
      %and3A_1384 = vector.broadcast %and3A_1383 : i32 to vector<16xi32>
      %and3A_1385 = arith.andi %gather3A, %and3A_1384 : vector<16xi32>
      %eq3A = vector.broadcast %arg0 : i32 to vector<16xi32>
      %eq3A_1386 = arith.cmpi eq, %and3A_1385, %eq3A : vector<16xi32>
      %and3A_1387 = arith.andi %ge3A_1382, %eq3A_1386 : vector<16xi1>
      %shift_right_logical3A_1388 = arith.constant 1 : i32
      %shift_right_logical3A_1389 = vector.broadcast %shift_right_logical3A_1388 : i32 to vector<16xi32>
      %shift_right_logical3A_1390 = arith.shrui %gather3A, %shift_right_logical3A_1389 : vector<16xi32>
      %mul3A_1391 = arith.constant 8 : i32
      %mul3A_1392 = vector.broadcast %mul3A_1391 : i32 to vector<16xi32>
      %mul3A_1393 = arith.muli %shift_right_logical3A_1390, %mul3A_1392 : vector<16xi32>
      %add3A_1394 = arith.addi %mul3A_1393, %and3A_1380 : vector<16xi32>
      %jit3A_1395 = arith.constant 4096 : i32
      %broadcast_in_dim3A_1396 = vector.broadcast %jit3A_1395 : i32 to vector<16xi32>
      %select_n3A_1397 = arith.select %and3A_1387, %add3A_1394, %broadcast_in_dim3A_1396 : vector<16xi1>, vector<16xi32>
      %swap3A_1398 = arith.index_cast %scan3A_1369 : i32 to index
      %swap3A_1399 = tpu.vector_load %arg18[%swap3A_1398] masked %and3A_1387 {strides = array<i32>} : memref<2192xi32, #tpu.memory_space<vmem>>, vector<16xi32>, vector<16xi1>
      tpu.vector_store %arg18[%swap3A_1398], %get3A_1375 masked %and3A_1387 {strides = array<i32>} : memref<2192xi32, #tpu.memory_space<vmem>>, vector<16xi32>, vector<16xi1>
      %swap3A_1400 = arith.index_cast %scan3A_1369 : i32 to index
      %swap3A_1401 = tpu.vector_load %arg19[%swap3A_1400] masked %and3A_1387 {strides = array<i32>} : memref<2192xi32, #tpu.memory_space<vmem>>, vector<16xi32>, vector<16xi1>
      tpu.vector_store %arg19[%swap3A_1400], %select_n3A_1397 masked %and3A_1387 {strides = array<i32>} : memref<2192xi32, #tpu.memory_space<vmem>>, vector<16xi32>, vector<16xi1>
      %convert_element_type3A = arith.extui %and3A_1387 : vector<16xi1> to vector<16xi32>
      %reduce_sum3A = arith.constant true
      %reduce_sum3A_1402 = vector.broadcast %reduce_sum3A : i1 to vector<16xi1>
      %reduce_sum3A_1403 = tpu.scan <sum>, %convert_element_type3A masked %reduce_sum3A_1402 : vector<16xi32>, vector<16xi1> -> vector<16xi32>
      %reduce_sum3A_1404 = vector.extract %reduce_sum3A_1403[15] : i32 from vector<16xi32>
      %add3A_1405 = arith.addi %scan3A_1369, %reduce_sum3A_1404 : i32
      scf.yield %add3A_1405 : i32
    }
    %scan3A_882 = arith.constant 125 : i32
    %jit3A_883 = arith.constant 64 : i32
    %div3A_884 = arith.divsi %scan3A_881, %jit3A_883 : i32
    %sign3A_885 = arith.constant 0 : i32
    %sign3A_886 = arith.cmpi sgt, %scan3A_881, %sign3A_885 : i32
    %sign3A_887 = arith.extui %sign3A_886 : i1 to i32
    %sign3A_888 = arith.constant 0 : i32
    %sign3A_889 = arith.cmpi slt, %scan3A_881, %sign3A_888 : i32
    %sign3A_890 = arith.extui %sign3A_889 : i1 to i32
    %sign3A_891 = arith.subi %sign3A_887, %sign3A_890 : i32
    %sign3A_892 = arith.constant 0 : i32
    %sign3A_893 = arith.cmpi sgt, %jit3A_883, %sign3A_892 : i32
    %sign3A_894 = arith.extui %sign3A_893 : i1 to i32
    %sign3A_895 = arith.constant 0 : i32
    %sign3A_896 = arith.cmpi slt, %jit3A_883, %sign3A_895 : i32
    %sign3A_897 = arith.extui %sign3A_896 : i1 to i32
    %sign3A_898 = arith.subi %sign3A_894, %sign3A_897 : i32
    %ne3A_899 = arith.cmpi ne, %sign3A_891, %sign3A_898 : i32
    %rem3A_900 = arith.remsi %scan3A_881, %jit3A_883 : i32
    %ne3A_901 = arith.constant 0 : i32
    %ne3A_902 = arith.cmpi ne, %rem3A_900, %ne3A_901 : i32
    %and3A_903 = arith.andi %ne3A_899, %ne3A_902 : i1
    %sub3A_904 = arith.constant 1 : i32
    %sub3A_905 = arith.subi %div3A_884, %sub3A_904 : i32
    %select_n3A_906 = arith.select %and3A_903, %sub3A_905, %div3A_884 : i32
    %while3A_907 = arith.constant 0 : i32
    %while3A_908 = arith.constant 0 : i32
    %while3A_909 = arith.subi %select_n3A_906, %while3A_907 : i32
    %while3A_910 = arith.addi %while3A_907, %while3A_909 : i32
    %while3A_911 = arith.constant 1 : i32
    %while3A_912 = arith.divsi %while3A_909, %while3A_911 : i32
    %while3A_913 = arith.muli %while3A_912, %while3A_911 : i32
    %while3A_914 = arith.addi %while3A_907, %while3A_913 : i32
    %while3A_915 = arith.constant 1 : i32
    %while3A_916 = scf.for %while3A_1368 = %while3A_907 to %while3A_914 step %while3A_915 iter_args(%while3A_1369 = %while3A_908) -> (i32)  : i32 {
      %mul3A_1370 = arith.constant 64 : i32
      %mul3A_1371 = arith.muli %while3A_1368, %mul3A_1370 : i32
      %add3A_1372 = arith.constant 0 : i32
      %add3A_1373 = arith.addi %mul3A_1371, %add3A_1372 : i32
      %get3A_1374 = arith.index_cast %add3A_1373 : i32 to index
      %get3A_1375 = tpu.vector_load %arg18[%get3A_1374] {strides = array<i32>} : memref<2192xi32, #tpu.memory_space<vmem>>, vector<16xi32>,
      %swap3A_1376 = arith.constant 0 : index
      %swap3A_1377 = tpu.vector_load %arg20[%swap3A_1376] {strides = array<i32>} : memref<64xi32, #tpu.memory_space<vmem>>, vector<16xi32>,
      tpu.vector_store %arg20[%swap3A_1376], %get3A_1375 {strides = array<i32>} : memref<64xi32, #tpu.memory_space<vmem>>, vector<16xi32>,
      %mul3A_1378 = arith.constant 64 : i32
      %mul3A_1379 = arith.muli %while3A_1368, %mul3A_1378 : i32
      %add3A_1380 = arith.constant 0 : i32
      %add3A_1381 = arith.addi %mul3A_1379, %add3A_1380 : i32
      %get3A_1382 = arith.index_cast %add3A_1381 : i32 to index
      %get3A_1383 = tpu.vector_load %arg19[%get3A_1382] {strides = array<i32>} : memref<2192xi32, #tpu.memory_space<vmem>>, vector<16xi32>,
      %swap3A_1384 = arith.constant 0 : index
      %swap3A_1385 = tpu.vector_load %arg21[%swap3A_1384] {strides = array<i32>} : memref<64xi32, #tpu.memory_space<vmem>>, vector<16xi32>,
      tpu.vector_store %arg21[%swap3A_1384], %get3A_1383 {strides = array<i32>} : memref<64xi32, #tpu.memory_space<vmem>>, vector<16xi32>,
      %mul3A_1386 = arith.constant 64 : i32
      %mul3A_1387 = arith.muli %while3A_1368, %mul3A_1386 : i32
      %add3A_1388 = arith.constant 16 : i32
      %add3A_1389 = arith.addi %mul3A_1387, %add3A_1388 : i32
      %get3A_1390 = arith.index_cast %add3A_1389 : i32 to index
      %get3A_1391 = tpu.vector_load %arg18[%get3A_1390] {strides = array<i32>} : memref<2192xi32, #tpu.memory_space<vmem>>, vector<16xi32>,
      %swap3A_1392 = arith.constant 16 : index
      %swap3A_1393 = tpu.vector_load %arg20[%swap3A_1392] {strides = array<i32>} : memref<64xi32, #tpu.memory_space<vmem>>, vector<16xi32>,
      tpu.vector_store %arg20[%swap3A_1392], %get3A_1391 {strides = array<i32>} : memref<64xi32, #tpu.memory_space<vmem>>, vector<16xi32>,
      %mul3A_1394 = arith.constant 64 : i32
      %mul3A_1395 = arith.muli %while3A_1368, %mul3A_1394 : i32
      %add3A_1396 = arith.constant 16 : i32
      %add3A_1397 = arith.addi %mul3A_1395, %add3A_1396 : i32
      %get3A_1398 = arith.index_cast %add3A_1397 : i32 to index
      %get3A_1399 = tpu.vector_load %arg19[%get3A_1398] {strides = array<i32>} : memref<2192xi32, #tpu.memory_space<vmem>>, vector<16xi32>,
      %swap3A_1400 = arith.constant 16 : index
      %swap3A_1401 = tpu.vector_load %arg21[%swap3A_1400] {strides = array<i32>} : memref<64xi32, #tpu.memory_space<vmem>>, vector<16xi32>,
      tpu.vector_store %arg21[%swap3A_1400], %get3A_1399 {strides = array<i32>} : memref<64xi32, #tpu.memory_space<vmem>>, vector<16xi32>,
      %mul3A_1402 = arith.constant 64 : i32
      %mul3A_1403 = arith.muli %while3A_1368, %mul3A_1402 : i32
      %add3A_1404 = arith.constant 32 : i32
      %add3A_1405 = arith.addi %mul3A_1403, %add3A_1404 : i32
      %get3A_1406 = arith.index_cast %add3A_1405 : i32 to index
      %get3A_1407 = tpu.vector_load %arg18[%get3A_1406] {strides = array<i32>} : memref<2192xi32, #tpu.memory_space<vmem>>, vector<16xi32>,
      %swap3A_1408 = arith.constant 32 : index
      %swap3A_1409 = tpu.vector_load %arg20[%swap3A_1408] {strides = array<i32>} : memref<64xi32, #tpu.memory_space<vmem>>, vector<16xi32>,
      tpu.vector_store %arg20[%swap3A_1408], %get3A_1407 {strides = array<i32>} : memref<64xi32, #tpu.memory_space<vmem>>, vector<16xi32>,
      %mul3A_1410 = arith.constant 64 : i32
      %mul3A_1411 = arith.muli %while3A_1368, %mul3A_1410 : i32
      %add3A_1412 = arith.constant 32 : i32
      %add3A_1413 = arith.addi %mul3A_1411, %add3A_1412 : i32
      %get3A_1414 = arith.index_cast %add3A_1413 : i32 to index
      %get3A_1415 = tpu.vector_load %arg19[%get3A_1414] {strides = array<i32>} : memref<2192xi32, #tpu.memory_space<vmem>>, vector<16xi32>,
      %swap3A_1416 = arith.constant 32 : index
      %swap3A_1417 = tpu.vector_load %arg21[%swap3A_1416] {strides = array<i32>} : memref<64xi32, #tpu.memory_space<vmem>>, vector<16xi32>,
      tpu.vector_store %arg21[%swap3A_1416], %get3A_1415 {strides = array<i32>} : memref<64xi32, #tpu.memory_space<vmem>>, vector<16xi32>,
      %mul3A_1418 = arith.constant 64 : i32
      %mul3A_1419 = arith.muli %while3A_1368, %mul3A_1418 : i32
      %add3A_1420 = arith.constant 48 : i32
      %add3A_1421 = arith.addi %mul3A_1419, %add3A_1420 : i32
      %get3A_1422 = arith.index_cast %add3A_1421 : i32 to index
      %get3A_1423 = tpu.vector_load %arg18[%get3A_1422] {strides = array<i32>} : memref<2192xi32, #tpu.memory_space<vmem>>, vector<16xi32>,
      %swap3A_1424 = arith.constant 48 : index
      %swap3A_1425 = tpu.vector_load %arg20[%swap3A_1424] {strides = array<i32>} : memref<64xi32, #tpu.memory_space<vmem>>, vector<16xi32>,
      tpu.vector_store %arg20[%swap3A_1424], %get3A_1423 {strides = array<i32>} : memref<64xi32, #tpu.memory_space<vmem>>, vector<16xi32>,
      %mul3A_1426 = arith.constant 64 : i32
      %mul3A_1427 = arith.muli %while3A_1368, %mul3A_1426 : i32
      %add3A_1428 = arith.constant 48 : i32
      %add3A_1429 = arith.addi %mul3A_1427, %add3A_1428 : i32
      %get3A_1430 = arith.index_cast %add3A_1429 : i32 to index
      %get3A_1431 = tpu.vector_load %arg19[%get3A_1430] {strides = array<i32>} : memref<2192xi32, #tpu.memory_space<vmem>>, vector<16xi32>,
      %swap3A_1432 = arith.constant 48 : index
      %swap3A_1433 = tpu.vector_load %arg21[%swap3A_1432] {strides = array<i32>} : memref<64xi32, #tpu.memory_space<vmem>>, vector<16xi32>,
      tpu.vector_store %arg21[%swap3A_1432], %get3A_1431 {strides = array<i32>} : memref<64xi32, #tpu.memory_space<vmem>>, vector<16xi32>,
      %dma_start3A_1434 = arith.constant 0 : i32
      %dma_start3A_1435 = arith.constant 0 : i32
      %dma_start3A_1436 = tpu.memref_slice %arg6[%dma_start3A_1434, %dma_start3A_1435] : memref<10000x128xf32, #tpu.memory_space<hbm>> -> memref<10000x128xf32, #tpu.memory_space<hbm>>
      tpu.enqueue_indirect_dma source(%dma_start3A_1436 : memref<10000x128xf32, #tpu.memory_space<hbm>>) target(%arg22 : memref<64x128xf32, #tpu.memory_space<vmem>>) offsets(%arg20 : memref<64xi32, #tpu.memory_space<vmem>>) semaphore(%arg31 : memref<!tpu.dma_semaphore, #tpu.memory_space<semaphore_mem>>)
      %dma_wait3A_1437 = arith.constant 0 : i32
      %dma_wait3A_1438 = arith.constant 0 : i32
      %dma_wait3A_1439 = tpu.memref_slice %arg6[%dma_wait3A_1437, %dma_wait3A_1438] : memref<10000x128xf32, #tpu.memory_space<hbm>> -> memref<10000x128xf32, #tpu.memory_space<hbm>>
      tpu.wait_indirect_dma semaphore(%arg31 : memref<!tpu.dma_semaphore, #tpu.memory_space<semaphore_mem>>) src(%dma_wait3A_1439 : memref<10000x128xf32, #tpu.memory_space<hbm>>) dst(%arg22 : memref<64x128xf32, #tpu.memory_space<vmem>>)
      "tpu.region"() ({
        %run_scoped3A = tpu.sem_alloc : memref<!tpu.dma_semaphore, #tpu.memory_space<semaphore_mem>>
        %dma_start3A_1441 = arith.constant 0 : i32
        %dma_start3A_1442 = arith.constant 0 : i32
        %dma_start3A_1443 = tpu.memref_slice %arg26[%dma_start3A_1441, %dma_start3A_1442] : memref<4112x128xf32, #tpu.memory_space<vmem_shared>> -> memref<4112x128xf32, #tpu.memory_space<vmem_shared>>
        tpu.enqueue_indirect_dma source(%arg22 : memref<64x128xf32, #tpu.memory_space<vmem>>) target(%dma_start3A_1443 : memref<4112x128xf32, #tpu.memory_space<vmem_shared>>) offsets(%arg21 : memref<64xi32, #tpu.memory_space<vmem>>) semaphore(%run_scoped3A : memref<!tpu.dma_semaphore, #tpu.memory_space<semaphore_mem>>) {add = true}
        %dma_wait3A_1444 = arith.constant 0 : i32
        %dma_wait3A_1445 = arith.constant 0 : i32
        %dma_wait3A_1446 = tpu.memref_slice %arg26[%dma_wait3A_1444, %dma_wait3A_1445] : memref<4112x128xf32, #tpu.memory_space<vmem_shared>> -> memref<4112x128xf32, #tpu.memory_space<vmem_shared>>
        tpu.wait_indirect_dma semaphore(%run_scoped3A : memref<!tpu.dma_semaphore, #tpu.memory_space<semaphore_mem>>) src(%arg22 : memref<64x128xf32, #tpu.memory_space<vmem>>) dst(%dma_wait3A_1446 : memref<4112x128xf32, #tpu.memory_space<vmem_shared>>)
        tpu.yield
      }) : () -> ()
      "tpu.region"() ({
        %run_scoped3A = tpu.sem_alloc : memref<!tpu.dma_semaphore, #tpu.memory_space<semaphore_mem>>
        %dma_start3A_1441 = arith.constant 0 : i32
        %dma_start3A_1442 = tpu.memref_slice %arg27[%dma_start3A_1441] : memref<4224xf32, #tpu.memory_space<vmem_shared>> -> memref<4224xf32, #tpu.memory_space<vmem_shared>>
        tpu.enqueue_indirect_dma source(%arg23 : memref<64xf32, #tpu.memory_space<vmem>>) target(%dma_start3A_1442 : memref<4224xf32, #tpu.memory_space<vmem_shared>>) offsets(%arg21 : memref<64xi32, #tpu.memory_space<vmem>>) semaphore(%run_scoped3A : memref<!tpu.dma_semaphore, #tpu.memory_space<semaphore_mem>>) {add = true}
        %dma_wait3A_1443 = arith.constant 0 : i32
        %dma_wait3A_1444 = tpu.memref_slice %arg27[%dma_wait3A_1443] : memref<4224xf32, #tpu.memory_space<vmem_shared>> -> memref<4224xf32, #tpu.memory_space<vmem_shared>>
        tpu.wait_indirect_dma semaphore(%run_scoped3A : memref<!tpu.dma_semaphore, #tpu.memory_space<semaphore_mem>>) src(%arg23 : memref<64xf32, #tpu.memory_space<vmem>>) dst(%dma_wait3A_1444 : memref<4224xf32, #tpu.memory_space<vmem_shared>>)
        tpu.yield
      }) : () -> ()
      %while3A_1440 = arith.constant 0 : i32
      scf.yield %while3A_1440 : i32
    }
    %while3A_917 = arith.constant 1 : i32
    %while3A_918 = scf.for %while3A_1368 = %while3A_914 to %while3A_910 step %while3A_917 iter_args(%while3A_1369 = %while3A_916) -> (i32)  : i32 {
      %mul3A_1370 = arith.constant 64 : i32
      %mul3A_1371 = arith.muli %while3A_1368, %mul3A_1370 : i32
      %add3A_1372 = arith.constant 0 : i32
      %add3A_1373 = arith.addi %mul3A_1371, %add3A_1372 : i32
      %get3A_1374 = arith.index_cast %add3A_1373 : i32 to index
      %get3A_1375 = tpu.vector_load %arg18[%get3A_1374] {strides = array<i32>} : memref<2192xi32, #tpu.memory_space<vmem>>, vector<16xi32>,
      %swap3A_1376 = arith.constant 0 : index
      %swap3A_1377 = tpu.vector_load %arg20[%swap3A_1376] {strides = array<i32>} : memref<64xi32, #tpu.memory_space<vmem>>, vector<16xi32>,
      tpu.vector_store %arg20[%swap3A_1376], %get3A_1375 {strides = array<i32>} : memref<64xi32, #tpu.memory_space<vmem>>, vector<16xi32>,
      %mul3A_1378 = arith.constant 64 : i32
      %mul3A_1379 = arith.muli %while3A_1368, %mul3A_1378 : i32
      %add3A_1380 = arith.constant 0 : i32
      %add3A_1381 = arith.addi %mul3A_1379, %add3A_1380 : i32
      %get3A_1382 = arith.index_cast %add3A_1381 : i32 to index
      %get3A_1383 = tpu.vector_load %arg19[%get3A_1382] {strides = array<i32>} : memref<2192xi32, #tpu.memory_space<vmem>>, vector<16xi32>,
      %swap3A_1384 = arith.constant 0 : index
      %swap3A_1385 = tpu.vector_load %arg21[%swap3A_1384] {strides = array<i32>} : memref<64xi32, #tpu.memory_space<vmem>>, vector<16xi32>,
      tpu.vector_store %arg21[%swap3A_1384], %get3A_1383 {strides = array<i32>} : memref<64xi32, #tpu.memory_space<vmem>>, vector<16xi32>,
      %mul3A_1386 = arith.constant 64 : i32
      %mul3A_1387 = arith.muli %while3A_1368, %mul3A_1386 : i32
      %add3A_1388 = arith.constant 16 : i32
      %add3A_1389 = arith.addi %mul3A_1387, %add3A_1388 : i32
      %get3A_1390 = arith.index_cast %add3A_1389 : i32 to index
      %get3A_1391 = tpu.vector_load %arg18[%get3A_1390] {strides = array<i32>} : memref<2192xi32, #tpu.memory_space<vmem>>, vector<16xi32>,
      %swap3A_1392 = arith.constant 16 : index
      %swap3A_1393 = tpu.vector_load %arg20[%swap3A_1392] {strides = array<i32>} : memref<64xi32, #tpu.memory_space<vmem>>, vector<16xi32>,
      tpu.vector_store %arg20[%swap3A_1392], %get3A_1391 {strides = array<i32>} : memref<64xi32, #tpu.memory_space<vmem>>, vector<16xi32>,
      %mul3A_1394 = arith.constant 64 : i32
      %mul3A_1395 = arith.muli %while3A_1368, %mul3A_1394 : i32
      %add3A_1396 = arith.constant 16 : i32
      %add3A_1397 = arith.addi %mul3A_1395, %add3A_1396 : i32
      %get3A_1398 = arith.index_cast %add3A_1397 : i32 to index
      %get3A_1399 = tpu.vector_load %arg19[%get3A_1398] {strides = array<i32>} : memref<2192xi32, #tpu.memory_space<vmem>>, vector<16xi32>,
      %swap3A_1400 = arith.constant 16 : index
      %swap3A_1401 = tpu.vector_load %arg21[%swap3A_1400] {strides = array<i32>} : memref<64xi32, #tpu.memory_space<vmem>>, vector<16xi32>,
      tpu.vector_store %arg21[%swap3A_1400], %get3A_1399 {strides = array<i32>} : memref<64xi32, #tpu.memory_space<vmem>>, vector<16xi32>,
      %mul3A_1402 = arith.constant 64 : i32
      %mul3A_1403 = arith.muli %while3A_1368, %mul3A_1402 : i32
      %add3A_1404 = arith.constant 32 : i32
      %add3A_1405 = arith.addi %mul3A_1403, %add3A_1404 : i32
      %get3A_1406 = arith.index_cast %add3A_1405 : i32 to index
      %get3A_1407 = tpu.vector_load %arg18[%get3A_1406] {strides = array<i32>} : memref<2192xi32, #tpu.memory_space<vmem>>, vector<16xi32>,
      %swap3A_1408 = arith.constant 32 : index
      %swap3A_1409 = tpu.vector_load %arg20[%swap3A_1408] {strides = array<i32>} : memref<64xi32, #tpu.memory_space<vmem>>, vector<16xi32>,
      tpu.vector_store %arg20[%swap3A_1408], %get3A_1407 {strides = array<i32>} : memref<64xi32, #tpu.memory_space<vmem>>, vector<16xi32>,
      %mul3A_1410 = arith.constant 64 : i32
      %mul3A_1411 = arith.muli %while3A_1368, %mul3A_1410 : i32
      %add3A_1412 = arith.constant 32 : i32
      %add3A_1413 = arith.addi %mul3A_1411, %add3A_1412 : i32
      %get3A_1414 = arith.index_cast %add3A_1413 : i32 to index
      %get3A_1415 = tpu.vector_load %arg19[%get3A_1414] {strides = array<i32>} : memref<2192xi32, #tpu.memory_space<vmem>>, vector<16xi32>,
      %swap3A_1416 = arith.constant 32 : index
      %swap3A_1417 = tpu.vector_load %arg21[%swap3A_1416] {strides = array<i32>} : memref<64xi32, #tpu.memory_space<vmem>>, vector<16xi32>,
      tpu.vector_store %arg21[%swap3A_1416], %get3A_1415 {strides = array<i32>} : memref<64xi32, #tpu.memory_space<vmem>>, vector<16xi32>,
      %mul3A_1418 = arith.constant 64 : i32
      %mul3A_1419 = arith.muli %while3A_1368, %mul3A_1418 : i32
      %add3A_1420 = arith.constant 48 : i32
      %add3A_1421 = arith.addi %mul3A_1419, %add3A_1420 : i32
      %get3A_1422 = arith.index_cast %add3A_1421 : i32 to index
      %get3A_1423 = tpu.vector_load %arg18[%get3A_1422] {strides = array<i32>} : memref<2192xi32, #tpu.memory_space<vmem>>, vector<16xi32>,
      %swap3A_1424 = arith.constant 48 : index
      %swap3A_1425 = tpu.vector_load %arg20[%swap3A_1424] {strides = array<i32>} : memref<64xi32, #tpu.memory_space<vmem>>, vector<16xi32>,
      tpu.vector_store %arg20[%swap3A_1424], %get3A_1423 {strides = array<i32>} : memref<64xi32, #tpu.memory_space<vmem>>, vector<16xi32>,
      %mul3A_1426 = arith.constant 64 : i32
      %mul3A_1427 = arith.muli %while3A_1368, %mul3A_1426 : i32
      %add3A_1428 = arith.constant 48 : i32
      %add3A_1429 = arith.addi %mul3A_1427, %add3A_1428 : i32
      %get3A_1430 = arith.index_cast %add3A_1429 : i32 to index
      %get3A_1431 = tpu.vector_load %arg19[%get3A_1430] {strides = array<i32>} : memref<2192xi32, #tpu.memory_space<vmem>>, vector<16xi32>,
      %swap3A_1432 = arith.constant 48 : index
      %swap3A_1433 = tpu.vector_load %arg21[%swap3A_1432] {strides = array<i32>} : memref<64xi32, #tpu.memory_space<vmem>>, vector<16xi32>,
      tpu.vector_store %arg21[%swap3A_1432], %get3A_1431 {strides = array<i32>} : memref<64xi32, #tpu.memory_space<vmem>>, vector<16xi32>,
      %dma_start3A_1434 = arith.constant 0 : i32
      %dma_start3A_1435 = arith.constant 0 : i32
      %dma_start3A_1436 = tpu.memref_slice %arg6[%dma_start3A_1434, %dma_start3A_1435] : memref<10000x128xf32, #tpu.memory_space<hbm>> -> memref<10000x128xf32, #tpu.memory_space<hbm>>
      tpu.enqueue_indirect_dma source(%dma_start3A_1436 : memref<10000x128xf32, #tpu.memory_space<hbm>>) target(%arg22 : memref<64x128xf32, #tpu.memory_space<vmem>>) offsets(%arg20 : memref<64xi32, #tpu.memory_space<vmem>>) semaphore(%arg31 : memref<!tpu.dma_semaphore, #tpu.memory_space<semaphore_mem>>)
      %dma_wait3A_1437 = arith.constant 0 : i32
      %dma_wait3A_1438 = arith.constant 0 : i32
      %dma_wait3A_1439 = tpu.memref_slice %arg6[%dma_wait3A_1437, %dma_wait3A_1438] : memref<10000x128xf32, #tpu.memory_space<hbm>> -> memref<10000x128xf32, #tpu.memory_space<hbm>>
      tpu.wait_indirect_dma semaphore(%arg31 : memref<!tpu.dma_semaphore, #tpu.memory_space<semaphore_mem>>) src(%dma_wait3A_1439 : memref<10000x128xf32, #tpu.memory_space<hbm>>) dst(%arg22 : memref<64x128xf32, #tpu.memory_space<vmem>>)
      "tpu.region"() ({
        %run_scoped3A = tpu.sem_alloc : memref<!tpu.dma_semaphore, #tpu.memory_space<semaphore_mem>>
        %dma_start3A_1441 = arith.constant 0 : i32
        %dma_start3A_1442 = arith.constant 0 : i32
        %dma_start3A_1443 = tpu.memref_slice %arg26[%dma_start3A_1441, %dma_start3A_1442] : memref<4112x128xf32, #tpu.memory_space<vmem_shared>> -> memref<4112x128xf32, #tpu.memory_space<vmem_shared>>
        tpu.enqueue_indirect_dma source(%arg22 : memref<64x128xf32, #tpu.memory_space<vmem>>) target(%dma_start3A_1443 : memref<4112x128xf32, #tpu.memory_space<vmem_shared>>) offsets(%arg21 : memref<64xi32, #tpu.memory_space<vmem>>) semaphore(%run_scoped3A : memref<!tpu.dma_semaphore, #tpu.memory_space<semaphore_mem>>) {add = true}
        %dma_wait3A_1444 = arith.constant 0 : i32
        %dma_wait3A_1445 = arith.constant 0 : i32
        %dma_wait3A_1446 = tpu.memref_slice %arg26[%dma_wait3A_1444, %dma_wait3A_1445] : memref<4112x128xf32, #tpu.memory_space<vmem_shared>> -> memref<4112x128xf32, #tpu.memory_space<vmem_shared>>
        tpu.wait_indirect_dma semaphore(%run_scoped3A : memref<!tpu.dma_semaphore, #tpu.memory_space<semaphore_mem>>) src(%arg22 : memref<64x128xf32, #tpu.memory_space<vmem>>) dst(%dma_wait3A_1446 : memref<4112x128xf32, #tpu.memory_space<vmem_shared>>)
        tpu.yield
      }) : () -> ()
      "tpu.region"() ({
        %run_scoped3A = tpu.sem_alloc : memref<!tpu.dma_semaphore, #tpu.memory_space<semaphore_mem>>
        %dma_start3A_1441 = arith.constant 0 : i32
        %dma_start3A_1442 = tpu.memref_slice %arg27[%dma_start3A_1441] : memref<4224xf32, #tpu.memory_space<vmem_shared>> -> memref<4224xf32, #tpu.memory_space<vmem_shared>>
        tpu.enqueue_indirect_dma source(%arg23 : memref<64xf32, #tpu.memory_space<vmem>>) target(%dma_start3A_1442 : memref<4224xf32, #tpu.memory_space<vmem_shared>>) offsets(%arg21 : memref<64xi32, #tpu.memory_space<vmem>>) semaphore(%run_scoped3A : memref<!tpu.dma_semaphore, #tpu.memory_space<semaphore_mem>>) {add = true}
        %dma_wait3A_1443 = arith.constant 0 : i32
        %dma_wait3A_1444 = tpu.memref_slice %arg27[%dma_wait3A_1443] : memref<4224xf32, #tpu.memory_space<vmem_shared>> -> memref<4224xf32, #tpu.memory_space<vmem_shared>>
        tpu.wait_indirect_dma semaphore(%run_scoped3A : memref<!tpu.dma_semaphore, #tpu.memory_space<semaphore_mem>>) src(%arg23 : memref<64xf32, #tpu.memory_space<vmem>>) dst(%dma_wait3A_1444 : memref<4224xf32, #tpu.memory_space<vmem_shared>>)
        tpu.yield
      }) : () -> ()
      %while3A_1440 = arith.constant 0 : i32
      scf.yield %while3A_1440 : i32
    }
    %mul3A_919 = arith.constant 64 : i32
    %mul3A_920 = arith.muli %select_n3A_906, %mul3A_919 : i32
    %add3A_921 = arith.constant 0 : i32
    %add3A_922 = arith.addi %mul3A_920, %add3A_921 : i32
    %get3A_923 = arith.index_cast %add3A_922 : i32 to index
    %get3A_924 = tpu.vector_load %arg18[%get3A_923] {strides = array<i32>} : memref<2192xi32, #tpu.memory_space<vmem>>, vector<16xi32>,
    %mul3A_925 = arith.constant 64 : i32
    %mul3A_926 = arith.muli %select_n3A_906, %mul3A_925 : i32
    %add3A_927 = arith.constant 0 : i32
    %add3A_928 = arith.addi %mul3A_926, %add3A_927 : i32
    %get3A_929 = arith.index_cast %add3A_928 : i32 to index
    %get3A_930 = tpu.vector_load %arg19[%get3A_929] {strides = array<i32>} : memref<2192xi32, #tpu.memory_space<vmem>>, vector<16xi32>,
    %swap3A_931 = arith.constant 0 : index
    %swap3A_932 = tpu.vector_load %arg18[%swap3A_931] {strides = array<i32>} : memref<2192xi32, #tpu.memory_space<vmem>>, vector<16xi32>,
    tpu.vector_store %arg18[%swap3A_931], %get3A_924 {strides = array<i32>} : memref<2192xi32, #tpu.memory_space<vmem>>, vector<16xi32>,
    %swap3A_933 = arith.constant 0 : index
    %swap3A_934 = tpu.vector_load %arg19[%swap3A_933] {strides = array<i32>} : memref<2192xi32, #tpu.memory_space<vmem>>, vector<16xi32>,
    tpu.vector_store %arg19[%swap3A_933], %get3A_930 {strides = array<i32>} : memref<2192xi32, #tpu.memory_space<vmem>>, vector<16xi32>,
    %mul3A_935 = arith.constant 64 : i32
    %mul3A_936 = arith.muli %select_n3A_906, %mul3A_935 : i32
    %add3A_937 = arith.constant 16 : i32
    %add3A_938 = arith.addi %mul3A_936, %add3A_937 : i32
    %get3A_939 = arith.index_cast %add3A_938 : i32 to index
    %get3A_940 = tpu.vector_load %arg18[%get3A_939] {strides = array<i32>} : memref<2192xi32, #tpu.memory_space<vmem>>, vector<16xi32>,
    %mul3A_941 = arith.constant 64 : i32
    %mul3A_942 = arith.muli %select_n3A_906, %mul3A_941 : i32
    %add3A_943 = arith.constant 16 : i32
    %add3A_944 = arith.addi %mul3A_942, %add3A_943 : i32
    %get3A_945 = arith.index_cast %add3A_944 : i32 to index
    %get3A_946 = tpu.vector_load %arg19[%get3A_945] {strides = array<i32>} : memref<2192xi32, #tpu.memory_space<vmem>>, vector<16xi32>,
    %swap3A_947 = arith.constant 16 : index
    %swap3A_948 = tpu.vector_load %arg18[%swap3A_947] {strides = array<i32>} : memref<2192xi32, #tpu.memory_space<vmem>>, vector<16xi32>,
    tpu.vector_store %arg18[%swap3A_947], %get3A_940 {strides = array<i32>} : memref<2192xi32, #tpu.memory_space<vmem>>, vector<16xi32>,
    %swap3A_949 = arith.constant 16 : index
    %swap3A_950 = tpu.vector_load %arg19[%swap3A_949] {strides = array<i32>} : memref<2192xi32, #tpu.memory_space<vmem>>, vector<16xi32>,
    tpu.vector_store %arg19[%swap3A_949], %get3A_946 {strides = array<i32>} : memref<2192xi32, #tpu.memory_space<vmem>>, vector<16xi32>,
    %mul3A_951 = arith.constant 64 : i32
    %mul3A_952 = arith.muli %select_n3A_906, %mul3A_951 : i32
    %add3A_953 = arith.constant 32 : i32
    %add3A_954 = arith.addi %mul3A_952, %add3A_953 : i32
    %get3A_955 = arith.index_cast %add3A_954 : i32 to index
    %get3A_956 = tpu.vector_load %arg18[%get3A_955] {strides = array<i32>} : memref<2192xi32, #tpu.memory_space<vmem>>, vector<16xi32>,
    %mul3A_957 = arith.constant 64 : i32
    %mul3A_958 = arith.muli %select_n3A_906, %mul3A_957 : i32
    %add3A_959 = arith.constant 32 : i32
    %add3A_960 = arith.addi %mul3A_958, %add3A_959 : i32
    %get3A_961 = arith.index_cast %add3A_960 : i32 to index
    %get3A_962 = tpu.vector_load %arg19[%get3A_961] {strides = array<i32>} : memref<2192xi32, #tpu.memory_space<vmem>>, vector<16xi32>,
    %swap3A_963 = arith.constant 32 : index
    %swap3A_964 = tpu.vector_load %arg18[%swap3A_963] {strides = array<i32>} : memref<2192xi32, #tpu.memory_space<vmem>>, vector<16xi32>,
    tpu.vector_store %arg18[%swap3A_963], %get3A_956 {strides = array<i32>} : memref<2192xi32, #tpu.memory_space<vmem>>, vector<16xi32>,
    %swap3A_965 = arith.constant 32 : index
    %swap3A_966 = tpu.vector_load %arg19[%swap3A_965] {strides = array<i32>} : memref<2192xi32, #tpu.memory_space<vmem>>, vector<16xi32>,
    tpu.vector_store %arg19[%swap3A_965], %get3A_962 {strides = array<i32>} : memref<2192xi32, #tpu.memory_space<vmem>>, vector<16xi32>,
    %mul3A_967 = arith.constant 64 : i32
    %mul3A_968 = arith.muli %select_n3A_906, %mul3A_967 : i32
    %add3A_969 = arith.constant 48 : i32
    %add3A_970 = arith.addi %mul3A_968, %add3A_969 : i32
    %get3A_971 = arith.index_cast %add3A_970 : i32 to index
    %get3A_972 = tpu.vector_load %arg18[%get3A_971] {strides = array<i32>} : memref<2192xi32, #tpu.memory_space<vmem>>, vector<16xi32>,
    %mul3A_973 = arith.constant 64 : i32
    %mul3A_974 = arith.muli %select_n3A_906, %mul3A_973 : i32
    %add3A_975 = arith.constant 48 : i32
    %add3A_976 = arith.addi %mul3A_974, %add3A_975 : i32
    %get3A_977 = arith.index_cast %add3A_976 : i32 to index
    %get3A_978 = tpu.vector_load %arg19[%get3A_977] {strides = array<i32>} : memref<2192xi32, #tpu.memory_space<vmem>>, vector<16xi32>,
    %swap3A_979 = arith.constant 48 : index
    %swap3A_980 = tpu.vector_load %arg18[%swap3A_979] {strides = array<i32>} : memref<2192xi32, #tpu.memory_space<vmem>>, vector<16xi32>,
    tpu.vector_store %arg18[%swap3A_979], %get3A_972 {strides = array<i32>} : memref<2192xi32, #tpu.memory_space<vmem>>, vector<16xi32>,
    %swap3A_981 = arith.constant 48 : index
    %swap3A_982 = tpu.vector_load %arg19[%swap3A_981] {strides = array<i32>} : memref<2192xi32, #tpu.memory_space<vmem>>, vector<16xi32>,
    tpu.vector_store %arg19[%swap3A_981], %get3A_978 {strides = array<i32>} : memref<2192xi32, #tpu.memory_space<vmem>>, vector<16xi32>,
    %mul3A_983 = arith.constant 64 : i32
    %mul3A_984 = arith.muli %select_n3A_906, %mul3A_983 : i32
    %sub3A_985 = arith.subi %scan3A_881, %mul3A_984 : i32
    %mul3A_986 = arith.constant 20000 : i32
    %mul3A_987 = arith.muli %arg1, %mul3A_986 : i32
    %add3A_988 = arith.constant 18000 : i32
    %add3A_989 = arith.addi %mul3A_987, %add3A_988 : i32
    %dma_start3A_990 = tpu.memref_slice %arg3[%add3A_989] : memref<320000xi32, #tpu.memory_space<hbm>> -> memref<2000xi32, #tpu.memory_space<hbm>>
    %dma_start3A_991 = tpu.memref_slice %arg3[%add3A_989] : memref<320000xi32, #tpu.memory_space<hbm>> -> memref<2000xi32, #tpu.memory_space<hbm>>
    tpu.enqueue_dma source(%dma_start3A_991 : memref<2000xi32, #tpu.memory_space<hbm>>) target(%arg16 : memref<2000xi32, #tpu.memory_space<vmem>>) target_semaphore(%arg29 : memref<!tpu.dma_semaphore, #tpu.memory_space<semaphore_mem>>)
    %dma_start3A_992 = tpu.memref_slice %arg4[%add3A_989] : memref<320000xi32, #tpu.memory_space<hbm>> -> memref<2000xi32, #tpu.memory_space<hbm>>
    %dma_start3A_993 = tpu.memref_slice %arg4[%add3A_989] : memref<320000xi32, #tpu.memory_space<hbm>> -> memref<2000xi32, #tpu.memory_space<hbm>>
    tpu.enqueue_dma source(%dma_start3A_993 : memref<2000xi32, #tpu.memory_space<hbm>>) target(%arg17 : memref<2000xi32, #tpu.memory_space<vmem>>) target_semaphore(%arg29 : memref<!tpu.dma_semaphore, #tpu.memory_space<semaphore_mem>>)
    %dma_wait3A_994 = tpu.memref_slice %arg3[%add3A_868] : memref<320000xi32, #tpu.memory_space<hbm>> -> memref<2000xi32, #tpu.memory_space<hbm>>
    %dma_wait3A_995 = tpu.memref_slice %arg3[%add3A_868] : memref<320000xi32, #tpu.memory_space<hbm>> -> memref<2000xi32, #tpu.memory_space<hbm>>
    tpu.wait_dma2 semaphore(%arg28 : memref<!tpu.dma_semaphore, #tpu.memory_space<semaphore_mem>>) src(%dma_wait3A_995 : memref<2000xi32, #tpu.memory_space<hbm>>) dst(%arg14 : memref<2000xi32, #tpu.memory_space<vmem>>)
    %dma_wait3A_996 = tpu.memref_slice %arg4[%add3A_868] : memref<320000xi32, #tpu.memory_space<hbm>> -> memref<2000xi32, #tpu.memory_space<hbm>>
    %dma_wait3A_997 = tpu.memref_slice %arg4[%add3A_868] : memref<320000xi32, #tpu.memory_space<hbm>> -> memref<2000xi32, #tpu.memory_space<hbm>>
    tpu.wait_dma2 semaphore(%arg28 : memref<!tpu.dma_semaphore, #tpu.memory_space<semaphore_mem>>) src(%dma_wait3A_997 : memref<2000xi32, #tpu.memory_space<hbm>>) dst(%arg15 : memref<2000xi32, #tpu.memory_space<vmem>>)
    %scan3A_998 = arith.constant 0 : i32
    %scan3A_999 = arith.constant 125 : i32
    %scan3A_1000 = arith.addi %scan3A_998, %scan3A_999 : i32
    %scan3A_1001 = arith.constant 1 : i32
    %scan3A_1002 = scf.for %scan3A_1368 = %scan3A_998 to %scan3A_1000 step %scan3A_1001 iter_args(%scan3A_1369 = %sub3A_985) -> (i32)  : i32 {
      %mul3A_1370 = arith.constant 16 : i32
      %mul3A_1371 = arith.muli %scan3A_1368, %mul3A_1370 : i32
      %get3A_1372 = arith.index_cast %mul3A_1371 : i32 to index
      %get3A_1373 = tpu.vector_load %arg15[%get3A_1372] {strides = array<i32>} : memref<2000xi32, #tpu.memory_space<vmem>>, vector<16xi32>,
      %get3A_1374 = arith.index_cast %mul3A_1371 : i32 to index
      %get3A_1375 = tpu.vector_load %arg14[%get3A_1374] {strides = array<i32>} : memref<2000xi32, #tpu.memory_space<vmem>>, vector<16xi32>,
      %shift_right_logical3A = arith.constant 3 : i32
      %shift_right_logical3A_1376 = vector.broadcast %shift_right_logical3A : i32 to vector<16xi32>
      %shift_right_logical3A_1377 = arith.shrui %get3A_1373, %shift_right_logical3A_1376 : vector<16xi32>
      %and3A_1378 = arith.constant 7 : i32
      %and3A_1379 = vector.broadcast %and3A_1378 : i32 to vector<16xi32>
      %and3A_1380 = arith.andi %get3A_1373, %and3A_1379 : vector<16xi32>
      %gather3A = tpu.vector_load_idx %arg13[%shift_right_logical3A_1377] : memref<10000xi32, #tpu.memory_space<vmem>>[vector<16xi32>], vector<16xi32>,
      %ge3A = arith.constant 0 : i32
      %ge3A_1381 = vector.broadcast %ge3A : i32 to vector<16xi32>
      %ge3A_1382 = arith.cmpi sge, %gather3A, %ge3A_1381 : vector<16xi32>
      %and3A_1383 = arith.constant 1 : i32
      %and3A_1384 = vector.broadcast %and3A_1383 : i32 to vector<16xi32>
      %and3A_1385 = arith.andi %gather3A, %and3A_1384 : vector<16xi32>
      %eq3A = vector.broadcast %arg0 : i32 to vector<16xi32>
      %eq3A_1386 = arith.cmpi eq, %and3A_1385, %eq3A : vector<16xi32>
      %and3A_1387 = arith.andi %ge3A_1382, %eq3A_1386 : vector<16xi1>
      %shift_right_logical3A_1388 = arith.constant 1 : i32
      %shift_right_logical3A_1389 = vector.broadcast %shift_right_logical3A_1388 : i32 to vector<16xi32>
      %shift_right_logical3A_1390 = arith.shrui %gather3A, %shift_right_logical3A_1389 : vector<16xi32>
      %mul3A_1391 = arith.constant 8 : i32
      %mul3A_1392 = vector.broadcast %mul3A_1391 : i32 to vector<16xi32>
      %mul3A_1393 = arith.muli %shift_right_logical3A_1390, %mul3A_1392 : vector<16xi32>
      %add3A_1394 = arith.addi %mul3A_1393, %and3A_1380 : vector<16xi32>
      %jit3A_1395 = arith.constant 4096 : i32
      %broadcast_in_dim3A_1396 = vector.broadcast %jit3A_1395 : i32 to vector<16xi32>
      %select_n3A_1397 = arith.select %and3A_1387, %add3A_1394, %broadcast_in_dim3A_1396 : vector<16xi1>, vector<16xi32>
      %swap3A_1398 = arith.index_cast %scan3A_1369 : i32 to index
      %swap3A_1399 = tpu.vector_load %arg18[%swap3A_1398] masked %and3A_1387 {strides = array<i32>} : memref<2192xi32, #tpu.memory_space<vmem>>, vector<16xi32>, vector<16xi1>
      tpu.vector_store %arg18[%swap3A_1398], %get3A_1375 masked %and3A_1387 {strides = array<i32>} : memref<2192xi32, #tpu.memory_space<vmem>>, vector<16xi32>, vector<16xi1>
      %swap3A_1400 = arith.index_cast %scan3A_1369 : i32 to index
      %swap3A_1401 = tpu.vector_load %arg19[%swap3A_1400] masked %and3A_1387 {strides = array<i32>} : memref<2192xi32, #tpu.memory_space<vmem>>, vector<16xi32>, vector<16xi1>
      tpu.vector_store %arg19[%swap3A_1400], %select_n3A_1397 masked %and3A_1387 {strides = array<i32>} : memref<2192xi32, #tpu.memory_space<vmem>>, vector<16xi32>, vector<16xi1>
      %convert_element_type3A = arith.extui %and3A_1387 : vector<16xi1> to vector<16xi32>
      %reduce_sum3A = arith.constant true
      %reduce_sum3A_1402 = vector.broadcast %reduce_sum3A : i1 to vector<16xi1>
      %reduce_sum3A_1403 = tpu.scan <sum>, %convert_element_type3A masked %reduce_sum3A_1402 : vector<16xi32>, vector<16xi1> -> vector<16xi32>
      %reduce_sum3A_1404 = vector.extract %reduce_sum3A_1403[15] : i32 from vector<16xi32>
      %add3A_1405 = arith.addi %scan3A_1369, %reduce_sum3A_1404 : i32
      scf.yield %add3A_1405 : i32
    }
    %scan3A_1003 = arith.constant 125 : i32
    %jit3A_1004 = arith.constant 64 : i32
    %div3A_1005 = arith.divsi %scan3A_1002, %jit3A_1004 : i32
    %sign3A_1006 = arith.constant 0 : i32
    %sign3A_1007 = arith.cmpi sgt, %scan3A_1002, %sign3A_1006 : i32
    %sign3A_1008 = arith.extui %sign3A_1007 : i1 to i32
    %sign3A_1009 = arith.constant 0 : i32
    %sign3A_1010 = arith.cmpi slt, %scan3A_1002, %sign3A_1009 : i32
    %sign3A_1011 = arith.extui %sign3A_1010 : i1 to i32
    %sign3A_1012 = arith.subi %sign3A_1008, %sign3A_1011 : i32
    %sign3A_1013 = arith.constant 0 : i32
    %sign3A_1014 = arith.cmpi sgt, %jit3A_1004, %sign3A_1013 : i32
    %sign3A_1015 = arith.extui %sign3A_1014 : i1 to i32
    %sign3A_1016 = arith.constant 0 : i32
    %sign3A_1017 = arith.cmpi slt, %jit3A_1004, %sign3A_1016 : i32
    %sign3A_1018 = arith.extui %sign3A_1017 : i1 to i32
    %sign3A_1019 = arith.subi %sign3A_1015, %sign3A_1018 : i32
    %ne3A_1020 = arith.cmpi ne, %sign3A_1012, %sign3A_1019 : i32
    %rem3A_1021 = arith.remsi %scan3A_1002, %jit3A_1004 : i32
    %ne3A_1022 = arith.constant 0 : i32
    %ne3A_1023 = arith.cmpi ne, %rem3A_1021, %ne3A_1022 : i32
    %and3A_1024 = arith.andi %ne3A_1020, %ne3A_1023 : i1
    %sub3A_1025 = arith.constant 1 : i32
    %sub3A_1026 = arith.subi %div3A_1005, %sub3A_1025 : i32
    %select_n3A_1027 = arith.select %and3A_1024, %sub3A_1026, %div3A_1005 : i32
    %while3A_1028 = arith.constant 0 : i32
    %while3A_1029 = arith.constant 0 : i32
    %while3A_1030 = arith.subi %select_n3A_1027, %while3A_1028 : i32
    %while3A_1031 = arith.addi %while3A_1028, %while3A_1030 : i32
    %while3A_1032 = arith.constant 1 : i32
    %while3A_1033 = arith.divsi %while3A_1030, %while3A_1032 : i32
    %while3A_1034 = arith.muli %while3A_1033, %while3A_1032 : i32
    %while3A_1035 = arith.addi %while3A_1028, %while3A_1034 : i32
    %while3A_1036 = arith.constant 1 : i32
    %while3A_1037 = scf.for %while3A_1368 = %while3A_1028 to %while3A_1035 step %while3A_1036 iter_args(%while3A_1369 = %while3A_1029) -> (i32)  : i32 {
      %mul3A_1370 = arith.constant 64 : i32
      %mul3A_1371 = arith.muli %while3A_1368, %mul3A_1370 : i32
      %add3A_1372 = arith.constant 0 : i32
      %add3A_1373 = arith.addi %mul3A_1371, %add3A_1372 : i32
      %get3A_1374 = arith.index_cast %add3A_1373 : i32 to index
      %get3A_1375 = tpu.vector_load %arg18[%get3A_1374] {strides = array<i32>} : memref<2192xi32, #tpu.memory_space<vmem>>, vector<16xi32>,
      %swap3A_1376 = arith.constant 0 : index
      %swap3A_1377 = tpu.vector_load %arg20[%swap3A_1376] {strides = array<i32>} : memref<64xi32, #tpu.memory_space<vmem>>, vector<16xi32>,
      tpu.vector_store %arg20[%swap3A_1376], %get3A_1375 {strides = array<i32>} : memref<64xi32, #tpu.memory_space<vmem>>, vector<16xi32>,
      %mul3A_1378 = arith.constant 64 : i32
      %mul3A_1379 = arith.muli %while3A_1368, %mul3A_1378 : i32
      %add3A_1380 = arith.constant 0 : i32
      %add3A_1381 = arith.addi %mul3A_1379, %add3A_1380 : i32
      %get3A_1382 = arith.index_cast %add3A_1381 : i32 to index
      %get3A_1383 = tpu.vector_load %arg19[%get3A_1382] {strides = array<i32>} : memref<2192xi32, #tpu.memory_space<vmem>>, vector<16xi32>,
      %swap3A_1384 = arith.constant 0 : index
      %swap3A_1385 = tpu.vector_load %arg21[%swap3A_1384] {strides = array<i32>} : memref<64xi32, #tpu.memory_space<vmem>>, vector<16xi32>,
      tpu.vector_store %arg21[%swap3A_1384], %get3A_1383 {strides = array<i32>} : memref<64xi32, #tpu.memory_space<vmem>>, vector<16xi32>,
      %mul3A_1386 = arith.constant 64 : i32
      %mul3A_1387 = arith.muli %while3A_1368, %mul3A_1386 : i32
      %add3A_1388 = arith.constant 16 : i32
      %add3A_1389 = arith.addi %mul3A_1387, %add3A_1388 : i32
      %get3A_1390 = arith.index_cast %add3A_1389 : i32 to index
      %get3A_1391 = tpu.vector_load %arg18[%get3A_1390] {strides = array<i32>} : memref<2192xi32, #tpu.memory_space<vmem>>, vector<16xi32>,
      %swap3A_1392 = arith.constant 16 : index
      %swap3A_1393 = tpu.vector_load %arg20[%swap3A_1392] {strides = array<i32>} : memref<64xi32, #tpu.memory_space<vmem>>, vector<16xi32>,
      tpu.vector_store %arg20[%swap3A_1392], %get3A_1391 {strides = array<i32>} : memref<64xi32, #tpu.memory_space<vmem>>, vector<16xi32>,
      %mul3A_1394 = arith.constant 64 : i32
      %mul3A_1395 = arith.muli %while3A_1368, %mul3A_1394 : i32
      %add3A_1396 = arith.constant 16 : i32
      %add3A_1397 = arith.addi %mul3A_1395, %add3A_1396 : i32
      %get3A_1398 = arith.index_cast %add3A_1397 : i32 to index
      %get3A_1399 = tpu.vector_load %arg19[%get3A_1398] {strides = array<i32>} : memref<2192xi32, #tpu.memory_space<vmem>>, vector<16xi32>,
      %swap3A_1400 = arith.constant 16 : index
      %swap3A_1401 = tpu.vector_load %arg21[%swap3A_1400] {strides = array<i32>} : memref<64xi32, #tpu.memory_space<vmem>>, vector<16xi32>,
      tpu.vector_store %arg21[%swap3A_1400], %get3A_1399 {strides = array<i32>} : memref<64xi32, #tpu.memory_space<vmem>>, vector<16xi32>,
      %mul3A_1402 = arith.constant 64 : i32
      %mul3A_1403 = arith.muli %while3A_1368, %mul3A_1402 : i32
      %add3A_1404 = arith.constant 32 : i32
      %add3A_1405 = arith.addi %mul3A_1403, %add3A_1404 : i32
      %get3A_1406 = arith.index_cast %add3A_1405 : i32 to index
      %get3A_1407 = tpu.vector_load %arg18[%get3A_1406] {strides = array<i32>} : memref<2192xi32, #tpu.memory_space<vmem>>, vector<16xi32>,
      %swap3A_1408 = arith.constant 32 : index
      %swap3A_1409 = tpu.vector_load %arg20[%swap3A_1408] {strides = array<i32>} : memref<64xi32, #tpu.memory_space<vmem>>, vector<16xi32>,
      tpu.vector_store %arg20[%swap3A_1408], %get3A_1407 {strides = array<i32>} : memref<64xi32, #tpu.memory_space<vmem>>, vector<16xi32>,
      %mul3A_1410 = arith.constant 64 : i32
      %mul3A_1411 = arith.muli %while3A_1368, %mul3A_1410 : i32
      %add3A_1412 = arith.constant 32 : i32
      %add3A_1413 = arith.addi %mul3A_1411, %add3A_1412 : i32
      %get3A_1414 = arith.index_cast %add3A_1413 : i32 to index
      %get3A_1415 = tpu.vector_load %arg19[%get3A_1414] {strides = array<i32>} : memref<2192xi32, #tpu.memory_space<vmem>>, vector<16xi32>,
      %swap3A_1416 = arith.constant 32 : index
      %swap3A_1417 = tpu.vector_load %arg21[%swap3A_1416] {strides = array<i32>} : memref<64xi32, #tpu.memory_space<vmem>>, vector<16xi32>,
      tpu.vector_store %arg21[%swap3A_1416], %get3A_1415 {strides = array<i32>} : memref<64xi32, #tpu.memory_space<vmem>>, vector<16xi32>,
      %mul3A_1418 = arith.constant 64 : i32
      %mul3A_1419 = arith.muli %while3A_1368, %mul3A_1418 : i32
      %add3A_1420 = arith.constant 48 : i32
      %add3A_1421 = arith.addi %mul3A_1419, %add3A_1420 : i32
      %get3A_1422 = arith.index_cast %add3A_1421 : i32 to index
      %get3A_1423 = tpu.vector_load %arg18[%get3A_1422] {strides = array<i32>} : memref<2192xi32, #tpu.memory_space<vmem>>, vector<16xi32>,
      %swap3A_1424 = arith.constant 48 : index
      %swap3A_1425 = tpu.vector_load %arg20[%swap3A_1424] {strides = array<i32>} : memref<64xi32, #tpu.memory_space<vmem>>, vector<16xi32>,
      tpu.vector_store %arg20[%swap3A_1424], %get3A_1423 {strides = array<i32>} : memref<64xi32, #tpu.memory_space<vmem>>, vector<16xi32>,
      %mul3A_1426 = arith.constant 64 : i32
      %mul3A_1427 = arith.muli %while3A_1368, %mul3A_1426 : i32
      %add3A_1428 = arith.constant 48 : i32
      %add3A_1429 = arith.addi %mul3A_1427, %add3A_1428 : i32
      %get3A_1430 = arith.index_cast %add3A_1429 : i32 to index
      %get3A_1431 = tpu.vector_load %arg19[%get3A_1430] {strides = array<i32>} : memref<2192xi32, #tpu.memory_space<vmem>>, vector<16xi32>,
      %swap3A_1432 = arith.constant 48 : index
      %swap3A_1433 = tpu.vector_load %arg21[%swap3A_1432] {strides = array<i32>} : memref<64xi32, #tpu.memory_space<vmem>>, vector<16xi32>,
      tpu.vector_store %arg21[%swap3A_1432], %get3A_1431 {strides = array<i32>} : memref<64xi32, #tpu.memory_space<vmem>>, vector<16xi32>,
      %dma_start3A_1434 = arith.constant 0 : i32
      %dma_start3A_1435 = arith.constant 0 : i32
      %dma_start3A_1436 = tpu.memref_slice %arg6[%dma_start3A_1434, %dma_start3A_1435] : memref<10000x128xf32, #tpu.memory_space<hbm>> -> memref<10000x128xf32, #tpu.memory_space<hbm>>
      tpu.enqueue_indirect_dma source(%dma_start3A_1436 : memref<10000x128xf32, #tpu.memory_space<hbm>>) target(%arg22 : memref<64x128xf32, #tpu.memory_space<vmem>>) offsets(%arg20 : memref<64xi32, #tpu.memory_space<vmem>>) semaphore(%arg31 : memref<!tpu.dma_semaphore, #tpu.memory_space<semaphore_mem>>)
      %dma_wait3A_1437 = arith.constant 0 : i32
      %dma_wait3A_1438 = arith.constant 0 : i32
      %dma_wait3A_1439 = tpu.memref_slice %arg6[%dma_wait3A_1437, %dma_wait3A_1438] : memref<10000x128xf32, #tpu.memory_space<hbm>> -> memref<10000x128xf32, #tpu.memory_space<hbm>>
      tpu.wait_indirect_dma semaphore(%arg31 : memref<!tpu.dma_semaphore, #tpu.memory_space<semaphore_mem>>) src(%dma_wait3A_1439 : memref<10000x128xf32, #tpu.memory_space<hbm>>) dst(%arg22 : memref<64x128xf32, #tpu.memory_space<vmem>>)
      "tpu.region"() ({
        %run_scoped3A = tpu.sem_alloc : memref<!tpu.dma_semaphore, #tpu.memory_space<semaphore_mem>>
        %dma_start3A_1441 = arith.constant 0 : i32
        %dma_start3A_1442 = arith.constant 0 : i32
        %dma_start3A_1443 = tpu.memref_slice %arg26[%dma_start3A_1441, %dma_start3A_1442] : memref<4112x128xf32, #tpu.memory_space<vmem_shared>> -> memref<4112x128xf32, #tpu.memory_space<vmem_shared>>
        tpu.enqueue_indirect_dma source(%arg22 : memref<64x128xf32, #tpu.memory_space<vmem>>) target(%dma_start3A_1443 : memref<4112x128xf32, #tpu.memory_space<vmem_shared>>) offsets(%arg21 : memref<64xi32, #tpu.memory_space<vmem>>) semaphore(%run_scoped3A : memref<!tpu.dma_semaphore, #tpu.memory_space<semaphore_mem>>) {add = true}
        %dma_wait3A_1444 = arith.constant 0 : i32
        %dma_wait3A_1445 = arith.constant 0 : i32
        %dma_wait3A_1446 = tpu.memref_slice %arg26[%dma_wait3A_1444, %dma_wait3A_1445] : memref<4112x128xf32, #tpu.memory_space<vmem_shared>> -> memref<4112x128xf32, #tpu.memory_space<vmem_shared>>
        tpu.wait_indirect_dma semaphore(%run_scoped3A : memref<!tpu.dma_semaphore, #tpu.memory_space<semaphore_mem>>) src(%arg22 : memref<64x128xf32, #tpu.memory_space<vmem>>) dst(%dma_wait3A_1446 : memref<4112x128xf32, #tpu.memory_space<vmem_shared>>)
        tpu.yield
      }) : () -> ()
      "tpu.region"() ({
        %run_scoped3A = tpu.sem_alloc : memref<!tpu.dma_semaphore, #tpu.memory_space<semaphore_mem>>
        %dma_start3A_1441 = arith.constant 0 : i32
        %dma_start3A_1442 = tpu.memref_slice %arg27[%dma_start3A_1441] : memref<4224xf32, #tpu.memory_space<vmem_shared>> -> memref<4224xf32, #tpu.memory_space<vmem_shared>>
        tpu.enqueue_indirect_dma source(%arg23 : memref<64xf32, #tpu.memory_space<vmem>>) target(%dma_start3A_1442 : memref<4224xf32, #tpu.memory_space<vmem_shared>>) offsets(%arg21 : memref<64xi32, #tpu.memory_space<vmem>>) semaphore(%run_scoped3A : memref<!tpu.dma_semaphore, #tpu.memory_space<semaphore_mem>>) {add = true}
        %dma_wait3A_1443 = arith.constant 0 : i32
        %dma_wait3A_1444 = tpu.memref_slice %arg27[%dma_wait3A_1443] : memref<4224xf32, #tpu.memory_space<vmem_shared>> -> memref<4224xf32, #tpu.memory_space<vmem_shared>>
        tpu.wait_indirect_dma semaphore(%run_scoped3A : memref<!tpu.dma_semaphore, #tpu.memory_space<semaphore_mem>>) src(%arg23 : memref<64xf32, #tpu.memory_space<vmem>>) dst(%dma_wait3A_1444 : memref<4224xf32, #tpu.memory_space<vmem_shared>>)
        tpu.yield
      }) : () -> ()
      %while3A_1440 = arith.constant 0 : i32
      scf.yield %while3A_1440 : i32
    }
    %while3A_1038 = arith.constant 1 : i32
    %while3A_1039 = scf.for %while3A_1368 = %while3A_1035 to %while3A_1031 step %while3A_1038 iter_args(%while3A_1369 = %while3A_1037) -> (i32)  : i32 {
      %mul3A_1370 = arith.constant 64 : i32
      %mul3A_1371 = arith.muli %while3A_1368, %mul3A_1370 : i32
      %add3A_1372 = arith.constant 0 : i32
      %add3A_1373 = arith.addi %mul3A_1371, %add3A_1372 : i32
      %get3A_1374 = arith.index_cast %add3A_1373 : i32 to index
      %get3A_1375 = tpu.vector_load %arg18[%get3A_1374] {strides = array<i32>} : memref<2192xi32, #tpu.memory_space<vmem>>, vector<16xi32>,
      %swap3A_1376 = arith.constant 0 : index
      %swap3A_1377 = tpu.vector_load %arg20[%swap3A_1376] {strides = array<i32>} : memref<64xi32, #tpu.memory_space<vmem>>, vector<16xi32>,
      tpu.vector_store %arg20[%swap3A_1376], %get3A_1375 {strides = array<i32>} : memref<64xi32, #tpu.memory_space<vmem>>, vector<16xi32>,
      %mul3A_1378 = arith.constant 64 : i32
      %mul3A_1379 = arith.muli %while3A_1368, %mul3A_1378 : i32
      %add3A_1380 = arith.constant 0 : i32
      %add3A_1381 = arith.addi %mul3A_1379, %add3A_1380 : i32
      %get3A_1382 = arith.index_cast %add3A_1381 : i32 to index
      %get3A_1383 = tpu.vector_load %arg19[%get3A_1382] {strides = array<i32>} : memref<2192xi32, #tpu.memory_space<vmem>>, vector<16xi32>,
      %swap3A_1384 = arith.constant 0 : index
      %swap3A_1385 = tpu.vector_load %arg21[%swap3A_1384] {strides = array<i32>} : memref<64xi32, #tpu.memory_space<vmem>>, vector<16xi32>,
      tpu.vector_store %arg21[%swap3A_1384], %get3A_1383 {strides = array<i32>} : memref<64xi32, #tpu.memory_space<vmem>>, vector<16xi32>,
      %mul3A_1386 = arith.constant 64 : i32
      %mul3A_1387 = arith.muli %while3A_1368, %mul3A_1386 : i32
      %add3A_1388 = arith.constant 16 : i32
      %add3A_1389 = arith.addi %mul3A_1387, %add3A_1388 : i32
      %get3A_1390 = arith.index_cast %add3A_1389 : i32 to index
      %get3A_1391 = tpu.vector_load %arg18[%get3A_1390] {strides = array<i32>} : memref<2192xi32, #tpu.memory_space<vmem>>, vector<16xi32>,
      %swap3A_1392 = arith.constant 16 : index
      %swap3A_1393 = tpu.vector_load %arg20[%swap3A_1392] {strides = array<i32>} : memref<64xi32, #tpu.memory_space<vmem>>, vector<16xi32>,
      tpu.vector_store %arg20[%swap3A_1392], %get3A_1391 {strides = array<i32>} : memref<64xi32, #tpu.memory_space<vmem>>, vector<16xi32>,
      %mul3A_1394 = arith.constant 64 : i32
      %mul3A_1395 = arith.muli %while3A_1368, %mul3A_1394 : i32
      %add3A_1396 = arith.constant 16 : i32
      %add3A_1397 = arith.addi %mul3A_1395, %add3A_1396 : i32
      %get3A_1398 = arith.index_cast %add3A_1397 : i32 to index
      %get3A_1399 = tpu.vector_load %arg19[%get3A_1398] {strides = array<i32>} : memref<2192xi32, #tpu.memory_space<vmem>>, vector<16xi32>,
      %swap3A_1400 = arith.constant 16 : index
      %swap3A_1401 = tpu.vector_load %arg21[%swap3A_1400] {strides = array<i32>} : memref<64xi32, #tpu.memory_space<vmem>>, vector<16xi32>,
      tpu.vector_store %arg21[%swap3A_1400], %get3A_1399 {strides = array<i32>} : memref<64xi32, #tpu.memory_space<vmem>>, vector<16xi32>,
      %mul3A_1402 = arith.constant 64 : i32
      %mul3A_1403 = arith.muli %while3A_1368, %mul3A_1402 : i32
      %add3A_1404 = arith.constant 32 : i32
      %add3A_1405 = arith.addi %mul3A_1403, %add3A_1404 : i32
      %get3A_1406 = arith.index_cast %add3A_1405 : i32 to index
      %get3A_1407 = tpu.vector_load %arg18[%get3A_1406] {strides = array<i32>} : memref<2192xi32, #tpu.memory_space<vmem>>, vector<16xi32>,
      %swap3A_1408 = arith.constant 32 : index
      %swap3A_1409 = tpu.vector_load %arg20[%swap3A_1408] {strides = array<i32>} : memref<64xi32, #tpu.memory_space<vmem>>, vector<16xi32>,
      tpu.vector_store %arg20[%swap3A_1408], %get3A_1407 {strides = array<i32>} : memref<64xi32, #tpu.memory_space<vmem>>, vector<16xi32>,
      %mul3A_1410 = arith.constant 64 : i32
      %mul3A_1411 = arith.muli %while3A_1368, %mul3A_1410 : i32
      %add3A_1412 = arith.constant 32 : i32
      %add3A_1413 = arith.addi %mul3A_1411, %add3A_1412 : i32
      %get3A_1414 = arith.index_cast %add3A_1413 : i32 to index
      %get3A_1415 = tpu.vector_load %arg19[%get3A_1414] {strides = array<i32>} : memref<2192xi32, #tpu.memory_space<vmem>>, vector<16xi32>,
      %swap3A_1416 = arith.constant 32 : index
      %swap3A_1417 = tpu.vector_load %arg21[%swap3A_1416] {strides = array<i32>} : memref<64xi32, #tpu.memory_space<vmem>>, vector<16xi32>,
      tpu.vector_store %arg21[%swap3A_1416], %get3A_1415 {strides = array<i32>} : memref<64xi32, #tpu.memory_space<vmem>>, vector<16xi32>,
      %mul3A_1418 = arith.constant 64 : i32
      %mul3A_1419 = arith.muli %while3A_1368, %mul3A_1418 : i32
      %add3A_1420 = arith.constant 48 : i32
      %add3A_1421 = arith.addi %mul3A_1419, %add3A_1420 : i32
      %get3A_1422 = arith.index_cast %add3A_1421 : i32 to index
      %get3A_1423 = tpu.vector_load %arg18[%get3A_1422] {strides = array<i32>} : memref<2192xi32, #tpu.memory_space<vmem>>, vector<16xi32>,
      %swap3A_1424 = arith.constant 48 : index
      %swap3A_1425 = tpu.vector_load %arg20[%swap3A_1424] {strides = array<i32>} : memref<64xi32, #tpu.memory_space<vmem>>, vector<16xi32>,
      tpu.vector_store %arg20[%swap3A_1424], %get3A_1423 {strides = array<i32>} : memref<64xi32, #tpu.memory_space<vmem>>, vector<16xi32>,
      %mul3A_1426 = arith.constant 64 : i32
      %mul3A_1427 = arith.muli %while3A_1368, %mul3A_1426 : i32
      %add3A_1428 = arith.constant 48 : i32
      %add3A_1429 = arith.addi %mul3A_1427, %add3A_1428 : i32
      %get3A_1430 = arith.index_cast %add3A_1429 : i32 to index
      %get3A_1431 = tpu.vector_load %arg19[%get3A_1430] {strides = array<i32>} : memref<2192xi32, #tpu.memory_space<vmem>>, vector<16xi32>,
      %swap3A_1432 = arith.constant 48 : index
      %swap3A_1433 = tpu.vector_load %arg21[%swap3A_1432] {strides = array<i32>} : memref<64xi32, #tpu.memory_space<vmem>>, vector<16xi32>,
      tpu.vector_store %arg21[%swap3A_1432], %get3A_1431 {strides = array<i32>} : memref<64xi32, #tpu.memory_space<vmem>>, vector<16xi32>,
      %dma_start3A_1434 = arith.constant 0 : i32
      %dma_start3A_1435 = arith.constant 0 : i32
      %dma_start3A_1436 = tpu.memref_slice %arg6[%dma_start3A_1434, %dma_start3A_1435] : memref<10000x128xf32, #tpu.memory_space<hbm>> -> memref<10000x128xf32, #tpu.memory_space<hbm>>
      tpu.enqueue_indirect_dma source(%dma_start3A_1436 : memref<10000x128xf32, #tpu.memory_space<hbm>>) target(%arg22 : memref<64x128xf32, #tpu.memory_space<vmem>>) offsets(%arg20 : memref<64xi32, #tpu.memory_space<vmem>>) semaphore(%arg31 : memref<!tpu.dma_semaphore, #tpu.memory_space<semaphore_mem>>)
      %dma_wait3A_1437 = arith.constant 0 : i32
      %dma_wait3A_1438 = arith.constant 0 : i32
      %dma_wait3A_1439 = tpu.memref_slice %arg6[%dma_wait3A_1437, %dma_wait3A_1438] : memref<10000x128xf32, #tpu.memory_space<hbm>> -> memref<10000x128xf32, #tpu.memory_space<hbm>>
      tpu.wait_indirect_dma semaphore(%arg31 : memref<!tpu.dma_semaphore, #tpu.memory_space<semaphore_mem>>) src(%dma_wait3A_1439 : memref<10000x128xf32, #tpu.memory_space<hbm>>) dst(%arg22 : memref<64x128xf32, #tpu.memory_space<vmem>>)
      "tpu.region"() ({
        %run_scoped3A = tpu.sem_alloc : memref<!tpu.dma_semaphore, #tpu.memory_space<semaphore_mem>>
        %dma_start3A_1441 = arith.constant 0 : i32
        %dma_start3A_1442 = arith.constant 0 : i32
        %dma_start3A_1443 = tpu.memref_slice %arg26[%dma_start3A_1441, %dma_start3A_1442] : memref<4112x128xf32, #tpu.memory_space<vmem_shared>> -> memref<4112x128xf32, #tpu.memory_space<vmem_shared>>
        tpu.enqueue_indirect_dma source(%arg22 : memref<64x128xf32, #tpu.memory_space<vmem>>) target(%dma_start3A_1443 : memref<4112x128xf32, #tpu.memory_space<vmem_shared>>) offsets(%arg21 : memref<64xi32, #tpu.memory_space<vmem>>) semaphore(%run_scoped3A : memref<!tpu.dma_semaphore, #tpu.memory_space<semaphore_mem>>) {add = true}
        %dma_wait3A_1444 = arith.constant 0 : i32
        %dma_wait3A_1445 = arith.constant 0 : i32
        %dma_wait3A_1446 = tpu.memref_slice %arg26[%dma_wait3A_1444, %dma_wait3A_1445] : memref<4112x128xf32, #tpu.memory_space<vmem_shared>> -> memref<4112x128xf32, #tpu.memory_space<vmem_shared>>
        tpu.wait_indirect_dma semaphore(%run_scoped3A : memref<!tpu.dma_semaphore, #tpu.memory_space<semaphore_mem>>) src(%arg22 : memref<64x128xf32, #tpu.memory_space<vmem>>) dst(%dma_wait3A_1446 : memref<4112x128xf32, #tpu.memory_space<vmem_shared>>)
        tpu.yield
      }) : () -> ()
      "tpu.region"() ({
        %run_scoped3A = tpu.sem_alloc : memref<!tpu.dma_semaphore, #tpu.memory_space<semaphore_mem>>
        %dma_start3A_1441 = arith.constant 0 : i32
        %dma_start3A_1442 = tpu.memref_slice %arg27[%dma_start3A_1441] : memref<4224xf32, #tpu.memory_space<vmem_shared>> -> memref<4224xf32, #tpu.memory_space<vmem_shared>>
        tpu.enqueue_indirect_dma source(%arg23 : memref<64xf32, #tpu.memory_space<vmem>>) target(%dma_start3A_1442 : memref<4224xf32, #tpu.memory_space<vmem_shared>>) offsets(%arg21 : memref<64xi32, #tpu.memory_space<vmem>>) semaphore(%run_scoped3A : memref<!tpu.dma_semaphore, #tpu.memory_space<semaphore_mem>>) {add = true}
        %dma_wait3A_1443 = arith.constant 0 : i32
        %dma_wait3A_1444 = tpu.memref_slice %arg27[%dma_wait3A_1443] : memref<4224xf32, #tpu.memory_space<vmem_shared>> -> memref<4224xf32, #tpu.memory_space<vmem_shared>>
        tpu.wait_indirect_dma semaphore(%run_scoped3A : memref<!tpu.dma_semaphore, #tpu.memory_space<semaphore_mem>>) src(%arg23 : memref<64xf32, #tpu.memory_space<vmem>>) dst(%dma_wait3A_1444 : memref<4224xf32, #tpu.memory_space<vmem_shared>>)
        tpu.yield
      }) : () -> ()
      %while3A_1440 = arith.constant 0 : i32
      scf.yield %while3A_1440 : i32
    }
    %mul3A_1040 = arith.constant 64 : i32
    %mul3A_1041 = arith.muli %select_n3A_1027, %mul3A_1040 : i32
    %add3A_1042 = arith.constant 0 : i32
    %add3A_1043 = arith.addi %mul3A_1041, %add3A_1042 : i32
    %get3A_1044 = arith.index_cast %add3A_1043 : i32 to index
    %get3A_1045 = tpu.vector_load %arg18[%get3A_1044] {strides = array<i32>} : memref<2192xi32, #tpu.memory_space<vmem>>, vector<16xi32>,
    %mul3A_1046 = arith.constant 64 : i32
    %mul3A_1047 = arith.muli %select_n3A_1027, %mul3A_1046 : i32
    %add3A_1048 = arith.constant 0 : i32
    %add3A_1049 = arith.addi %mul3A_1047, %add3A_1048 : i32
    %get3A_1050 = arith.index_cast %add3A_1049 : i32 to index
    %get3A_1051 = tpu.vector_load %arg19[%get3A_1050] {strides = array<i32>} : memref<2192xi32, #tpu.memory_space<vmem>>, vector<16xi32>,
    %swap3A_1052 = arith.constant 0 : index
    %swap3A_1053 = tpu.vector_load %arg18[%swap3A_1052] {strides = array<i32>} : memref<2192xi32, #tpu.memory_space<vmem>>, vector<16xi32>,
    tpu.vector_store %arg18[%swap3A_1052], %get3A_1045 {strides = array<i32>} : memref<2192xi32, #tpu.memory_space<vmem>>, vector<16xi32>,
    %swap3A_1054 = arith.constant 0 : index
    %swap3A_1055 = tpu.vector_load %arg19[%swap3A_1054] {strides = array<i32>} : memref<2192xi32, #tpu.memory_space<vmem>>, vector<16xi32>,
    tpu.vector_store %arg19[%swap3A_1054], %get3A_1051 {strides = array<i32>} : memref<2192xi32, #tpu.memory_space<vmem>>, vector<16xi32>,
    %mul3A_1056 = arith.constant 64 : i32
    %mul3A_1057 = arith.muli %select_n3A_1027, %mul3A_1056 : i32
    %add3A_1058 = arith.constant 16 : i32
    %add3A_1059 = arith.addi %mul3A_1057, %add3A_1058 : i32
    %get3A_1060 = arith.index_cast %add3A_1059 : i32 to index
    %get3A_1061 = tpu.vector_load %arg18[%get3A_1060] {strides = array<i32>} : memref<2192xi32, #tpu.memory_space<vmem>>, vector<16xi32>,
    %mul3A_1062 = arith.constant 64 : i32
    %mul3A_1063 = arith.muli %select_n3A_1027, %mul3A_1062 : i32
    %add3A_1064 = arith.constant 16 : i32
    %add3A_1065 = arith.addi %mul3A_1063, %add3A_1064 : i32
    %get3A_1066 = arith.index_cast %add3A_1065 : i32 to index
    %get3A_1067 = tpu.vector_load %arg19[%get3A_1066] {strides = array<i32>} : memref<2192xi32, #tpu.memory_space<vmem>>, vector<16xi32>,
    %swap3A_1068 = arith.constant 16 : index
    %swap3A_1069 = tpu.vector_load %arg18[%swap3A_1068] {strides = array<i32>} : memref<2192xi32, #tpu.memory_space<vmem>>, vector<16xi32>,
    tpu.vector_store %arg18[%swap3A_1068], %get3A_1061 {strides = array<i32>} : memref<2192xi32, #tpu.memory_space<vmem>>, vector<16xi32>,
    %swap3A_1070 = arith.constant 16 : index
    %swap3A_1071 = tpu.vector_load %arg19[%swap3A_1070] {strides = array<i32>} : memref<2192xi32, #tpu.memory_space<vmem>>, vector<16xi32>,
    tpu.vector_store %arg19[%swap3A_1070], %get3A_1067 {strides = array<i32>} : memref<2192xi32, #tpu.memory_space<vmem>>, vector<16xi32>,
    %mul3A_1072 = arith.constant 64 : i32
    %mul3A_1073 = arith.muli %select_n3A_1027, %mul3A_1072 : i32
    %add3A_1074 = arith.constant 32 : i32
    %add3A_1075 = arith.addi %mul3A_1073, %add3A_1074 : i32
    %get3A_1076 = arith.index_cast %add3A_1075 : i32 to index
    %get3A_1077 = tpu.vector_load %arg18[%get3A_1076] {strides = array<i32>} : memref<2192xi32, #tpu.memory_space<vmem>>, vector<16xi32>,
    %mul3A_1078 = arith.constant 64 : i32
    %mul3A_1079 = arith.muli %select_n3A_1027, %mul3A_1078 : i32
    %add3A_1080 = arith.constant 32 : i32
    %add3A_1081 = arith.addi %mul3A_1079, %add3A_1080 : i32
    %get3A_1082 = arith.index_cast %add3A_1081 : i32 to index
    %get3A_1083 = tpu.vector_load %arg19[%get3A_1082] {strides = array<i32>} : memref<2192xi32, #tpu.memory_space<vmem>>, vector<16xi32>,
    %swap3A_1084 = arith.constant 32 : index
    %swap3A_1085 = tpu.vector_load %arg18[%swap3A_1084] {strides = array<i32>} : memref<2192xi32, #tpu.memory_space<vmem>>, vector<16xi32>,
    tpu.vector_store %arg18[%swap3A_1084], %get3A_1077 {strides = array<i32>} : memref<2192xi32, #tpu.memory_space<vmem>>, vector<16xi32>,
    %swap3A_1086 = arith.constant 32 : index
    %swap3A_1087 = tpu.vector_load %arg19[%swap3A_1086] {strides = array<i32>} : memref<2192xi32, #tpu.memory_space<vmem>>, vector<16xi32>,
    tpu.vector_store %arg19[%swap3A_1086], %get3A_1083 {strides = array<i32>} : memref<2192xi32, #tpu.memory_space<vmem>>, vector<16xi32>,
    %mul3A_1088 = arith.constant 64 : i32
    %mul3A_1089 = arith.muli %select_n3A_1027, %mul3A_1088 : i32
    %add3A_1090 = arith.constant 48 : i32
    %add3A_1091 = arith.addi %mul3A_1089, %add3A_1090 : i32
    %get3A_1092 = arith.index_cast %add3A_1091 : i32 to index
    %get3A_1093 = tpu.vector_load %arg18[%get3A_1092] {strides = array<i32>} : memref<2192xi32, #tpu.memory_space<vmem>>, vector<16xi32>,
    %mul3A_1094 = arith.constant 64 : i32
    %mul3A_1095 = arith.muli %select_n3A_1027, %mul3A_1094 : i32
    %add3A_1096 = arith.constant 48 : i32
    %add3A_1097 = arith.addi %mul3A_1095, %add3A_1096 : i32
    %get3A_1098 = arith.index_cast %add3A_1097 : i32 to index
    %get3A_1099 = tpu.vector_load %arg19[%get3A_1098] {strides = array<i32>} : memref<2192xi32, #tpu.memory_space<vmem>>, vector<16xi32>,
    %swap3A_1100 = arith.constant 48 : index
    %swap3A_1101 = tpu.vector_load %arg18[%swap3A_1100] {strides = array<i32>} : memref<2192xi32, #tpu.memory_space<vmem>>, vector<16xi32>,
    tpu.vector_store %arg18[%swap3A_1100], %get3A_1093 {strides = array<i32>} : memref<2192xi32, #tpu.memory_space<vmem>>, vector<16xi32>,
    %swap3A_1102 = arith.constant 48 : index
    %swap3A_1103 = tpu.vector_load %arg19[%swap3A_1102] {strides = array<i32>} : memref<2192xi32, #tpu.memory_space<vmem>>, vector<16xi32>,
    tpu.vector_store %arg19[%swap3A_1102], %get3A_1099 {strides = array<i32>} : memref<2192xi32, #tpu.memory_space<vmem>>, vector<16xi32>,
    %mul3A_1104 = arith.constant 64 : i32
    %mul3A_1105 = arith.muli %select_n3A_1027, %mul3A_1104 : i32
    %sub3A_1106 = arith.subi %scan3A_1002, %mul3A_1105 : i32
    %dma_wait3A_1107 = tpu.memref_slice %arg3[%add3A_989] : memref<320000xi32, #tpu.memory_space<hbm>> -> memref<2000xi32, #tpu.memory_space<hbm>>
    %dma_wait3A_1108 = tpu.memref_slice %arg3[%add3A_989] : memref<320000xi32, #tpu.memory_space<hbm>> -> memref<2000xi32, #tpu.memory_space<hbm>>
    tpu.wait_dma2 semaphore(%arg29 : memref<!tpu.dma_semaphore, #tpu.memory_space<semaphore_mem>>) src(%dma_wait3A_1108 : memref<2000xi32, #tpu.memory_space<hbm>>) dst(%arg16 : memref<2000xi32, #tpu.memory_space<vmem>>)
    %dma_wait3A_1109 = tpu.memref_slice %arg4[%add3A_989] : memref<320000xi32, #tpu.memory_space<hbm>> -> memref<2000xi32, #tpu.memory_space<hbm>>
    %dma_wait3A_1110 = tpu.memref_slice %arg4[%add3A_989] : memref<320000xi32, #tpu.memory_space<hbm>> -> memref<2000xi32, #tpu.memory_space<hbm>>
    tpu.wait_dma2 semaphore(%arg29 : memref<!tpu.dma_semaphore, #tpu.memory_space<semaphore_mem>>) src(%dma_wait3A_1110 : memref<2000xi32, #tpu.memory_space<hbm>>) dst(%arg17 : memref<2000xi32, #tpu.memory_space<vmem>>)
    %scan3A_1111 = arith.constant 0 : i32
    %scan3A_1112 = arith.constant 125 : i32
    %scan3A_1113 = arith.addi %scan3A_1111, %scan3A_1112 : i32
    %scan3A_1114 = arith.constant 1 : i32
    %scan3A_1115 = scf.for %scan3A_1368 = %scan3A_1111 to %scan3A_1113 step %scan3A_1114 iter_args(%scan3A_1369 = %sub3A_1106) -> (i32)  : i32 {
      %mul3A_1370 = arith.constant 16 : i32
      %mul3A_1371 = arith.muli %scan3A_1368, %mul3A_1370 : i32
      %get3A_1372 = arith.index_cast %mul3A_1371 : i32 to index
      %get3A_1373 = tpu.vector_load %arg17[%get3A_1372] {strides = array<i32>} : memref<2000xi32, #tpu.memory_space<vmem>>, vector<16xi32>,
      %get3A_1374 = arith.index_cast %mul3A_1371 : i32 to index
      %get3A_1375 = tpu.vector_load %arg16[%get3A_1374] {strides = array<i32>} : memref<2000xi32, #tpu.memory_space<vmem>>, vector<16xi32>,
      %shift_right_logical3A = arith.constant 3 : i32
      %shift_right_logical3A_1376 = vector.broadcast %shift_right_logical3A : i32 to vector<16xi32>
      %shift_right_logical3A_1377 = arith.shrui %get3A_1373, %shift_right_logical3A_1376 : vector<16xi32>
      %and3A_1378 = arith.constant 7 : i32
      %and3A_1379 = vector.broadcast %and3A_1378 : i32 to vector<16xi32>
      %and3A_1380 = arith.andi %get3A_1373, %and3A_1379 : vector<16xi32>
      %gather3A = tpu.vector_load_idx %arg13[%shift_right_logical3A_1377] : memref<10000xi32, #tpu.memory_space<vmem>>[vector<16xi32>], vector<16xi32>,
      %ge3A = arith.constant 0 : i32
      %ge3A_1381 = vector.broadcast %ge3A : i32 to vector<16xi32>
      %ge3A_1382 = arith.cmpi sge, %gather3A, %ge3A_1381 : vector<16xi32>
      %and3A_1383 = arith.constant 1 : i32
      %and3A_1384 = vector.broadcast %and3A_1383 : i32 to vector<16xi32>
      %and3A_1385 = arith.andi %gather3A, %and3A_1384 : vector<16xi32>
      %eq3A = vector.broadcast %arg0 : i32 to vector<16xi32>
      %eq3A_1386 = arith.cmpi eq, %and3A_1385, %eq3A : vector<16xi32>
      %and3A_1387 = arith.andi %ge3A_1382, %eq3A_1386 : vector<16xi1>
      %shift_right_logical3A_1388 = arith.constant 1 : i32
      %shift_right_logical3A_1389 = vector.broadcast %shift_right_logical3A_1388 : i32 to vector<16xi32>
      %shift_right_logical3A_1390 = arith.shrui %gather3A, %shift_right_logical3A_1389 : vector<16xi32>
      %mul3A_1391 = arith.constant 8 : i32
      %mul3A_1392 = vector.broadcast %mul3A_1391 : i32 to vector<16xi32>
      %mul3A_1393 = arith.muli %shift_right_logical3A_1390, %mul3A_1392 : vector<16xi32>
      %add3A_1394 = arith.addi %mul3A_1393, %and3A_1380 : vector<16xi32>
      %jit3A_1395 = arith.constant 4096 : i32
      %broadcast_in_dim3A_1396 = vector.broadcast %jit3A_1395 : i32 to vector<16xi32>
      %select_n3A_1397 = arith.select %and3A_1387, %add3A_1394, %broadcast_in_dim3A_1396 : vector<16xi1>, vector<16xi32>
      %swap3A_1398 = arith.index_cast %scan3A_1369 : i32 to index
      %swap3A_1399 = tpu.vector_load %arg18[%swap3A_1398] masked %and3A_1387 {strides = array<i32>} : memref<2192xi32, #tpu.memory_space<vmem>>, vector<16xi32>, vector<16xi1>
      tpu.vector_store %arg18[%swap3A_1398], %get3A_1375 masked %and3A_1387 {strides = array<i32>} : memref<2192xi32, #tpu.memory_space<vmem>>, vector<16xi32>, vector<16xi1>
      %swap3A_1400 = arith.index_cast %scan3A_1369 : i32 to index
      %swap3A_1401 = tpu.vector_load %arg19[%swap3A_1400] masked %and3A_1387 {strides = array<i32>} : memref<2192xi32, #tpu.memory_space<vmem>>, vector<16xi32>, vector<16xi1>
      tpu.vector_store %arg19[%swap3A_1400], %select_n3A_1397 masked %and3A_1387 {strides = array<i32>} : memref<2192xi32, #tpu.memory_space<vmem>>, vector<16xi32>, vector<16xi1>
      %convert_element_type3A = arith.extui %and3A_1387 : vector<16xi1> to vector<16xi32>
      %reduce_sum3A = arith.constant true
      %reduce_sum3A_1402 = vector.broadcast %reduce_sum3A : i1 to vector<16xi1>
      %reduce_sum3A_1403 = tpu.scan <sum>, %convert_element_type3A masked %reduce_sum3A_1402 : vector<16xi32>, vector<16xi1> -> vector<16xi32>
      %reduce_sum3A_1404 = vector.extract %reduce_sum3A_1403[15] : i32 from vector<16xi32>
      %add3A_1405 = arith.addi %scan3A_1369, %reduce_sum3A_1404 : i32
      scf.yield %add3A_1405 : i32
    }
    %scan3A_1116 = arith.constant 125 : i32
    %jit3A_1117 = arith.constant 64 : i32
    %div3A_1118 = arith.divsi %scan3A_1115, %jit3A_1117 : i32
    %sign3A_1119 = arith.constant 0 : i32
    %sign3A_1120 = arith.cmpi sgt, %scan3A_1115, %sign3A_1119 : i32
    %sign3A_1121 = arith.extui %sign3A_1120 : i1 to i32
    %sign3A_1122 = arith.constant 0 : i32
    %sign3A_1123 = arith.cmpi slt, %scan3A_1115, %sign3A_1122 : i32
    %sign3A_1124 = arith.extui %sign3A_1123 : i1 to i32
    %sign3A_1125 = arith.subi %sign3A_1121, %sign3A_1124 : i32
    %sign3A_1126 = arith.constant 0 : i32
    %sign3A_1127 = arith.cmpi sgt, %jit3A_1117, %sign3A_1126 : i32
    %sign3A_1128 = arith.extui %sign3A_1127 : i1 to i32
    %sign3A_1129 = arith.constant 0 : i32
    %sign3A_1130 = arith.cmpi slt, %jit3A_1117, %sign3A_1129 : i32
    %sign3A_1131 = arith.extui %sign3A_1130 : i1 to i32
    %sign3A_1132 = arith.subi %sign3A_1128, %sign3A_1131 : i32
    %ne3A_1133 = arith.cmpi ne, %sign3A_1125, %sign3A_1132 : i32
    %rem3A_1134 = arith.remsi %scan3A_1115, %jit3A_1117 : i32
    %ne3A_1135 = arith.constant 0 : i32
    %ne3A_1136 = arith.cmpi ne, %rem3A_1134, %ne3A_1135 : i32
    %and3A_1137 = arith.andi %ne3A_1133, %ne3A_1136 : i1
    %sub3A_1138 = arith.constant 1 : i32
    %sub3A_1139 = arith.subi %div3A_1118, %sub3A_1138 : i32
    %select_n3A_1140 = arith.select %and3A_1137, %sub3A_1139, %div3A_1118 : i32
    %while3A_1141 = arith.constant 0 : i32
    %while3A_1142 = arith.constant 0 : i32
    %while3A_1143 = arith.subi %select_n3A_1140, %while3A_1141 : i32
    %while3A_1144 = arith.addi %while3A_1141, %while3A_1143 : i32
    %while3A_1145 = arith.constant 1 : i32
    %while3A_1146 = arith.divsi %while3A_1143, %while3A_1145 : i32
    %while3A_1147 = arith.muli %while3A_1146, %while3A_1145 : i32
    %while3A_1148 = arith.addi %while3A_1141, %while3A_1147 : i32
    %while3A_1149 = arith.constant 1 : i32
    %while3A_1150 = scf.for %while3A_1368 = %while3A_1141 to %while3A_1148 step %while3A_1149 iter_args(%while3A_1369 = %while3A_1142) -> (i32)  : i32 {
      %mul3A_1370 = arith.constant 64 : i32
      %mul3A_1371 = arith.muli %while3A_1368, %mul3A_1370 : i32
      %add3A_1372 = arith.constant 0 : i32
      %add3A_1373 = arith.addi %mul3A_1371, %add3A_1372 : i32
      %get3A_1374 = arith.index_cast %add3A_1373 : i32 to index
      %get3A_1375 = tpu.vector_load %arg18[%get3A_1374] {strides = array<i32>} : memref<2192xi32, #tpu.memory_space<vmem>>, vector<16xi32>,
      %swap3A_1376 = arith.constant 0 : index
      %swap3A_1377 = tpu.vector_load %arg20[%swap3A_1376] {strides = array<i32>} : memref<64xi32, #tpu.memory_space<vmem>>, vector<16xi32>,
      tpu.vector_store %arg20[%swap3A_1376], %get3A_1375 {strides = array<i32>} : memref<64xi32, #tpu.memory_space<vmem>>, vector<16xi32>,
      %mul3A_1378 = arith.constant 64 : i32
      %mul3A_1379 = arith.muli %while3A_1368, %mul3A_1378 : i32
      %add3A_1380 = arith.constant 0 : i32
      %add3A_1381 = arith.addi %mul3A_1379, %add3A_1380 : i32
      %get3A_1382 = arith.index_cast %add3A_1381 : i32 to index
      %get3A_1383 = tpu.vector_load %arg19[%get3A_1382] {strides = array<i32>} : memref<2192xi32, #tpu.memory_space<vmem>>, vector<16xi32>,
      %swap3A_1384 = arith.constant 0 : index
      %swap3A_1385 = tpu.vector_load %arg21[%swap3A_1384] {strides = array<i32>} : memref<64xi32, #tpu.memory_space<vmem>>, vector<16xi32>,
      tpu.vector_store %arg21[%swap3A_1384], %get3A_1383 {strides = array<i32>} : memref<64xi32, #tpu.memory_space<vmem>>, vector<16xi32>,
      %mul3A_1386 = arith.constant 64 : i32
      %mul3A_1387 = arith.muli %while3A_1368, %mul3A_1386 : i32
      %add3A_1388 = arith.constant 16 : i32
      %add3A_1389 = arith.addi %mul3A_1387, %add3A_1388 : i32
      %get3A_1390 = arith.index_cast %add3A_1389 : i32 to index
      %get3A_1391 = tpu.vector_load %arg18[%get3A_1390] {strides = array<i32>} : memref<2192xi32, #tpu.memory_space<vmem>>, vector<16xi32>,
      %swap3A_1392 = arith.constant 16 : index
      %swap3A_1393 = tpu.vector_load %arg20[%swap3A_1392] {strides = array<i32>} : memref<64xi32, #tpu.memory_space<vmem>>, vector<16xi32>,
      tpu.vector_store %arg20[%swap3A_1392], %get3A_1391 {strides = array<i32>} : memref<64xi32, #tpu.memory_space<vmem>>, vector<16xi32>,
      %mul3A_1394 = arith.constant 64 : i32
      %mul3A_1395 = arith.muli %while3A_1368, %mul3A_1394 : i32
      %add3A_1396 = arith.constant 16 : i32
      %add3A_1397 = arith.addi %mul3A_1395, %add3A_1396 : i32
      %get3A_1398 = arith.index_cast %add3A_1397 : i32 to index
      %get3A_1399 = tpu.vector_load %arg19[%get3A_1398] {strides = array<i32>} : memref<2192xi32, #tpu.memory_space<vmem>>, vector<16xi32>,
      %swap3A_1400 = arith.constant 16 : index
      %swap3A_1401 = tpu.vector_load %arg21[%swap3A_1400] {strides = array<i32>} : memref<64xi32, #tpu.memory_space<vmem>>, vector<16xi32>,
      tpu.vector_store %arg21[%swap3A_1400], %get3A_1399 {strides = array<i32>} : memref<64xi32, #tpu.memory_space<vmem>>, vector<16xi32>,
      %mul3A_1402 = arith.constant 64 : i32
      %mul3A_1403 = arith.muli %while3A_1368, %mul3A_1402 : i32
      %add3A_1404 = arith.constant 32 : i32
      %add3A_1405 = arith.addi %mul3A_1403, %add3A_1404 : i32
      %get3A_1406 = arith.index_cast %add3A_1405 : i32 to index
      %get3A_1407 = tpu.vector_load %arg18[%get3A_1406] {strides = array<i32>} : memref<2192xi32, #tpu.memory_space<vmem>>, vector<16xi32>,
      %swap3A_1408 = arith.constant 32 : index
      %swap3A_1409 = tpu.vector_load %arg20[%swap3A_1408] {strides = array<i32>} : memref<64xi32, #tpu.memory_space<vmem>>, vector<16xi32>,
      tpu.vector_store %arg20[%swap3A_1408], %get3A_1407 {strides = array<i32>} : memref<64xi32, #tpu.memory_space<vmem>>, vector<16xi32>,
      %mul3A_1410 = arith.constant 64 : i32
      %mul3A_1411 = arith.muli %while3A_1368, %mul3A_1410 : i32
      %add3A_1412 = arith.constant 32 : i32
      %add3A_1413 = arith.addi %mul3A_1411, %add3A_1412 : i32
      %get3A_1414 = arith.index_cast %add3A_1413 : i32 to index
      %get3A_1415 = tpu.vector_load %arg19[%get3A_1414] {strides = array<i32>} : memref<2192xi32, #tpu.memory_space<vmem>>, vector<16xi32>,
      %swap3A_1416 = arith.constant 32 : index
      %swap3A_1417 = tpu.vector_load %arg21[%swap3A_1416] {strides = array<i32>} : memref<64xi32, #tpu.memory_space<vmem>>, vector<16xi32>,
      tpu.vector_store %arg21[%swap3A_1416], %get3A_1415 {strides = array<i32>} : memref<64xi32, #tpu.memory_space<vmem>>, vector<16xi32>,
      %mul3A_1418 = arith.constant 64 : i32
      %mul3A_1419 = arith.muli %while3A_1368, %mul3A_1418 : i32
      %add3A_1420 = arith.constant 48 : i32
      %add3A_1421 = arith.addi %mul3A_1419, %add3A_1420 : i32
      %get3A_1422 = arith.index_cast %add3A_1421 : i32 to index
      %get3A_1423 = tpu.vector_load %arg18[%get3A_1422] {strides = array<i32>} : memref<2192xi32, #tpu.memory_space<vmem>>, vector<16xi32>,
      %swap3A_1424 = arith.constant 48 : index
      %swap3A_1425 = tpu.vector_load %arg20[%swap3A_1424] {strides = array<i32>} : memref<64xi32, #tpu.memory_space<vmem>>, vector<16xi32>,
      tpu.vector_store %arg20[%swap3A_1424], %get3A_1423 {strides = array<i32>} : memref<64xi32, #tpu.memory_space<vmem>>, vector<16xi32>,
      %mul3A_1426 = arith.constant 64 : i32
      %mul3A_1427 = arith.muli %while3A_1368, %mul3A_1426 : i32
      %add3A_1428 = arith.constant 48 : i32
      %add3A_1429 = arith.addi %mul3A_1427, %add3A_1428 : i32
      %get3A_1430 = arith.index_cast %add3A_1429 : i32 to index
      %get3A_1431 = tpu.vector_load %arg19[%get3A_1430] {strides = array<i32>} : memref<2192xi32, #tpu.memory_space<vmem>>, vector<16xi32>,
      %swap3A_1432 = arith.constant 48 : index
      %swap3A_1433 = tpu.vector_load %arg21[%swap3A_1432] {strides = array<i32>} : memref<64xi32, #tpu.memory_space<vmem>>, vector<16xi32>,
      tpu.vector_store %arg21[%swap3A_1432], %get3A_1431 {strides = array<i32>} : memref<64xi32, #tpu.memory_space<vmem>>, vector<16xi32>,
      %dma_start3A_1434 = arith.constant 0 : i32
      %dma_start3A_1435 = arith.constant 0 : i32
      %dma_start3A_1436 = tpu.memref_slice %arg6[%dma_start3A_1434, %dma_start3A_1435] : memref<10000x128xf32, #tpu.memory_space<hbm>> -> memref<10000x128xf32, #tpu.memory_space<hbm>>
      tpu.enqueue_indirect_dma source(%dma_start3A_1436 : memref<10000x128xf32, #tpu.memory_space<hbm>>) target(%arg22 : memref<64x128xf32, #tpu.memory_space<vmem>>) offsets(%arg20 : memref<64xi32, #tpu.memory_space<vmem>>) semaphore(%arg31 : memref<!tpu.dma_semaphore, #tpu.memory_space<semaphore_mem>>)
      %dma_wait3A_1437 = arith.constant 0 : i32
      %dma_wait3A_1438 = arith.constant 0 : i32
      %dma_wait3A_1439 = tpu.memref_slice %arg6[%dma_wait3A_1437, %dma_wait3A_1438] : memref<10000x128xf32, #tpu.memory_space<hbm>> -> memref<10000x128xf32, #tpu.memory_space<hbm>>
      tpu.wait_indirect_dma semaphore(%arg31 : memref<!tpu.dma_semaphore, #tpu.memory_space<semaphore_mem>>) src(%dma_wait3A_1439 : memref<10000x128xf32, #tpu.memory_space<hbm>>) dst(%arg22 : memref<64x128xf32, #tpu.memory_space<vmem>>)
      "tpu.region"() ({
        %run_scoped3A = tpu.sem_alloc : memref<!tpu.dma_semaphore, #tpu.memory_space<semaphore_mem>>
        %dma_start3A_1441 = arith.constant 0 : i32
        %dma_start3A_1442 = arith.constant 0 : i32
        %dma_start3A_1443 = tpu.memref_slice %arg26[%dma_start3A_1441, %dma_start3A_1442] : memref<4112x128xf32, #tpu.memory_space<vmem_shared>> -> memref<4112x128xf32, #tpu.memory_space<vmem_shared>>
        tpu.enqueue_indirect_dma source(%arg22 : memref<64x128xf32, #tpu.memory_space<vmem>>) target(%dma_start3A_1443 : memref<4112x128xf32, #tpu.memory_space<vmem_shared>>) offsets(%arg21 : memref<64xi32, #tpu.memory_space<vmem>>) semaphore(%run_scoped3A : memref<!tpu.dma_semaphore, #tpu.memory_space<semaphore_mem>>) {add = true}
        %dma_wait3A_1444 = arith.constant 0 : i32
        %dma_wait3A_1445 = arith.constant 0 : i32
        %dma_wait3A_1446 = tpu.memref_slice %arg26[%dma_wait3A_1444, %dma_wait3A_1445] : memref<4112x128xf32, #tpu.memory_space<vmem_shared>> -> memref<4112x128xf32, #tpu.memory_space<vmem_shared>>
        tpu.wait_indirect_dma semaphore(%run_scoped3A : memref<!tpu.dma_semaphore, #tpu.memory_space<semaphore_mem>>) src(%arg22 : memref<64x128xf32, #tpu.memory_space<vmem>>) dst(%dma_wait3A_1446 : memref<4112x128xf32, #tpu.memory_space<vmem_shared>>)
        tpu.yield
      }) : () -> ()
      "tpu.region"() ({
        %run_scoped3A = tpu.sem_alloc : memref<!tpu.dma_semaphore, #tpu.memory_space<semaphore_mem>>
        %dma_start3A_1441 = arith.constant 0 : i32
        %dma_start3A_1442 = tpu.memref_slice %arg27[%dma_start3A_1441] : memref<4224xf32, #tpu.memory_space<vmem_shared>> -> memref<4224xf32, #tpu.memory_space<vmem_shared>>
        tpu.enqueue_indirect_dma source(%arg23 : memref<64xf32, #tpu.memory_space<vmem>>) target(%dma_start3A_1442 : memref<4224xf32, #tpu.memory_space<vmem_shared>>) offsets(%arg21 : memref<64xi32, #tpu.memory_space<vmem>>) semaphore(%run_scoped3A : memref<!tpu.dma_semaphore, #tpu.memory_space<semaphore_mem>>) {add = true}
        %dma_wait3A_1443 = arith.constant 0 : i32
        %dma_wait3A_1444 = tpu.memref_slice %arg27[%dma_wait3A_1443] : memref<4224xf32, #tpu.memory_space<vmem_shared>> -> memref<4224xf32, #tpu.memory_space<vmem_shared>>
        tpu.wait_indirect_dma semaphore(%run_scoped3A : memref<!tpu.dma_semaphore, #tpu.memory_space<semaphore_mem>>) src(%arg23 : memref<64xf32, #tpu.memory_space<vmem>>) dst(%dma_wait3A_1444 : memref<4224xf32, #tpu.memory_space<vmem_shared>>)
        tpu.yield
      }) : () -> ()
      %while3A_1440 = arith.constant 0 : i32
      scf.yield %while3A_1440 : i32
    }
    %while3A_1151 = arith.constant 1 : i32
    %while3A_1152 = scf.for %while3A_1368 = %while3A_1148 to %while3A_1144 step %while3A_1151 iter_args(%while3A_1369 = %while3A_1150) -> (i32)  : i32 {
      %mul3A_1370 = arith.constant 64 : i32
      %mul3A_1371 = arith.muli %while3A_1368, %mul3A_1370 : i32
      %add3A_1372 = arith.constant 0 : i32
      %add3A_1373 = arith.addi %mul3A_1371, %add3A_1372 : i32
      %get3A_1374 = arith.index_cast %add3A_1373 : i32 to index
      %get3A_1375 = tpu.vector_load %arg18[%get3A_1374] {strides = array<i32>} : memref<2192xi32, #tpu.memory_space<vmem>>, vector<16xi32>,
      %swap3A_1376 = arith.constant 0 : index
      %swap3A_1377 = tpu.vector_load %arg20[%swap3A_1376] {strides = array<i32>} : memref<64xi32, #tpu.memory_space<vmem>>, vector<16xi32>,
      tpu.vector_store %arg20[%swap3A_1376], %get3A_1375 {strides = array<i32>} : memref<64xi32, #tpu.memory_space<vmem>>, vector<16xi32>,
      %mul3A_1378 = arith.constant 64 : i32
      %mul3A_1379 = arith.muli %while3A_1368, %mul3A_1378 : i32
      %add3A_1380 = arith.constant 0 : i32
      %add3A_1381 = arith.addi %mul3A_1379, %add3A_1380 : i32
      %get3A_1382 = arith.index_cast %add3A_1381 : i32 to index
      %get3A_1383 = tpu.vector_load %arg19[%get3A_1382] {strides = array<i32>} : memref<2192xi32, #tpu.memory_space<vmem>>, vector<16xi32>,
      %swap3A_1384 = arith.constant 0 : index
      %swap3A_1385 = tpu.vector_load %arg21[%swap3A_1384] {strides = array<i32>} : memref<64xi32, #tpu.memory_space<vmem>>, vector<16xi32>,
      tpu.vector_store %arg21[%swap3A_1384], %get3A_1383 {strides = array<i32>} : memref<64xi32, #tpu.memory_space<vmem>>, vector<16xi32>,
      %mul3A_1386 = arith.constant 64 : i32
      %mul3A_1387 = arith.muli %while3A_1368, %mul3A_1386 : i32
      %add3A_1388 = arith.constant 16 : i32
      %add3A_1389 = arith.addi %mul3A_1387, %add3A_1388 : i32
      %get3A_1390 = arith.index_cast %add3A_1389 : i32 to index
      %get3A_1391 = tpu.vector_load %arg18[%get3A_1390] {strides = array<i32>} : memref<2192xi32, #tpu.memory_space<vmem>>, vector<16xi32>,
      %swap3A_1392 = arith.constant 16 : index
      %swap3A_1393 = tpu.vector_load %arg20[%swap3A_1392] {strides = array<i32>} : memref<64xi32, #tpu.memory_space<vmem>>, vector<16xi32>,
      tpu.vector_store %arg20[%swap3A_1392], %get3A_1391 {strides = array<i32>} : memref<64xi32, #tpu.memory_space<vmem>>, vector<16xi32>,
      %mul3A_1394 = arith.constant 64 : i32
      %mul3A_1395 = arith.muli %while3A_1368, %mul3A_1394 : i32
      %add3A_1396 = arith.constant 16 : i32
      %add3A_1397 = arith.addi %mul3A_1395, %add3A_1396 : i32
      %get3A_1398 = arith.index_cast %add3A_1397 : i32 to index
      %get3A_1399 = tpu.vector_load %arg19[%get3A_1398] {strides = array<i32>} : memref<2192xi32, #tpu.memory_space<vmem>>, vector<16xi32>,
      %swap3A_1400 = arith.constant 16 : index
      %swap3A_1401 = tpu.vector_load %arg21[%swap3A_1400] {strides = array<i32>} : memref<64xi32, #tpu.memory_space<vmem>>, vector<16xi32>,
      tpu.vector_store %arg21[%swap3A_1400], %get3A_1399 {strides = array<i32>} : memref<64xi32, #tpu.memory_space<vmem>>, vector<16xi32>,
      %mul3A_1402 = arith.constant 64 : i32
      %mul3A_1403 = arith.muli %while3A_1368, %mul3A_1402 : i32
      %add3A_1404 = arith.constant 32 : i32
      %add3A_1405 = arith.addi %mul3A_1403, %add3A_1404 : i32
      %get3A_1406 = arith.index_cast %add3A_1405 : i32 to index
      %get3A_1407 = tpu.vector_load %arg18[%get3A_1406] {strides = array<i32>} : memref<2192xi32, #tpu.memory_space<vmem>>, vector<16xi32>,
      %swap3A_1408 = arith.constant 32 : index
      %swap3A_1409 = tpu.vector_load %arg20[%swap3A_1408] {strides = array<i32>} : memref<64xi32, #tpu.memory_space<vmem>>, vector<16xi32>,
      tpu.vector_store %arg20[%swap3A_1408], %get3A_1407 {strides = array<i32>} : memref<64xi32, #tpu.memory_space<vmem>>, vector<16xi32>,
      %mul3A_1410 = arith.constant 64 : i32
      %mul3A_1411 = arith.muli %while3A_1368, %mul3A_1410 : i32
      %add3A_1412 = arith.constant 32 : i32
      %add3A_1413 = arith.addi %mul3A_1411, %add3A_1412 : i32
      %get3A_1414 = arith.index_cast %add3A_1413 : i32 to index
      %get3A_1415 = tpu.vector_load %arg19[%get3A_1414] {strides = array<i32>} : memref<2192xi32, #tpu.memory_space<vmem>>, vector<16xi32>,
      %swap3A_1416 = arith.constant 32 : index
      %swap3A_1417 = tpu.vector_load %arg21[%swap3A_1416] {strides = array<i32>} : memref<64xi32, #tpu.memory_space<vmem>>, vector<16xi32>,
      tpu.vector_store %arg21[%swap3A_1416], %get3A_1415 {strides = array<i32>} : memref<64xi32, #tpu.memory_space<vmem>>, vector<16xi32>,
      %mul3A_1418 = arith.constant 64 : i32
      %mul3A_1419 = arith.muli %while3A_1368, %mul3A_1418 : i32
      %add3A_1420 = arith.constant 48 : i32
      %add3A_1421 = arith.addi %mul3A_1419, %add3A_1420 : i32
      %get3A_1422 = arith.index_cast %add3A_1421 : i32 to index
      %get3A_1423 = tpu.vector_load %arg18[%get3A_1422] {strides = array<i32>} : memref<2192xi32, #tpu.memory_space<vmem>>, vector<16xi32>,
      %swap3A_1424 = arith.constant 48 : index
      %swap3A_1425 = tpu.vector_load %arg20[%swap3A_1424] {strides = array<i32>} : memref<64xi32, #tpu.memory_space<vmem>>, vector<16xi32>,
      tpu.vector_store %arg20[%swap3A_1424], %get3A_1423 {strides = array<i32>} : memref<64xi32, #tpu.memory_space<vmem>>, vector<16xi32>,
      %mul3A_1426 = arith.constant 64 : i32
      %mul3A_1427 = arith.muli %while3A_1368, %mul3A_1426 : i32
      %add3A_1428 = arith.constant 48 : i32
      %add3A_1429 = arith.addi %mul3A_1427, %add3A_1428 : i32
      %get3A_1430 = arith.index_cast %add3A_1429 : i32 to index
      %get3A_1431 = tpu.vector_load %arg19[%get3A_1430] {strides = array<i32>} : memref<2192xi32, #tpu.memory_space<vmem>>, vector<16xi32>,
      %swap3A_1432 = arith.constant 48 : index
      %swap3A_1433 = tpu.vector_load %arg21[%swap3A_1432] {strides = array<i32>} : memref<64xi32, #tpu.memory_space<vmem>>, vector<16xi32>,
      tpu.vector_store %arg21[%swap3A_1432], %get3A_1431 {strides = array<i32>} : memref<64xi32, #tpu.memory_space<vmem>>, vector<16xi32>,
      %dma_start3A_1434 = arith.constant 0 : i32
      %dma_start3A_1435 = arith.constant 0 : i32
      %dma_start3A_1436 = tpu.memref_slice %arg6[%dma_start3A_1434, %dma_start3A_1435] : memref<10000x128xf32, #tpu.memory_space<hbm>> -> memref<10000x128xf32, #tpu.memory_space<hbm>>
      tpu.enqueue_indirect_dma source(%dma_start3A_1436 : memref<10000x128xf32, #tpu.memory_space<hbm>>) target(%arg22 : memref<64x128xf32, #tpu.memory_space<vmem>>) offsets(%arg20 : memref<64xi32, #tpu.memory_space<vmem>>) semaphore(%arg31 : memref<!tpu.dma_semaphore, #tpu.memory_space<semaphore_mem>>)
      %dma_wait3A_1437 = arith.constant 0 : i32
      %dma_wait3A_1438 = arith.constant 0 : i32
      %dma_wait3A_1439 = tpu.memref_slice %arg6[%dma_wait3A_1437, %dma_wait3A_1438] : memref<10000x128xf32, #tpu.memory_space<hbm>> -> memref<10000x128xf32, #tpu.memory_space<hbm>>
      tpu.wait_indirect_dma semaphore(%arg31 : memref<!tpu.dma_semaphore, #tpu.memory_space<semaphore_mem>>) src(%dma_wait3A_1439 : memref<10000x128xf32, #tpu.memory_space<hbm>>) dst(%arg22 : memref<64x128xf32, #tpu.memory_space<vmem>>)
      "tpu.region"() ({
        %run_scoped3A = tpu.sem_alloc : memref<!tpu.dma_semaphore, #tpu.memory_space<semaphore_mem>>
        %dma_start3A_1441 = arith.constant 0 : i32
        %dma_start3A_1442 = arith.constant 0 : i32
        %dma_start3A_1443 = tpu.memref_slice %arg26[%dma_start3A_1441, %dma_start3A_1442] : memref<4112x128xf32, #tpu.memory_space<vmem_shared>> -> memref<4112x128xf32, #tpu.memory_space<vmem_shared>>
        tpu.enqueue_indirect_dma source(%arg22 : memref<64x128xf32, #tpu.memory_space<vmem>>) target(%dma_start3A_1443 : memref<4112x128xf32, #tpu.memory_space<vmem_shared>>) offsets(%arg21 : memref<64xi32, #tpu.memory_space<vmem>>) semaphore(%run_scoped3A : memref<!tpu.dma_semaphore, #tpu.memory_space<semaphore_mem>>) {add = true}
        %dma_wait3A_1444 = arith.constant 0 : i32
        %dma_wait3A_1445 = arith.constant 0 : i32
        %dma_wait3A_1446 = tpu.memref_slice %arg26[%dma_wait3A_1444, %dma_wait3A_1445] : memref<4112x128xf32, #tpu.memory_space<vmem_shared>> -> memref<4112x128xf32, #tpu.memory_space<vmem_shared>>
        tpu.wait_indirect_dma semaphore(%run_scoped3A : memref<!tpu.dma_semaphore, #tpu.memory_space<semaphore_mem>>) src(%arg22 : memref<64x128xf32, #tpu.memory_space<vmem>>) dst(%dma_wait3A_1446 : memref<4112x128xf32, #tpu.memory_space<vmem_shared>>)
        tpu.yield
      }) : () -> ()
      "tpu.region"() ({
        %run_scoped3A = tpu.sem_alloc : memref<!tpu.dma_semaphore, #tpu.memory_space<semaphore_mem>>
        %dma_start3A_1441 = arith.constant 0 : i32
        %dma_start3A_1442 = tpu.memref_slice %arg27[%dma_start3A_1441] : memref<4224xf32, #tpu.memory_space<vmem_shared>> -> memref<4224xf32, #tpu.memory_space<vmem_shared>>
        tpu.enqueue_indirect_dma source(%arg23 : memref<64xf32, #tpu.memory_space<vmem>>) target(%dma_start3A_1442 : memref<4224xf32, #tpu.memory_space<vmem_shared>>) offsets(%arg21 : memref<64xi32, #tpu.memory_space<vmem>>) semaphore(%run_scoped3A : memref<!tpu.dma_semaphore, #tpu.memory_space<semaphore_mem>>) {add = true}
        %dma_wait3A_1443 = arith.constant 0 : i32
        %dma_wait3A_1444 = tpu.memref_slice %arg27[%dma_wait3A_1443] : memref<4224xf32, #tpu.memory_space<vmem_shared>> -> memref<4224xf32, #tpu.memory_space<vmem_shared>>
        tpu.wait_indirect_dma semaphore(%run_scoped3A : memref<!tpu.dma_semaphore, #tpu.memory_space<semaphore_mem>>) src(%arg23 : memref<64xf32, #tpu.memory_space<vmem>>) dst(%dma_wait3A_1444 : memref<4224xf32, #tpu.memory_space<vmem_shared>>)
        tpu.yield
      }) : () -> ()
      %while3A_1440 = arith.constant 0 : i32
      scf.yield %while3A_1440 : i32
    }
    %mul3A_1153 = arith.constant 64 : i32
    %mul3A_1154 = arith.muli %select_n3A_1140, %mul3A_1153 : i32
    %add3A_1155 = arith.constant 0 : i32
    %add3A_1156 = arith.addi %mul3A_1154, %add3A_1155 : i32
    %get3A_1157 = arith.index_cast %add3A_1156 : i32 to index
    %get3A_1158 = tpu.vector_load %arg18[%get3A_1157] {strides = array<i32>} : memref<2192xi32, #tpu.memory_space<vmem>>, vector<16xi32>,
    %mul3A_1159 = arith.constant 64 : i32
    %mul3A_1160 = arith.muli %select_n3A_1140, %mul3A_1159 : i32
    %add3A_1161 = arith.constant 0 : i32
    %add3A_1162 = arith.addi %mul3A_1160, %add3A_1161 : i32
    %get3A_1163 = arith.index_cast %add3A_1162 : i32 to index
    %get3A_1164 = tpu.vector_load %arg19[%get3A_1163] {strides = array<i32>} : memref<2192xi32, #tpu.memory_space<vmem>>, vector<16xi32>,
    %swap3A_1165 = arith.constant 0 : index
    %swap3A_1166 = tpu.vector_load %arg18[%swap3A_1165] {strides = array<i32>} : memref<2192xi32, #tpu.memory_space<vmem>>, vector<16xi32>,
    tpu.vector_store %arg18[%swap3A_1165], %get3A_1158 {strides = array<i32>} : memref<2192xi32, #tpu.memory_space<vmem>>, vector<16xi32>,
    %swap3A_1167 = arith.constant 0 : index
    %swap3A_1168 = tpu.vector_load %arg19[%swap3A_1167] {strides = array<i32>} : memref<2192xi32, #tpu.memory_space<vmem>>, vector<16xi32>,
    tpu.vector_store %arg19[%swap3A_1167], %get3A_1164 {strides = array<i32>} : memref<2192xi32, #tpu.memory_space<vmem>>, vector<16xi32>,
    %mul3A_1169 = arith.constant 64 : i32
    %mul3A_1170 = arith.muli %select_n3A_1140, %mul3A_1169 : i32
    %add3A_1171 = arith.constant 16 : i32
    %add3A_1172 = arith.addi %mul3A_1170, %add3A_1171 : i32
    %get3A_1173 = arith.index_cast %add3A_1172 : i32 to index
    %get3A_1174 = tpu.vector_load %arg18[%get3A_1173] {strides = array<i32>} : memref<2192xi32, #tpu.memory_space<vmem>>, vector<16xi32>,
    %mul3A_1175 = arith.constant 64 : i32
    %mul3A_1176 = arith.muli %select_n3A_1140, %mul3A_1175 : i32
    %add3A_1177 = arith.constant 16 : i32
    %add3A_1178 = arith.addi %mul3A_1176, %add3A_1177 : i32
    %get3A_1179 = arith.index_cast %add3A_1178 : i32 to index
    %get3A_1180 = tpu.vector_load %arg19[%get3A_1179] {strides = array<i32>} : memref<2192xi32, #tpu.memory_space<vmem>>, vector<16xi32>,
    %swap3A_1181 = arith.constant 16 : index
    %swap3A_1182 = tpu.vector_load %arg18[%swap3A_1181] {strides = array<i32>} : memref<2192xi32, #tpu.memory_space<vmem>>, vector<16xi32>,
    tpu.vector_store %arg18[%swap3A_1181], %get3A_1174 {strides = array<i32>} : memref<2192xi32, #tpu.memory_space<vmem>>, vector<16xi32>,
    %swap3A_1183 = arith.constant 16 : index
    %swap3A_1184 = tpu.vector_load %arg19[%swap3A_1183] {strides = array<i32>} : memref<2192xi32, #tpu.memory_space<vmem>>, vector<16xi32>,
    tpu.vector_store %arg19[%swap3A_1183], %get3A_1180 {strides = array<i32>} : memref<2192xi32, #tpu.memory_space<vmem>>, vector<16xi32>,
    %mul3A_1185 = arith.constant 64 : i32
    %mul3A_1186 = arith.muli %select_n3A_1140, %mul3A_1185 : i32
    %add3A_1187 = arith.constant 32 : i32
    %add3A_1188 = arith.addi %mul3A_1186, %add3A_1187 : i32
    %get3A_1189 = arith.index_cast %add3A_1188 : i32 to index
    %get3A_1190 = tpu.vector_load %arg18[%get3A_1189] {strides = array<i32>} : memref<2192xi32, #tpu.memory_space<vmem>>, vector<16xi32>,
    %mul3A_1191 = arith.constant 64 : i32
    %mul3A_1192 = arith.muli %select_n3A_1140, %mul3A_1191 : i32
    %add3A_1193 = arith.constant 32 : i32
    %add3A_1194 = arith.addi %mul3A_1192, %add3A_1193 : i32
    %get3A_1195 = arith.index_cast %add3A_1194 : i32 to index
    %get3A_1196 = tpu.vector_load %arg19[%get3A_1195] {strides = array<i32>} : memref<2192xi32, #tpu.memory_space<vmem>>, vector<16xi32>,
    %swap3A_1197 = arith.constant 32 : index
    %swap3A_1198 = tpu.vector_load %arg18[%swap3A_1197] {strides = array<i32>} : memref<2192xi32, #tpu.memory_space<vmem>>, vector<16xi32>,
    tpu.vector_store %arg18[%swap3A_1197], %get3A_1190 {strides = array<i32>} : memref<2192xi32, #tpu.memory_space<vmem>>, vector<16xi32>,
    %swap3A_1199 = arith.constant 32 : index
    %swap3A_1200 = tpu.vector_load %arg19[%swap3A_1199] {strides = array<i32>} : memref<2192xi32, #tpu.memory_space<vmem>>, vector<16xi32>,
    tpu.vector_store %arg19[%swap3A_1199], %get3A_1196 {strides = array<i32>} : memref<2192xi32, #tpu.memory_space<vmem>>, vector<16xi32>,
    %mul3A_1201 = arith.constant 64 : i32
    %mul3A_1202 = arith.muli %select_n3A_1140, %mul3A_1201 : i32
    %add3A_1203 = arith.constant 48 : i32
    %add3A_1204 = arith.addi %mul3A_1202, %add3A_1203 : i32
    %get3A_1205 = arith.index_cast %add3A_1204 : i32 to index
    %get3A_1206 = tpu.vector_load %arg18[%get3A_1205] {strides = array<i32>} : memref<2192xi32, #tpu.memory_space<vmem>>, vector<16xi32>,
    %mul3A_1207 = arith.constant 64 : i32
    %mul3A_1208 = arith.muli %select_n3A_1140, %mul3A_1207 : i32
    %add3A_1209 = arith.constant 48 : i32
    %add3A_1210 = arith.addi %mul3A_1208, %add3A_1209 : i32
    %get3A_1211 = arith.index_cast %add3A_1210 : i32 to index
    %get3A_1212 = tpu.vector_load %arg19[%get3A_1211] {strides = array<i32>} : memref<2192xi32, #tpu.memory_space<vmem>>, vector<16xi32>,
    %swap3A_1213 = arith.constant 48 : index
    %swap3A_1214 = tpu.vector_load %arg18[%swap3A_1213] {strides = array<i32>} : memref<2192xi32, #tpu.memory_space<vmem>>, vector<16xi32>,
    tpu.vector_store %arg18[%swap3A_1213], %get3A_1206 {strides = array<i32>} : memref<2192xi32, #tpu.memory_space<vmem>>, vector<16xi32>,
    %swap3A_1215 = arith.constant 48 : index
    %swap3A_1216 = tpu.vector_load %arg19[%swap3A_1215] {strides = array<i32>} : memref<2192xi32, #tpu.memory_space<vmem>>, vector<16xi32>,
    tpu.vector_store %arg19[%swap3A_1215], %get3A_1212 {strides = array<i32>} : memref<2192xi32, #tpu.memory_space<vmem>>, vector<16xi32>,
    %mul3A_1217 = arith.constant 64 : i32
    %mul3A_1218 = arith.muli %select_n3A_1140, %mul3A_1217 : i32
    %sub3A_1219 = arith.subi %scan3A_1115, %mul3A_1218 : i32
    %broadcast_in_dim3A = arith.constant true
    %broadcast_in_dim3A_1220 = vector.broadcast %broadcast_in_dim3A : i1 to vector<16xi1>
    %add3A_1221 = arith.constant 0 : i32
    %add3A_1222 = arith.addi %sub3A_1219, %add3A_1221 : i32
    %broadcast_in_dim3A_1223 = arith.constant 4096 : i32
    %broadcast_in_dim3A_1224 = vector.broadcast %broadcast_in_dim3A_1223 : i32 to vector<16xi32>
    %swap3A_1225 = arith.index_cast %add3A_1222 : i32 to index
    %swap3A_1226 = tpu.vector_load %arg19[%swap3A_1225] masked %broadcast_in_dim3A_1220 {strides = array<i32>} : memref<2192xi32, #tpu.memory_space<vmem>>, vector<16xi32>, vector<16xi1>
    tpu.vector_store %arg19[%swap3A_1225], %broadcast_in_dim3A_1224 masked %broadcast_in_dim3A_1220 {strides = array<i32>} : memref<2192xi32, #tpu.memory_space<vmem>>, vector<16xi32>, vector<16xi1>
    %add3A_1227 = arith.constant 0 : i32
    %add3A_1228 = arith.addi %sub3A_1219, %add3A_1227 : i32
    %broadcast_in_dim3A_1229 = arith.constant 0 : i32
    %broadcast_in_dim3A_1230 = vector.broadcast %broadcast_in_dim3A_1229 : i32 to vector<16xi32>
    %swap3A_1231 = arith.index_cast %add3A_1228 : i32 to index
    %swap3A_1232 = tpu.vector_load %arg18[%swap3A_1231] masked %broadcast_in_dim3A_1220 {strides = array<i32>} : memref<2192xi32, #tpu.memory_space<vmem>>, vector<16xi32>, vector<16xi1>
    tpu.vector_store %arg18[%swap3A_1231], %broadcast_in_dim3A_1230 masked %broadcast_in_dim3A_1220 {strides = array<i32>} : memref<2192xi32, #tpu.memory_space<vmem>>, vector<16xi32>, vector<16xi1>
    %add3A_1233 = arith.constant 16 : i32
    %add3A_1234 = arith.addi %sub3A_1219, %add3A_1233 : i32
    %broadcast_in_dim3A_1235 = arith.constant 4096 : i32
    %broadcast_in_dim3A_1236 = vector.broadcast %broadcast_in_dim3A_1235 : i32 to vector<16xi32>
    %swap3A_1237 = arith.index_cast %add3A_1234 : i32 to index
    %swap3A_1238 = tpu.vector_load %arg19[%swap3A_1237] masked %broadcast_in_dim3A_1220 {strides = array<i32>} : memref<2192xi32, #tpu.memory_space<vmem>>, vector<16xi32>, vector<16xi1>
    tpu.vector_store %arg19[%swap3A_1237], %broadcast_in_dim3A_1236 masked %broadcast_in_dim3A_1220 {strides = array<i32>} : memref<2192xi32, #tpu.memory_space<vmem>>, vector<16xi32>, vector<16xi1>
    %add3A_1239 = arith.constant 16 : i32
    %add3A_1240 = arith.addi %sub3A_1219, %add3A_1239 : i32
    %broadcast_in_dim3A_1241 = arith.constant 0 : i32
    %broadcast_in_dim3A_1242 = vector.broadcast %broadcast_in_dim3A_1241 : i32 to vector<16xi32>
    %swap3A_1243 = arith.index_cast %add3A_1240 : i32 to index
    %swap3A_1244 = tpu.vector_load %arg18[%swap3A_1243] masked %broadcast_in_dim3A_1220 {strides = array<i32>} : memref<2192xi32, #tpu.memory_space<vmem>>, vector<16xi32>, vector<16xi1>
    tpu.vector_store %arg18[%swap3A_1243], %broadcast_in_dim3A_1242 masked %broadcast_in_dim3A_1220 {strides = array<i32>} : memref<2192xi32, #tpu.memory_space<vmem>>, vector<16xi32>, vector<16xi1>
    %add3A_1245 = arith.constant 32 : i32
    %add3A_1246 = arith.addi %sub3A_1219, %add3A_1245 : i32
    %broadcast_in_dim3A_1247 = arith.constant 4096 : i32
    %broadcast_in_dim3A_1248 = vector.broadcast %broadcast_in_dim3A_1247 : i32 to vector<16xi32>
    %swap3A_1249 = arith.index_cast %add3A_1246 : i32 to index
    %swap3A_1250 = tpu.vector_load %arg19[%swap3A_1249] masked %broadcast_in_dim3A_1220 {strides = array<i32>} : memref<2192xi32, #tpu.memory_space<vmem>>, vector<16xi32>, vector<16xi1>
    tpu.vector_store %arg19[%swap3A_1249], %broadcast_in_dim3A_1248 masked %broadcast_in_dim3A_1220 {strides = array<i32>} : memref<2192xi32, #tpu.memory_space<vmem>>, vector<16xi32>, vector<16xi1>
    %add3A_1251 = arith.constant 32 : i32
    %add3A_1252 = arith.addi %sub3A_1219, %add3A_1251 : i32
    %broadcast_in_dim3A_1253 = arith.constant 0 : i32
    %broadcast_in_dim3A_1254 = vector.broadcast %broadcast_in_dim3A_1253 : i32 to vector<16xi32>
    %swap3A_1255 = arith.index_cast %add3A_1252 : i32 to index
    %swap3A_1256 = tpu.vector_load %arg18[%swap3A_1255] masked %broadcast_in_dim3A_1220 {strides = array<i32>} : memref<2192xi32, #tpu.memory_space<vmem>>, vector<16xi32>, vector<16xi1>
    tpu.vector_store %arg18[%swap3A_1255], %broadcast_in_dim3A_1254 masked %broadcast_in_dim3A_1220 {strides = array<i32>} : memref<2192xi32, #tpu.memory_space<vmem>>, vector<16xi32>, vector<16xi1>
    %add3A_1257 = arith.constant 48 : i32
    %add3A_1258 = arith.addi %sub3A_1219, %add3A_1257 : i32
    %broadcast_in_dim3A_1259 = arith.constant 4096 : i32
    %broadcast_in_dim3A_1260 = vector.broadcast %broadcast_in_dim3A_1259 : i32 to vector<16xi32>
    %swap3A_1261 = arith.index_cast %add3A_1258 : i32 to index
    %swap3A_1262 = tpu.vector_load %arg19[%swap3A_1261] masked %broadcast_in_dim3A_1220 {strides = array<i32>} : memref<2192xi32, #tpu.memory_space<vmem>>, vector<16xi32>, vector<16xi1>
    tpu.vector_store %arg19[%swap3A_1261], %broadcast_in_dim3A_1260 masked %broadcast_in_dim3A_1220 {strides = array<i32>} : memref<2192xi32, #tpu.memory_space<vmem>>, vector<16xi32>, vector<16xi1>
    %add3A_1263 = arith.constant 48 : i32
    %add3A_1264 = arith.addi %sub3A_1219, %add3A_1263 : i32
    %broadcast_in_dim3A_1265 = arith.constant 0 : i32
    %broadcast_in_dim3A_1266 = vector.broadcast %broadcast_in_dim3A_1265 : i32 to vector<16xi32>
    %swap3A_1267 = arith.index_cast %add3A_1264 : i32 to index
    %swap3A_1268 = tpu.vector_load %arg18[%swap3A_1267] masked %broadcast_in_dim3A_1220 {strides = array<i32>} : memref<2192xi32, #tpu.memory_space<vmem>>, vector<16xi32>, vector<16xi1>
    tpu.vector_store %arg18[%swap3A_1267], %broadcast_in_dim3A_1266 masked %broadcast_in_dim3A_1220 {strides = array<i32>} : memref<2192xi32, #tpu.memory_space<vmem>>, vector<16xi32>, vector<16xi1>
    %scan3A_1269 = arith.constant 0 : i32
    %scan3A_1270 = arith.constant 0 : i32
    %mul3A_1271 = arith.constant 64 : i32
    %mul3A_1272 = arith.muli %scan3A_1270, %mul3A_1271 : i32
    %add3A_1273 = arith.constant 0 : i32
    %add3A_1274 = arith.addi %mul3A_1272, %add3A_1273 : i32
    %get3A_1275 = arith.index_cast %add3A_1274 : i32 to index
    %get3A_1276 = tpu.vector_load %arg18[%get3A_1275] {strides = array<i32>} : memref<2192xi32, #tpu.memory_space<vmem>>, vector<16xi32>,
    %swap3A_1277 = arith.constant 0 : index
    %swap3A_1278 = tpu.vector_load %arg20[%swap3A_1277] {strides = array<i32>} : memref<64xi32, #tpu.memory_space<vmem>>, vector<16xi32>,
    tpu.vector_store %arg20[%swap3A_1277], %get3A_1276 {strides = array<i32>} : memref<64xi32, #tpu.memory_space<vmem>>, vector<16xi32>,
    %mul3A_1279 = arith.constant 64 : i32
    %mul3A_1280 = arith.muli %scan3A_1270, %mul3A_1279 : i32
    %add3A_1281 = arith.constant 0 : i32
    %add3A_1282 = arith.addi %mul3A_1280, %add3A_1281 : i32
    %get3A_1283 = arith.index_cast %add3A_1282 : i32 to index
    %get3A_1284 = tpu.vector_load %arg19[%get3A_1283] {strides = array<i32>} : memref<2192xi32, #tpu.memory_space<vmem>>, vector<16xi32>,
    %swap3A_1285 = arith.constant 0 : index
    %swap3A_1286 = tpu.vector_load %arg21[%swap3A_1285] {strides = array<i32>} : memref<64xi32, #tpu.memory_space<vmem>>, vector<16xi32>,
    tpu.vector_store %arg21[%swap3A_1285], %get3A_1284 {strides = array<i32>} : memref<64xi32, #tpu.memory_space<vmem>>, vector<16xi32>,
    %mul3A_1287 = arith.constant 64 : i32
    %mul3A_1288 = arith.muli %scan3A_1270, %mul3A_1287 : i32
    %add3A_1289 = arith.constant 16 : i32
    %add3A_1290 = arith.addi %mul3A_1288, %add3A_1289 : i32
    %get3A_1291 = arith.index_cast %add3A_1290 : i32 to index
    %get3A_1292 = tpu.vector_load %arg18[%get3A_1291] {strides = array<i32>} : memref<2192xi32, #tpu.memory_space<vmem>>, vector<16xi32>,
    %swap3A_1293 = arith.constant 16 : index
    %swap3A_1294 = tpu.vector_load %arg20[%swap3A_1293] {strides = array<i32>} : memref<64xi32, #tpu.memory_space<vmem>>, vector<16xi32>,
    tpu.vector_store %arg20[%swap3A_1293], %get3A_1292 {strides = array<i32>} : memref<64xi32, #tpu.memory_space<vmem>>, vector<16xi32>,
    %mul3A_1295 = arith.constant 64 : i32
    %mul3A_1296 = arith.muli %scan3A_1270, %mul3A_1295 : i32
    %add3A_1297 = arith.constant 16 : i32
    %add3A_1298 = arith.addi %mul3A_1296, %add3A_1297 : i32
    %get3A_1299 = arith.index_cast %add3A_1298 : i32 to index
    %get3A_1300 = tpu.vector_load %arg19[%get3A_1299] {strides = array<i32>} : memref<2192xi32, #tpu.memory_space<vmem>>, vector<16xi32>,
    %swap3A_1301 = arith.constant 16 : index
    %swap3A_1302 = tpu.vector_load %arg21[%swap3A_1301] {strides = array<i32>} : memref<64xi32, #tpu.memory_space<vmem>>, vector<16xi32>,
    tpu.vector_store %arg21[%swap3A_1301], %get3A_1300 {strides = array<i32>} : memref<64xi32, #tpu.memory_space<vmem>>, vector<16xi32>,
    %mul3A_1303 = arith.constant 64 : i32
    %mul3A_1304 = arith.muli %scan3A_1270, %mul3A_1303 : i32
    %add3A_1305 = arith.constant 32 : i32
    %add3A_1306 = arith.addi %mul3A_1304, %add3A_1305 : i32
    %get3A_1307 = arith.index_cast %add3A_1306 : i32 to index
    %get3A_1308 = tpu.vector_load %arg18[%get3A_1307] {strides = array<i32>} : memref<2192xi32, #tpu.memory_space<vmem>>, vector<16xi32>,
    %swap3A_1309 = arith.constant 32 : index
    %swap3A_1310 = tpu.vector_load %arg20[%swap3A_1309] {strides = array<i32>} : memref<64xi32, #tpu.memory_space<vmem>>, vector<16xi32>,
    tpu.vector_store %arg20[%swap3A_1309], %get3A_1308 {strides = array<i32>} : memref<64xi32, #tpu.memory_space<vmem>>, vector<16xi32>,
    %mul3A_1311 = arith.constant 64 : i32
    %mul3A_1312 = arith.muli %scan3A_1270, %mul3A_1311 : i32
    %add3A_1313 = arith.constant 32 : i32
    %add3A_1314 = arith.addi %mul3A_1312, %add3A_1313 : i32
    %get3A_1315 = arith.index_cast %add3A_1314 : i32 to index
    %get3A_1316 = tpu.vector_load %arg19[%get3A_1315] {strides = array<i32>} : memref<2192xi32, #tpu.memory_space<vmem>>, vector<16xi32>,
    %swap3A_1317 = arith.constant 32 : index
    %swap3A_1318 = tpu.vector_load %arg21[%swap3A_1317] {strides = array<i32>} : memref<64xi32, #tpu.memory_space<vmem>>, vector<16xi32>,
    tpu.vector_store %arg21[%swap3A_1317], %get3A_1316 {strides = array<i32>} : memref<64xi32, #tpu.memory_space<vmem>>, vector<16xi32>,
    %mul3A_1319 = arith.constant 64 : i32
    %mul3A_1320 = arith.muli %scan3A_1270, %mul3A_1319 : i32
    %add3A_1321 = arith.constant 48 : i32
    %add3A_1322 = arith.addi %mul3A_1320, %add3A_1321 : i32
    %get3A_1323 = arith.index_cast %add3A_1322 : i32 to index
    %get3A_1324 = tpu.vector_load %arg18[%get3A_1323] {strides = array<i32>} : memref<2192xi32, #tpu.memory_space<vmem>>, vector<16xi32>,
    %swap3A_1325 = arith.constant 48 : index
    %swap3A_1326 = tpu.vector_load %arg20[%swap3A_1325] {strides = array<i32>} : memref<64xi32, #tpu.memory_space<vmem>>, vector<16xi32>,
    tpu.vector_store %arg20[%swap3A_1325], %get3A_1324 {strides = array<i32>} : memref<64xi32, #tpu.memory_space<vmem>>, vector<16xi32>,
    %mul3A_1327 = arith.constant 64 : i32
    %mul3A_1328 = arith.muli %scan3A_1270, %mul3A_1327 : i32
    %add3A_1329 = arith.constant 48 : i32
    %add3A_1330 = arith.addi %mul3A_1328, %add3A_1329 : i32
    %get3A_1331 = arith.index_cast %add3A_1330 : i32 to index
    %get3A_1332 = tpu.vector_load %arg19[%get3A_1331] {strides = array<i32>} : memref<2192xi32, #tpu.memory_space<vmem>>, vector<16xi32>,
    %swap3A_1333 = arith.constant 48 : index
    %swap3A_1334 = tpu.vector_load %arg21[%swap3A_1333] {strides = array<i32>} : memref<64xi32, #tpu.memory_space<vmem>>, vector<16xi32>,
    tpu.vector_store %arg21[%swap3A_1333], %get3A_1332 {strides = array<i32>} : memref<64xi32, #tpu.memory_space<vmem>>, vector<16xi32>,
    %dma_start3A_1335 = arith.constant 0 : i32
    %dma_start3A_1336 = arith.constant 0 : i32
    %dma_start3A_1337 = tpu.memref_slice %arg6[%dma_start3A_1335, %dma_start3A_1336] : memref<10000x128xf32, #tpu.memory_space<hbm>> -> memref<10000x128xf32, #tpu.memory_space<hbm>>
    tpu.enqueue_indirect_dma source(%dma_start3A_1337 : memref<10000x128xf32, #tpu.memory_space<hbm>>) target(%arg22 : memref<64x128xf32, #tpu.memory_space<vmem>>) offsets(%arg20 : memref<64xi32, #tpu.memory_space<vmem>>) semaphore(%arg31 : memref<!tpu.dma_semaphore, #tpu.memory_space<semaphore_mem>>)
    %dma_wait3A_1338 = arith.constant 0 : i32
    %dma_wait3A_1339 = arith.constant 0 : i32
    %dma_wait3A_1340 = tpu.memref_slice %arg6[%dma_wait3A_1338, %dma_wait3A_1339] : memref<10000x128xf32, #tpu.memory_space<hbm>> -> memref<10000x128xf32, #tpu.memory_space<hbm>>
    tpu.wait_indirect_dma semaphore(%arg31 : memref<!tpu.dma_semaphore, #tpu.memory_space<semaphore_mem>>) src(%dma_wait3A_1340 : memref<10000x128xf32, #tpu.memory_space<hbm>>) dst(%arg22 : memref<64x128xf32, #tpu.memory_space<vmem>>)
    "tpu.region"() ({
      %run_scoped3A = tpu.sem_alloc : memref<!tpu.dma_semaphore, #tpu.memory_space<semaphore_mem>>
      %dma_start3A_1368 = arith.constant 0 : i32
      %dma_start3A_1369 = arith.constant 0 : i32
      %dma_start3A_1370 = tpu.memref_slice %arg26[%dma_start3A_1368, %dma_start3A_1369] : memref<4112x128xf32, #tpu.memory_space<vmem_shared>> -> memref<4112x128xf32, #tpu.memory_space<vmem_shared>>
      tpu.enqueue_indirect_dma source(%arg22 : memref<64x128xf32, #tpu.memory_space<vmem>>) target(%dma_start3A_1370 : memref<4112x128xf32, #tpu.memory_space<vmem_shared>>) offsets(%arg21 : memref<64xi32, #tpu.memory_space<vmem>>) semaphore(%run_scoped3A : memref<!tpu.dma_semaphore, #tpu.memory_space<semaphore_mem>>) {add = true}
      %dma_wait3A_1371 = arith.constant 0 : i32
      %dma_wait3A_1372 = arith.constant 0 : i32
      %dma_wait3A_1373 = tpu.memref_slice %arg26[%dma_wait3A_1371, %dma_wait3A_1372] : memref<4112x128xf32, #tpu.memory_space<vmem_shared>> -> memref<4112x128xf32, #tpu.memory_space<vmem_shared>>
      tpu.wait_indirect_dma semaphore(%run_scoped3A : memref<!tpu.dma_semaphore, #tpu.memory_space<semaphore_mem>>) src(%arg22 : memref<64x128xf32, #tpu.memory_space<vmem>>) dst(%dma_wait3A_1373 : memref<4112x128xf32, #tpu.memory_space<vmem_shared>>)
      tpu.yield
    }) : () -> ()
    "tpu.region"() ({
      %run_scoped3A = tpu.sem_alloc : memref<!tpu.dma_semaphore, #tpu.memory_space<semaphore_mem>>
      %dma_start3A_1368 = arith.constant 0 : i32
      %dma_start3A_1369 = tpu.memref_slice %arg27[%dma_start3A_1368] : memref<4224xf32, #tpu.memory_space<vmem_shared>> -> memref<4224xf32, #tpu.memory_space<vmem_shared>>
      tpu.enqueue_indirect_dma source(%arg23 : memref<64xf32, #tpu.memory_space<vmem>>) target(%dma_start3A_1369 : memref<4224xf32, #tpu.memory_space<vmem_shared>>) offsets(%arg21 : memref<64xi32, #tpu.memory_space<vmem>>) semaphore(%run_scoped3A : memref<!tpu.dma_semaphore, #tpu.memory_space<semaphore_mem>>) {add = true}
      %dma_wait3A_1370 = arith.constant 0 : i32
      %dma_wait3A_1371 = tpu.memref_slice %arg27[%dma_wait3A_1370] : memref<4224xf32, #tpu.memory_space<vmem_shared>> -> memref<4224xf32, #tpu.memory_space<vmem_shared>>
      tpu.wait_indirect_dma semaphore(%run_scoped3A : memref<!tpu.dma_semaphore, #tpu.memory_space<semaphore_mem>>) src(%arg23 : memref<64xf32, #tpu.memory_space<vmem>>) dst(%dma_wait3A_1371 : memref<4224xf32, #tpu.memory_space<vmem_shared>>)
      tpu.yield
    }) : () -> ()
    %scan3A_1341 = arith.constant 0 : i32
    %scan3A_1342 = arith.constant 1 : i32
    %barrier3A_1343 = arith.constant 0 : index
    tpu.barrier barrier_id(%barrier3A_1343)
    %mul3A_1344 = arith.constant 256 : i32
    %mul3A_1345 = arith.muli %arg1, %mul3A_1344 : i32
    %mul3A_1346 = arith.constant 256 : i32
    %mul3A_1347 = arith.muli %arg1, %mul3A_1346 : i32
    "tpu.region"() ({
      %run_scoped3A = tpu.sem_alloc : memref<!tpu.dma_semaphore, #tpu.memory_space<semaphore_mem>>
      %dma_start3A_1368 = arith.constant 0 : i32
      %dma_start3A_1369 = tpu.memref_slice %arg10[%arg0, %mul3A_1347, %dma_start3A_1368] : memref<2x4096x128xf32, #tpu.memory_space<hbm>> -> memref<1x256x128xf32, #tpu.memory_space<hbm>>
      %dma_start3A_1370 = tpu.memref_squeeze %dma_start3A_1369 : memref<1x256x128xf32, #tpu.memory_space<hbm>> -> memref<256x128xf32, #tpu.memory_space<hbm>>
      %dma_start3A_1371 = arith.constant 0 : i32
      %dma_start3A_1372 = tpu.memref_slice %arg26[%mul3A_1345, %dma_start3A_1371] : memref<4112x128xf32, #tpu.memory_space<vmem_shared>> -> memref<256x128xf32, #tpu.memory_space<vmem_shared>>
      tpu.enqueue_dma source(%dma_start3A_1372 : memref<256x128xf32, #tpu.memory_space<vmem_shared>>) target(%dma_start3A_1370 : memref<256x128xf32, #tpu.memory_space<hbm>>) target_semaphore(%run_scoped3A : memref<!tpu.dma_semaphore, #tpu.memory_space<semaphore_mem>>)
      %dma_wait3A_1373 = arith.constant 0 : i32
      %dma_wait3A_1374 = tpu.memref_slice %arg10[%arg0, %mul3A_1347, %dma_wait3A_1373] : memref<2x4096x128xf32, #tpu.memory_space<hbm>> -> memref<1x256x128xf32, #tpu.memory_space<hbm>>
      %dma_wait3A_1375 = tpu.memref_squeeze %dma_wait3A_1374 : memref<1x256x128xf32, #tpu.memory_space<hbm>> -> memref<256x128xf32, #tpu.memory_space<hbm>>
      %dma_wait3A_1376 = arith.constant 0 : i32
      %dma_wait3A_1377 = tpu.memref_slice %arg26[%mul3A_1345, %dma_wait3A_1376] : memref<4112x128xf32, #tpu.memory_space<vmem_shared>> -> memref<256x128xf32, #tpu.memory_space<vmem_shared>>
      tpu.wait_dma2 semaphore(%run_scoped3A : memref<!tpu.dma_semaphore, #tpu.memory_space<semaphore_mem>>) src(%dma_wait3A_1377 : memref<256x128xf32, #tpu.memory_space<vmem_shared>>) dst(%dma_wait3A_1375 : memref<256x128xf32, #tpu.memory_space<hbm>>)
      tpu.yield
    }) : () -> ()
    %mul3A_1348 = arith.constant 256 : i32
    %mul3A_1349 = arith.muli %arg1, %mul3A_1348 : i32
    %mul3A_1350 = arith.constant 256 : i32
    %mul3A_1351 = arith.muli %arg1, %mul3A_1350 : i32
    "tpu.region"() ({
      %run_scoped3A = tpu.sem_alloc : memref<!tpu.dma_semaphore, #tpu.memory_space<semaphore_mem>>
      %dma_start3A_1368 = tpu.memref_slice %arg11[%arg0, %mul3A_1351] : memref<2x4096xf32, #tpu.memory_space<hbm>> -> memref<1x256xf32, #tpu.memory_space<hbm>>
      %dma_start3A_1369 = tpu.memref_squeeze %dma_start3A_1368 : memref<1x256xf32, #tpu.memory_space<hbm>> -> memref<256xf32, #tpu.memory_space<hbm>>
      %dma_start3A_1370 = tpu.memref_slice %arg27[%mul3A_1349] : memref<4224xf32, #tpu.memory_space<vmem_shared>> -> memref<256xf32, #tpu.memory_space<vmem_shared>>
      tpu.enqueue_dma source(%dma_start3A_1370 : memref<256xf32, #tpu.memory_space<vmem_shared>>) target(%dma_start3A_1369 : memref<256xf32, #tpu.memory_space<hbm>>) target_semaphore(%run_scoped3A : memref<!tpu.dma_semaphore, #tpu.memory_space<semaphore_mem>>)
      %dma_wait3A_1371 = tpu.memref_slice %arg11[%arg0, %mul3A_1351] : memref<2x4096xf32, #tpu.memory_space<hbm>> -> memref<1x256xf32, #tpu.memory_space<hbm>>
      %dma_wait3A_1372 = tpu.memref_squeeze %dma_wait3A_1371 : memref<1x256xf32, #tpu.memory_space<hbm>> -> memref<256xf32, #tpu.memory_space<hbm>>
      %dma_wait3A_1373 = tpu.memref_slice %arg27[%mul3A_1349] : memref<4224xf32, #tpu.memory_space<vmem_shared>> -> memref<256xf32, #tpu.memory_space<vmem_shared>>
      tpu.wait_dma2 semaphore(%run_scoped3A : memref<!tpu.dma_semaphore, #tpu.memory_space<semaphore_mem>>) src(%dma_wait3A_1373 : memref<256xf32, #tpu.memory_space<vmem_shared>>) dst(%dma_wait3A_1372 : memref<256xf32, #tpu.memory_space<hbm>>)
      tpu.yield
    }) : () -> ()
    %mul3A_1352 = arith.constant 32 : i32
    %mul3A_1353 = arith.muli %add3A, %mul3A_1352 : i32
    "tpu.region"() ({
      %run_scoped3A = tpu.sem_alloc : memref<!tpu.dma_semaphore, #tpu.memory_space<semaphore_mem>>
      %dma_start3A_1368 = tpu.memref_slice %arg5[%mul3A_1353] : memref<1024xi32, #tpu.memory_space<hbm>> -> memref<32xi32, #tpu.memory_space<hbm>>
      %dma_start3A_1369 = tpu.memref_slice %arg5[%mul3A_1353] : memref<1024xi32, #tpu.memory_space<hbm>> -> memref<32xi32, #tpu.memory_space<hbm>>
      tpu.enqueue_dma source(%dma_start3A_1369 : memref<32xi32, #tpu.memory_space<hbm>>) target(%arg25 : memref<32xi32, #tpu.memory_space<vmem>>) target_semaphore(%run_scoped3A : memref<!tpu.dma_semaphore, #tpu.memory_space<semaphore_mem>>)
      %dma_wait3A_1370 = tpu.memref_slice %arg5[%mul3A_1353] : memref<1024xi32, #tpu.memory_space<hbm>> -> memref<32xi32, #tpu.memory_space<hbm>>
      %dma_wait3A_1371 = tpu.memref_slice %arg5[%mul3A_1353] : memref<1024xi32, #tpu.memory_space<hbm>> -> memref<32xi32, #tpu.memory_space<hbm>>
      tpu.wait_dma2 semaphore(%run_scoped3A : memref<!tpu.dma_semaphore, #tpu.memory_space<semaphore_mem>>) src(%dma_wait3A_1371 : memref<32xi32, #tpu.memory_space<hbm>>) dst(%arg25 : memref<32xi32, #tpu.memory_space<vmem>>)
      tpu.yield
    }) : () -> ()
    %dma_start3A_1354 = arith.constant 0 : i32
    %dma_start3A_1355 = arith.constant 0 : i32
    %dma_start3A_1356 = tpu.memref_slice %arg22[%dma_start3A_1354, %dma_start3A_1355] : memref<64x128xf32, #tpu.memory_space<vmem>> -> memref<32x128xf32, #tpu.memory_space<vmem>>
    %dma_start3A_1357 = arith.constant 0 : i32
    %dma_start3A_1358 = arith.constant 0 : i32
    %dma_start3A_1359 = tpu.memref_slice %arg6[%dma_start3A_1357, %dma_start3A_1358] : memref<10000x128xf32, #tpu.memory_space<hbm>> -> memref<10000x128xf32, #tpu.memory_space<hbm>>
    tpu.enqueue_indirect_dma source(%dma_start3A_1359 : memref<10000x128xf32, #tpu.memory_space<hbm>>) target(%dma_start3A_1356 : memref<32x128xf32, #tpu.memory_space<vmem>>) offsets(%arg25 : memref<32xi32, #tpu.memory_space<vmem>>) semaphore(%arg31 : memref<!tpu.dma_semaphore, #tpu.memory_space<semaphore_mem>>)
    %dma_wait3A_1360 = arith.constant 0 : i32
    %dma_wait3A_1361 = arith.constant 0 : i32
    %dma_wait3A_1362 = tpu.memref_slice %arg22[%dma_wait3A_1360, %dma_wait3A_1361] : memref<64x128xf32, #tpu.memory_space<vmem>> -> memref<32x128xf32, #tpu.memory_space<vmem>>
    %dma_wait3A_1363 = arith.constant 0 : i32
    %dma_wait3A_1364 = arith.constant 0 : i32
    %dma_wait3A_1365 = tpu.memref_slice %arg6[%dma_wait3A_1363, %dma_wait3A_1364] : memref<10000x128xf32, #tpu.memory_space<hbm>> -> memref<10000x128xf32, #tpu.memory_space<hbm>>
    tpu.wait_indirect_dma semaphore(%arg31 : memref<!tpu.dma_semaphore, #tpu.memory_space<semaphore_mem>>) src(%dma_wait3A_1365 : memref<10000x128xf32, #tpu.memory_space<hbm>>) dst(%dma_wait3A_1362 : memref<32x128xf32, #tpu.memory_space<vmem>>)
    %mul3A_1366 = arith.constant 32 : i32
    %mul3A_1367 = arith.muli %add3A, %mul3A_1366 : i32
    "tpu.region"() ({
      %run_scoped3A = tpu.sem_alloc : memref<!tpu.dma_semaphore, #tpu.memory_space<semaphore_mem>>
      %dma_start3A_1368 = arith.constant 0 : i32
      %dma_start3A_1369 = arith.constant 0 : i32
      %dma_start3A_1370 = tpu.memref_slice %arg22[%dma_start3A_1368, %dma_start3A_1369] : memref<64x128xf32, #tpu.memory_space<vmem>> -> memref<32x128xf32, #tpu.memory_space<vmem>>
      %dma_start3A_1371 = arith.constant 0 : i32
      %dma_start3A_1372 = tpu.memref_slice %arg12[%mul3A_1367, %dma_start3A_1371] : memref<1024x128xf32, #tpu.memory_space<hbm>> -> memref<32x128xf32, #tpu.memory_space<hbm>>
      %dma_start3A_1373 = arith.constant 0 : i32
      %dma_start3A_1374 = tpu.memref_slice %arg12[%mul3A_1367, %dma_start3A_1373] : memref<1024x128xf32, #tpu.memory_space<hbm>> -> memref<32x128xf32, #tpu.memory_space<hbm>>
      %dma_start3A_1375 = arith.constant 0 : i32
      %dma_start3A_1376 = arith.constant 0 : i32
      %dma_start3A_1377 = tpu.memref_slice %arg22[%dma_start3A_1375, %dma_start3A_1376] : memref<64x128xf32, #tpu.memory_space<vmem>> -> memref<32x128xf32, #tpu.memory_space<vmem>>
      tpu.enqueue_dma source(%dma_start3A_1377 : memref<32x128xf32, #tpu.memory_space<vmem>>) target(%dma_start3A_1374 : memref<32x128xf32, #tpu.memory_space<hbm>>) target_semaphore(%run_scoped3A : memref<!tpu.dma_semaphore, #tpu.memory_space<semaphore_mem>>)
      %dma_wait3A_1378 = arith.constant 0 : i32
      %dma_wait3A_1379 = arith.constant 0 : i32
      %dma_wait3A_1380 = tpu.memref_slice %arg22[%dma_wait3A_1378, %dma_wait3A_1379] : memref<64x128xf32, #tpu.memory_space<vmem>> -> memref<32x128xf32, #tpu.memory_space<vmem>>
      %dma_wait3A_1381 = arith.constant 0 : i32
      %dma_wait3A_1382 = tpu.memref_slice %arg12[%mul3A_1367, %dma_wait3A_1381] : memref<1024x128xf32, #tpu.memory_space<hbm>> -> memref<32x128xf32, #tpu.memory_space<hbm>>
      %dma_wait3A_1383 = arith.constant 0 : i32
      %dma_wait3A_1384 = tpu.memref_slice %arg12[%mul3A_1367, %dma_wait3A_1383] : memref<1024x128xf32, #tpu.memory_space<hbm>> -> memref<32x128xf32, #tpu.memory_space<hbm>>
      %dma_wait3A_1385 = arith.constant 0 : i32
      %dma_wait3A_1386 = arith.constant 0 : i32
      %dma_wait3A_1387 = tpu.memref_slice %arg22[%dma_wait3A_1385, %dma_wait3A_1386] : memref<64x128xf32, #tpu.memory_space<vmem>> -> memref<32x128xf32, #tpu.memory_space<vmem>>
      tpu.wait_dma2 semaphore(%run_scoped3A : memref<!tpu.dma_semaphore, #tpu.memory_space<semaphore_mem>>) src(%dma_wait3A_1387 : memref<32x128xf32, #tpu.memory_space<vmem>>) dst(%dma_wait3A_1384 : memref<32x128xf32, #tpu.memory_space<hbm>>)
      tpu.yield
    }) : () -> ()
    return
  }
}

module attributes {stable_mosaic.version = 14 : i64} {
  func.func @_tc_body(%arg0: i32, %arg1: memref<256x8x128xf32, #tpu.memory_space<vmem>>, %arg2: memref<256x8xf32, #tpu.memory_space<vmem>>, %arg3: memref<256x128xf32, #tpu.memory_space<vmem>>, %arg4: memref<128x128xf32, #tpu.memory_space<vmem>>, %arg5: memref<8x128x128xf32, #tpu.memory_space<vmem>>, %arg6: memref<256x128xf32, #tpu.memory_space<vmem>>) attributes {dimension_semantics = [#tpu.dimension_semantics<arbitrary>], iteration_bounds = array<i64: 4>, scalar_prefetch = 0 : i64, scratch_operands = 0 : i64, tpu.core_type = #tpu.core_type<tc>, window_params = [{transform_indices = @transform_0, window_bounds = array<i64: 256, 8, 128>}, {transform_indices = @transform_1, window_bounds = array<i64: 256, 8>}, {transform_indices = @transform_2, window_bounds = array<i64: 256, 128>}, {pipeline_mode = #tpu.pipeline_mode<synchronous>, transform_indices = @transform_3, window_bounds = array<i64: 128, 128>}, {pipeline_mode = #tpu.pipeline_mode<synchronous>, transform_indices = @transform_4, window_bounds = array<i64: 8, 128, 128>}, {transform_indices = @transform_5, window_bounds = array<i64: 256, 128>}]} {
    %get3A = arith.constant 0 : index
    %get3A_0 = arith.constant 0 : index
    %get3A_1 = arith.constant 0 : index
    %get3A_2 = vector.load %arg1[%get3A, %get3A_0, %get3A_1] : memref<256x8x128xf32, #tpu.memory_space<vmem>>, vector<256x8x128xf32>
    %get3A_3 = arith.constant 0 : index
    %get3A_4 = arith.constant 0 : index
    %get3A_5 = vector.load %arg2[%get3A_3, %get3A_4] : memref<256x8xf32, #tpu.memory_space<vmem>>, vector<256x8xf32>
    %broadcast_in_dim3A = arith.constant 0.000000e+00 : f32
    %broadcast_in_dim3A_6 = vector.broadcast %broadcast_in_dim3A : f32 to vector<256x128xf32>
    %slice3A = vector.extract_strided_slice %get3A_2 {offsets = [0, 0, 0], sizes = [256, 1, 128], strides = [1, 1, 1]} : vector<256x8x128xf32> to vector<256x1x128xf32>
    %squeeze3A = vector.shape_cast %slice3A : vector<256x1x128xf32> to vector<256x128xf32>
    %slice3A_7 = vector.extract_strided_slice %get3A_5 {offsets = [0, 0], sizes = [256, 1], strides = [1, 1]} : vector<256x8xf32> to vector<256x1xf32>
    %add3A = arith.constant 1.000000e-10 : f32
    %add3A_8 = vector.broadcast %add3A : f32 to vector<256x1xf32>
    %add3A_9 = arith.addf %slice3A_7, %add3A_8 : vector<256x1xf32>
    %div3A = vector.broadcast %add3A_9 : vector<256x1xf32> to vector<256x128xf32>
    %div3A_10 = arith.divf %squeeze3A, %div3A : vector<256x128xf32>
    %get3A_11 = arith.constant 0 : index
    %get3A_12 = arith.constant 0 : index
    %get3A_13 = arith.constant 0 : index
    %get3A_14 = vector.load %arg5[%get3A_11, %get3A_12, %get3A_13] : memref<8x128x128xf32, #tpu.memory_space<vmem>>, vector<1x128x128xf32>
    %get3A_15 = vector.shape_cast %get3A_14 : vector<1x128x128xf32> to vector<128x128xf32>
    %dot_general3A = arith.constant dense<0.000000e+00> : vector<256x128xf32>
    %dot_general3A_16 = tpu.matmul %div3A_10, %get3A_15, %dot_general3A {dimension_numbers = #tpu.dot_dimension_numbers<[1], [1], [0], [0], [0, 0, 1, 0], [], []>, transpose_lhs_hint = false} : vector<256x128xf32>, vector<128x128xf32>, vector<256x128xf32> -> vector<256x128xf32>
    %add3A_17 = arith.addf %broadcast_in_dim3A_6, %dot_general3A_16 : vector<256x128xf32>
    %slice3A_18 = vector.extract_strided_slice %get3A_2 {offsets = [0, 1, 0], sizes = [256, 1, 128], strides = [1, 1, 1]} : vector<256x8x128xf32> to vector<256x1x128xf32>
    %squeeze3A_19 = vector.shape_cast %slice3A_18 : vector<256x1x128xf32> to vector<256x128xf32>
    %slice3A_20 = vector.extract_strided_slice %get3A_5 {offsets = [0, 1], sizes = [256, 1], strides = [1, 1]} : vector<256x8xf32> to vector<256x1xf32>
    %add3A_21 = arith.constant 1.000000e-10 : f32
    %add3A_22 = vector.broadcast %add3A_21 : f32 to vector<256x1xf32>
    %add3A_23 = arith.addf %slice3A_20, %add3A_22 : vector<256x1xf32>
    %div3A_24 = vector.broadcast %add3A_23 : vector<256x1xf32> to vector<256x128xf32>
    %div3A_25 = arith.divf %squeeze3A_19, %div3A_24 : vector<256x128xf32>
    %get3A_26 = arith.constant 1 : index
    %get3A_27 = arith.constant 0 : index
    %get3A_28 = arith.constant 0 : index
    %get3A_29 = vector.load %arg5[%get3A_26, %get3A_27, %get3A_28] : memref<8x128x128xf32, #tpu.memory_space<vmem>>, vector<1x128x128xf32>
    %get3A_30 = vector.shape_cast %get3A_29 : vector<1x128x128xf32> to vector<128x128xf32>
    %dot_general3A_31 = arith.constant dense<0.000000e+00> : vector<256x128xf32>
    %dot_general3A_32 = tpu.matmul %div3A_25, %get3A_30, %dot_general3A_31 {dimension_numbers = #tpu.dot_dimension_numbers<[1], [1], [0], [0], [0, 0, 1, 0], [], []>, transpose_lhs_hint = false} : vector<256x128xf32>, vector<128x128xf32>, vector<256x128xf32> -> vector<256x128xf32>
    %add3A_33 = arith.addf %add3A_17, %dot_general3A_32 : vector<256x128xf32>
    %slice3A_34 = vector.extract_strided_slice %get3A_2 {offsets = [0, 2, 0], sizes = [256, 1, 128], strides = [1, 1, 1]} : vector<256x8x128xf32> to vector<256x1x128xf32>
    %squeeze3A_35 = vector.shape_cast %slice3A_34 : vector<256x1x128xf32> to vector<256x128xf32>
    %slice3A_36 = vector.extract_strided_slice %get3A_5 {offsets = [0, 2], sizes = [256, 1], strides = [1, 1]} : vector<256x8xf32> to vector<256x1xf32>
    %add3A_37 = arith.constant 1.000000e-10 : f32
    %add3A_38 = vector.broadcast %add3A_37 : f32 to vector<256x1xf32>
    %add3A_39 = arith.addf %slice3A_36, %add3A_38 : vector<256x1xf32>
    %div3A_40 = vector.broadcast %add3A_39 : vector<256x1xf32> to vector<256x128xf32>
    %div3A_41 = arith.divf %squeeze3A_35, %div3A_40 : vector<256x128xf32>
    %get3A_42 = arith.constant 2 : index
    %get3A_43 = arith.constant 0 : index
    %get3A_44 = arith.constant 0 : index
    %get3A_45 = vector.load %arg5[%get3A_42, %get3A_43, %get3A_44] : memref<8x128x128xf32, #tpu.memory_space<vmem>>, vector<1x128x128xf32>
    %get3A_46 = vector.shape_cast %get3A_45 : vector<1x128x128xf32> to vector<128x128xf32>
    %dot_general3A_47 = arith.constant dense<0.000000e+00> : vector<256x128xf32>
    %dot_general3A_48 = tpu.matmul %div3A_41, %get3A_46, %dot_general3A_47 {dimension_numbers = #tpu.dot_dimension_numbers<[1], [1], [0], [0], [0, 0, 1, 0], [], []>, transpose_lhs_hint = false} : vector<256x128xf32>, vector<128x128xf32>, vector<256x128xf32> -> vector<256x128xf32>
    %add3A_49 = arith.addf %add3A_33, %dot_general3A_48 : vector<256x128xf32>
    %slice3A_50 = vector.extract_strided_slice %get3A_2 {offsets = [0, 3, 0], sizes = [256, 1, 128], strides = [1, 1, 1]} : vector<256x8x128xf32> to vector<256x1x128xf32>
    %squeeze3A_51 = vector.shape_cast %slice3A_50 : vector<256x1x128xf32> to vector<256x128xf32>
    %slice3A_52 = vector.extract_strided_slice %get3A_5 {offsets = [0, 3], sizes = [256, 1], strides = [1, 1]} : vector<256x8xf32> to vector<256x1xf32>
    %add3A_53 = arith.constant 1.000000e-10 : f32
    %add3A_54 = vector.broadcast %add3A_53 : f32 to vector<256x1xf32>
    %add3A_55 = arith.addf %slice3A_52, %add3A_54 : vector<256x1xf32>
    %div3A_56 = vector.broadcast %add3A_55 : vector<256x1xf32> to vector<256x128xf32>
    %div3A_57 = arith.divf %squeeze3A_51, %div3A_56 : vector<256x128xf32>
    %get3A_58 = arith.constant 3 : index
    %get3A_59 = arith.constant 0 : index
    %get3A_60 = arith.constant 0 : index
    %get3A_61 = vector.load %arg5[%get3A_58, %get3A_59, %get3A_60] : memref<8x128x128xf32, #tpu.memory_space<vmem>>, vector<1x128x128xf32>
    %get3A_62 = vector.shape_cast %get3A_61 : vector<1x128x128xf32> to vector<128x128xf32>
    %dot_general3A_63 = arith.constant dense<0.000000e+00> : vector<256x128xf32>
    %dot_general3A_64 = tpu.matmul %div3A_57, %get3A_62, %dot_general3A_63 {dimension_numbers = #tpu.dot_dimension_numbers<[1], [1], [0], [0], [0, 0, 1, 0], [], []>, transpose_lhs_hint = false} : vector<256x128xf32>, vector<128x128xf32>, vector<256x128xf32> -> vector<256x128xf32>
    %add3A_65 = arith.addf %add3A_49, %dot_general3A_64 : vector<256x128xf32>
    %slice3A_66 = vector.extract_strided_slice %get3A_2 {offsets = [0, 4, 0], sizes = [256, 1, 128], strides = [1, 1, 1]} : vector<256x8x128xf32> to vector<256x1x128xf32>
    %squeeze3A_67 = vector.shape_cast %slice3A_66 : vector<256x1x128xf32> to vector<256x128xf32>
    %slice3A_68 = vector.extract_strided_slice %get3A_5 {offsets = [0, 4], sizes = [256, 1], strides = [1, 1]} : vector<256x8xf32> to vector<256x1xf32>
    %add3A_69 = arith.constant 1.000000e-10 : f32
    %add3A_70 = vector.broadcast %add3A_69 : f32 to vector<256x1xf32>
    %add3A_71 = arith.addf %slice3A_68, %add3A_70 : vector<256x1xf32>
    %div3A_72 = vector.broadcast %add3A_71 : vector<256x1xf32> to vector<256x128xf32>
    %div3A_73 = arith.divf %squeeze3A_67, %div3A_72 : vector<256x128xf32>
    %get3A_74 = arith.constant 4 : index
    %get3A_75 = arith.constant 0 : index
    %get3A_76 = arith.constant 0 : index
    %get3A_77 = vector.load %arg5[%get3A_74, %get3A_75, %get3A_76] : memref<8x128x128xf32, #tpu.memory_space<vmem>>, vector<1x128x128xf32>
    %get3A_78 = vector.shape_cast %get3A_77 : vector<1x128x128xf32> to vector<128x128xf32>
    %dot_general3A_79 = arith.constant dense<0.000000e+00> : vector<256x128xf32>
    %dot_general3A_80 = tpu.matmul %div3A_73, %get3A_78, %dot_general3A_79 {dimension_numbers = #tpu.dot_dimension_numbers<[1], [1], [0], [0], [0, 0, 1, 0], [], []>, transpose_lhs_hint = false} : vector<256x128xf32>, vector<128x128xf32>, vector<256x128xf32> -> vector<256x128xf32>
    %add3A_81 = arith.addf %add3A_65, %dot_general3A_80 : vector<256x128xf32>
    %slice3A_82 = vector.extract_strided_slice %get3A_2 {offsets = [0, 5, 0], sizes = [256, 1, 128], strides = [1, 1, 1]} : vector<256x8x128xf32> to vector<256x1x128xf32>
    %squeeze3A_83 = vector.shape_cast %slice3A_82 : vector<256x1x128xf32> to vector<256x128xf32>
    %slice3A_84 = vector.extract_strided_slice %get3A_5 {offsets = [0, 5], sizes = [256, 1], strides = [1, 1]} : vector<256x8xf32> to vector<256x1xf32>
    %add3A_85 = arith.constant 1.000000e-10 : f32
    %add3A_86 = vector.broadcast %add3A_85 : f32 to vector<256x1xf32>
    %add3A_87 = arith.addf %slice3A_84, %add3A_86 : vector<256x1xf32>
    %div3A_88 = vector.broadcast %add3A_87 : vector<256x1xf32> to vector<256x128xf32>
    %div3A_89 = arith.divf %squeeze3A_83, %div3A_88 : vector<256x128xf32>
    %get3A_90 = arith.constant 5 : index
    %get3A_91 = arith.constant 0 : index
    %get3A_92 = arith.constant 0 : index
    %get3A_93 = vector.load %arg5[%get3A_90, %get3A_91, %get3A_92] : memref<8x128x128xf32, #tpu.memory_space<vmem>>, vector<1x128x128xf32>
    %get3A_94 = vector.shape_cast %get3A_93 : vector<1x128x128xf32> to vector<128x128xf32>
    %dot_general3A_95 = arith.constant dense<0.000000e+00> : vector<256x128xf32>
    %dot_general3A_96 = tpu.matmul %div3A_89, %get3A_94, %dot_general3A_95 {dimension_numbers = #tpu.dot_dimension_numbers<[1], [1], [0], [0], [0, 0, 1, 0], [], []>, transpose_lhs_hint = false} : vector<256x128xf32>, vector<128x128xf32>, vector<256x128xf32> -> vector<256x128xf32>
    %add3A_97 = arith.addf %add3A_81, %dot_general3A_96 : vector<256x128xf32>
    %slice3A_98 = vector.extract_strided_slice %get3A_2 {offsets = [0, 6, 0], sizes = [256, 1, 128], strides = [1, 1, 1]} : vector<256x8x128xf32> to vector<256x1x128xf32>
    %squeeze3A_99 = vector.shape_cast %slice3A_98 : vector<256x1x128xf32> to vector<256x128xf32>
    %slice3A_100 = vector.extract_strided_slice %get3A_5 {offsets = [0, 6], sizes = [256, 1], strides = [1, 1]} : vector<256x8xf32> to vector<256x1xf32>
    %add3A_101 = arith.constant 1.000000e-10 : f32
    %add3A_102 = vector.broadcast %add3A_101 : f32 to vector<256x1xf32>
    %add3A_103 = arith.addf %slice3A_100, %add3A_102 : vector<256x1xf32>
    %div3A_104 = vector.broadcast %add3A_103 : vector<256x1xf32> to vector<256x128xf32>
    %div3A_105 = arith.divf %squeeze3A_99, %div3A_104 : vector<256x128xf32>
    %get3A_106 = arith.constant 6 : index
    %get3A_107 = arith.constant 0 : index
    %get3A_108 = arith.constant 0 : index
    %get3A_109 = vector.load %arg5[%get3A_106, %get3A_107, %get3A_108] : memref<8x128x128xf32, #tpu.memory_space<vmem>>, vector<1x128x128xf32>
    %get3A_110 = vector.shape_cast %get3A_109 : vector<1x128x128xf32> to vector<128x128xf32>
    %dot_general3A_111 = arith.constant dense<0.000000e+00> : vector<256x128xf32>
    %dot_general3A_112 = tpu.matmul %div3A_105, %get3A_110, %dot_general3A_111 {dimension_numbers = #tpu.dot_dimension_numbers<[1], [1], [0], [0], [0, 0, 1, 0], [], []>, transpose_lhs_hint = false} : vector<256x128xf32>, vector<128x128xf32>, vector<256x128xf32> -> vector<256x128xf32>
    %add3A_113 = arith.addf %add3A_97, %dot_general3A_112 : vector<256x128xf32>
    %slice3A_114 = vector.extract_strided_slice %get3A_2 {offsets = [0, 7, 0], sizes = [256, 1, 128], strides = [1, 1, 1]} : vector<256x8x128xf32> to vector<256x1x128xf32>
    %squeeze3A_115 = vector.shape_cast %slice3A_114 : vector<256x1x128xf32> to vector<256x128xf32>
    %slice3A_116 = vector.extract_strided_slice %get3A_5 {offsets = [0, 7], sizes = [256, 1], strides = [1, 1]} : vector<256x8xf32> to vector<256x1xf32>
    %add3A_117 = arith.constant 1.000000e-10 : f32
    %add3A_118 = vector.broadcast %add3A_117 : f32 to vector<256x1xf32>
    %add3A_119 = arith.addf %slice3A_116, %add3A_118 : vector<256x1xf32>
    %div3A_120 = vector.broadcast %add3A_119 : vector<256x1xf32> to vector<256x128xf32>
    %div3A_121 = arith.divf %squeeze3A_115, %div3A_120 : vector<256x128xf32>
    %get3A_122 = arith.constant 7 : index
    %get3A_123 = arith.constant 0 : index
    %get3A_124 = arith.constant 0 : index
    %get3A_125 = vector.load %arg5[%get3A_122, %get3A_123, %get3A_124] : memref<8x128x128xf32, #tpu.memory_space<vmem>>, vector<1x128x128xf32>
    %get3A_126 = vector.shape_cast %get3A_125 : vector<1x128x128xf32> to vector<128x128xf32>
    %dot_general3A_127 = arith.constant dense<0.000000e+00> : vector<256x128xf32>
    %dot_general3A_128 = tpu.matmul %div3A_121, %get3A_126, %dot_general3A_127 {dimension_numbers = #tpu.dot_dimension_numbers<[1], [1], [0], [0], [0, 0, 1, 0], [], []>, transpose_lhs_hint = false} : vector<256x128xf32>, vector<128x128xf32>, vector<256x128xf32> -> vector<256x128xf32>
    %add3A_129 = arith.addf %add3A_113, %dot_general3A_128 : vector<256x128xf32>
    %get3A_130 = arith.constant 0 : index
    %get3A_131 = arith.constant 0 : index
    %get3A_132 = vector.load %arg3[%get3A_130, %get3A_131] : memref<256x128xf32, #tpu.memory_space<vmem>>, vector<256x128xf32>
    %get3A_133 = arith.constant 0 : index
    %get3A_134 = arith.constant 0 : index
    %get3A_135 = vector.load %arg4[%get3A_133, %get3A_134] : memref<128x128xf32, #tpu.memory_space<vmem>>, vector<128x128xf32>
    %dot_general3A_136 = arith.constant dense<0.000000e+00> : vector<256x128xf32>
    %dot_general3A_137 = tpu.matmul %get3A_132, %get3A_135, %dot_general3A_136 {dimension_numbers = #tpu.dot_dimension_numbers<[1], [1], [0], [0], [0, 0, 1, 0], [], []>, transpose_lhs_hint = false} : vector<256x128xf32>, vector<128x128xf32>, vector<256x128xf32> -> vector<256x128xf32>
    %add3A_138 = arith.addf %dot_general3A_137, %add3A_129 : vector<256x128xf32>
    %max3A = arith.constant 0.000000e+00 : f32
    %max3A_139 = vector.broadcast %max3A : f32 to vector<256x128xf32>
    %max3A_140 = arith.maximumf %add3A_138, %max3A_139 : vector<256x128xf32>
    %swap3A = arith.constant 0 : index
    %swap3A_141 = arith.constant 0 : index
    %swap3A_142 = vector.load %arg6[%swap3A, %swap3A_141] : memref<256x128xf32, #tpu.memory_space<vmem>>, vector<256x128xf32>
    tpu.vector_store %arg6[%swap3A, %swap3A_141], %max3A_140 {strides = array<i32>} : memref<256x128xf32, #tpu.memory_space<vmem>>, vector<256x128xf32>,
    return
  }
  func.func @transform_0(%arg0: i32) -> (i32, i32, i32) {
    %c0_i32 = arith.constant 0 : i32
    %c0_i32_0 = arith.constant 0 : i32
    %c0_i32_1 = arith.constant 0 : i32
    return %arg0, %c0_i32, %c0_i32_0 : i32, i32, i32
  }
  func.func @transform_1(%arg0: i32) -> (i32, i32) {
    %c0_i32 = arith.constant 0 : i32
    %c0_i32_0 = arith.constant 0 : i32
    return %arg0, %c0_i32 : i32, i32
  }
  func.func @transform_2(%arg0: i32) -> (i32, i32) {
    %c0_i32 = arith.constant 0 : i32
    %c0_i32_0 = arith.constant 0 : i32
    return %arg0, %c0_i32 : i32, i32
  }
  func.func @transform_3(%arg0: i32) -> (i32, i32) {
    %c0_i32 = arith.constant 0 : i32
    %c0_i32_0 = arith.constant 0 : i32
    %c0_i32_1 = arith.constant 0 : i32
    return %c0_i32, %c0_i32_0 : i32, i32
  }
  func.func @transform_4(%arg0: i32) -> (i32, i32, i32) {
    %c0_i32 = arith.constant 0 : i32
    %c0_i32_0 = arith.constant 0 : i32
    %c0_i32_1 = arith.constant 0 : i32
    %c0_i32_2 = arith.constant 0 : i32
    return %c0_i32, %c0_i32_0, %c0_i32_1 : i32, i32, i32
  }
  func.func @transform_5(%arg0: i32) -> (i32, i32) {
    %c0_i32 = arith.constant 0 : i32
    %c0_i32_0 = arith.constant 0 : i32
    return %arg0, %c0_i32 : i32, i32
  }
}

</mosaic_0001>

<sc_bundles>
// kernel: kernel.4.cloned.1.call-start
scs
__scs_entry_jumppad:
0x0: {  	(pc) =	sbr.rel $0x88, $3  }
0x1: {  	(tag) =	ssettag $0x0;
	lr =	simm.s32 $0x1  }
0x2: {  	[smem:$0x3F9B] =	sst lr;
	_ =	strace $0xD0000000  }
0x3: {  	_ = 	snop  }
0x4: {  	_ = 	snop  }
0x5: {  	_ = 	snop  }
0x6: {  	_ = 	snop  }
0x7: {  	_ = 	snop  }
__scs_overlays_trampoline_lowered:
0x8: {  	[smem:$0x3FAA] =	sst s0  }
0x9: {  	[smem:$0x3FAB] =	sst s1  }
0xa: {  	[smem:$0x3FAC] =	sst s2  }
0xb: {  	[smem:$0x3FAD] =	sst s3  }
0xc: {  	[smem:$0x3FAE] =	sst s4  }
0xd: {  	[smem:$0x3FAF] =	sst s5  }
0xe: {  	[smem:$0x3FB0] =	sst s6  }
0xf: {  	[smem:$0x3FB1] =	sst s7  }
0x10: {  	[smem:$0x3FB2] =	sst s8  }
0x11: {  	[smem:$0x3FB3] =	sst s9;
	s0 =	simm.s32 @!p0 $0x0  }
0x12: {  	s1 =	sld [smem:$0x3F99];
	s0 =	simm.s32 @p0 $0x1  }
0x13: {  	[smem:$0x3FB4] =	sst s0;
	s0 =	simm.s32 @!p1 $0x0  }
0x14: {  	s2 =	sld [smem:$0x3F98];
	s0 =	simm.s32 @p1 $0x1  }
0x15: {  	[smem:$0x3FB5] =	sst s0;
	s0 =	simm.s32 @!p2 $0x0  }
0x16: {  	s3 =	sld [smem:$0x3FDB];
	s0 =	simm.s32 @p2 $0x1  }
0x17: {  	s4 =	simm.s32 $0x1BF5;
	[smem:$0x3FB7] =	sst s0  }
0x18: {  	s0 =	sld [smem:$0x3F9A];
	_ =	swait.ge [sflag:s4], $0x0  }
0x19: {  	s7 =	sld [smem:$0x3F9B]  }
0x1a: {  	s8 =	sadd.s32 $0xFFFFE003, lr  }
0x1b: {  	s9 =	sadd.s32 $0xFFFFFEF7, lr;
	s5 =	simm.s32 $0xFFFFFFFF;
	p2 =	slt.u32 s8, $0xFFFFF086  }
0x1c: {  	p1 =	slt.u32 s9, $0xF7A;
	s5 =	simm.s32 @!p2 $0x0  }
0x1d: {  	s5 =	simm.s32 @p1 $0x1;
	p0 =	seq.s32 s7, s2  }
0x1e: {  	s7 =	smul.u32 @!p0 $0xF7A, s2;
	p2 =	seq.s32 @!p0 s5, $0x0  }
0x1f: {  	s9 =	smul.u32 $0xF7A, s1;
	s8 =	simm.s32 @!p0 $0x1BF5;
	p2 =	por !p2, p0  }
0x20: {  	[sflag:s8] =	ssyncset.s32 @!p0 $0xFFFFF086;
	s6 =	sadd.s32 @!p0 s3, s7;
	s7 =	simm.s32 @!p0 $0x108  }
0x21: {  	s3 =	sadd.s32 s3, s9;
	s6 =	sadd.s32 @!p0 $0x88, s6;
	s7 =	simm.s32 @p2 $0x1082  }
0x22: {  	[simem:s7], [sflag:s8] =	dma.local @!p0 [hbm:s6], $0xF7A  }
0x23: {  	s9 =	sor.u32 $0xD0000000, s2;
	s6 =	simm.s32 $0x108;
	_ =	swait.ge @!p0 [sflag:s8], $0x0  }
0x24: {  	s3 =	sadd.s32 $0x88, s3;
	s6 =	simm.s32 @!p1 $0x1082;
	[sflag:s4] =	ssyncset.s32 $0xFFFFF086  }
0x25: {  	[simem:s6], [sflag:s4] =	dma.local [hbm:s3], $0xF7A  }
0x26: {  	[smem:$0x3F9B] =	sst s1;
	(tag) =	ssettag s2;
	_ =	strace s9  }
0x27: {  	s1 =	sld [smem:$0x3FAB]  }
0x28: {  	s2 =	sld [smem:$0x3FAC]  }
0x29: {  	s4 =	sld [smem:$0x3FAE]  }
0x2a: {  	p0 =	seq.s32 s5, $0x0;
	s5 =	sld [smem:$0x3FAF]  }
0x2b: {  	s6 =	sld [smem:$0x3FB0]  }
0x2c: {  	s7 =	sld [smem:$0x3FB1]  }
0x2d: {  	s3 =	simm.s32 $0x108;
	s8 =	sld [smem:$0x3FB2]  }
0x2e: {  	s3 =	simm.s32 @!p0 $0x1082;
	s9 =	sld [smem:$0x3FB3]  }
0x2f: {  	lr =	sadd.s32 s0, s3;
	s0 =	sld [smem:$0x3FAA]  }
0x30: {  	s3 =	sld [smem:$0x3FAD]  }
0x31: {  	[smem:$0x3FB6] =	sst s10  }
0x32: {  	s10 =	sld [smem:$0x3FB4];
	_ =	sdelay $0x3  }
0x33: {  	p0 =	seq.s32 s10, $0x1;
	s10 =	sld [smem:$0x3FB6];
	_ =	sdelay $0x3  }
0x34: {  	[smem:$0x3FB6] =	sst s10  }
0x35: {  	s10 =	sld [smem:$0x3FB5];
	_ =	sdelay $0x3  }
0x36: {  	p1 =	seq.s32 s10, $0x1;
	s10 =	sld [smem:$0x3FB6];
	_ =	sdelay $0x3  }
0x37: {  	[smem:$0x3FB6] =	sst s10  }
0x38: {  	s10 =	sld [smem:$0x3FB7]  }
0x39: {  	_ = 	snop;
	(pc) =	sbr.ind lr, $3  }
0x3a: {  	_ = 	snop  }
0x3b: {  	_ = 	snop  }
0x3c: {  	p2 =	seq.s32 s10, $0x1;
	s10 =	sld [smem:$0x3FB6]  }
0x3d: {  	_ =	shalt  }
0x3e: {  	_ =	shalt  }
0x3f: {  	_ =	shalt  }
0x40: {  	_ =	shalt  }
0x41: {  	_ =	shalt  }
0x42: {  	_ =	shalt  }
0x43: {  	_ =	shalt  }
0x44: {  	_ =	shalt  }
0x45: {  	_ =	shalt  }
0x46: {  	_ =	shalt  }
0x47: {  	_ =	shalt  }
0x48: {  	_ =	shalt  }
0x49: {  	_ =	shalt  }
0x4a: {  	_ =	shalt  }
0x4b: {  	_ =	shalt  }
0x4c: {  	_ =	shalt  }
0x4d: {  	_ =	shalt  }
0x4e: {  	_ =	shalt  }
0x4f: {  	_ =	shalt  }
0x50: {  	_ =	shalt  }
0x51: {  	_ =	shalt  }
0x52: {  	_ =	shalt  }
0x53: {  	_ =	shalt  }
0x54: {  	_ =	shalt  }
0x55: {  	_ =	shalt  }
0x56: {  	_ =	shalt  }
0x57: {  	_ =	shalt  }
0x58: {  	_ =	shalt  }
0x59: {  	_ =	shalt  }
0x5a: {  	_ =	shalt  }
0x5b: {  	_ =	shalt  }
0x5c: {  	_ =	shalt  }
0x5d: {  	_ =	shalt  }
0x5e: {  	_ =	shalt  }
0x5f: {  	_ =	shalt  }
0x60: {  	_ =	shalt  }
0x61: {  	_ =	shalt  }
0x62: {  	_ =	shalt  }
0x63: {  	_ =	shalt  }
0x64: {  	_ =	shalt  }
0x65: {  	_ =	shalt  }
0x66: {  	_ =	shalt  }
0x67: {  	_ =	shalt  }
0x68: {  	_ =	shalt  }
0x69: {  	_ =	shalt  }
0x6a: {  	_ =	shalt  }
0x6b: {  	_ =	shalt  }
0x6c: {  	_ =	shalt  }
0x6d: {  	_ =	shalt  }
0x6e: {  	_ =	shalt  }
0x6f: {  	_ =	shalt  }
0x70: {  	_ =	shalt  }
0x71: {  	_ =	shalt  }
0x72: {  	_ =	shalt  }
0x73: {  	_ =	shalt  }
0x74: {  	_ =	shalt  }
0x75: {  	_ =	shalt  }
0x76: {  	_ =	shalt  }
0x77: {  	_ =	shalt  }
0x78: {  	_ =	shalt  }
0x79: {  	_ =	shalt  }
0x7a: {  	_ =	shalt  }
0x7b: {  	_ =	shalt  }
0x7c: {  	_ =	shalt  }
0x7d: {  	_ =	shalt  }
0x7e: {  	_ =	shalt  }
0x7f: {  	_ =	shalt  }
0x80: {  	_ =	shalt  }
0x81: {  	_ =	shalt  }
0x82: {  	_ =	shalt  }
0x83: {  	_ =	shalt  }
0x84: {  	_ =	shalt  }
0x85: {  	_ =	shalt  }
0x86: {  	_ =	shalt  }
0x87: {  	_ =	shalt  }
.Lfunc_end0:
.L_simem_size_0:
called_computation_lowered:
.L_overlay_start_0:
0x88: {  	s2 =	sld [smem:$0x3FD9]  }
0x89: {  	s3 =	sld [smem:$0x3FFE];
	_ =	sdelay $0x1  }
0x8a: {  	s1 =	srdreg.scid  }
0x8b: {  	s0 =	sand.u32 $0x1, s1  }
0x8c: {  	s17 =	sshll.u32 s0, $0xA;
	s2 =	sadd.s32 s3, s2  }
0x8d: {  	s2 =	sadd.s32 s2, s17  }
0x8e: {  	[smem:$0x3FC2] =	sst s2  }
0x8f: {  	_ = 	snop  }
0x90: {  	s2 =	sld [smem:$0x3FC8]  }
0x91: {  	s18 =	sld [smem:$0x3FD0];
	(tm) =	ssettm $0x1  }
0x92: {  	s4 =	sld [smem:$0x3FFB];
	_ =	sdelay $0x3  }
0x93: {  	_ =	strace s4  }
0x94: {  	s4 =	sld [smem:$0x3FFC];
	_ =	sdelay $0x3  }
0x95: {  	_ =	strace s4  }
0x96: {  	s4 =	sld [smem:$0x3FFD];
	_ =	sdelay $0x3  }
0x97: {  	_ =	strace s4  }
0x98: {  	_ =	strace $0x8FFFFFFF  }
0x99: {  	s19 =	sld [smem:$0x3FDB];
	_ =	sdelay $0x1  }
0x9a: {  	s5 =	simm.s32 $_scs_section_size  }
0x9b: {  	s6 =	simm.s32 $_size__tile_overlayer_lowered;
	s7 =	simm.s32 $_tile_overlayer_lowered  }
0x9c: {  	s22 =	simm.s32 $0x1BFF;
	s21 =	sshll.u32 s7, $0x1;
	s4 =	sadd.s32 s5, s19  }
0x9d: {  	s8 =	simm.s32 $0x0;
	s20 =	sshll.u32 s6, $0x1;
	s6 =	sadd.s32 s21, s4  }
0x9e: {  	[timem:s8], [sflag:s22] =	dma.local [hbm:s6], s20  }
0x9f: {  	_ =	swait.ge [sflag:s22], s20  }
0xa0: {  	s5 =	ssub.s32 $0x0, s20;
	[sflag:s22] =	ssyncset.done $0x0  }
0xa1: {  	[sflag:s22] =	ssyncadd.s32 s5;
	_ =	sdelay $0x1  }
0xa2: {  	s23 =	simm.s32 $0x1B8B  }
0xa3: {  	_ =	swait.ge [sflag:s23], $0x1  }
0xa4: {  	[sflag:s23] =	ssyncset.done $0x0  }
0xa5: {  	s25 =	simm.s32 $0x1B8E;
	s24 =	sld [smem:$0x3FFE];
	[sflag:s23] =	ssyncadd.s32 $0xFFFFFFFF  }
0xa6: {  	s26 =	simm.s32 $execute0_lowered;
	[smem:$0x3FD2] =	sst s25  }
0xa7: {  	s6 =	sshll.u32 s26, $0x1;
	_ =	strace $0x80000046;
	[dreg:$0x1] =	wrdreg $0xFFFFFFFF  }
0xa8: {  	s28 =	simm.s32 $_size_execute0_lowered;
	s4 =	sadd.s32 s4, s6;
	[dreg:$0x0] =	wrdreg $0x0  }
0xa9: {  	s6 =	sshll.u32 s28, $0x1;
	[dreg:$0x2] =	wrdreg s4  }
0xaa: {  	[dreg:$0x3] =	wrdreg s6  }
0xab: {  	[dreg:$0x4] =	wrdreg $0xC0  }
0xac: {  	_ =	task [dreg:s8], $0x5FFFF  }
0xad: {  	[dreg:$0x1] =	wrdreg $0xFFFFFFFF  }
0xae: {  	[dreg:$0x0] =	wrdreg $0x60  }
0xaf: {  	[dreg:$0x2] =	wrdreg s24  }
0xb0: {  	[dreg:$0x3] =	wrdreg s2  }
0xb1: {  	[dreg:$0x4] =	wrdreg s18  }
0xb2: {  	[dreg:$0x5] =	wrdreg $0x7D000  }
0xb3: {  	[dreg:$0x6] =	wrdreg $0xFD800  }
0xb4: {  	[dreg:$0x7] =	wrdreg $0x9  }
0xb5: {  	_ =	task.clear_ibuf [dreg:s8], $0x8FFFF;
	_ =	strace $0x90000046  }
0xb6: {  	s29 =	simm.s32 $0x9;
	_ =	strace $0x80000048  }
0xb7: {  	_ =	swait.ge [sflag:s29], $0x1  }
0xb8: {  	[sflag:s29] =	ssyncadd.s32 $0xFFFFFFFF  }
0xb9: {  	_ =	strace $0x90000048  }
0xba: {  	_ =	sfence  }
0xbb: {  	s30 =	sld [smem:$0x0];
	_ =	sdelay $0x2  }
0xbc: {  	s31 =	sshll.u32 s1, $0xD;
	s1 =	sshrl.u32 s1, $0x2  }
0xbd: {  	s3 =	sand.u32 $0x4000, s31;
	s1 =	sadd.s32 s1, s30  }
0xbe: {  	s0 =	sor.u32 s3, s0;
	s1 =	sshll.u32 s1, $0x11  }
0xbf: {  	s0 =	sor.u32 s1, s0  }
0xc0: {  	s0 =	sadd.s32 $0x8F2B, s0  }
0xc1: {  	[sflag:s0] =	ssyncadd.remote.s32 $0x1  }
0xc2: {  	_ =	sfence.sel $0xFFFF  }
0xc3: {  	[dreg:$0x0] =	wrdreg $0xFFFFFFFF;
	(pc) =	sbr.abs _section_cstart, $3  }
0xc4: {  	[dreg:$0x1] =	wrdreg $0xFFFFFFFF  }
0xc5: {  	_ =	task.clear_ibuf [dreg:s8], $0x2FFFF;
	_ =	strace $0x9FFFFFFF  }
0xc6: {  	(tm) =	ssettm $0x7FFFFFFF  }
0xc7: {  	_ =	shalt  }
tec
execute0_lowered:
.L_overlay_start_1:
0x0: {  	(tag) =	ssettag $0x1  }
0x1: {  	s2 =	rddreg [dreg:$0x0]  }
0x2: {  	s1 =	simm.s32 $0x0;
	s0 =	srdreg.scid;
	s10 =	stileid.u32  }
0x3: {  	s28 =	simm.s32 $0x5980;
	s29 =	simm.s32 $0x4;
	s30 =	simm.s32 $0x5A00  }
0x4: {  	s31 =	simm.s32 $0x2;
	[smem:$0x7FF] =	sst s1;
	s6 =	smul.u32 $0x4E20, s10  }
0x5: {  	s3 =	sadd.s32 $0xA00, s2;
	s0 =	sand.u32 $0x1, s0;
	s5 =	sadd.s32 $0xAA00, s2  }
0x6: {  	s8 =	sshll.u32 s10, $0x5;
	s4 =	ssub.s32 $0x2, s0;
	s6 =	sshrl.u32 s6, $0x3  }
0x7: {  	s7 =	sshll.u32 s0, $0x9;
	s18 =	sadd.s32 s3, s6;
	s19 =	sadd.s32 $0xFA, s6  }
0x8: {  	s7 =	sor.u32 s8, s7;
	[dreg:$0x6] =	wrdreg s18;
	s11 =	sadd.s32 s3, s19  }
0x9: {  	s20 =	sadd.s32 $0x1F4, s6;
	s8 =	sadd.s32 s5, s19;
	[dreg:$0x7] =	wrdreg s11  }
0xa: {  	s9 =	sshrl.u32 s4, $0x1;
	s21 =	sadd.s32 s3, s20;
	[dreg:$0x8] =	wrdreg s8  }
0xb: {  	s23 =	sadd.s32 $0x2EE, s6;
	s22 =	sadd.s32 s5, s20;
	[dreg:$0x9] =	wrdreg s21  }
0xc: {  	s24 =	sadd.s32 $0x3E8, s6;
	s25 =	sadd.s32 s3, s23;
	[dreg:$0xa] =	wrdreg s22  }
0xd: {  	s12 =	sadd.s32 $0x4E2, s6;
	s26 =	sadd.s32 s3, s24;
	[dreg:$0xb] =	wrdreg s25  }
0xe: {  	s13 =	sadd.s32 $0x5DC, s6;
	s14 =	sadd.s32 s3, s12;
	[dreg:$0xd] =	wrdreg s26  }
0xf: {  	s4 =	ssub.s32 s4, s9;
	s15 =	sadd.s32 s3, s13;
	[dreg:$0xf] =	wrdreg s14  }
0x10: {  	s17 =	sadd.s32 $0x6D6, s6;
	s16 =	sadd.s32 s5, s13;
	[dreg:$0x11] =	wrdreg s15  }
0x11: {  	s9 =	smul.u32 $0x20200, s10;
	s19 =	sadd.s32 s3, s17;
	[dreg:$0x12] =	wrdreg s16  }
0x12: {  	s18 =	sadd.s32 $0x7D0, s6;
	s13 =	sadd.s32 $0x14800, s2;
	[dreg:$0x13] =	wrdreg s19  }
0x13: {  	s8 =	sadd.s32 s5, s23;
	s11 =	sadd.s32 s5, s24;
	s24 =	rddreg [dreg:$0x2]  }
0x14: {  	s4 =	smax.u32 s4, $0x1;
	s20 =	sadd.s32 s3, s18;
	[dreg:$0xc] =	wrdreg s8  }
0x15: {  	s21 =	sadd.s32 s5, s18;
	s22 =	sadd.s32 s5, s6;
	[dreg:$0xe] =	wrdreg s11  }
0x16: {  	s6 =	sadd.s32 $0x8CA, s6;
	s23 =	sshll.u32 s10, $0xC;
	[dreg:$0x15] =	wrdreg s20  }
0x17: {  	s25 =	sshll.u32 s0, $0x10;
	s26 =	sshll.u32 s7, $0x4;
	[dreg:$0x16] =	wrdreg s21  }
0x18: {  	s14 =	sadd.s32 $0x15400, s2;
	s15 =	sadd.s32 $0x14E00, s2;
	[dreg:$0x17] =	wrdreg s22  }
0x19: {  	s19 =	sshll.u32 s10, $0xF;
	s8 =	sadd.s32 s5, s12;
	s21 =	rddreg [dreg:$0x1]  }
0x1a: {  	s3 =	sadd.s32 s3, s6;
	s11 =	sshll.u32 s0, $0x4;
	[dreg:$0x10] =	wrdreg s8  }
0x1b: {  	s12 =	smul.u32 $0x420, s10;
	s20 =	sshll.u32 s10, $0x8;
	[dreg:$0x18] =	wrdreg s3  }
0x1c: {  	s8 =	sadd.s32 s5, s17;
	s3 =	sadd.s32 s23, s2;
	s23 =	rddreg [dreg:$0x3]  }
0x1d: {  	v0 =	vmov s0;
	s0 =	simm.s32 $0x0;
	s5 =	sadd.s32 s5, s6;
	[dreg:$0x14] =	wrdreg s8  }
0x1e: {  	s6 =	sshrl.u32 s9, $0x2;
	[dreg:$0x19] =	wrdreg s5;
	s3 =	sadd.s32 s25, s3  }
0x1f: {  	s5 =	sadd.s32 s24, s26;
	s26 =	rddreg [dreg:$0x4];
	s8 =	sshrl.u32 s7, $0x3  }
0x20: {  	s7 =	sadd.s32 s11, s2;
	s24 =	sadd.s32 s6, s23;
	s16 =	sshrl.u32 s12, $0x2  }
0x21: {  	s6 =	sadd.s32 s19, s23;
	s19 =	simm.s32 $0x3;
	[dreg:$0x1a] =	wrdreg s5  }
0x22: {  	s5 =	sadd.s32 s8, s2;
	s2 =	sadd.s32 $0x15200, s2;
	s17 =	sadd.s32 $0x15A00, s3  }
0x23: {  	s3 =	sshll.u32 s10, $0x6;
	_ =	strace $0x80000047;
	[dreg:$0x1b] =	wrdreg s13  }
0x24: {  	s22 =	sadd.s32 s20, s26;
	s25 =	sshrl.u32 s6, $0x3;
	[dreg:$0x1c] =	wrdreg s14  }
0x25: {  	s9 =	sadd.s32 $0x2000, s24;
	s10 =	sadd.s32 $0x4000, s24;
	[dreg:$0x1d] =	wrdreg s15  }
0x26: {  	s11 =	sadd.s32 $0x6000, s24;
	s12 =	sadd.s32 $0x8000, s24;
	[dreg:$0x1e] =	wrdreg s2  }
0x27: {  	s20 =	simm.s32 $0x3780;
	s2 =	sadd.s32 s16, s26;
	[smem:$0x7F9] =	sst s17  }
0x28: {  	s18 =	sadd.s32 s3, s7;
	s5 =	sadd.s32 $0xA800, s5;
	[smem:$0x7FC] =	sst s4  }
.Ltmp0:
0x29: {  	[smem:$0x7FD] =	sst s25;
	s8 =	sshrl.u32 s22, $0x3;
	(pc) =	sbr.rel .LBB2_1-.Ltmp0, $4  }
0x2a: {  	s13 =	simm.s32 $0x2780;
	s14 =	simm.s32 $0x2F80;
	s15 =	simm.s32 $0x7A80  }
0x2b: {  	s16 =	simm.s32 $0x5;
	s17 =	simm.s32 $0x5A80;
	[dreg:$0x1f] =	wrdreg s2  }
0x2c: {  	s22 =	simm.s32 $0x3F80;
	s2 =	sadd.s32 $0x15600, s18;
	[smem:$0x7FB] =	sst s5  }
0x2d: {  	v1 =	vimm.s32 $0x0;
	v2 =	vimm.s32 $0x1000;
	s25 =	simm.s32 $0x40;
	s18 =	simm.s32 $0x1;
	[smem:$0x7FA] =	sst s2  }
.LBB2_60:
0x2e: {  	[sflag:s16] =	ssyncadd.s32 $0xFFFFFFC0  }
.LBB2_61:
0x2f: {  	s4 =	sshll.u32 s4, $0x6  }
0x30: {  	v3 =	vld [tilespmem:s4+$0x4780]  }
0x31: {  	v4 =	vld [tilespmem:s4+$0x5080];
	_ =	sdelay $0x3  }
0x32: {  	[tilespmem:$0x4780] =	vst v3  }
0x33: {  	[tilespmem:$0x5080] =	vst v4  }
0x34: {  	v3 =	vld [tilespmem:s4+$0x4790]  }
0x35: {  	v4 =	vld [tilespmem:s4+$0x5090];
	_ =	sdelay $0x3  }
0x36: {  	[tilespmem:$0x4790] =	vst v3  }
0x37: {  	[tilespmem:$0x5090] =	vst v4  }
0x38: {  	v3 =	vld [tilespmem:s4+$0x47A0]  }
0x39: {  	v4 =	vld [tilespmem:s4+$0x50A0];
	_ =	sdelay $0x3  }
0x3a: {  	[tilespmem:$0x47A0] =	vst v3  }
0x3b: {  	[tilespmem:$0x50A0] =	vst v4  }
0x3c: {  	v3 =	vld [tilespmem:s4+$0x47B0]  }
0x3d: {  	v4 =	vld [tilespmem:s4+$0x50B0];
	_ =	sdelay $0x3  }
0x3e: {  	[tilespmem:$0x47B0] =	vst v3  }
0x3f: {  	s2 =	ssub.s32 s2, s4;
	[tilespmem:$0x50B0] =	vst v4  }
0x40: {  	[tilespmem:s2+$0x5080] =	vst v2  }
0x41: {  	[tilespmem:s2+$0x4780] =	vst v1  }
0x42: {  	[tilespmem:s2+$0x5090] =	vst v2  }
0x43: {  	[tilespmem:s2+$0x4790] =	vst v1  }
0x44: {  	[tilespmem:s2+$0x50A0] =	vst v2  }
0x45: {  	[tilespmem:s2+$0x47A0] =	vst v1  }
0x46: {  	[tilespmem:s2+$0x50B0] =	vst v2  }
0x47: {  	[tilespmem:s2+$0x47B0] =	vst v1  }
0x48: {  	v3 =	vld [tilespmem:$0x4780]  }
0x49: {  	v61 =	vld [tilespmem:$0x5080]  }
0x4a: {  	v5 =	vld [tilespmem:$0x4790]  }
0x4b: {  	v6 =	vld [tilespmem:$0x5090]  }
0x4c: {  	v7 =	vld [tilespmem:$0x47A0]  }
0x4d: {  	v62 =	vld [tilespmem:$0x47B0];
	[tilespmem:$0x5980] =	vst v3  }
0x4e: {  	v63 =	vld [tilespmem:$0x50B0];
	[tilespmem:$0x5A00] =	vst v61  }
0x4f: {  	v3 =	vld [tilespmem:$0x50A0];
	[tilespmem:$0x5990] =	vst v5  }
0x50: {  	[tilespmem:$0x5A10] =	vst v6  }
0x51: {  	[tilespmem:$0x59A0] =	vst v7  }
0x52: {  	[tilespmem:$0x59B0] =	vst v62  }
0x53: {  	[tilespmem:$0x5A30] =	vst v63  }
0x54: {  	[tilespmem:$0x5A20] =	vst v3  }
0x55: {  	[tilespmem:s17], [sflag:$0x4] =	stream.indirect.gather [hbm4b:s21+s25], $0x80, s28, s25, $0xb8;
	[tilespmem:$0xFE88] =	vst v63  }
0x56: {  	_ =	swait.ge [sflag:s29], $0x2000  }
0x57: {  	[sflag:s29] =	ssyncset.done $0x0  }
0x58: {  	[sflag:s29] =	ssyncadd.s32 $0xFFFFE000  }
0x59: {  	[spmem:s23] =	stream.indirect.scatter.add.f32 [tilespmem:s17], [sflag:$0x5], $0x80, s30, s25, $0xb8;
	[tilespmem:$0xFE88] =	vst v63  }
0x5a: {  	_ =	swait.ge [sflag:s16], $0x2000  }
0x5b: {  	[sflag:s16] =	ssyncset.done $0x0  }
0x5c: {  	[sflag:s16] =	ssyncadd.s32 $0xFFFFE000  }
0x5d: {  	[spmem:s26] =	stream.indirect.scatter.add.f32 [tilespmem:s15], [sflag:$0x5], $0x1, s30, s25, $0xb8;
	[tilespmem:$0xFE88] =	vst v63  }
0x5e: {  	_ =	swait.ge [sflag:s16], $0x40  }
0x5f: {  	[sflag:s16] =	ssyncset.done $0x0  }
0x60: {  	[sflag:s16] =	ssyncadd.s32 $0xFFFFFFC0  }
0x61: {  	[bflag:$0x0] =	sbarrier.arrive $0xFFFF  }
0x62: {  	s6 =	sld [smem:$0x7F9]  }
0x63: {  	s5 =	sld [smem:$0x7FD];
	_ =	sdelay $0x1  }
0x64: {  	s2 =	sor.u32 $0x1C05, s3  }
0x65: {  	[hbm:s6], [sflag:s2] =	dma.local [spmem:s5], $0x1000  }
0x66: {  	_ =	swait.ge [sflag:s16], $0x1000  }
0x67: {  	s7 =	sld [smem:$0x7FA]  }
0x68: {  	[sflag:s16] =	ssyncset.done $0x0  }
0x69: {  	s5 =	simm.s32 $0x20;
	s6 =	simm.s32 $0x10;
	[sflag:s16] =	ssyncadd.s32 $0xFFFFF000  }
0x6a: {  	[hbm:s7@s5], [sflag:s2] =	dma.strided [spmem:s8@s6], $0x20, s18, $0x10   }
0x6b: {  	_ =	swait.ge [sflag:s16], $0x20  }
0x6c: {  	s6 =	sld [smem:$0x7FB]  }
0x6d: {  	[sflag:s16] =	ssyncset.done $0x0  }
0x6e: {  	s7 =	simm.s32 $0x7C80;
	[sflag:s16] =	ssyncadd.s32 $0xFFFFFFE0  }
0x6f: {  	[tilespmem:s7], [sflag:$0x5] =	stream.linear.gather [hbm4b:s6+s1], $0x20, $0x38;
	[tilespmem:$0xFE88] =	vst v63  }
0x70: {  	_ =	swait.ge [sflag:s16], $0x20  }
0x71: {  	[sflag:s16] =	ssyncset.done $0x0  }
0x72: {  	[sflag:s16] =	ssyncadd.s32 $0xFFFFFFE0  }
0x73: {  	[tilespmem:s17], [sflag:$0x4] =	stream.indirect.gather [hbm4b:s21+s5], $0x80, s7, s5, $0xb8;
	[tilespmem:$0xFE88] =	vst v63  }
0x74: {  	_ =	swait.ge [sflag:s29], $0x1000  }
0x75: {  	[sflag:s29] =	ssyncset.done $0x0  }
0x76: {  	s6 =	rddreg [dreg:$0x1a];
	[sflag:s29] =	ssyncadd.s32 $0xFFFFF000  }
0x77: {  	[hbm4b:s6+s1] =	stream.linear.scatter [tilespmem:s17], [sflag:$0x5], $0x1000, $0x38;
	[tilespmem:$0xFE88] =	vst v63  }
0x78: {  	_ =	swait.ge [sflag:s16], $0x1000  }
0x79: {  	s7 =	sld [smem:$0x7FC];
	_ =	sdelay $0x1  }
0x7a: {  	s0 =	sadd.s32 $0x1, s0  }
0x7b: {  	p0 =	sne.s32 s0, s7  }
.Ltmp1:
0x7c: {  	_ = 	snop;
	(pc) =	sbr.rel @!p0 .LBB2_62-.Ltmp1, $3  }
0x7d: {  	_ =	sdelay $0x1  }
0x7e: {  	[sflag:s16] =	ssyncset.done $0x0  }
0x7f: {  	[sflag:s16] =	ssyncadd.s32 $0xFFFFF000  }
.LBB2_1:
0x80: {  	s2 =	rddreg [dreg:$0x1b]  }
0x81: {  	[tilespmem:s1], [sflag:$0x3] =	stream.linear.gather [hbm4b:s2+s1], $0x2780, $0x38;
	[tilespmem:$0xFE88] =	vst v63  }
0x82: {  	s6 =	rddreg [dreg:$0x6]  }
0x83: {  	[tilespmem:s13], [sflag:$0x1] =	stream.linear.gather [hbm4b:s6+s1], $0x7D0, $0x38;
	[tilespmem:$0xFE88] =	vst v63  }
0x84: {  	s7 =	rddreg [dreg:$0x17]  }
0x85: {  	[tilespmem:s14], [sflag:$0x1] =	stream.linear.gather [hbm4b:s7+s1], $0x7D0, $0x38;
	[tilespmem:$0xFE88] =	vst v63  }
0x86: {  	s4 =	rddreg [dreg:$0x1c]  }
0x87: {  	[tilespmem:s15], [sflag:$0x5] =	stream.linear.gather [hbm4b:s4+s1], $0x80, $0x38;
	[tilespmem:$0xFE88] =	vst v63  }
0x88: {  	_ =	swait.ge [sflag:s16], $0x80  }
0x89: {  	[sflag:s16] =	ssyncset.done $0x0  }
0x8a: {  	s5 =	rddreg [dreg:$0x1d];
	[sflag:s16] =	ssyncadd.s32 $0xFFFFFF80  }
0x8b: {  	[tilespmem:s17], [sflag:$0x5] =	stream.linear.gather [hbm4b:s5+s1], $0x2000, $0x38;
	[tilespmem:$0xFE88] =	vst v63  }
0x8c: {  	_ =	swait.ge [sflag:s16], $0x2000  }
0x8d: {  	[sflag:s16] =	ssyncset.done $0x0  }
0x8e: {  	s4 =	simm.s32 $0x7B00;
	s6 =	rddreg [dreg:$0x1e];
	[sflag:s16] =	ssyncadd.s32 $0xFFFFE000  }
0x8f: {  	[tilespmem:s4], [sflag:$0x5] =	stream.linear.gather [hbm4b:s6+s1], $0x180, $0x38;
	[tilespmem:$0xFE88] =	vst v63  }
0x90: {  	_ =	swait.ge [sflag:s16], $0x180  }
0x91: {  	[sflag:s16] =	ssyncset.done $0x0  }
0x92: {  	[sflag:s16] =	ssyncadd.s32 $0xFFFFFE80  }
0x93: {  	[spmem:s24] =	stream.linear.scatter [tilespmem:s17], [sflag:$0x5], $0x2000, $0x38;
	[tilespmem:$0xFE88] =	vst v63  }
0x94: {  	_ =	swait.ge [sflag:s16], $0x2000  }
0x95: {  	[sflag:s16] =	ssyncset.done $0x0  }
0x96: {  	[sflag:s16] =	ssyncadd.s32 $0xFFFFE000  }
0x97: {  	[spmem:s9] =	stream.linear.scatter [tilespmem:s17], [sflag:$0x5], $0x2000, $0x38;
	[tilespmem:$0xFE88] =	vst v63  }
0x98: {  	_ =	swait.ge [sflag:s16], $0x2000  }
0x99: {  	[sflag:s16] =	ssyncset.done $0x0  }
0x9a: {  	[sflag:s16] =	ssyncadd.s32 $0xFFFFE000  }
0x9b: {  	[spmem:s10] =	stream.linear.scatter [tilespmem:s17], [sflag:$0x5], $0x2000, $0x38;
	[tilespmem:$0xFE88] =	vst v63  }
0x9c: {  	_ =	swait.ge [sflag:s16], $0x2000  }
0x9d: {  	[sflag:s16] =	ssyncset.done $0x0  }
0x9e: {  	[sflag:s16] =	ssyncadd.s32 $0xFFFFE000  }
0x9f: {  	[spmem:s11] =	stream.linear.scatter [tilespmem:s17], [sflag:$0x5], $0x2000, $0x38;
	[tilespmem:$0xFE88] =	vst v63  }
0xa0: {  	_ =	swait.ge [sflag:s16], $0x2000  }
0xa1: {  	[sflag:s16] =	ssyncset.done $0x0  }
0xa2: {  	[sflag:s16] =	ssyncadd.s32 $0xFFFFE000  }
0xa3: {  	[spmem:s12] =	stream.linear.scatter [tilespmem:s17], [sflag:$0x5], $0x80, $0x38;
	[tilespmem:$0xFE88] =	vst v63  }
0xa4: {  	_ =	swait.ge [sflag:s16], $0x80  }
0xa5: {  	[sflag:s16] =	ssyncset.done $0x0  }
0xa6: {  	s7 =	rddreg [dreg:$0x1f];
	[sflag:s16] =	ssyncadd.s32 $0xFFFFFF80  }
0xa7: {  	[spmem:s7] =	stream.linear.scatter [tilespmem:s4], [sflag:$0x5], $0x108, $0x38;
	[tilespmem:$0xFE88] =	vst v63  }
0xa8: {  	_ =	swait.ge [sflag:s16], $0x108  }
0xa9: {  	[sflag:s16] =	ssyncset.done $0x0  }
0xaa: {  	[sflag:s16] =	ssyncadd.s32 $0xFFFFFEF8  }
0xab: {  	[bflag:$0x0] =	sbarrier.arrive $0xFFFF  }
0xac: {  	_ =	swait.ge [sflag:s19], $0x2780  }
0xad: {  	[sflag:s19] =	ssyncset.done $0x0  }
0xae: {  	s4 =	rddreg [dreg:$0x7];
	[sflag:s19] =	ssyncadd.s32 $0xFFFFD880  }
0xaf: {  	[tilespmem:s20], [sflag:$0x2] =	stream.linear.gather [hbm4b:s4+s1], $0x7D0, $0x38;
	[tilespmem:$0xFE88] =	vst v63  }
0xb0: {  	s5 =	rddreg [dreg:$0x8]  }
0xb1: {  	[tilespmem:s22], [sflag:$0x2] =	stream.linear.gather [hbm4b:s5+s1], $0x7D0, $0x38;
	[tilespmem:$0xFE88] =	vst v63  }
0xb2: {  	_ =	swait.ge [sflag:s18], $0x7D0  }
0xb3: {  	[sflag:s18] =	ssyncset.done $0x0  }
0xb4: {  	[sflag:s18] =	ssyncadd.s32 $0xFFFFF830  }
0xb5: {  	_ =	swait.ge [sflag:s18], $0x7D0  }
0xb6: {  	[sflag:s18] =	ssyncset.done $0x0  }
0xb7: {  	s6 =	simm.s32 $0x0;
	[sflag:s18] =	ssyncadd.s32 $0xFFFFF830  }
0xb8: {  	v3 =	vld [tilespmem:s6+$0x2F80];
	_ =	sdelay $0x4  }
0xb9: {  	v4 =	vshrl.u32 v3, $0x3;
	_ =	sdelay $0x4  }
0xba: {  	v4 =	vld.idx.msk [tilespmem:v4+s1+$0x0], $0xffff;
	_ =	sdelay $0x4  }
0xbb: {  	v6 =	vld [tilespmem:s6+$0x2780];
	v5 =	vand.u32 $0x1, v4  }
0xbc: {  	vm0 =	vgt.s32 v4, $0xFFFFFFFF;
	vm1 =	veq.s32 v5, v0  }
0xbd: {  	v4 =	vshll.u32 v4, $0x2;
	vm0 =	vmand vm0, vm1  }
0xbe: {  	v3 =	vand.u32 $0x7, v3;
	v4 =	vand.u32 $0xFFFFFFF8, v4;
	v5 =	vsel vm0, $0x1, v1  }
0xbf: {  	v3 =	vor.u32 v3, v4;
	(xrf0) =	vadd.scan.msk.s32 $0xffff, v5  }
0xc0: {  	v3 =	vnsel vm0, $0x1000, v3;
	[tilespmem:s1+$0x4780] =	vst.msk vm0, v6  }
0xc1: {  	s7 =	simm.s32 $0x10;
	[tilespmem:s1+$0x5080] =	vst.msk vm0, v3  }
0xc2: {  	v3 =	vld [tilespmem:s7+$0x2F80];
	_ =	sdelay $0x2  }
0xc3: {  	v4, _, _ =	vpop (xrf0)  }
0xc4: {  	(v2sf) =	vpush v4, $0xF  }
0xc5: {  	v4 =	vshrl.u32 v3, $0x3;
	_ =	sdelay $0x4  }
0xc6: {  	v4 =	vld.idx.msk [tilespmem:v4+s1+$0x0], $0xffff;
	_ =	sdelay $0x4  }
0xc7: {  	v3 =	vand.u32 $0x7, v3;
	v6 =	vshll.u32 v4, $0x2  }
0xc8: {  	v5 =	vand.u32 $0x1, v4;
	vm0 =	vgt.s32 v4, $0xFFFFFFFF;
	v4 =	vand.u32 $0xFFFFFFF8, v6  }
0xc9: {  	vm1 =	veq.s32 v5, v0;
	v4 =	vor.u32 v3, v4;
	v3 =	vld [tilespmem:s7+$0x2780]  }
0xca: {  	vm0 =	vmand vm0, vm1  }
0xcb: {  	s2 =	simm.s32 $0x80;
	s4 =	simm.s32 $0x0;
	v4 =	vnsel vm0, $0x1000, v4;
	v5 =	vsel vm0, $0x1, v1;
	s5 =	spop (v2sf)  }
.LBB2_2:
0xcc: {  	p0 =	sne.s32 s2, $0x1F00  }
0xcd: {  	(xrf0) =	vadd.scan.msk.s32 $0xffff, v5;
	s4 =	sadd.s32 s4, s5;
	s5 =	smov.u32 s2;
	s2 =	sadd.s32 $0x40, s2  }
0xce: {  	[tilespmem:s4+$0x4780] =	vst.msk vm0, v3  }
0xcf: {  	s5 =	sshra.s32 s5, $0x2;
	[tilespmem:s4+$0x5080] =	vst.msk vm0, v4  }
0xd0: {  	v4 =	vld [tilespmem:s5+$0x2F80];
	_ =	sdelay $0x2  }
0xd1: {  	v3, _, _ =	vpop (xrf0)  }
0xd2: {  	(v2sf) =	vpush v3, $0xF  }
0xd3: {  	v3 =	vshrl.u32 v4, $0x3;
	_ =	sdelay $0x4  }
0xd4: {  	v5 =	vld.idx.msk [tilespmem:v3+s1+$0x0], $0xffff;
	_ =	sdelay $0x4  }
.Ltmp2:
0xd5: {  	(pc) =	sbr.rel @p0 .LBB2_2-.Ltmp2, $4  }
0xd6: {  	v4 =	vand.u32 $0x7, v4;
	v6 =	vand.u32 $0x1, v5;
	v7 =	vshll.u32 v5, $0x2;
	v3 =	vld [tilespmem:s5+$0x2780]  }
0xd7: {  	vm0 =	vgt.s32 v5, $0xFFFFFFFF;
	vm1 =	veq.s32 v6, v0;
	v5 =	vand.u32 $0xFFFFFFF8, v7  }
0xd8: {  	vm0 =	vmand vm0, vm1;
	v4 =	vor.u32 v4, v5  }
0xd9: {  	v4 =	vnsel vm0, $0x1000, v4;
	v5 =	vsel vm0, $0x1, v1;
	s5 =	spop (v2sf)  }
0xda: {  	(xrf0) =	vadd.scan.msk.s32 $0xffff, v5;
	_ =	sdelay $0x5  }
0xdb: {  	v5, _, _ =	vpop (xrf0)  }
0xdc: {  	(v2sf) =	vpush v5, $0xF;
	_ =	sdelay $0xe  }
0xdd: {  	s5 =	sadd.s32 s4, s5;
	s2 =	spop (v2sf)  }
0xde: {  	s2 =	sadd.s32 s5, s2  }
0xdf: {  	s7 =	sand.u32 $0x3F, s2  }
0xe0: {  	s6 =	sshra.s32 s2, $0x1F;
	p0 =	slt.s32 s2, $0x1;
	p1 =	sne.s32 s7, $0x0  }
0xe1: {  	s7 =	sshrl.u32 s6, $0x1A;
	p0 =	por !p0, !p1  }
0xe2: {  	s6 =	simm.s32 $0x1;
	s4 =	sadd.s32 s7, s2;
	p0 =	por !p0, !p0  }
0xe3: {  	s4 =	sshra.s32 s4, $0x6;
	s6 =	simm.s32 @!p0 $0x0  }
0xe4: {  	s4 =	ssub.s32 s4, s6  }
0xe5: {  	p0 =	slt.s32 s4, $0x1  }
.Ltmp3:
0xe6: {  	_ = 	snop;
	(pc) =	sbr.rel @p0 .LBB2_7-.Ltmp3, $3  }
0xe7: {  	_ =	sdelay $0x1  }
0xe8: {  	[tilespmem:s5+$0x4780] =	vst.msk vm0, v3  }
0xe9: {  	[tilespmem:s5+$0x5080] =	vst.msk vm0, v4  }
0xea: {  	s5 =	simm.s32 $0x47A0  }
0xeb: {  	v3 =	vld [tilespmem:s5+$0xFFFFFFE0];
	_ =	sdelay $0x4  }
0xec: {  	s6 =	simm.s32 $0x50A0;
	[tilespmem:$0x5980] =	vst v3  }
0xed: {  	v3 =	vld [tilespmem:s6+$0xFFFFFFE0];
	_ =	sdelay $0x4  }
0xee: {  	[tilespmem:$0x5A00] =	vst v3  }
0xef: {  	v3 =	vld [tilespmem:s5+$0xFFFFFFF0];
	_ =	sdelay $0x4  }
0xf0: {  	[tilespmem:$0x5990] =	vst v3  }
0xf1: {  	v3 =	vld [tilespmem:s6+$0xFFFFFFF0];
	_ =	sdelay $0x4  }
0xf2: {  	[tilespmem:$0x5A10] =	vst v3  }
0xf3: {  	v3 =	vld [tilespmem:s5+$0x0];
	_ =	sdelay $0x4  }
0xf4: {  	[tilespmem:$0x59A0] =	vst v3  }
0xf5: {  	v3 =	vld [tilespmem:s6+$0x0];
	_ =	sdelay $0x4  }
0xf6: {  	[tilespmem:$0x5A20] =	vst v3  }
0xf7: {  	v3 =	vld [tilespmem:s5+$0x10];
	_ =	sdelay $0x4  }
0xf8: {  	[tilespmem:$0x59B0] =	vst v3  }
0xf9: {  	v3 =	vld [tilespmem:s6+$0x10];
	_ =	sdelay $0x4  }
0xfa: {  	[tilespmem:$0x5A30] =	vst v3  }
0xfb: {  	[tilespmem:s17], [sflag:$0x4] =	stream.indirect.gather [hbm4b:s21+s25], $0x80, s28, s25, $0xb8;
	[tilespmem:$0xFE88] =	vst v63  }
0xfc: {  	_ =	swait.ge [sflag:s29], $0x2000  }
0xfd: {  	[sflag:s29] =	ssyncset.done $0x0  }
0xfe: {  	[sflag:s29] =	ssyncadd.s32 $0xFFFFE000  }
0xff: {  	[spmem:s23] =	stream.indirect.scatter.add.f32 [tilespmem:s17], [sflag:$0x5], $0x80, s30, s25, $0xb8;
	[tilespmem:$0xFE88] =	vst v63  }
0x100: {  	p0 =	sne.s32 s4, $0x1;
	_ =	swait.ge [sflag:s16], $0x2000  }
.Ltmp4:
0x101: {  	[sflag:s16] =	ssyncset.done $0x0;
	(pc) =	sbr.rel @!p0 .LBB2_6-.Ltmp4, $4  }
0x102: {  	[sflag:s16] =	ssyncadd.s32 $0xFFFFE000  }
0x103: {  	[spmem:s26] =	stream.indirect.scatter.add.f32 [tilespmem:s15], [sflag:$0x5], $0x1, s30, s25, $0xb8;
	[tilespmem:$0xFE88] =	vst v63  }
0x104: {  	_ =	swait.ge [sflag:s16], $0x40  }
0x105: {  	s7 =	sadd.s32 $0xFFFFFFFF, s4;
	[sflag:s16] =	ssyncset.done $0x0  }
.LBB2_5:
0x106: {  	[sflag:s16] =	ssyncadd.s32 $0xFFFFFFC0;
	s6 =	sadd.s32 $0x40, s6;
	s5 =	sadd.s32 $0x40, s5  }
0x107: {  	p0 =	sne.s32 s7, $0x1;
	s7 =	sadd.s32 $0xFFFFFFFF, s7;
	v3 =	vld [tilespmem:s5+$0xFFFFFFE0];
	_ =	sdelay $0x4  }
0x108: {  	[tilespmem:$0x5980] =	vst v3  }
0x109: {  	v3 =	vld [tilespmem:s6+$0xFFFFFFE0];
	_ =	sdelay $0x4  }
0x10a: {  	[tilespmem:$0x5A00] =	vst v3  }
0x10b: {  	v3 =	vld [tilespmem:s5+$0xFFFFFFF0];
	_ =	sdelay $0x4  }
0x10c: {  	[tilespmem:$0x5990] =	vst v3  }
0x10d: {  	v3 =	vld [tilespmem:s6+$0xFFFFFFF0];
	_ =	sdelay $0x4  }
0x10e: {  	[tilespmem:$0x5A10] =	vst v3  }
0x10f: {  	v3 =	vld [tilespmem:s5+$0x0];
	_ =	sdelay $0x4  }
0x110: {  	[tilespmem:$0x59A0] =	vst v3  }
0x111: {  	v3 =	vld [tilespmem:s6+$0x0];
	_ =	sdelay $0x4  }
0x112: {  	[tilespmem:$0x5A20] =	vst v3  }
0x113: {  	v3 =	vld [tilespmem:s5+$0x10];
	_ =	sdelay $0x4  }
0x114: {  	[tilespmem:$0x59B0] =	vst v3  }
0x115: {  	v3 =	vld [tilespmem:s6+$0x10];
	_ =	sdelay $0x4  }
0x116: {  	[tilespmem:$0x5A30] =	vst v3  }
0x117: {  	[tilespmem:s17], [sflag:$0x4] =	stream.indirect.gather [hbm4b:s21+s25], $0x80, s28, s25, $0xb8;
	[tilespmem:$0xFE88] =	vst v63  }
0x118: {  	_ =	swait.ge [sflag:s29], $0x2000  }
0x119: {  	[sflag:s29] =	ssyncset.done $0x0  }
0x11a: {  	[sflag:s29] =	ssyncadd.s32 $0xFFFFE000  }
0x11b: {  	[spmem:s23] =	stream.indirect.scatter.add.f32 [tilespmem:s17], [sflag:$0x5], $0x80, s30, s25, $0xb8;
	[tilespmem:$0xFE88] =	vst v63  }
0x11c: {  	_ =	swait.ge [sflag:s16], $0x2000  }
.Ltmp5:
0x11d: {  	[sflag:s16] =	ssyncset.done $0x0;
	(pc) =	sbr.rel @p0 .LBB2_5-.Ltmp5, $4  }
0x11e: {  	[sflag:s16] =	ssyncadd.s32 $0xFFFFE000  }
0x11f: {  	[spmem:s26] =	stream.indirect.scatter.add.f32 [tilespmem:s15], [sflag:$0x5], $0x1, s30, s25, $0xb8;
	[tilespmem:$0xFE88] =	vst v63  }
0x120: {  	_ =	swait.ge [sflag:s16], $0x40  }
0x121: {  	[sflag:s16] =	ssyncset.done $0x0  }
.LBB2_6:
0x122: {  	[sflag:s16] =	ssyncadd.s32 $0xFFFFFFC0  }
.LBB2_7:
0x123: {  	s4 =	sshll.u32 s4, $0x6  }
0x124: {  	v3 =	vld [tilespmem:s4+$0x4780]  }
0x125: {  	v4 =	vld [tilespmem:s4+$0x5080];
	_ =	sdelay $0x3  }
0x126: {  	[tilespmem:$0x4780] =	vst v3  }
0x127: {  	[tilespmem:$0x5080] =	vst v4  }
0x128: {  	v3 =	vld [tilespmem:s4+$0x4790]  }
0x129: {  	v4 =	vld [tilespmem:s4+$0x5090];
	_ =	sdelay $0x3  }
0x12a: {  	[tilespmem:$0x4790] =	vst v3  }
0x12b: {  	[tilespmem:$0x5090] =	vst v4  }
0x12c: {  	v3 =	vld [tilespmem:s4+$0x47A0]  }
0x12d: {  	v4 =	vld [tilespmem:s4+$0x50A0];
	_ =	sdelay $0x3  }
0x12e: {  	[tilespmem:$0x47A0] =	vst v3  }
0x12f: {  	[tilespmem:$0x50A0] =	vst v4  }
0x130: {  	v3 =	vld [tilespmem:s4+$0x47B0]  }
0x131: {  	v4 =	vld [tilespmem:s4+$0x50B0];
	_ =	sdelay $0x3  }
0x132: {  	[tilespmem:$0x47B0] =	vst v3  }
0x133: {  	s5 =	simm.s32 $0x0;
	s6 =	rddreg [dreg:$0x9];
	[tilespmem:$0x50B0] =	vst v4  }
0x134: {  	[tilespmem:s13], [sflag:$0x1] =	stream.linear.gather [hbm4b:s6+s5], $0x7D0, $0x38;
	[tilespmem:$0xFE88] =	vst v63  }
0x135: {  	s7 =	rddreg [dreg:$0xa]  }
0x136: {  	[tilespmem:s14], [sflag:$0x1] =	stream.linear.gather [hbm4b:s7+s5], $0x7D0, $0x38;
	[tilespmem:$0xFE88] =	vst v63  }
0x137: {  	_ =	swait.ge [sflag:s31], $0x7D0  }
0x138: {  	[sflag:s31] =	ssyncset.done $0x0  }
0x139: {  	[sflag:s31] =	ssyncadd.s32 $0xFFFFF830  }
0x13a: {  	_ =	swait.ge [sflag:s31], $0x7D0  }
0x13b: {  	[sflag:s31] =	ssyncset.done $0x0  }
0x13c: {  	s6 =	simm.s32 $0x0;
	[sflag:s31] =	ssyncadd.s32 $0xFFFFF830  }
0x13d: {  	v3 =	vld [tilespmem:s6+$0x3F80];
	_ =	sdelay $0x4  }
0x13e: {  	v4 =	vshrl.u32 v3, $0x3;
	_ =	sdelay $0x4  }
0x13f: {  	v4 =	vld.idx.msk [tilespmem:v4+s1+$0x0], $0xffff;
	_ =	sdelay $0x4  }
0x140: {  	v6 =	vld [tilespmem:s6+$0x3780];
	v5 =	vand.u32 $0x1, v4  }
0x141: {  	vm0 =	vgt.s32 v4, $0xFFFFFFFF;
	vm1 =	veq.s32 v5, v0  }
0x142: {  	v4 =	vshll.u32 v4, $0x2;
	vm0 =	vmand vm0, vm1  }
0x143: {  	v3 =	vand.u32 $0x7, v3;
	v4 =	vand.u32 $0xFFFFFFF8, v4;
	v5 =	vsel vm0, $0x1, v1  }
0x144: {  	s2 =	ssub.s32 s2, s4;
	v3 =	vor.u32 v3, v4;
	(xrf0) =	vadd.scan.msk.s32 $0xffff, v5  }
0x145: {  	v3 =	vnsel vm0, $0x1000, v3;
	[tilespmem:s2+$0x4780] =	vst.msk vm0, v6  }
0x146: {  	s7 =	simm.s32 $0x10;
	[tilespmem:s2+$0x5080] =	vst.msk vm0, v3  }
0x147: {  	v3 =	vld [tilespmem:s7+$0x3F80];
	_ =	sdelay $0x2  }
0x148: {  	v4, _, _ =	vpop (xrf0)  }
0x149: {  	(v2sf) =	vpush v4, $0xF  }
0x14a: {  	v4 =	vshrl.u32 v3, $0x3;
	_ =	sdelay $0x4  }
0x14b: {  	v4 =	vld.idx.msk [tilespmem:v4+s1+$0x0], $0xffff;
	_ =	sdelay $0x4  }
0x14c: {  	v3 =	vand.u32 $0x7, v3;
	v6 =	vshll.u32 v4, $0x2  }
0x14d: {  	v5 =	vand.u32 $0x1, v4;
	vm0 =	vgt.s32 v4, $0xFFFFFFFF;
	v4 =	vand.u32 $0xFFFFFFF8, v6  }
0x14e: {  	vm1 =	veq.s32 v5, v0;
	v4 =	vor.u32 v3, v4;
	v3 =	vld [tilespmem:s7+$0x3780]  }
0x14f: {  	vm0 =	vmand vm0, vm1  }
0x150: {  	s4 =	simm.s32 $0x80;
	v4 =	vnsel vm0, $0x1000, v4;
	v5 =	vsel vm0, $0x1, v1;
	s5 =	spop (v2sf)  }
.LBB2_8:
0x151: {  	p0 =	sne.s32 s4, $0x1F00  }
0x152: {  	(xrf0) =	vadd.scan.msk.s32 $0xffff, v5;
	s2 =	sadd.s32 s2, s5;
	s5 =	smov.u32 s4;
	s4 =	sadd.s32 $0x40, s4  }
0x153: {  	[tilespmem:s2+$0x4780] =	vst.msk vm0, v3  }
0x154: {  	s5 =	sshra.s32 s5, $0x2;
	[tilespmem:s2+$0x5080] =	vst.msk vm0, v4  }
0x155: {  	v4 =	vld [tilespmem:s5+$0x3F80];
	_ =	sdelay $0x2  }
0x156: {  	v3, _, _ =	vpop (xrf0)  }
0x157: {  	(v2sf) =	vpush v3, $0xF  }
0x158: {  	v3 =	vshrl.u32 v4, $0x3;
	_ =	sdelay $0x4  }
0x159: {  	v5 =	vld.idx.msk [tilespmem:v3+s1+$0x0], $0xffff;
	_ =	sdelay $0x4  }
.Ltmp6:
0x15a: {  	(pc) =	sbr.rel @p0 .LBB2_8-.Ltmp6, $4  }
0x15b: {  	v4 =	vand.u32 $0x7, v4;
	v6 =	vand.u32 $0x1, v5;
	v7 =	vshll.u32 v5, $0x2;
	v3 =	vld [tilespmem:s5+$0x3780]  }
0x15c: {  	vm0 =	vgt.s32 v5, $0xFFFFFFFF;
	vm1 =	veq.s32 v6, v0;
	v5 =	vand.u32 $0xFFFFFFF8, v7  }
0x15d: {  	vm0 =	vmand vm0, vm1;
	v4 =	vor.u32 v4, v5  }
0x15e: {  	v4 =	vnsel vm0, $0x1000, v4;
	v5 =	vsel vm0, $0x1, v1;
	s5 =	spop (v2sf)  }
0x15f: {  	(xrf0) =	vadd.scan.msk.s32 $0xffff, v5;
	_ =	sdelay $0x5  }
0x160: {  	v5, _, _ =	vpop (xrf0)  }
0x161: {  	(v2sf) =	vpush v5, $0xF;
	_ =	sdelay $0xe  }
0x162: {  	s5 =	sadd.s32 s2, s5;
	s6 =	spop (v2sf)  }
0x163: {  	s2 =	sadd.s32 s5, s6  }
0x164: {  	s4 =	sand.u32 $0x3F, s2  }
0x165: {  	s6 =	sshra.s32 s2, $0x1F;
	p0 =	slt.s32 s2, $0x1;
	p1 =	sne.s32 s4, $0x0  }
0x166: {  	s7 =	sshrl.u32 s6, $0x1A;
	p0 =	por !p0, !p1  }
0x167: {  	s6 =	simm.s32 $0x1;
	s4 =	sadd.s32 s7, s2;
	p0 =	por !p0, !p0  }
0x168: {  	s4 =	sshra.s32 s4, $0x6;
	s6 =	simm.s32 @!p0 $0x0  }
0x169: {  	s4 =	ssub.s32 s4, s6  }
0x16a: {  	p0 =	slt.s32 s4, $0x1  }
.Ltmp7:
0x16b: {  	_ = 	snop;
	(pc) =	sbr.rel @p0 .LBB2_13-.Ltmp7, $3  }
0x16c: {  	_ =	sdelay $0x1  }
0x16d: {  	[tilespmem:s5+$0x4780] =	vst.msk vm0, v3  }
0x16e: {  	[tilespmem:s5+$0x5080] =	vst.msk vm0, v4  }
0x16f: {  	s5 =	simm.s32 $0x47A0  }
0x170: {  	v3 =	vld [tilespmem:s5+$0xFFFFFFE0];
	_ =	sdelay $0x4  }
0x171: {  	s6 =	simm.s32 $0x50A0;
	[tilespmem:$0x5980] =	vst v3  }
0x172: {  	v3 =	vld [tilespmem:s6+$0xFFFFFFE0];
	_ =	sdelay $0x4  }
0x173: {  	[tilespmem:$0x5A00] =	vst v3  }
0x174: {  	v3 =	vld [tilespmem:s5+$0xFFFFFFF0];
	_ =	sdelay $0x4  }
0x175: {  	[tilespmem:$0x5990] =	vst v3  }
0x176: {  	v3 =	vld [tilespmem:s6+$0xFFFFFFF0];
	_ =	sdelay $0x4  }
0x177: {  	[tilespmem:$0x5A10] =	vst v3  }
0x178: {  	v3 =	vld [tilespmem:s5+$0x0];
	_ =	sdelay $0x4  }
0x179: {  	[tilespmem:$0x59A0] =	vst v3  }
0x17a: {  	v3 =	vld [tilespmem:s6+$0x0];
	_ =	sdelay $0x4  }
0x17b: {  	[tilespmem:$0x5A20] =	vst v3  }
0x17c: {  	v3 =	vld [tilespmem:s5+$0x10];
	_ =	sdelay $0x4  }
0x17d: {  	[tilespmem:$0x59B0] =	vst v3  }
0x17e: {  	v3 =	vld [tilespmem:s6+$0x10];
	_ =	sdelay $0x4  }
0x17f: {  	[tilespmem:$0x5A30] =	vst v3  }
0x180: {  	[tilespmem:s17], [sflag:$0x4] =	stream.indirect.gather [hbm4b:s21+s25], $0x80, s28, s25, $0xb8;
	[tilespmem:$0xFE88] =	vst v63  }
0x181: {  	_ =	swait.ge [sflag:s29], $0x2000  }
0x182: {  	[sflag:s29] =	ssyncset.done $0x0  }
0x183: {  	[sflag:s29] =	ssyncadd.s32 $0xFFFFE000  }
0x184: {  	[spmem:s23] =	stream.indirect.scatter.add.f32 [tilespmem:s17], [sflag:$0x5], $0x80, s30, s25, $0xb8;
	[tilespmem:$0xFE88] =	vst v63  }
0x185: {  	p0 =	sne.s32 s4, $0x1;
	_ =	swait.ge [sflag:s16], $0x2000  }
.Ltmp8:
0x186: {  	[sflag:s16] =	ssyncset.done $0x0;
	(pc) =	sbr.rel @!p0 .LBB2_12-.Ltmp8, $4  }
0x187: {  	[sflag:s16] =	ssyncadd.s32 $0xFFFFE000  }
0x188: {  	[spmem:s26] =	stream.indirect.scatter.add.f32 [tilespmem:s15], [sflag:$0x5], $0x1, s30, s25, $0xb8;
	[tilespmem:$0xFE88] =	vst v63  }
0x189: {  	_ =	swait.ge [sflag:s16], $0x40  }
0x18a: {  	s7 =	sadd.s32 $0xFFFFFFFF, s4;
	[sflag:s16] =	ssyncset.done $0x0  }
.LBB2_11:
0x18b: {  	[sflag:s16] =	ssyncadd.s32 $0xFFFFFFC0;
	s6 =	sadd.s32 $0x40, s6;
	s5 =	sadd.s32 $0x40, s5  }
0x18c: {  	p0 =	sne.s32 s7, $0x1;
	s7 =	sadd.s32 $0xFFFFFFFF, s7;
	v3 =	vld [tilespmem:s5+$0xFFFFFFE0];
	_ =	sdelay $0x4  }
0x18d: {  	[tilespmem:$0x5980] =	vst v3  }
0x18e: {  	v3 =	vld [tilespmem:s6+$0xFFFFFFE0];
	_ =	sdelay $0x4  }
0x18f: {  	[tilespmem:$0x5A00] =	vst v3  }
0x190: {  	v3 =	vld [tilespmem:s5+$0xFFFFFFF0];
	_ =	sdelay $0x4  }
0x191: {  	[tilespmem:$0x5990] =	vst v3  }
0x192: {  	v3 =	vld [tilespmem:s6+$0xFFFFFFF0];
	_ =	sdelay $0x4  }
0x193: {  	[tilespmem:$0x5A10] =	vst v3  }
0x194: {  	v3 =	vld [tilespmem:s5+$0x0];
	_ =	sdelay $0x4  }
0x195: {  	[tilespmem:$0x59A0] =	vst v3  }
0x196: {  	v3 =	vld [tilespmem:s6+$0x0];
	_ =	sdelay $0x4  }
0x197: {  	[tilespmem:$0x5A20] =	vst v3  }
0x198: {  	v3 =	vld [tilespmem:s5+$0x10];
	_ =	sdelay $0x4  }
0x199: {  	[tilespmem:$0x59B0] =	vst v3  }
0x19a: {  	v3 =	vld [tilespmem:s6+$0x10];
	_ =	sdelay $0x4  }
0x19b: {  	[tilespmem:$0x5A30] =	vst v3  }
0x19c: {  	[tilespmem:s17], [sflag:$0x4] =	stream.indirect.gather [hbm4b:s21+s25], $0x80, s28, s25, $0xb8;
	[tilespmem:$0xFE88] =	vst v63  }
0x19d: {  	_ =	swait.ge [sflag:s29], $0x2000  }
0x19e: {  	[sflag:s29] =	ssyncset.done $0x0  }
0x19f: {  	[sflag:s29] =	ssyncadd.s32 $0xFFFFE000  }
0x1a0: {  	[spmem:s23] =	stream.indirect.scatter.add.f32 [tilespmem:s17], [sflag:$0x5], $0x80, s30, s25, $0xb8;
	[tilespmem:$0xFE88] =	vst v63  }
0x1a1: {  	_ =	swait.ge [sflag:s16], $0x2000  }
.Ltmp9:
0x1a2: {  	[sflag:s16] =	ssyncset.done $0x0;
	(pc) =	sbr.rel @p0 .LBB2_11-.Ltmp9, $4  }
0x1a3: {  	[sflag:s16] =	ssyncadd.s32 $0xFFFFE000  }
0x1a4: {  	[spmem:s26] =	stream.indirect.scatter.add.f32 [tilespmem:s15], [sflag:$0x5], $0x1, s30, s25, $0xb8;
	[tilespmem:$0xFE88] =	vst v63  }
0x1a5: {  	_ =	swait.ge [sflag:s16], $0x40  }
0x1a6: {  	[sflag:s16] =	ssyncset.done $0x0  }
.LBB2_12:
0x1a7: {  	[sflag:s16] =	ssyncadd.s32 $0xFFFFFFC0  }
.LBB2_13:
0x1a8: {  	s4 =	sshll.u32 s4, $0x6  }
0x1a9: {  	v3 =	vld [tilespmem:s4+$0x4780]  }
0x1aa: {  	v4 =	vld [tilespmem:s4+$0x5080];
	_ =	sdelay $0x3  }
0x1ab: {  	[tilespmem:$0x4780] =	vst v3  }
0x1ac: {  	[tilespmem:$0x5080] =	vst v4  }
0x1ad: {  	v3 =	vld [tilespmem:s4+$0x4790]  }
0x1ae: {  	v4 =	vld [tilespmem:s4+$0x5090];
	_ =	sdelay $0x3  }
0x1af: {  	[tilespmem:$0x4790] =	vst v3  }
0x1b0: {  	[tilespmem:$0x5090] =	vst v4  }
0x1b1: {  	v3 =	vld [tilespmem:s4+$0x47A0]  }
0x1b2: {  	v4 =	vld [tilespmem:s4+$0x50A0];
	_ =	sdelay $0x3  }
0x1b3: {  	[tilespmem:$0x47A0] =	vst v3  }
0x1b4: {  	[tilespmem:$0x50A0] =	vst v4  }
0x1b5: {  	v3 =	vld [tilespmem:s4+$0x47B0]  }
0x1b6: {  	v4 =	vld [tilespmem:s4+$0x50B0];
	_ =	sdelay $0x3  }
0x1b7: {  	[tilespmem:$0x47B0] =	vst v3  }
0x1b8: {  	s5 =	simm.s32 $0x0;
	s6 =	rddreg [dreg:$0xb];
	[tilespmem:$0x50B0] =	vst v4  }
0x1b9: {  	[tilespmem:s20], [sflag:$0x2] =	stream.linear.gather [hbm4b:s6+s5], $0x7D0, $0x38;
	[tilespmem:$0xFE88] =	vst v63  }
0x1ba: {  	s7 =	rddreg [dreg:$0xc]  }
0x1bb: {  	[tilespmem:s22], [sflag:$0x2] =	stream.linear.gather [hbm4b:s7+s5], $0x7D0, $0x38;
	[tilespmem:$0xFE88] =	vst v63  }
0x1bc: {  	_ =	swait.ge [sflag:s18], $0x7D0  }
0x1bd: {  	[sflag:s18] =	ssyncset.done $0x0  }
0x1be: {  	[sflag:s18] =	ssyncadd.s32 $0xFFFFF830  }
0x1bf: {  	_ =	swait.ge [sflag:s18], $0x7D0  }
0x1c0: {  	[sflag:s18] =	ssyncset.done $0x0  }
0x1c1: {  	s6 =	simm.s32 $0x0;
	[sflag:s18] =	ssyncadd.s32 $0xFFFFF830  }
0x1c2: {  	v3 =	vld [tilespmem:s6+$0x2F80];
	_ =	sdelay $0x4  }
0x1c3: {  	v4 =	vshrl.u32 v3, $0x3;
	_ =	sdelay $0x4  }
0x1c4: {  	v4 =	vld.idx.msk [tilespmem:v4+s1+$0x0], $0xffff;
	_ =	sdelay $0x4  }
0x1c5: {  	v6 =	vld [tilespmem:s6+$0x2780];
	v5 =	vand.u32 $0x1, v4  }
0x1c6: {  	vm0 =	vgt.s32 v4, $0xFFFFFFFF;
	vm1 =	veq.s32 v5, v0  }
0x1c7: {  	v4 =	vshll.u32 v4, $0x2;
	vm0 =	vmand vm0, vm1  }
0x1c8: {  	v3 =	vand.u32 $0x7, v3;
	v4 =	vand.u32 $0xFFFFFFF8, v4;
	v5 =	vsel vm0, $0x1, v1  }
0x1c9: {  	s2 =	ssub.s32 s2, s4;
	v3 =	vor.u32 v3, v4;
	(xrf0) =	vadd.scan.msk.s32 $0xffff, v5  }
0x1ca: {  	v3 =	vnsel vm0, $0x1000, v3;
	[tilespmem:s2+$0x4780] =	vst.msk vm0, v6  }
0x1cb: {  	s7 =	simm.s32 $0x10;
	[tilespmem:s2+$0x5080] =	vst.msk vm0, v3  }
0x1cc: {  	v3 =	vld [tilespmem:s7+$0x2F80];
	_ =	sdelay $0x2  }
0x1cd: {  	v4, _, _ =	vpop (xrf0)  }
0x1ce: {  	(v2sf) =	vpush v4, $0xF  }
0x1cf: {  	v4 =	vshrl.u32 v3, $0x3;
	_ =	sdelay $0x4  }
0x1d0: {  	v4 =	vld.idx.msk [tilespmem:v4+s1+$0x0], $0xffff;
	_ =	sdelay $0x4  }
0x1d1: {  	v3 =	vand.u32 $0x7, v3;
	v6 =	vshll.u32 v4, $0x2  }
0x1d2: {  	v5 =	vand.u32 $0x1, v4;
	vm0 =	vgt.s32 v4, $0xFFFFFFFF;
	v4 =	vand.u32 $0xFFFFFFF8, v6  }
0x1d3: {  	vm1 =	veq.s32 v5, v0;
	v4 =	vor.u32 v3, v4;
	v3 =	vld [tilespmem:s7+$0x2780]  }
0x1d4: {  	vm0 =	vmand vm0, vm1  }
0x1d5: {  	s4 =	simm.s32 $0x80;
	v4 =	vnsel vm0, $0x1000, v4;
	v5 =	vsel vm0, $0x1, v1;
	s5 =	spop (v2sf)  }
.LBB2_14:
0x1d6: {  	p0 =	sne.s32 s4, $0x1F00  }
0x1d7: {  	(xrf0) =	vadd.scan.msk.s32 $0xffff, v5;
	s2 =	sadd.s32 s2, s5;
	s5 =	smov.u32 s4;
	s4 =	sadd.s32 $0x40, s4  }
0x1d8: {  	[tilespmem:s2+$0x4780] =	vst.msk vm0, v3  }
0x1d9: {  	s5 =	sshra.s32 s5, $0x2;
	[tilespmem:s2+$0x5080] =	vst.msk vm0, v4  }
0x1da: {  	v4 =	vld [tilespmem:s5+$0x2F80];
	_ =	sdelay $0x2  }
0x1db: {  	v3, _, _ =	vpop (xrf0)  }
0x1dc: {  	(v2sf) =	vpush v3, $0xF  }
0x1dd: {  	v3 =	vshrl.u32 v4, $0x3;
	_ =	sdelay $0x4  }
0x1de: {  	v5 =	vld.idx.msk [tilespmem:v3+s1+$0x0], $0xffff;
	_ =	sdelay $0x4  }
.Ltmp10:
0x1df: {  	(pc) =	sbr.rel @p0 .LBB2_14-.Ltmp10, $4  }
0x1e0: {  	v4 =	vand.u32 $0x7, v4;
	v6 =	vand.u32 $0x1, v5;
	v7 =	vshll.u32 v5, $0x2;
	v3 =	vld [tilespmem:s5+$0x2780]  }
0x1e1: {  	vm0 =	vgt.s32 v5, $0xFFFFFFFF;
	vm1 =	veq.s32 v6, v0;
	v5 =	vand.u32 $0xFFFFFFF8, v7  }
0x1e2: {  	vm0 =	vmand vm0, vm1;
	v4 =	vor.u32 v4, v5  }
0x1e3: {  	v4 =	vnsel vm0, $0x1000, v4;
	v5 =	vsel vm0, $0x1, v1;
	s5 =	spop (v2sf)  }
0x1e4: {  	(xrf0) =	vadd.scan.msk.s32 $0xffff, v5;
	_ =	sdelay $0x5  }
0x1e5: {  	v5, _, _ =	vpop (xrf0)  }
0x1e6: {  	(v2sf) =	vpush v5, $0xF;
	_ =	sdelay $0xe  }
0x1e7: {  	s5 =	sadd.s32 s2, s5;
	s6 =	spop (v2sf)  }
0x1e8: {  	s2 =	sadd.s32 s5, s6  }
0x1e9: {  	s4 =	sand.u32 $0x3F, s2  }
0x1ea: {  	s6 =	sshra.s32 s2, $0x1F;
	p0 =	slt.s32 s2, $0x1;
	p1 =	sne.s32 s4, $0x0  }
0x1eb: {  	s7 =	sshrl.u32 s6, $0x1A;
	p0 =	por !p0, !p1  }
0x1ec: {  	s6 =	simm.s32 $0x1;
	s4 =	sadd.s32 s7, s2;
	p0 =	por !p0, !p0  }
0x1ed: {  	s4 =	sshra.s32 s4, $0x6;
	s6 =	simm.s32 @!p0 $0x0  }
0x1ee: {  	s4 =	ssub.s32 s4, s6  }
0x1ef: {  	p0 =	slt.s32 s4, $0x1  }
.Ltmp11:
0x1f0: {  	_ = 	snop;
	(pc) =	sbr.rel @p0 .LBB2_19-.Ltmp11, $3  }
0x1f1: {  	_ =	sdelay $0x1  }
0x1f2: {  	[tilespmem:s5+$0x4780] =	vst.msk vm0, v3  }
0x1f3: {  	[tilespmem:s5+$0x5080] =	vst.msk vm0, v4  }
0x1f4: {  	s5 =	simm.s32 $0x47A0  }
0x1f5: {  	v3 =	vld [tilespmem:s5+$0xFFFFFFE0];
	_ =	sdelay $0x4  }
0x1f6: {  	s6 =	simm.s32 $0x50A0;
	[tilespmem:$0x5980] =	vst v3  }
0x1f7: {  	v3 =	vld [tilespmem:s6+$0xFFFFFFE0];
	_ =	sdelay $0x4  }
0x1f8: {  	[tilespmem:$0x5A00] =	vst v3  }
0x1f9: {  	v3 =	vld [tilespmem:s5+$0xFFFFFFF0];
	_ =	sdelay $0x4  }
0x1fa: {  	[tilespmem:$0x5990] =	vst v3  }
0x1fb: {  	v3 =	vld [tilespmem:s6+$0xFFFFFFF0];
	_ =	sdelay $0x4  }
0x1fc: {  	[tilespmem:$0x5A10] =	vst v3  }
0x1fd: {  	v3 =	vld [tilespmem:s5+$0x0];
	_ =	sdelay $0x4  }
0x1fe: {  	[tilespmem:$0x59A0] =	vst v3  }
0x1ff: {  	v3 =	vld [tilespmem:s6+$0x0];
	_ =	sdelay $0x4  }
0x200: {  	[tilespmem:$0x5A20] =	vst v3  }
0x201: {  	v3 =	vld [tilespmem:s5+$0x10];
	_ =	sdelay $0x4  }
0x202: {  	[tilespmem:$0x59B0] =	vst v3  }
0x203: {  	v3 =	vld [tilespmem:s6+$0x10];
	_ =	sdelay $0x4  }
0x204: {  	[tilespmem:$0x5A30] =	vst v3  }
0x205: {  	[tilespmem:s17], [sflag:$0x4] =	stream.indirect.gather [hbm4b:s21+s25], $0x80, s28, s25, $0xb8;
	[tilespmem:$0xFE88] =	vst v63  }
0x206: {  	_ =	swait.ge [sflag:s29], $0x2000  }
0x207: {  	[sflag:s29] =	ssyncset.done $0x0  }
0x208: {  	[sflag:s29] =	ssyncadd.s32 $0xFFFFE000  }
0x209: {  	[spmem:s23] =	stream.indirect.scatter.add.f32 [tilespmem:s17], [sflag:$0x5], $0x80, s30, s25, $0xb8;
	[tilespmem:$0xFE88] =	vst v63  }
0x20a: {  	p0 =	sne.s32 s4, $0x1;
	_ =	swait.ge [sflag:s16], $0x2000  }
.Ltmp12:
0x20b: {  	[sflag:s16] =	ssyncset.done $0x0;
	(pc) =	sbr.rel @!p0 .LBB2_18-.Ltmp12, $4  }
0x20c: {  	[sflag:s16] =	ssyncadd.s32 $0xFFFFE000  }
0x20d: {  	[spmem:s26] =	stream.indirect.scatter.add.f32 [tilespmem:s15], [sflag:$0x5], $0x1, s30, s25, $0xb8;
	[tilespmem:$0xFE88] =	vst v63  }
0x20e: {  	_ =	swait.ge [sflag:s16], $0x40  }
0x20f: {  	s7 =	sadd.s32 $0xFFFFFFFF, s4;
	[sflag:s16] =	ssyncset.done $0x0  }
.LBB2_17:
0x210: {  	[sflag:s16] =	ssyncadd.s32 $0xFFFFFFC0;
	s6 =	sadd.s32 $0x40, s6;
	s5 =	sadd.s32 $0x40, s5  }
0x211: {  	p0 =	sne.s32 s7, $0x1;
	s7 =	sadd.s32 $0xFFFFFFFF, s7;
	v3 =	vld [tilespmem:s5+$0xFFFFFFE0];
	_ =	sdelay $0x4  }
0x212: {  	[tilespmem:$0x5980] =	vst v3  }
0x213: {  	v3 =	vld [tilespmem:s6+$0xFFFFFFE0];
	_ =	sdelay $0x4  }
0x214: {  	[tilespmem:$0x5A00] =	vst v3  }
0x215: {  	v3 =	vld [tilespmem:s5+$0xFFFFFFF0];
	_ =	sdelay $0x4  }
0x216: {  	[tilespmem:$0x5990] =	vst v3  }
0x217: {  	v3 =	vld [tilespmem:s6+$0xFFFFFFF0];
	_ =	sdelay $0x4  }
0x218: {  	[tilespmem:$0x5A10] =	vst v3  }
0x219: {  	v3 =	vld [tilespmem:s5+$0x0];
	_ =	sdelay $0x4  }
0x21a: {  	[tilespmem:$0x59A0] =	vst v3  }
0x21b: {  	v3 =	vld [tilespmem:s6+$0x0];
	_ =	sdelay $0x4  }
0x21c: {  	[tilespmem:$0x5A20] =	vst v3  }
0x21d: {  	v3 =	vld [tilespmem:s5+$0x10];
	_ =	sdelay $0x4  }
0x21e: {  	[tilespmem:$0x59B0] =	vst v3  }
0x21f: {  	v3 =	vld [tilespmem:s6+$0x10];
	_ =	sdelay $0x4  }
0x220: {  	[tilespmem:$0x5A30] =	vst v3  }
0x221: {  	[tilespmem:s17], [sflag:$0x4] =	stream.indirect.gather [hbm4b:s21+s25], $0x80, s28, s25, $0xb8;
	[tilespmem:$0xFE88] =	vst v63  }
0x222: {  	_ =	swait.ge [sflag:s29], $0x2000  }
0x223: {  	[sflag:s29] =	ssyncset.done $0x0  }
0x224: {  	[sflag:s29] =	ssyncadd.s32 $0xFFFFE000  }
0x225: {  	[spmem:s23] =	stream.indirect.scatter.add.f32 [tilespmem:s17], [sflag:$0x5], $0x80, s30, s25, $0xb8;
	[tilespmem:$0xFE88] =	vst v63  }
0x226: {  	_ =	swait.ge [sflag:s16], $0x2000  }
.Ltmp13:
0x227: {  	[sflag:s16] =	ssyncset.done $0x0;
	(pc) =	sbr.rel @p0 .LBB2_17-.Ltmp13, $4  }
0x228: {  	[sflag:s16] =	ssyncadd.s32 $0xFFFFE000  }
0x229: {  	[spmem:s26] =	stream.indirect.scatter.add.f32 [tilespmem:s15], [sflag:$0x5], $0x1, s30, s25, $0xb8;
	[tilespmem:$0xFE88] =	vst v63  }
0x22a: {  	_ =	swait.ge [sflag:s16], $0x40  }
0x22b: {  	[sflag:s16] =	ssyncset.done $0x0  }
.LBB2_18:
0x22c: {  	[sflag:s16] =	ssyncadd.s32 $0xFFFFFFC0  }
.LBB2_19:
0x22d: {  	s4 =	sshll.u32 s4, $0x6  }
0x22e: {  	v3 =	vld [tilespmem:s4+$0x4780]  }
0x22f: {  	v4 =	vld [tilespmem:s4+$0x5080];
	_ =	sdelay $0x3  }
0x230: {  	[tilespmem:$0x4780] =	vst v3  }
0x231: {  	[tilespmem:$0x5080] =	vst v4  }
0x232: {  	v3 =	vld [tilespmem:s4+$0x4790]  }
0x233: {  	v4 =	vld [tilespmem:s4+$0x5090];
	_ =	sdelay $0x3  }
0x234: {  	[tilespmem:$0x4790] =	vst v3  }
0x235: {  	[tilespmem:$0x5090] =	vst v4  }
0x236: {  	v3 =	vld [tilespmem:s4+$0x47A0]  }
0x237: {  	v4 =	vld [tilespmem:s4+$0x50A0];
	_ =	sdelay $0x3  }
0x238: {  	[tilespmem:$0x47A0] =	vst v3  }
0x239: {  	[tilespmem:$0x50A0] =	vst v4  }
0x23a: {  	v3 =	vld [tilespmem:s4+$0x47B0]  }
0x23b: {  	v4 =	vld [tilespmem:s4+$0x50B0];
	_ =	sdelay $0x3  }
0x23c: {  	[tilespmem:$0x47B0] =	vst v3  }
0x23d: {  	s5 =	simm.s32 $0x0;
	s6 =	rddreg [dreg:$0xd];
	[tilespmem:$0x50B0] =	vst v4  }
0x23e: {  	[tilespmem:s13], [sflag:$0x1] =	stream.linear.gather [hbm4b:s6+s5], $0x7D0, $0x38;
	[tilespmem:$0xFE88] =	vst v63  }
0x23f: {  	s7 =	rddreg [dreg:$0xe]  }
0x240: {  	[tilespmem:s14], [sflag:$0x1] =	stream.linear.gather [hbm4b:s7+s5], $0x7D0, $0x38;
	[tilespmem:$0xFE88] =	vst v63  }
0x241: {  	_ =	swait.ge [sflag:s31], $0x7D0  }
0x242: {  	[sflag:s31] =	ssyncset.done $0x0  }
0x243: {  	[sflag:s31] =	ssyncadd.s32 $0xFFFFF830  }
0x244: {  	_ =	swait.ge [sflag:s31], $0x7D0  }
0x245: {  	[sflag:s31] =	ssyncset.done $0x0  }
0x246: {  	s6 =	simm.s32 $0x0;
	[sflag:s31] =	ssyncadd.s32 $0xFFFFF830  }
0x247: {  	v3 =	vld [tilespmem:s6+$0x3F80];
	_ =	sdelay $0x4  }
0x248: {  	v4 =	vshrl.u32 v3, $0x3;
	_ =	sdelay $0x4  }
0x249: {  	v4 =	vld.idx.msk [tilespmem:v4+s1+$0x0], $0xffff;
	_ =	sdelay $0x4  }
0x24a: {  	v6 =	vld [tilespmem:s6+$0x3780];
	v5 =	vand.u32 $0x1, v4  }
0x24b: {  	vm0 =	vgt.s32 v4, $0xFFFFFFFF;
	vm1 =	veq.s32 v5, v0  }
0x24c: {  	v4 =	vshll.u32 v4, $0x2;
	vm0 =	vmand vm0, vm1  }
0x24d: {  	v3 =	vand.u32 $0x7, v3;
	v4 =	vand.u32 $0xFFFFFFF8, v4;
	v5 =	vsel vm0, $0x1, v1  }
0x24e: {  	s2 =	ssub.s32 s2, s4;
	v3 =	vor.u32 v3, v4;
	(xrf0) =	vadd.scan.msk.s32 $0xffff, v5  }
0x24f: {  	v3 =	vnsel vm0, $0x1000, v3;
	[tilespmem:s2+$0x4780] =	vst.msk vm0, v6  }
0x250: {  	s7 =	simm.s32 $0x10;
	[tilespmem:s2+$0x5080] =	vst.msk vm0, v3  }
0x251: {  	v3 =	vld [tilespmem:s7+$0x3F80];
	_ =	sdelay $0x2  }
0x252: {  	v4, _, _ =	vpop (xrf0)  }
0x253: {  	(v2sf) =	vpush v4, $0xF  }
0x254: {  	v4 =	vshrl.u32 v3, $0x3;
	_ =	sdelay $0x4  }
0x255: {  	v4 =	vld.idx.msk [tilespmem:v4+s1+$0x0], $0xffff;
	_ =	sdelay $0x4  }
0x256: {  	v3 =	vand.u32 $0x7, v3;
	v6 =	vshll.u32 v4, $0x2  }
0x257: {  	v5 =	vand.u32 $0x1, v4;
	vm0 =	vgt.s32 v4, $0xFFFFFFFF;
	v4 =	vand.u32 $0xFFFFFFF8, v6  }
0x258: {  	vm1 =	veq.s32 v5, v0;
	v4 =	vor.u32 v3, v4;
	v3 =	vld [tilespmem:s7+$0x3780]  }
0x259: {  	vm0 =	vmand vm0, vm1  }
0x25a: {  	s4 =	simm.s32 $0x80;
	v4 =	vnsel vm0, $0x1000, v4;
	v5 =	vsel vm0, $0x1, v1;
	s5 =	spop (v2sf)  }
.LBB2_20:
0x25b: {  	p0 =	sne.s32 s4, $0x1F00  }
0x25c: {  	(xrf0) =	vadd.scan.msk.s32 $0xffff, v5;
	s2 =	sadd.s32 s2, s5;
	s5 =	smov.u32 s4;
	s4 =	sadd.s32 $0x40, s4  }
0x25d: {  	[tilespmem:s2+$0x4780] =	vst.msk vm0, v3  }
0x25e: {  	s5 =	sshra.s32 s5, $0x2;
	[tilespmem:s2+$0x5080] =	vst.msk vm0, v4  }
0x25f: {  	v4 =	vld [tilespmem:s5+$0x3F80];
	_ =	sdelay $0x2  }
0x260: {  	v3, _, _ =	vpop (xrf0)  }
0x261: {  	(v2sf) =	vpush v3, $0xF  }
0x262: {  	v3 =	vshrl.u32 v4, $0x3;
	_ =	sdelay $0x4  }
0x263: {  	v5 =	vld.idx.msk [tilespmem:v3+s1+$0x0], $0xffff;
	_ =	sdelay $0x4  }
.Ltmp14:
0x264: {  	(pc) =	sbr.rel @p0 .LBB2_20-.Ltmp14, $4  }
0x265: {  	v4 =	vand.u32 $0x7, v4;
	v6 =	vand.u32 $0x1, v5;
	v7 =	vshll.u32 v5, $0x2;
	v3 =	vld [tilespmem:s5+$0x3780]  }
0x266: {  	vm0 =	vgt.s32 v5, $0xFFFFFFFF;
	vm1 =	veq.s32 v6, v0;
	v5 =	vand.u32 $0xFFFFFFF8, v7  }
0x267: {  	vm0 =	vmand vm0, vm1;
	v4 =	vor.u32 v4, v5  }
0x268: {  	v4 =	vnsel vm0, $0x1000, v4;
	v5 =	vsel vm0, $0x1, v1;
	s5 =	spop (v2sf)  }
0x269: {  	(xrf0) =	vadd.scan.msk.s32 $0xffff, v5;
	_ =	sdelay $0x5  }
0x26a: {  	v5, _, _ =	vpop (xrf0)  }
0x26b: {  	(v2sf) =	vpush v5, $0xF;
	_ =	sdelay $0xe  }
0x26c: {  	s5 =	sadd.s32 s2, s5;
	s6 =	spop (v2sf)  }
0x26d: {  	s2 =	sadd.s32 s5, s6  }
0x26e: {  	s4 =	sand.u32 $0x3F, s2  }
0x26f: {  	s6 =	sshra.s32 s2, $0x1F;
	p0 =	slt.s32 s2, $0x1;
	p1 =	sne.s32 s4, $0x0  }
0x270: {  	s7 =	sshrl.u32 s6, $0x1A;
	p0 =	por !p0, !p1  }
0x271: {  	s6 =	simm.s32 $0x1;
	s4 =	sadd.s32 s7, s2;
	p0 =	por !p0, !p0  }
0x272: {  	s4 =	sshra.s32 s4, $0x6;
	s6 =	simm.s32 @!p0 $0x0  }
0x273: {  	s4 =	ssub.s32 s4, s6  }
0x274: {  	p0 =	slt.s32 s4, $0x1  }
.Ltmp15:
0x275: {  	_ = 	snop;
	(pc) =	sbr.rel @p0 .LBB2_25-.Ltmp15, $3  }
0x276: {  	_ =	sdelay $0x1  }
0x277: {  	[tilespmem:s5+$0x4780] =	vst.msk vm0, v3  }
0x278: {  	[tilespmem:s5+$0x5080] =	vst.msk vm0, v4  }
0x279: {  	s5 =	simm.s32 $0x47A0  }
0x27a: {  	v3 =	vld [tilespmem:s5+$0xFFFFFFE0];
	_ =	sdelay $0x4  }
0x27b: {  	s6 =	simm.s32 $0x50A0;
	[tilespmem:$0x5980] =	vst v3  }
0x27c: {  	v3 =	vld [tilespmem:s6+$0xFFFFFFE0];
	_ =	sdelay $0x4  }
0x27d: {  	[tilespmem:$0x5A00] =	vst v3  }
0x27e: {  	v3 =	vld [tilespmem:s5+$0xFFFFFFF0];
	_ =	sdelay $0x4  }
0x27f: {  	[tilespmem:$0x5990] =	vst v3  }
0x280: {  	v3 =	vld [tilespmem:s6+$0xFFFFFFF0];
	_ =	sdelay $0x4  }
0x281: {  	[tilespmem:$0x5A10] =	vst v3  }
0x282: {  	v3 =	vld [tilespmem:s5+$0x0];
	_ =	sdelay $0x4  }
0x283: {  	[tilespmem:$0x59A0] =	vst v3  }
0x284: {  	v3 =	vld [tilespmem:s6+$0x0];
	_ =	sdelay $0x4  }
0x285: {  	[tilespmem:$0x5A20] =	vst v3  }
0x286: {  	v3 =	vld [tilespmem:s5+$0x10];
	_ =	sdelay $0x4  }
0x287: {  	[tilespmem:$0x59B0] =	vst v3  }
0x288: {  	v3 =	vld [tilespmem:s6+$0x10];
	_ =	sdelay $0x4  }
0x289: {  	[tilespmem:$0x5A30] =	vst v3  }
0x28a: {  	[tilespmem:s17], [sflag:$0x4] =	stream.indirect.gather [hbm4b:s21+s25], $0x80, s28, s25, $0xb8;
	[tilespmem:$0xFE88] =	vst v63  }
0x28b: {  	_ =	swait.ge [sflag:s29], $0x2000  }
0x28c: {  	[sflag:s29] =	ssyncset.done $0x0  }
0x28d: {  	[sflag:s29] =	ssyncadd.s32 $0xFFFFE000  }
0x28e: {  	[spmem:s23] =	stream.indirect.scatter.add.f32 [tilespmem:s17], [sflag:$0x5], $0x80, s30, s25, $0xb8;
	[tilespmem:$0xFE88] =	vst v63  }
0x28f: {  	p0 =	sne.s32 s4, $0x1;
	_ =	swait.ge [sflag:s16], $0x2000  }
.Ltmp16:
0x290: {  	[sflag:s16] =	ssyncset.done $0x0;
	(pc) =	sbr.rel @!p0 .LBB2_24-.Ltmp16, $4  }
0x291: {  	[sflag:s16] =	ssyncadd.s32 $0xFFFFE000  }
0x292: {  	[spmem:s26] =	stream.indirect.scatter.add.f32 [tilespmem:s15], [sflag:$0x5], $0x1, s30, s25, $0xb8;
	[tilespmem:$0xFE88] =	vst v63  }
0x293: {  	_ =	swait.ge [sflag:s16], $0x40  }
0x294: {  	s7 =	sadd.s32 $0xFFFFFFFF, s4;
	[sflag:s16] =	ssyncset.done $0x0  }
.LBB2_23:
0x295: {  	[sflag:s16] =	ssyncadd.s32 $0xFFFFFFC0;
	s6 =	sadd.s32 $0x40, s6;
	s5 =	sadd.s32 $0x40, s5  }
0x296: {  	p0 =	sne.s32 s7, $0x1;
	s7 =	sadd.s32 $0xFFFFFFFF, s7;
	v3 =	vld [tilespmem:s5+$0xFFFFFFE0];
	_ =	sdelay $0x4  }
0x297: {  	[tilespmem:$0x5980] =	vst v3  }
0x298: {  	v3 =	vld [tilespmem:s6+$0xFFFFFFE0];
	_ =	sdelay $0x4  }
0x299: {  	[tilespmem:$0x5A00] =	vst v3  }
0x29a: {  	v3 =	vld [tilespmem:s5+$0xFFFFFFF0];
	_ =	sdelay $0x4  }
0x29b: {  	[tilespmem:$0x5990] =	vst v3  }
0x29c: {  	v3 =	vld [tilespmem:s6+$0xFFFFFFF0];
	_ =	sdelay $0x4  }
0x29d: {  	[tilespmem:$0x5A10] =	vst v3  }
0x29e: {  	v3 =	vld [tilespmem:s5+$0x0];
	_ =	sdelay $0x4  }
0x29f: {  	[tilespmem:$0x59A0] =	vst v3  }
0x2a0: {  	v3 =	vld [tilespmem:s6+$0x0];
	_ =	sdelay $0x4  }
0x2a1: {  	[tilespmem:$0x5A20] =	vst v3  }
0x2a2: {  	v3 =	vld [tilespmem:s5+$0x10];
	_ =	sdelay $0x4  }
0x2a3: {  	[tilespmem:$0x59B0] =	vst v3  }
0x2a4: {  	v3 =	vld [tilespmem:s6+$0x10];
	_ =	sdelay $0x4  }
0x2a5: {  	[tilespmem:$0x5A30] =	vst v3  }
0x2a6: {  	[tilespmem:s17], [sflag:$0x4] =	stream.indirect.gather [hbm4b:s21+s25], $0x80, s28, s25, $0xb8;
	[tilespmem:$0xFE88] =	vst v63  }
0x2a7: {  	_ =	swait.ge [sflag:s29], $0x2000  }
0x2a8: {  	[sflag:s29] =	ssyncset.done $0x0  }
0x2a9: {  	[sflag:s29] =	ssyncadd.s32 $0xFFFFE000  }
0x2aa: {  	[spmem:s23] =	stream.indirect.scatter.add.f32 [tilespmem:s17], [sflag:$0x5], $0x80, s30, s25, $0xb8;
	[tilespmem:$0xFE88] =	vst v63  }
0x2ab: {  	_ =	swait.ge [sflag:s16], $0x2000  }
.Ltmp17:
0x2ac: {  	[sflag:s16] =	ssyncset.done $0x0;
	(pc) =	sbr.rel @p0 .LBB2_23-.Ltmp17, $4  }
0x2ad: {  	[sflag:s16] =	ssyncadd.s32 $0xFFFFE000  }
0x2ae: {  	[spmem:s26] =	stream.indirect.scatter.add.f32 [tilespmem:s15], [sflag:$0x5], $0x1, s30, s25, $0xb8;
	[tilespmem:$0xFE88] =	vst v63  }
0x2af: {  	_ =	swait.ge [sflag:s16], $0x40  }
0x2b0: {  	[sflag:s16] =	ssyncset.done $0x0  }
.LBB2_24:
0x2b1: {  	[sflag:s16] =	ssyncadd.s32 $0xFFFFFFC0  }
.LBB2_25:
0x2b2: {  	s4 =	sshll.u32 s4, $0x6  }
0x2b3: {  	v3 =	vld [tilespmem:s4+$0x4780]  }
0x2b4: {  	v4 =	vld [tilespmem:s4+$0x5080];
	_ =	sdelay $0x3  }
0x2b5: {  	[tilespmem:$0x4780] =	vst v3  }
0x2b6: {  	[tilespmem:$0x5080] =	vst v4  }
0x2b7: {  	v3 =	vld [tilespmem:s4+$0x4790]  }
0x2b8: {  	v4 =	vld [tilespmem:s4+$0x5090];
	_ =	sdelay $0x3  }
0x2b9: {  	[tilespmem:$0x4790] =	vst v3  }
0x2ba: {  	[tilespmem:$0x5090] =	vst v4  }
0x2bb: {  	v3 =	vld [tilespmem:s4+$0x47A0]  }
0x2bc: {  	v4 =	vld [tilespmem:s4+$0x50A0];
	_ =	sdelay $0x3  }
0x2bd: {  	[tilespmem:$0x47A0] =	vst v3  }
0x2be: {  	[tilespmem:$0x50A0] =	vst v4  }
0x2bf: {  	v3 =	vld [tilespmem:s4+$0x47B0]  }
0x2c0: {  	v4 =	vld [tilespmem:s4+$0x50B0];
	_ =	sdelay $0x3  }
0x2c1: {  	[tilespmem:$0x47B0] =	vst v3  }
0x2c2: {  	s5 =	simm.s32 $0x0;
	s6 =	rddreg [dreg:$0xf];
	[tilespmem:$0x50B0] =	vst v4  }
0x2c3: {  	[tilespmem:s20], [sflag:$0x2] =	stream.linear.gather [hbm4b:s6+s5], $0x7D0, $0x38;
	[tilespmem:$0xFE88] =	vst v63  }
0x2c4: {  	s7 =	rddreg [dreg:$0x10]  }
0x2c5: {  	[tilespmem:s22], [sflag:$0x2] =	stream.linear.gather [hbm4b:s7+s5], $0x7D0, $0x38;
	[tilespmem:$0xFE88] =	vst v63  }
0x2c6: {  	_ =	swait.ge [sflag:s18], $0x7D0  }
0x2c7: {  	[sflag:s18] =	ssyncset.done $0x0  }
0x2c8: {  	[sflag:s18] =	ssyncadd.s32 $0xFFFFF830  }
0x2c9: {  	_ =	swait.ge [sflag:s18], $0x7D0  }
0x2ca: {  	[sflag:s18] =	ssyncset.done $0x0  }
0x2cb: {  	s6 =	simm.s32 $0x0;
	[sflag:s18] =	ssyncadd.s32 $0xFFFFF830  }
0x2cc: {  	v3 =	vld [tilespmem:s6+$0x2F80];
	_ =	sdelay $0x4  }
0x2cd: {  	v4 =	vshrl.u32 v3, $0x3;
	_ =	sdelay $0x4  }
0x2ce: {  	v4 =	vld.idx.msk [tilespmem:v4+s1+$0x0], $0xffff;
	_ =	sdelay $0x4  }
0x2cf: {  	v6 =	vld [tilespmem:s6+$0x2780];
	v5 =	vand.u32 $0x1, v4  }
0x2d0: {  	vm0 =	vgt.s32 v4, $0xFFFFFFFF;
	vm1 =	veq.s32 v5, v0  }
0x2d1: {  	v4 =	vshll.u32 v4, $0x2;
	vm0 =	vmand vm0, vm1  }
0x2d2: {  	v3 =	vand.u32 $0x7, v3;
	v4 =	vand.u32 $0xFFFFFFF8, v4;
	v5 =	vsel vm0, $0x1, v1  }
0x2d3: {  	s2 =	ssub.s32 s2, s4;
	v3 =	vor.u32 v3, v4;
	(xrf0) =	vadd.scan.msk.s32 $0xffff, v5  }
0x2d4: {  	v3 =	vnsel vm0, $0x1000, v3;
	[tilespmem:s2+$0x4780] =	vst.msk vm0, v6  }
0x2d5: {  	s7 =	simm.s32 $0x10;
	[tilespmem:s2+$0x5080] =	vst.msk vm0, v3  }
0x2d6: {  	v3 =	vld [tilespmem:s7+$0x2F80];
	_ =	sdelay $0x2  }
0x2d7: {  	v4, _, _ =	vpop (xrf0)  }
0x2d8: {  	(v2sf) =	vpush v4, $0xF  }
0x2d9: {  	v4 =	vshrl.u32 v3, $0x3;
	_ =	sdelay $0x4  }
0x2da: {  	v4 =	vld.idx.msk [tilespmem:v4+s1+$0x0], $0xffff;
	_ =	sdelay $0x4  }
0x2db: {  	v3 =	vand.u32 $0x7, v3;
	v6 =	vshll.u32 v4, $0x2  }
0x2dc: {  	v5 =	vand.u32 $0x1, v4;
	vm0 =	vgt.s32 v4, $0xFFFFFFFF;
	v4 =	vand.u32 $0xFFFFFFF8, v6  }
0x2dd: {  	vm1 =	veq.s32 v5, v0;
	v4 =	vor.u32 v3, v4;
	v3 =	vld [tilespmem:s7+$0x2780]  }
0x2de: {  	vm0 =	vmand vm0, vm1  }
0x2df: {  	s4 =	simm.s32 $0x80;
	v4 =	vnsel vm0, $0x1000, v4;
	v5 =	vsel vm0, $0x1, v1;
	s5 =	spop (v2sf)  }
.LBB2_26:
0x2e0: {  	p0 =	sne.s32 s4, $0x1F00  }
0x2e1: {  	(xrf0) =	vadd.scan.msk.s32 $0xffff, v5;
	s2 =	sadd.s32 s2, s5;
	s5 =	smov.u32 s4;
	s4 =	sadd.s32 $0x40, s4  }
0x2e2: {  	[tilespmem:s2+$0x4780] =	vst.msk vm0, v3  }
0x2e3: {  	s5 =	sshra.s32 s5, $0x2;
	[tilespmem:s2+$0x5080] =	vst.msk vm0, v4  }
0x2e4: {  	v4 =	vld [tilespmem:s5+$0x2F80];
	_ =	sdelay $0x2  }
0x2e5: {  	v3, _, _ =	vpop (xrf0)  }
0x2e6: {  	(v2sf) =	vpush v3, $0xF  }
0x2e7: {  	v3 =	vshrl.u32 v4, $0x3;
	_ =	sdelay $0x4  }
0x2e8: {  	v5 =	vld.idx.msk [tilespmem:v3+s1+$0x0], $0xffff;
	_ =	sdelay $0x4  }
.Ltmp18:
0x2e9: {  	(pc) =	sbr.rel @p0 .LBB2_26-.Ltmp18, $4  }
0x2ea: {  	v4 =	vand.u32 $0x7, v4;
	v6 =	vand.u32 $0x1, v5;
	v7 =	vshll.u32 v5, $0x2;
	v3 =	vld [tilespmem:s5+$0x2780]  }
0x2eb: {  	vm0 =	vgt.s32 v5, $0xFFFFFFFF;
	vm1 =	veq.s32 v6, v0;
	v5 =	vand.u32 $0xFFFFFFF8, v7  }
0x2ec: {  	vm0 =	vmand vm0, vm1;
	v4 =	vor.u32 v4, v5  }
0x2ed: {  	v4 =	vnsel vm0, $0x1000, v4;
	v5 =	vsel vm0, $0x1, v1;
	s5 =	spop (v2sf)  }
0x2ee: {  	(xrf0) =	vadd.scan.msk.s32 $0xffff, v5;
	_ =	sdelay $0x5  }
0x2ef: {  	v5, _, _ =	vpop (xrf0)  }
0x2f0: {  	(v2sf) =	vpush v5, $0xF;
	_ =	sdelay $0xe  }
0x2f1: {  	s5 =	sadd.s32 s2, s5;
	s6 =	spop (v2sf)  }
0x2f2: {  	s2 =	sadd.s32 s5, s6  }
0x2f3: {  	s4 =	sand.u32 $0x3F, s2  }
0x2f4: {  	s6 =	sshra.s32 s2, $0x1F;
	p0 =	slt.s32 s2, $0x1;
	p1 =	sne.s32 s4, $0x0  }
0x2f5: {  	s7 =	sshrl.u32 s6, $0x1A;
	p0 =	por !p0, !p1  }
0x2f6: {  	s6 =	simm.s32 $0x1;
	s4 =	sadd.s32 s7, s2;
	p0 =	por !p0, !p0  }
0x2f7: {  	s4 =	sshra.s32 s4, $0x6;
	s6 =	simm.s32 @!p0 $0x0  }
0x2f8: {  	s4 =	ssub.s32 s4, s6  }
0x2f9: {  	p0 =	slt.s32 s4, $0x1  }
.Ltmp19:
0x2fa: {  	_ = 	snop;
	(pc) =	sbr.rel @p0 .LBB2_31-.Ltmp19, $3  }
0x2fb: {  	_ =	sdelay $0x1  }
0x2fc: {  	[tilespmem:s5+$0x4780] =	vst.msk vm0, v3  }
0x2fd: {  	[tilespmem:s5+$0x5080] =	vst.msk vm0, v4  }
0x2fe: {  	s5 =	simm.s32 $0x47A0  }
0x2ff: {  	v3 =	vld [tilespmem:s5+$0xFFFFFFE0];
	_ =	sdelay $0x4  }
0x300: {  	s6 =	simm.s32 $0x50A0;
	[tilespmem:$0x5980] =	vst v3  }
0x301: {  	v3 =	vld [tilespmem:s6+$0xFFFFFFE0];
	_ =	sdelay $0x4  }
0x302: {  	[tilespmem:$0x5A00] =	vst v3  }
0x303: {  	v3 =	vld [tilespmem:s5+$0xFFFFFFF0];
	_ =	sdelay $0x4  }
0x304: {  	[tilespmem:$0x5990] =	vst v3  }
0x305: {  	v3 =	vld [tilespmem:s6+$0xFFFFFFF0];
	_ =	sdelay $0x4  }
0x306: {  	[tilespmem:$0x5A10] =	vst v3  }
0x307: {  	v3 =	vld [tilespmem:s5+$0x0];
	_ =	sdelay $0x4  }
0x308: {  	[tilespmem:$0x59A0] =	vst v3  }
0x309: {  	v3 =	vld [tilespmem:s6+$0x0];
	_ =	sdelay $0x4  }
0x30a: {  	[tilespmem:$0x5A20] =	vst v3  }
0x30b: {  	v3 =	vld [tilespmem:s5+$0x10];
	_ =	sdelay $0x4  }
0x30c: {  	[tilespmem:$0x59B0] =	vst v3  }
0x30d: {  	v3 =	vld [tilespmem:s6+$0x10];
	_ =	sdelay $0x4  }
0x30e: {  	[tilespmem:$0x5A30] =	vst v3  }
0x30f: {  	[tilespmem:s17], [sflag:$0x4] =	stream.indirect.gather [hbm4b:s21+s25], $0x80, s28, s25, $0xb8;
	[tilespmem:$0xFE88] =	vst v63  }
0x310: {  	_ =	swait.ge [sflag:s29], $0x2000  }
0x311: {  	[sflag:s29] =	ssyncset.done $0x0  }
0x312: {  	[sflag:s29] =	ssyncadd.s32 $0xFFFFE000  }
0x313: {  	[spmem:s23] =	stream.indirect.scatter.add.f32 [tilespmem:s17], [sflag:$0x5], $0x80, s30, s25, $0xb8;
	[tilespmem:$0xFE88] =	vst v63  }
0x314: {  	p0 =	sne.s32 s4, $0x1;
	_ =	swait.ge [sflag:s16], $0x2000  }
.Ltmp20:
0x315: {  	[sflag:s16] =	ssyncset.done $0x0;
	(pc) =	sbr.rel @!p0 .LBB2_30-.Ltmp20, $4  }
0x316: {  	[sflag:s16] =	ssyncadd.s32 $0xFFFFE000  }
0x317: {  	[spmem:s26] =	stream.indirect.scatter.add.f32 [tilespmem:s15], [sflag:$0x5], $0x1, s30, s25, $0xb8;
	[tilespmem:$0xFE88] =	vst v63  }
0x318: {  	_ =	swait.ge [sflag:s16], $0x40  }
0x319: {  	s7 =	sadd.s32 $0xFFFFFFFF, s4;
	[sflag:s16] =	ssyncset.done $0x0  }
.LBB2_29:
0x31a: {  	[sflag:s16] =	ssyncadd.s32 $0xFFFFFFC0;
	s6 =	sadd.s32 $0x40, s6;
	s5 =	sadd.s32 $0x40, s5  }
0x31b: {  	p0 =	sne.s32 s7, $0x1;
	s7 =	sadd.s32 $0xFFFFFFFF, s7;
	v3 =	vld [tilespmem:s5+$0xFFFFFFE0];
	_ =	sdelay $0x4  }
0x31c: {  	[tilespmem:$0x5980] =	vst v3  }
0x31d: {  	v3 =	vld [tilespmem:s6+$0xFFFFFFE0];
	_ =	sdelay $0x4  }
0x31e: {  	[tilespmem:$0x5A00] =	vst v3  }
0x31f: {  	v3 =	vld [tilespmem:s5+$0xFFFFFFF0];
	_ =	sdelay $0x4  }
0x320: {  	[tilespmem:$0x5990] =	vst v3  }
0x321: {  	v3 =	vld [tilespmem:s6+$0xFFFFFFF0];
	_ =	sdelay $0x4  }
0x322: {  	[tilespmem:$0x5A10] =	vst v3  }
0x323: {  	v3 =	vld [tilespmem:s5+$0x0];
	_ =	sdelay $0x4  }
0x324: {  	[tilespmem:$0x59A0] =	vst v3  }
0x325: {  	v3 =	vld [tilespmem:s6+$0x0];
	_ =	sdelay $0x4  }
0x326: {  	[tilespmem:$0x5A20] =	vst v3  }
0x327: {  	v3 =	vld [tilespmem:s5+$0x10];
	_ =	sdelay $0x4  }
0x328: {  	[tilespmem:$0x59B0] =	vst v3  }
0x329: {  	v3 =	vld [tilespmem:s6+$0x10];
	_ =	sdelay $0x4  }
0x32a: {  	[tilespmem:$0x5A30] =	vst v3  }
0x32b: {  	[tilespmem:s17], [sflag:$0x4] =	stream.indirect.gather [hbm4b:s21+s25], $0x80, s28, s25, $0xb8;
	[tilespmem:$0xFE88] =	vst v63  }
0x32c: {  	_ =	swait.ge [sflag:s29], $0x2000  }
0x32d: {  	[sflag:s29] =	ssyncset.done $0x0  }
0x32e: {  	[sflag:s29] =	ssyncadd.s32 $0xFFFFE000  }
0x32f: {  	[spmem:s23] =	stream.indirect.scatter.add.f32 [tilespmem:s17], [sflag:$0x5], $0x80, s30, s25, $0xb8;
	[tilespmem:$0xFE88] =	vst v63  }
0x330: {  	_ =	swait.ge [sflag:s16], $0x2000  }
.Ltmp21:
0x331: {  	[sflag:s16] =	ssyncset.done $0x0;
	(pc) =	sbr.rel @p0 .LBB2_29-.Ltmp21, $4  }
0x332: {  	[sflag:s16] =	ssyncadd.s32 $0xFFFFE000  }
0x333: {  	[spmem:s26] =	stream.indirect.scatter.add.f32 [tilespmem:s15], [sflag:$0x5], $0x1, s30, s25, $0xb8;
	[tilespmem:$0xFE88] =	vst v63  }
0x334: {  	_ =	swait.ge [sflag:s16], $0x40  }
0x335: {  	[sflag:s16] =	ssyncset.done $0x0  }
.LBB2_30:
0x336: {  	[sflag:s16] =	ssyncadd.s32 $0xFFFFFFC0  }
.LBB2_31:
0x337: {  	s4 =	sshll.u32 s4, $0x6  }
0x338: {  	v3 =	vld [tilespmem:s4+$0x4780]  }
0x339: {  	v4 =	vld [tilespmem:s4+$0x5080];
	_ =	sdelay $0x3  }
0x33a: {  	[tilespmem:$0x4780] =	vst v3  }
0x33b: {  	[tilespmem:$0x5080] =	vst v4  }
0x33c: {  	v3 =	vld [tilespmem:s4+$0x4790]  }
0x33d: {  	v4 =	vld [tilespmem:s4+$0x5090];
	_ =	sdelay $0x3  }
0x33e: {  	[tilespmem:$0x4790] =	vst v3  }
0x33f: {  	[tilespmem:$0x5090] =	vst v4  }
0x340: {  	v3 =	vld [tilespmem:s4+$0x47A0]  }
0x341: {  	v4 =	vld [tilespmem:s4+$0x50A0];
	_ =	sdelay $0x3  }
0x342: {  	[tilespmem:$0x47A0] =	vst v3  }
0x343: {  	[tilespmem:$0x50A0] =	vst v4  }
0x344: {  	v3 =	vld [tilespmem:s4+$0x47B0]  }
0x345: {  	v4 =	vld [tilespmem:s4+$0x50B0];
	_ =	sdelay $0x3  }
0x346: {  	[tilespmem:$0x47B0] =	vst v3  }
0x347: {  	s5 =	simm.s32 $0x0;
	s6 =	rddreg [dreg:$0x11];
	[tilespmem:$0x50B0] =	vst v4  }
0x348: {  	[tilespmem:s13], [sflag:$0x1] =	stream.linear.gather [hbm4b:s6+s5], $0x7D0, $0x38;
	[tilespmem:$0xFE88] =	vst v63  }
0x349: {  	s7 =	rddreg [dreg:$0x12]  }
0x34a: {  	[tilespmem:s14], [sflag:$0x1] =	stream.linear.gather [hbm4b:s7+s5], $0x7D0, $0x38;
	[tilespmem:$0xFE88] =	vst v63  }
0x34b: {  	_ =	swait.ge [sflag:s31], $0x7D0  }
0x34c: {  	[sflag:s31] =	ssyncset.done $0x0  }
0x34d: {  	[sflag:s31] =	ssyncadd.s32 $0xFFFFF830  }
0x34e: {  	_ =	swait.ge [sflag:s31], $0x7D0  }
0x34f: {  	[sflag:s31] =	ssyncset.done $0x0  }
0x350: {  	s6 =	simm.s32 $0x0;
	[sflag:s31] =	ssyncadd.s32 $0xFFFFF830  }
0x351: {  	v3 =	vld [tilespmem:s6+$0x3F80];
	_ =	sdelay $0x4  }
0x352: {  	v4 =	vshrl.u32 v3, $0x3;
	_ =	sdelay $0x4  }
0x353: {  	v4 =	vld.idx.msk [tilespmem:v4+s1+$0x0], $0xffff;
	_ =	sdelay $0x4  }
0x354: {  	v6 =	vld [tilespmem:s6+$0x3780];
	v5 =	vand.u32 $0x1, v4  }
0x355: {  	vm0 =	vgt.s32 v4, $0xFFFFFFFF;
	vm1 =	veq.s32 v5, v0  }
0x356: {  	v4 =	vshll.u32 v4, $0x2;
	vm0 =	vmand vm0, vm1  }
0x357: {  	v3 =	vand.u32 $0x7, v3;
	v4 =	vand.u32 $0xFFFFFFF8, v4;
	v5 =	vsel vm0, $0x1, v1  }
0x358: {  	s2 =	ssub.s32 s2, s4;
	v3 =	vor.u32 v3, v4;
	(xrf0) =	vadd.scan.msk.s32 $0xffff, v5  }
0x359: {  	v3 =	vnsel vm0, $0x1000, v3;
	[tilespmem:s2+$0x4780] =	vst.msk vm0, v6  }
0x35a: {  	s7 =	simm.s32 $0x10;
	[tilespmem:s2+$0x5080] =	vst.msk vm0, v3  }
0x35b: {  	v3 =	vld [tilespmem:s7+$0x3F80];
	_ =	sdelay $0x2  }
0x35c: {  	v4, _, _ =	vpop (xrf0)  }
0x35d: {  	(v2sf) =	vpush v4, $0xF  }
0x35e: {  	v4 =	vshrl.u32 v3, $0x3;
	_ =	sdelay $0x4  }
0x35f: {  	v4 =	vld.idx.msk [tilespmem:v4+s1+$0x0], $0xffff;
	_ =	sdelay $0x4  }
0x360: {  	v3 =	vand.u32 $0x7, v3;
	v6 =	vshll.u32 v4, $0x2  }
0x361: {  	v5 =	vand.u32 $0x1, v4;
	vm0 =	vgt.s32 v4, $0xFFFFFFFF;
	v4 =	vand.u32 $0xFFFFFFF8, v6  }
0x362: {  	vm1 =	veq.s32 v5, v0;
	v4 =	vor.u32 v3, v4;
	v3 =	vld [tilespmem:s7+$0x3780]  }
0x363: {  	vm0 =	vmand vm0, vm1  }
0x364: {  	s4 =	simm.s32 $0x80;
	v4 =	vnsel vm0, $0x1000, v4;
	v5 =	vsel vm0, $0x1, v1;
	s5 =	spop (v2sf)  }
.LBB2_32:
0x365: {  	p0 =	sne.s32 s4, $0x1F00  }
0x366: {  	(xrf0) =	vadd.scan.msk.s32 $0xffff, v5;
	s2 =	sadd.s32 s2, s5;
	s5 =	smov.u32 s4;
	s4 =	sadd.s32 $0x40, s4  }
0x367: {  	[tilespmem:s2+$0x4780] =	vst.msk vm0, v3  }
0x368: {  	s5 =	sshra.s32 s5, $0x2;
	[tilespmem:s2+$0x5080] =	vst.msk vm0, v4  }
0x369: {  	v4 =	vld [tilespmem:s5+$0x3F80];
	_ =	sdelay $0x2  }
0x36a: {  	v3, _, _ =	vpop (xrf0)  }
0x36b: {  	(v2sf) =	vpush v3, $0xF  }
0x36c: {  	v3 =	vshrl.u32 v4, $0x3;
	_ =	sdelay $0x4  }
0x36d: {  	v5 =	vld.idx.msk [tilespmem:v3+s1+$0x0], $0xffff;
	_ =	sdelay $0x4  }
.Ltmp22:
0x36e: {  	(pc) =	sbr.rel @p0 .LBB2_32-.Ltmp22, $4  }
0x36f: {  	v4 =	vand.u32 $0x7, v4;
	v6 =	vand.u32 $0x1, v5;
	v7 =	vshll.u32 v5, $0x2;
	v3 =	vld [tilespmem:s5+$0x3780]  }
0x370: {  	vm0 =	vgt.s32 v5, $0xFFFFFFFF;
	vm1 =	veq.s32 v6, v0;
	v5 =	vand.u32 $0xFFFFFFF8, v7  }
0x371: {  	vm0 =	vmand vm0, vm1;
	v4 =	vor.u32 v4, v5  }
0x372: {  	v4 =	vnsel vm0, $0x1000, v4;
	v5 =	vsel vm0, $0x1, v1;
	s5 =	spop (v2sf)  }
0x373: {  	(xrf0) =	vadd.scan.msk.s32 $0xffff, v5;
	_ =	sdelay $0x5  }
0x374: {  	v5, _, _ =	vpop (xrf0)  }
0x375: {  	(v2sf) =	vpush v5, $0xF;
	_ =	sdelay $0xe  }
0x376: {  	s5 =	sadd.s32 s2, s5;
	s6 =	spop (v2sf)  }
0x377: {  	s2 =	sadd.s32 s5, s6  }
0x378: {  	s4 =	sand.u32 $0x3F, s2  }
0x379: {  	s6 =	sshra.s32 s2, $0x1F;
	p0 =	slt.s32 s2, $0x1;
	p1 =	sne.s32 s4, $0x0  }
0x37a: {  	s7 =	sshrl.u32 s6, $0x1A;
	p0 =	por !p0, !p1  }
0x37b: {  	s6 =	simm.s32 $0x1;
	s4 =	sadd.s32 s7, s2;
	p0 =	por !p0, !p0  }
0x37c: {  	s4 =	sshra.s32 s4, $0x6;
	s6 =	simm.s32 @!p0 $0x0  }
0x37d: {  	s4 =	ssub.s32 s4, s6  }
0x37e: {  	p0 =	slt.s32 s4, $0x1  }
.Ltmp23:
0x37f: {  	_ = 	snop;
	(pc) =	sbr.rel @p0 .LBB2_37-.Ltmp23, $3  }
0x380: {  	_ =	sdelay $0x1  }
0x381: {  	[tilespmem:s5+$0x4780] =	vst.msk vm0, v3  }
0x382: {  	[tilespmem:s5+$0x5080] =	vst.msk vm0, v4  }
0x383: {  	s5 =	simm.s32 $0x47A0  }
0x384: {  	v3 =	vld [tilespmem:s5+$0xFFFFFFE0];
	_ =	sdelay $0x4  }
0x385: {  	s6 =	simm.s32 $0x50A0;
	[tilespmem:$0x5980] =	vst v3  }
0x386: {  	v3 =	vld [tilespmem:s6+$0xFFFFFFE0];
	_ =	sdelay $0x4  }
0x387: {  	[tilespmem:$0x5A00] =	vst v3  }
0x388: {  	v3 =	vld [tilespmem:s5+$0xFFFFFFF0];
	_ =	sdelay $0x4  }
0x389: {  	[tilespmem:$0x5990] =	vst v3  }
0x38a: {  	v3 =	vld [tilespmem:s6+$0xFFFFFFF0];
	_ =	sdelay $0x4  }
0x38b: {  	[tilespmem:$0x5A10] =	vst v3  }
0x38c: {  	v3 =	vld [tilespmem:s5+$0x0];
	_ =	sdelay $0x4  }
0x38d: {  	[tilespmem:$0x59A0] =	vst v3  }
0x38e: {  	v3 =	vld [tilespmem:s6+$0x0];
	_ =	sdelay $0x4  }
0x38f: {  	[tilespmem:$0x5A20] =	vst v3  }
0x390: {  	v3 =	vld [tilespmem:s5+$0x10];
	_ =	sdelay $0x4  }
0x391: {  	[tilespmem:$0x59B0] =	vst v3  }
0x392: {  	v3 =	vld [tilespmem:s6+$0x10];
	_ =	sdelay $0x4  }
0x393: {  	[tilespmem:$0x5A30] =	vst v3  }
0x394: {  	[tilespmem:s17], [sflag:$0x4] =	stream.indirect.gather [hbm4b:s21+s25], $0x80, s28, s25, $0xb8;
	[tilespmem:$0xFE88] =	vst v63  }
0x395: {  	_ =	swait.ge [sflag:s29], $0x2000  }
0x396: {  	[sflag:s29] =	ssyncset.done $0x0  }
0x397: {  	[sflag:s29] =	ssyncadd.s32 $0xFFFFE000  }
0x398: {  	[spmem:s23] =	stream.indirect.scatter.add.f32 [tilespmem:s17], [sflag:$0x5], $0x80, s30, s25, $0xb8;
	[tilespmem:$0xFE88] =	vst v63  }
0x399: {  	p0 =	sne.s32 s4, $0x1;
	_ =	swait.ge [sflag:s16], $0x2000  }
.Ltmp24:
0x39a: {  	[sflag:s16] =	ssyncset.done $0x0;
	(pc) =	sbr.rel @!p0 .LBB2_36-.Ltmp24, $4  }
0x39b: {  	[sflag:s16] =	ssyncadd.s32 $0xFFFFE000  }
0x39c: {  	[spmem:s26] =	stream.indirect.scatter.add.f32 [tilespmem:s15], [sflag:$0x5], $0x1, s30, s25, $0xb8;
	[tilespmem:$0xFE88] =	vst v63  }
0x39d: {  	_ =	swait.ge [sflag:s16], $0x40  }
0x39e: {  	s7 =	sadd.s32 $0xFFFFFFFF, s4;
	[sflag:s16] =	ssyncset.done $0x0  }
.LBB2_35:
0x39f: {  	[sflag:s16] =	ssyncadd.s32 $0xFFFFFFC0;
	s6 =	sadd.s32 $0x40, s6;
	s5 =	sadd.s32 $0x40, s5  }
0x3a0: {  	p0 =	sne.s32 s7, $0x1;
	s7 =	sadd.s32 $0xFFFFFFFF, s7;
	v3 =	vld [tilespmem:s5+$0xFFFFFFE0];
	_ =	sdelay $0x4  }
0x3a1: {  	[tilespmem:$0x5980] =	vst v3  }
0x3a2: {  	v3 =	vld [tilespmem:s6+$0xFFFFFFE0];
	_ =	sdelay $0x4  }
0x3a3: {  	[tilespmem:$0x5A00] =	vst v3  }
0x3a4: {  	v3 =	vld [tilespmem:s5+$0xFFFFFFF0];
	_ =	sdelay $0x4  }
0x3a5: {  	[tilespmem:$0x5990] =	vst v3  }
0x3a6: {  	v3 =	vld [tilespmem:s6+$0xFFFFFFF0];
	_ =	sdelay $0x4  }
0x3a7: {  	[tilespmem:$0x5A10] =	vst v3  }
0x3a8: {  	v3 =	vld [tilespmem:s5+$0x0];
	_ =	sdelay $0x4  }
0x3a9: {  	[tilespmem:$0x59A0] =	vst v3  }
0x3aa: {  	v3 =	vld [tilespmem:s6+$0x0];
	_ =	sdelay $0x4  }
0x3ab: {  	[tilespmem:$0x5A20] =	vst v3  }
0x3ac: {  	v3 =	vld [tilespmem:s5+$0x10];
	_ =	sdelay $0x4  }
0x3ad: {  	[tilespmem:$0x59B0] =	vst v3  }
0x3ae: {  	v3 =	vld [tilespmem:s6+$0x10];
	_ =	sdelay $0x4  }
0x3af: {  	[tilespmem:$0x5A30] =	vst v3  }
0x3b0: {  	[tilespmem:s17], [sflag:$0x4] =	stream.indirect.gather [hbm4b:s21+s25], $0x80, s28, s25, $0xb8;
	[tilespmem:$0xFE88] =	vst v63  }
0x3b1: {  	_ =	swait.ge [sflag:s29], $0x2000  }
0x3b2: {  	[sflag:s29] =	ssyncset.done $0x0  }
0x3b3: {  	[sflag:s29] =	ssyncadd.s32 $0xFFFFE000  }
0x3b4: {  	[spmem:s23] =	stream.indirect.scatter.add.f32 [tilespmem:s17], [sflag:$0x5], $0x80, s30, s25, $0xb8;
	[tilespmem:$0xFE88] =	vst v63  }
0x3b5: {  	_ =	swait.ge [sflag:s16], $0x2000  }
.Ltmp25:
0x3b6: {  	[sflag:s16] =	ssyncset.done $0x0;
	(pc) =	sbr.rel @p0 .LBB2_35-.Ltmp25, $4  }
0x3b7: {  	[sflag:s16] =	ssyncadd.s32 $0xFFFFE000  }
0x3b8: {  	[spmem:s26] =	stream.indirect.scatter.add.f32 [tilespmem:s15], [sflag:$0x5], $0x1, s30, s25, $0xb8;
	[tilespmem:$0xFE88] =	vst v63  }
0x3b9: {  	_ =	swait.ge [sflag:s16], $0x40  }
0x3ba: {  	[sflag:s16] =	ssyncset.done $0x0  }
.LBB2_36:
0x3bb: {  	[sflag:s16] =	ssyncadd.s32 $0xFFFFFFC0  }
.LBB2_37:
0x3bc: {  	s4 =	sshll.u32 s4, $0x6  }
0x3bd: {  	v3 =	vld [tilespmem:s4+$0x4780]  }
0x3be: {  	v4 =	vld [tilespmem:s4+$0x5080];
	_ =	sdelay $0x3  }
0x3bf: {  	[tilespmem:$0x4780] =	vst v3  }
0x3c0: {  	[tilespmem:$0x5080] =	vst v4  }
0x3c1: {  	v3 =	vld [tilespmem:s4+$0x4790]  }
0x3c2: {  	v4 =	vld [tilespmem:s4+$0x5090];
	_ =	sdelay $0x3  }
0x3c3: {  	[tilespmem:$0x4790] =	vst v3  }
0x3c4: {  	[tilespmem:$0x5090] =	vst v4  }
0x3c5: {  	v3 =	vld [tilespmem:s4+$0x47A0]  }
0x3c6: {  	v4 =	vld [tilespmem:s4+$0x50A0];
	_ =	sdelay $0x3  }
0x3c7: {  	[tilespmem:$0x47A0] =	vst v3  }
0x3c8: {  	[tilespmem:$0x50A0] =	vst v4  }
0x3c9: {  	v3 =	vld [tilespmem:s4+$0x47B0]  }
0x3ca: {  	v4 =	vld [tilespmem:s4+$0x50B0];
	_ =	sdelay $0x3  }
0x3cb: {  	[tilespmem:$0x47B0] =	vst v3  }
0x3cc: {  	s5 =	simm.s32 $0x0;
	s6 =	rddreg [dreg:$0x13];
	[tilespmem:$0x50B0] =	vst v4  }
0x3cd: {  	[tilespmem:s20], [sflag:$0x2] =	stream.linear.gather [hbm4b:s6+s5], $0x7D0, $0x38;
	[tilespmem:$0xFE88] =	vst v63  }
0x3ce: {  	s7 =	rddreg [dreg:$0x14]  }
0x3cf: {  	[tilespmem:s22], [sflag:$0x2] =	stream.linear.gather [hbm4b:s7+s5], $0x7D0, $0x38;
	[tilespmem:$0xFE88] =	vst v63  }
0x3d0: {  	_ =	swait.ge [sflag:s18], $0x7D0  }
0x3d1: {  	[sflag:s18] =	ssyncset.done $0x0  }
0x3d2: {  	[sflag:s18] =	ssyncadd.s32 $0xFFFFF830  }
0x3d3: {  	_ =	swait.ge [sflag:s18], $0x7D0  }
0x3d4: {  	[sflag:s18] =	ssyncset.done $0x0  }
0x3d5: {  	s6 =	simm.s32 $0x0;
	[sflag:s18] =	ssyncadd.s32 $0xFFFFF830  }
0x3d6: {  	v3 =	vld [tilespmem:s6+$0x2F80];
	_ =	sdelay $0x4  }
0x3d7: {  	v4 =	vshrl.u32 v3, $0x3;
	_ =	sdelay $0x4  }
0x3d8: {  	v4 =	vld.idx.msk [tilespmem:v4+s1+$0x0], $0xffff;
	_ =	sdelay $0x4  }
0x3d9: {  	v6 =	vld [tilespmem:s6+$0x2780];
	v5 =	vand.u32 $0x1, v4  }
0x3da: {  	vm0 =	vgt.s32 v4, $0xFFFFFFFF;
	vm1 =	veq.s32 v5, v0  }
0x3db: {  	v4 =	vshll.u32 v4, $0x2;
	vm0 =	vmand vm0, vm1  }
0x3dc: {  	v3 =	vand.u32 $0x7, v3;
	v4 =	vand.u32 $0xFFFFFFF8, v4;
	v5 =	vsel vm0, $0x1, v1  }
0x3dd: {  	s2 =	ssub.s32 s2, s4;
	v3 =	vor.u32 v3, v4;
	(xrf0) =	vadd.scan.msk.s32 $0xffff, v5  }
0x3de: {  	v3 =	vnsel vm0, $0x1000, v3;
	[tilespmem:s2+$0x4780] =	vst.msk vm0, v6  }
0x3df: {  	s7 =	simm.s32 $0x10;
	[tilespmem:s2+$0x5080] =	vst.msk vm0, v3  }
0x3e0: {  	v3 =	vld [tilespmem:s7+$0x2F80];
	_ =	sdelay $0x2  }
0x3e1: {  	v4, _, _ =	vpop (xrf0)  }
0x3e2: {  	(v2sf) =	vpush v4, $0xF  }
0x3e3: {  	v4 =	vshrl.u32 v3, $0x3;
	_ =	sdelay $0x4  }
0x3e4: {  	v4 =	vld.idx.msk [tilespmem:v4+s1+$0x0], $0xffff;
	_ =	sdelay $0x4  }
0x3e5: {  	v3 =	vand.u32 $0x7, v3;
	v6 =	vshll.u32 v4, $0x2  }
0x3e6: {  	v5 =	vand.u32 $0x1, v4;
	vm0 =	vgt.s32 v4, $0xFFFFFFFF;
	v4 =	vand.u32 $0xFFFFFFF8, v6  }
0x3e7: {  	vm1 =	veq.s32 v5, v0;
	v4 =	vor.u32 v3, v4;
	v3 =	vld [tilespmem:s7+$0x2780]  }
0x3e8: {  	vm0 =	vmand vm0, vm1  }
0x3e9: {  	s4 =	simm.s32 $0x80;
	v4 =	vnsel vm0, $0x1000, v4;
	v5 =	vsel vm0, $0x1, v1;
	s5 =	spop (v2sf)  }
.LBB2_38:
0x3ea: {  	p0 =	sne.s32 s4, $0x1F00  }
0x3eb: {  	(xrf0) =	vadd.scan.msk.s32 $0xffff, v5;
	s2 =	sadd.s32 s2, s5;
	s5 =	smov.u32 s4;
	s4 =	sadd.s32 $0x40, s4  }
0x3ec: {  	[tilespmem:s2+$0x4780] =	vst.msk vm0, v3  }
0x3ed: {  	s5 =	sshra.s32 s5, $0x2;
	[tilespmem:s2+$0x5080] =	vst.msk vm0, v4  }
0x3ee: {  	v4 =	vld [tilespmem:s5+$0x2F80];
	_ =	sdelay $0x2  }
0x3ef: {  	v3, _, _ =	vpop (xrf0)  }
0x3f0: {  	(v2sf) =	vpush v3, $0xF  }
0x3f1: {  	v3 =	vshrl.u32 v4, $0x3;
	_ =	sdelay $0x4  }
0x3f2: {  	v5 =	vld.idx.msk [tilespmem:v3+s1+$0x0], $0xffff;
	_ =	sdelay $0x4  }
.Ltmp26:
0x3f3: {  	(pc) =	sbr.rel @p0 .LBB2_38-.Ltmp26, $4  }
0x3f4: {  	v4 =	vand.u32 $0x7, v4;
	v6 =	vand.u32 $0x1, v5;
	v7 =	vshll.u32 v5, $0x2;
	v3 =	vld [tilespmem:s5+$0x2780]  }
0x3f5: {  	vm0 =	vgt.s32 v5, $0xFFFFFFFF;
	vm1 =	veq.s32 v6, v0;
	v5 =	vand.u32 $0xFFFFFFF8, v7  }
0x3f6: {  	vm0 =	vmand vm0, vm1;
	v4 =	vor.u32 v4, v5  }
0x3f7: {  	v4 =	vnsel vm0, $0x1000, v4;
	v5 =	vsel vm0, $0x1, v1;
	s5 =	spop (v2sf)  }
0x3f8: {  	(xrf0) =	vadd.scan.msk.s32 $0xffff, v5;
	_ =	sdelay $0x5  }
0x3f9: {  	v5, _, _ =	vpop (xrf0)  }
0x3fa: {  	(v2sf) =	vpush v5, $0xF;
	_ =	sdelay $0xe  }
0x3fb: {  	s5 =	sadd.s32 s2, s5;
	s6 =	spop (v2sf)  }
0x3fc: {  	s2 =	sadd.s32 s5, s6  }
0x3fd: {  	s4 =	sand.u32 $0x3F, s2  }
0x3fe: {  	s6 =	sshra.s32 s2, $0x1F;
	p0 =	slt.s32 s2, $0x1;
	p1 =	sne.s32 s4, $0x0  }
0x3ff: {  	s7 =	sshrl.u32 s6, $0x1A;
	p0 =	por !p0, !p1  }
0x400: {  	s6 =	simm.s32 $0x1;
	s4 =	sadd.s32 s7, s2;
	p0 =	por !p0, !p0  }
0x401: {  	s4 =	sshra.s32 s4, $0x6;
	s6 =	simm.s32 @!p0 $0x0  }
0x402: {  	s4 =	ssub.s32 s4, s6  }
0x403: {  	p0 =	slt.s32 s4, $0x1  }
.Ltmp27:
0x404: {  	_ = 	snop;
	(pc) =	sbr.rel @p0 .LBB2_43-.Ltmp27, $3  }
0x405: {  	_ =	sdelay $0x1  }
0x406: {  	[tilespmem:s5+$0x4780] =	vst.msk vm0, v3  }
0x407: {  	[tilespmem:s5+$0x5080] =	vst.msk vm0, v4  }
0x408: {  	s5 =	simm.s32 $0x47A0  }
0x409: {  	v3 =	vld [tilespmem:s5+$0xFFFFFFE0];
	_ =	sdelay $0x4  }
0x40a: {  	s6 =	simm.s32 $0x50A0;
	[tilespmem:$0x5980] =	vst v3  }
0x40b: {  	v3 =	vld [tilespmem:s6+$0xFFFFFFE0];
	_ =	sdelay $0x4  }
0x40c: {  	[tilespmem:$0x5A00] =	vst v3  }
0x40d: {  	v3 =	vld [tilespmem:s5+$0xFFFFFFF0];
	_ =	sdelay $0x4  }
0x40e: {  	[tilespmem:$0x5990] =	vst v3  }
0x40f: {  	v3 =	vld [tilespmem:s6+$0xFFFFFFF0];
	_ =	sdelay $0x4  }
0x410: {  	[tilespmem:$0x5A10] =	vst v3  }
0x411: {  	v3 =	vld [tilespmem:s5+$0x0];
	_ =	sdelay $0x4  }
0x412: {  	[tilespmem:$0x59A0] =	vst v3  }
0x413: {  	v3 =	vld [tilespmem:s6+$0x0];
	_ =	sdelay $0x4  }
0x414: {  	[tilespmem:$0x5A20] =	vst v3  }
0x415: {  	v3 =	vld [tilespmem:s5+$0x10];
	_ =	sdelay $0x4  }
0x416: {  	[tilespmem:$0x59B0] =	vst v3  }
0x417: {  	v3 =	vld [tilespmem:s6+$0x10];
	_ =	sdelay $0x4  }
0x418: {  	[tilespmem:$0x5A30] =	vst v3  }
0x419: {  	[tilespmem:s17], [sflag:$0x4] =	stream.indirect.gather [hbm4b:s21+s25], $0x80, s28, s25, $0xb8;
	[tilespmem:$0xFE88] =	vst v63  }
0x41a: {  	_ =	swait.ge [sflag:s29], $0x2000  }
0x41b: {  	[sflag:s29] =	ssyncset.done $0x0  }
0x41c: {  	[sflag:s29] =	ssyncadd.s32 $0xFFFFE000  }
0x41d: {  	[spmem:s23] =	stream.indirect.scatter.add.f32 [tilespmem:s17], [sflag:$0x5], $0x80, s30, s25, $0xb8;
	[tilespmem:$0xFE88] =	vst v63  }
0x41e: {  	p0 =	sne.s32 s4, $0x1;
	_ =	swait.ge [sflag:s16], $0x2000  }
.Ltmp28:
0x41f: {  	[sflag:s16] =	ssyncset.done $0x0;
	(pc) =	sbr.rel @!p0 .LBB2_42-.Ltmp28, $4  }
0x420: {  	[sflag:s16] =	ssyncadd.s32 $0xFFFFE000  }
0x421: {  	[spmem:s26] =	stream.indirect.scatter.add.f32 [tilespmem:s15], [sflag:$0x5], $0x1, s30, s25, $0xb8;
	[tilespmem:$0xFE88] =	vst v63  }
0x422: {  	_ =	swait.ge [sflag:s16], $0x40  }
0x423: {  	s7 =	sadd.s32 $0xFFFFFFFF, s4;
	[sflag:s16] =	ssyncset.done $0x0  }
.LBB2_41:
0x424: {  	[sflag:s16] =	ssyncadd.s32 $0xFFFFFFC0;
	s6 =	sadd.s32 $0x40, s6;
	s5 =	sadd.s32 $0x40, s5  }
0x425: {  	p0 =	sne.s32 s7, $0x1;
	s7 =	sadd.s32 $0xFFFFFFFF, s7;
	v3 =	vld [tilespmem:s5+$0xFFFFFFE0];
	_ =	sdelay $0x4  }
0x426: {  	[tilespmem:$0x5980] =	vst v3  }
0x427: {  	v3 =	vld [tilespmem:s6+$0xFFFFFFE0];
	_ =	sdelay $0x4  }
0x428: {  	[tilespmem:$0x5A00] =	vst v3  }
0x429: {  	v3 =	vld [tilespmem:s5+$0xFFFFFFF0];
	_ =	sdelay $0x4  }
0x42a: {  	[tilespmem:$0x5990] =	vst v3  }
0x42b: {  	v3 =	vld [tilespmem:s6+$0xFFFFFFF0];
	_ =	sdelay $0x4  }
0x42c: {  	[tilespmem:$0x5A10] =	vst v3  }
0x42d: {  	v3 =	vld [tilespmem:s5+$0x0];
	_ =	sdelay $0x4  }
0x42e: {  	[tilespmem:$0x59A0] =	vst v3  }
0x42f: {  	v3 =	vld [tilespmem:s6+$0x0];
	_ =	sdelay $0x4  }
0x430: {  	[tilespmem:$0x5A20] =	vst v3  }
0x431: {  	v3 =	vld [tilespmem:s5+$0x10];
	_ =	sdelay $0x4  }
0x432: {  	[tilespmem:$0x59B0] =	vst v3  }
0x433: {  	v3 =	vld [tilespmem:s6+$0x10];
	_ =	sdelay $0x4  }
0x434: {  	[tilespmem:$0x5A30] =	vst v3  }
0x435: {  	[tilespmem:s17], [sflag:$0x4] =	stream.indirect.gather [hbm4b:s21+s25], $0x80, s28, s25, $0xb8;
	[tilespmem:$0xFE88] =	vst v63  }
0x436: {  	_ =	swait.ge [sflag:s29], $0x2000  }
0x437: {  	[sflag:s29] =	ssyncset.done $0x0  }
0x438: {  	[sflag:s29] =	ssyncadd.s32 $0xFFFFE000  }
0x439: {  	[spmem:s23] =	stream.indirect.scatter.add.f32 [tilespmem:s17], [sflag:$0x5], $0x80, s30, s25, $0xb8;
	[tilespmem:$0xFE88] =	vst v63  }
0x43a: {  	_ =	swait.ge [sflag:s16], $0x2000  }
.Ltmp29:
0x43b: {  	[sflag:s16] =	ssyncset.done $0x0;
	(pc) =	sbr.rel @p0 .LBB2_41-.Ltmp29, $4  }
0x43c: {  	[sflag:s16] =	ssyncadd.s32 $0xFFFFE000  }
0x43d: {  	[spmem:s26] =	stream.indirect.scatter.add.f32 [tilespmem:s15], [sflag:$0x5], $0x1, s30, s25, $0xb8;
	[tilespmem:$0xFE88] =	vst v63  }
0x43e: {  	_ =	swait.ge [sflag:s16], $0x40  }
0x43f: {  	[sflag:s16] =	ssyncset.done $0x0  }
.LBB2_42:
0x440: {  	[sflag:s16] =	ssyncadd.s32 $0xFFFFFFC0  }
.LBB2_43:
0x441: {  	s4 =	sshll.u32 s4, $0x6  }
0x442: {  	v3 =	vld [tilespmem:s4+$0x4780]  }
0x443: {  	v4 =	vld [tilespmem:s4+$0x5080];
	_ =	sdelay $0x3  }
0x444: {  	[tilespmem:$0x4780] =	vst v3  }
0x445: {  	[tilespmem:$0x5080] =	vst v4  }
0x446: {  	v3 =	vld [tilespmem:s4+$0x4790]  }
0x447: {  	v4 =	vld [tilespmem:s4+$0x5090];
	_ =	sdelay $0x3  }
0x448: {  	[tilespmem:$0x4790] =	vst v3  }
0x449: {  	[tilespmem:$0x5090] =	vst v4  }
0x44a: {  	v3 =	vld [tilespmem:s4+$0x47A0]  }
0x44b: {  	v4 =	vld [tilespmem:s4+$0x50A0];
	_ =	sdelay $0x3  }
0x44c: {  	[tilespmem:$0x47A0] =	vst v3  }
0x44d: {  	[tilespmem:$0x50A0] =	vst v4  }
0x44e: {  	v3 =	vld [tilespmem:s4+$0x47B0]  }
0x44f: {  	v4 =	vld [tilespmem:s4+$0x50B0];
	_ =	sdelay $0x3  }
0x450: {  	[tilespmem:$0x47B0] =	vst v3  }
0x451: {  	s5 =	simm.s32 $0x0;
	s6 =	rddreg [dreg:$0x15];
	[tilespmem:$0x50B0] =	vst v4  }
0x452: {  	[tilespmem:s13], [sflag:$0x1] =	stream.linear.gather [hbm4b:s6+s5], $0x7D0, $0x38;
	[tilespmem:$0xFE88] =	vst v63  }
0x453: {  	s7 =	rddreg [dreg:$0x16]  }
0x454: {  	[tilespmem:s14], [sflag:$0x1] =	stream.linear.gather [hbm4b:s7+s5], $0x7D0, $0x38;
	[tilespmem:$0xFE88] =	vst v63  }
0x455: {  	_ =	swait.ge [sflag:s31], $0x7D0  }
0x456: {  	[sflag:s31] =	ssyncset.done $0x0  }
0x457: {  	[sflag:s31] =	ssyncadd.s32 $0xFFFFF830  }
0x458: {  	_ =	swait.ge [sflag:s31], $0x7D0  }
0x459: {  	[sflag:s31] =	ssyncset.done $0x0  }
0x45a: {  	s6 =	simm.s32 $0x0;
	[sflag:s31] =	ssyncadd.s32 $0xFFFFF830  }
0x45b: {  	v3 =	vld [tilespmem:s6+$0x3F80];
	_ =	sdelay $0x4  }
0x45c: {  	v4 =	vshrl.u32 v3, $0x3;
	_ =	sdelay $0x4  }
0x45d: {  	v4 =	vld.idx.msk [tilespmem:v4+s1+$0x0], $0xffff;
	_ =	sdelay $0x4  }
0x45e: {  	v6 =	vld [tilespmem:s6+$0x3780];
	v5 =	vand.u32 $0x1, v4  }
0x45f: {  	vm0 =	vgt.s32 v4, $0xFFFFFFFF;
	vm1 =	veq.s32 v5, v0  }
0x460: {  	v4 =	vshll.u32 v4, $0x2;
	vm0 =	vmand vm0, vm1  }
0x461: {  	v3 =	vand.u32 $0x7, v3;
	v4 =	vand.u32 $0xFFFFFFF8, v4;
	v5 =	vsel vm0, $0x1, v1  }
0x462: {  	s2 =	ssub.s32 s2, s4;
	v3 =	vor.u32 v3, v4;
	(xrf0) =	vadd.scan.msk.s32 $0xffff, v5  }
0x463: {  	v3 =	vnsel vm0, $0x1000, v3;
	[tilespmem:s2+$0x4780] =	vst.msk vm0, v6  }
0x464: {  	s7 =	simm.s32 $0x10;
	[tilespmem:s2+$0x5080] =	vst.msk vm0, v3  }
0x465: {  	v3 =	vld [tilespmem:s7+$0x3F80];
	_ =	sdelay $0x2  }
0x466: {  	v4, _, _ =	vpop (xrf0)  }
0x467: {  	(v2sf) =	vpush v4, $0xF  }
0x468: {  	v4 =	vshrl.u32 v3, $0x3;
	_ =	sdelay $0x4  }
0x469: {  	v4 =	vld.idx.msk [tilespmem:v4+s1+$0x0], $0xffff;
	_ =	sdelay $0x4  }
0x46a: {  	v3 =	vand.u32 $0x7, v3;
	v6 =	vshll.u32 v4, $0x2  }
0x46b: {  	v5 =	vand.u32 $0x1, v4;
	vm0 =	vgt.s32 v4, $0xFFFFFFFF;
	v4 =	vand.u32 $0xFFFFFFF8, v6  }
0x46c: {  	vm1 =	veq.s32 v5, v0;
	v4 =	vor.u32 v3, v4;
	v3 =	vld [tilespmem:s7+$0x3780]  }
0x46d: {  	vm0 =	vmand vm0, vm1  }
0x46e: {  	s4 =	simm.s32 $0x80;
	v4 =	vnsel vm0, $0x1000, v4;
	v5 =	vsel vm0, $0x1, v1;
	s5 =	spop (v2sf)  }
.LBB2_44:
0x46f: {  	p0 =	sne.s32 s4, $0x1F00  }
0x470: {  	(xrf0) =	vadd.scan.msk.s32 $0xffff, v5;
	s2 =	sadd.s32 s2, s5;
	s5 =	smov.u32 s4;
	s4 =	sadd.s32 $0x40, s4  }
0x471: {  	[tilespmem:s2+$0x4780] =	vst.msk vm0, v3  }
0x472: {  	s5 =	sshra.s32 s5, $0x2;
	[tilespmem:s2+$0x5080] =	vst.msk vm0, v4  }
0x473: {  	v4 =	vld [tilespmem:s5+$0x3F80];
	_ =	sdelay $0x2  }
0x474: {  	v3, _, _ =	vpop (xrf0)  }
0x475: {  	(v2sf) =	vpush v3, $0xF  }
0x476: {  	v3 =	vshrl.u32 v4, $0x3;
	_ =	sdelay $0x4  }
0x477: {  	v5 =	vld.idx.msk [tilespmem:v3+s1+$0x0], $0xffff;
	_ =	sdelay $0x4  }
.Ltmp30:
0x478: {  	(pc) =	sbr.rel @p0 .LBB2_44-.Ltmp30, $4  }
0x479: {  	v4 =	vand.u32 $0x7, v4;
	v6 =	vand.u32 $0x1, v5;
	v7 =	vshll.u32 v5, $0x2;
	v3 =	vld [tilespmem:s5+$0x3780]  }
0x47a: {  	vm0 =	vgt.s32 v5, $0xFFFFFFFF;
	vm1 =	veq.s32 v6, v0;
	v5 =	vand.u32 $0xFFFFFFF8, v7  }
0x47b: {  	vm0 =	vmand vm0, vm1;
	v4 =	vor.u32 v4, v5  }
0x47c: {  	v4 =	vnsel vm0, $0x1000, v4;
	v5 =	vsel vm0, $0x1, v1;
	s5 =	spop (v2sf)  }
0x47d: {  	(xrf0) =	vadd.scan.msk.s32 $0xffff, v5;
	_ =	sdelay $0x5  }
0x47e: {  	v5, _, _ =	vpop (xrf0)  }
0x47f: {  	(v2sf) =	vpush v5, $0xF;
	_ =	sdelay $0xe  }
0x480: {  	s5 =	sadd.s32 s2, s5;
	s6 =	spop (v2sf)  }
0x481: {  	s2 =	sadd.s32 s5, s6  }
0x482: {  	s4 =	sand.u32 $0x3F, s2  }
0x483: {  	s6 =	sshra.s32 s2, $0x1F;
	p0 =	slt.s32 s2, $0x1;
	p1 =	sne.s32 s4, $0x0  }
0x484: {  	s7 =	sshrl.u32 s6, $0x1A;
	p0 =	por !p0, !p1  }
0x485: {  	s6 =	simm.s32 $0x1;
	s4 =	sadd.s32 s7, s2;
	p0 =	por !p0, !p0  }
0x486: {  	s4 =	sshra.s32 s4, $0x6;
	s6 =	simm.s32 @!p0 $0x0  }
0x487: {  	s4 =	ssub.s32 s4, s6  }
0x488: {  	p0 =	slt.s32 s4, $0x1  }
.Ltmp31:
0x489: {  	_ = 	snop;
	(pc) =	sbr.rel @p0 .LBB2_49-.Ltmp31, $3  }
0x48a: {  	_ =	sdelay $0x1  }
0x48b: {  	[tilespmem:s5+$0x4780] =	vst.msk vm0, v3  }
0x48c: {  	[tilespmem:s5+$0x5080] =	vst.msk vm0, v4  }
0x48d: {  	s5 =	simm.s32 $0x47A0  }
0x48e: {  	v3 =	vld [tilespmem:s5+$0xFFFFFFE0];
	_ =	sdelay $0x4  }
0x48f: {  	s6 =	simm.s32 $0x50A0;
	[tilespmem:$0x5980] =	vst v3  }
0x490: {  	v3 =	vld [tilespmem:s6+$0xFFFFFFE0];
	_ =	sdelay $0x4  }
0x491: {  	[tilespmem:$0x5A00] =	vst v3  }
0x492: {  	v3 =	vld [tilespmem:s5+$0xFFFFFFF0];
	_ =	sdelay $0x4  }
0x493: {  	[tilespmem:$0x5990] =	vst v3  }
0x494: {  	v3 =	vld [tilespmem:s6+$0xFFFFFFF0];
	_ =	sdelay $0x4  }
0x495: {  	[tilespmem:$0x5A10] =	vst v3  }
0x496: {  	v3 =	vld [tilespmem:s5+$0x0];
	_ =	sdelay $0x4  }
0x497: {  	[tilespmem:$0x59A0] =	vst v3  }
0x498: {  	v3 =	vld [tilespmem:s6+$0x0];
	_ =	sdelay $0x4  }
0x499: {  	[tilespmem:$0x5A20] =	vst v3  }
0x49a: {  	v3 =	vld [tilespmem:s5+$0x10];
	_ =	sdelay $0x4  }
0x49b: {  	[tilespmem:$0x59B0] =	vst v3  }
0x49c: {  	v3 =	vld [tilespmem:s6+$0x10];
	_ =	sdelay $0x4  }
0x49d: {  	[tilespmem:$0x5A30] =	vst v3  }
0x49e: {  	[tilespmem:s17], [sflag:$0x4] =	stream.indirect.gather [hbm4b:s21+s25], $0x80, s28, s25, $0xb8;
	[tilespmem:$0xFE88] =	vst v63  }
0x49f: {  	_ =	swait.ge [sflag:s29], $0x2000  }
0x4a0: {  	[sflag:s29] =	ssyncset.done $0x0  }
0x4a1: {  	[sflag:s29] =	ssyncadd.s32 $0xFFFFE000  }
0x4a2: {  	[spmem:s23] =	stream.indirect.scatter.add.f32 [tilespmem:s17], [sflag:$0x5], $0x80, s30, s25, $0xb8;
	[tilespmem:$0xFE88] =	vst v63  }
0x4a3: {  	p0 =	sne.s32 s4, $0x1;
	_ =	swait.ge [sflag:s16], $0x2000  }
.Ltmp32:
0x4a4: {  	[sflag:s16] =	ssyncset.done $0x0;
	(pc) =	sbr.rel @!p0 .LBB2_48-.Ltmp32, $4  }
0x4a5: {  	[sflag:s16] =	ssyncadd.s32 $0xFFFFE000  }
0x4a6: {  	[spmem:s26] =	stream.indirect.scatter.add.f32 [tilespmem:s15], [sflag:$0x5], $0x1, s30, s25, $0xb8;
	[tilespmem:$0xFE88] =	vst v63  }
0x4a7: {  	_ =	swait.ge [sflag:s16], $0x40  }
0x4a8: {  	s7 =	sadd.s32 $0xFFFFFFFF, s4;
	[sflag:s16] =	ssyncset.done $0x0  }
.LBB2_47:
0x4a9: {  	[sflag:s16] =	ssyncadd.s32 $0xFFFFFFC0;
	s6 =	sadd.s32 $0x40, s6;
	s5 =	sadd.s32 $0x40, s5  }
0x4aa: {  	p0 =	sne.s32 s7, $0x1;
	s7 =	sadd.s32 $0xFFFFFFFF, s7;
	v3 =	vld [tilespmem:s5+$0xFFFFFFE0];
	_ =	sdelay $0x4  }
0x4ab: {  	[tilespmem:$0x5980] =	vst v3  }
0x4ac: {  	v3 =	vld [tilespmem:s6+$0xFFFFFFE0];
	_ =	sdelay $0x4  }
0x4ad: {  	[tilespmem:$0x5A00] =	vst v3  }
0x4ae: {  	v3 =	vld [tilespmem:s5+$0xFFFFFFF0];
	_ =	sdelay $0x4  }
0x4af: {  	[tilespmem:$0x5990] =	vst v3  }
0x4b0: {  	v3 =	vld [tilespmem:s6+$0xFFFFFFF0];
	_ =	sdelay $0x4  }
0x4b1: {  	[tilespmem:$0x5A10] =	vst v3  }
0x4b2: {  	v3 =	vld [tilespmem:s5+$0x0];
	_ =	sdelay $0x4  }
0x4b3: {  	[tilespmem:$0x59A0] =	vst v3  }
0x4b4: {  	v3 =	vld [tilespmem:s6+$0x0];
	_ =	sdelay $0x4  }
0x4b5: {  	[tilespmem:$0x5A20] =	vst v3  }
0x4b6: {  	v3 =	vld [tilespmem:s5+$0x10];
	_ =	sdelay $0x4  }
0x4b7: {  	[tilespmem:$0x59B0] =	vst v3  }
0x4b8: {  	v3 =	vld [tilespmem:s6+$0x10];
	_ =	sdelay $0x4  }
0x4b9: {  	[tilespmem:$0x5A30] =	vst v3  }
0x4ba: {  	[tilespmem:s17], [sflag:$0x4] =	stream.indirect.gather [hbm4b:s21+s25], $0x80, s28, s25, $0xb8;
	[tilespmem:$0xFE88] =	vst v63  }
0x4bb: {  	_ =	swait.ge [sflag:s29], $0x2000  }
0x4bc: {  	[sflag:s29] =	ssyncset.done $0x0  }
0x4bd: {  	[sflag:s29] =	ssyncadd.s32 $0xFFFFE000  }
0x4be: {  	[spmem:s23] =	stream.indirect.scatter.add.f32 [tilespmem:s17], [sflag:$0x5], $0x80, s30, s25, $0xb8;
	[tilespmem:$0xFE88] =	vst v63  }
0x4bf: {  	_ =	swait.ge [sflag:s16], $0x2000  }
.Ltmp33:
0x4c0: {  	[sflag:s16] =	ssyncset.done $0x0;
	(pc) =	sbr.rel @p0 .LBB2_47-.Ltmp33, $4  }
0x4c1: {  	[sflag:s16] =	ssyncadd.s32 $0xFFFFE000  }
0x4c2: {  	[spmem:s26] =	stream.indirect.scatter.add.f32 [tilespmem:s15], [sflag:$0x5], $0x1, s30, s25, $0xb8;
	[tilespmem:$0xFE88] =	vst v63  }
0x4c3: {  	_ =	swait.ge [sflag:s16], $0x40  }
0x4c4: {  	[sflag:s16] =	ssyncset.done $0x0  }
.LBB2_48:
0x4c5: {  	[sflag:s16] =	ssyncadd.s32 $0xFFFFFFC0  }
.LBB2_49:
0x4c6: {  	s4 =	sshll.u32 s4, $0x6  }
0x4c7: {  	v3 =	vld [tilespmem:s4+$0x4780]  }
0x4c8: {  	v4 =	vld [tilespmem:s4+$0x5080];
	_ =	sdelay $0x3  }
0x4c9: {  	[tilespmem:$0x4780] =	vst v3  }
0x4ca: {  	[tilespmem:$0x5080] =	vst v4  }
0x4cb: {  	v3 =	vld [tilespmem:s4+$0x4790]  }
0x4cc: {  	v4 =	vld [tilespmem:s4+$0x5090];
	_ =	sdelay $0x3  }
0x4cd: {  	[tilespmem:$0x4790] =	vst v3  }
0x4ce: {  	[tilespmem:$0x5090] =	vst v4  }
0x4cf: {  	v3 =	vld [tilespmem:s4+$0x47A0]  }
0x4d0: {  	v4 =	vld [tilespmem:s4+$0x50A0];
	_ =	sdelay $0x3  }
0x4d1: {  	[tilespmem:$0x47A0] =	vst v3  }
0x4d2: {  	[tilespmem:$0x50A0] =	vst v4  }
0x4d3: {  	v3 =	vld [tilespmem:s4+$0x47B0]  }
0x4d4: {  	v4 =	vld [tilespmem:s4+$0x50B0];
	_ =	sdelay $0x3  }
0x4d5: {  	[tilespmem:$0x47B0] =	vst v3  }
0x4d6: {  	s5 =	simm.s32 $0x0;
	s6 =	rddreg [dreg:$0x18];
	[tilespmem:$0x50B0] =	vst v4  }
0x4d7: {  	[tilespmem:s20], [sflag:$0x2] =	stream.linear.gather [hbm4b:s6+s5], $0x7D0, $0x38;
	[tilespmem:$0xFE88] =	vst v63  }
0x4d8: {  	s7 =	rddreg [dreg:$0x19]  }
0x4d9: {  	[tilespmem:s22], [sflag:$0x2] =	stream.linear.gather [hbm4b:s7+s5], $0x7D0, $0x38;
	[tilespmem:$0xFE88] =	vst v63  }
0x4da: {  	_ =	swait.ge [sflag:s18], $0x7D0  }
0x4db: {  	[sflag:s18] =	ssyncset.done $0x0  }
0x4dc: {  	[sflag:s18] =	ssyncadd.s32 $0xFFFFF830  }
0x4dd: {  	_ =	swait.ge [sflag:s18], $0x7D0  }
0x4de: {  	[sflag:s18] =	ssyncset.done $0x0  }
0x4df: {  	s6 =	simm.s32 $0x0;
	[sflag:s18] =	ssyncadd.s32 $0xFFFFF830  }
0x4e0: {  	v3 =	vld [tilespmem:s6+$0x2F80];
	_ =	sdelay $0x4  }
0x4e1: {  	v4 =	vshrl.u32 v3, $0x3;
	_ =	sdelay $0x4  }
0x4e2: {  	v4 =	vld.idx.msk [tilespmem:v4+s1+$0x0], $0xffff;
	_ =	sdelay $0x4  }
0x4e3: {  	v6 =	vld [tilespmem:s6+$0x2780];
	v5 =	vand.u32 $0x1, v4  }
0x4e4: {  	vm0 =	vgt.s32 v4, $0xFFFFFFFF;
	vm1 =	veq.s32 v5, v0  }
0x4e5: {  	v4 =	vshll.u32 v4, $0x2;
	vm0 =	vmand vm0, vm1  }
0x4e6: {  	v3 =	vand.u32 $0x7, v3;
	v4 =	vand.u32 $0xFFFFFFF8, v4;
	v5 =	vsel vm0, $0x1, v1  }
0x4e7: {  	s2 =	ssub.s32 s2, s4;
	v3 =	vor.u32 v3, v4;
	(xrf0) =	vadd.scan.msk.s32 $0xffff, v5  }
0x4e8: {  	v3 =	vnsel vm0, $0x1000, v3;
	[tilespmem:s2+$0x4780] =	vst.msk vm0, v6  }
0x4e9: {  	s7 =	simm.s32 $0x10;
	[tilespmem:s2+$0x5080] =	vst.msk vm0, v3  }
0x4ea: {  	v3 =	vld [tilespmem:s7+$0x2F80];
	_ =	sdelay $0x2  }
0x4eb: {  	v4, _, _ =	vpop (xrf0)  }
0x4ec: {  	(v2sf) =	vpush v4, $0xF  }
0x4ed: {  	v4 =	vshrl.u32 v3, $0x3;
	_ =	sdelay $0x4  }
0x4ee: {  	v4 =	vld.idx.msk [tilespmem:v4+s1+$0x0], $0xffff;
	_ =	sdelay $0x4  }
0x4ef: {  	v3 =	vand.u32 $0x7, v3;
	v6 =	vshll.u32 v4, $0x2  }
0x4f0: {  	v5 =	vand.u32 $0x1, v4;
	vm0 =	vgt.s32 v4, $0xFFFFFFFF;
	v4 =	vand.u32 $0xFFFFFFF8, v6  }
0x4f1: {  	vm1 =	veq.s32 v5, v0;
	v4 =	vor.u32 v3, v4;
	v3 =	vld [tilespmem:s7+$0x2780]  }
0x4f2: {  	vm0 =	vmand vm0, vm1  }
0x4f3: {  	s4 =	simm.s32 $0x80;
	v4 =	vnsel vm0, $0x1000, v4;
	v5 =	vsel vm0, $0x1, v1;
	s5 =	spop (v2sf)  }
.LBB2_50:
0x4f4: {  	p0 =	sne.s32 s4, $0x1F00  }
0x4f5: {  	(xrf0) =	vadd.scan.msk.s32 $0xffff, v5;
	s2 =	sadd.s32 s2, s5;
	s5 =	smov.u32 s4;
	s4 =	sadd.s32 $0x40, s4  }
0x4f6: {  	[tilespmem:s2+$0x4780] =	vst.msk vm0, v3  }
0x4f7: {  	s5 =	sshra.s32 s5, $0x2;
	[tilespmem:s2+$0x5080] =	vst.msk vm0, v4  }
0x4f8: {  	v4 =	vld [tilespmem:s5+$0x2F80];
	_ =	sdelay $0x2  }
0x4f9: {  	v3, _, _ =	vpop (xrf0)  }
0x4fa: {  	(v2sf) =	vpush v3, $0xF  }
0x4fb: {  	v3 =	vshrl.u32 v4, $0x3;
	_ =	sdelay $0x4  }
0x4fc: {  	v5 =	vld.idx.msk [tilespmem:v3+s1+$0x0], $0xffff;
	_ =	sdelay $0x4  }
.Ltmp34:
0x4fd: {  	(pc) =	sbr.rel @p0 .LBB2_50-.Ltmp34, $4  }
0x4fe: {  	v4 =	vand.u32 $0x7, v4;
	v6 =	vand.u32 $0x1, v5;
	v7 =	vshll.u32 v5, $0x2;
	v3 =	vld [tilespmem:s5+$0x2780]  }
0x4ff: {  	vm0 =	vgt.s32 v5, $0xFFFFFFFF;
	vm1 =	veq.s32 v6, v0;
	v5 =	vand.u32 $0xFFFFFFF8, v7  }
0x500: {  	vm0 =	vmand vm0, vm1;
	v4 =	vor.u32 v4, v5  }
0x501: {  	v4 =	vnsel vm0, $0x1000, v4;
	v5 =	vsel vm0, $0x1, v1;
	s5 =	spop (v2sf)  }
0x502: {  	(xrf0) =	vadd.scan.msk.s32 $0xffff, v5;
	_ =	sdelay $0x5  }
0x503: {  	v5, _, _ =	vpop (xrf0)  }
0x504: {  	(v2sf) =	vpush v5, $0xF;
	_ =	sdelay $0xe  }
0x505: {  	s5 =	sadd.s32 s2, s5;
	s6 =	spop (v2sf)  }
0x506: {  	s2 =	sadd.s32 s5, s6  }
0x507: {  	s4 =	sand.u32 $0x3F, s2  }
0x508: {  	s6 =	sshra.s32 s2, $0x1F;
	p0 =	slt.s32 s2, $0x1;
	p1 =	sne.s32 s4, $0x0  }
0x509: {  	s7 =	sshrl.u32 s6, $0x1A;
	p0 =	por !p0, !p1  }
0x50a: {  	s6 =	simm.s32 $0x1;
	s4 =	sadd.s32 s7, s2;
	p0 =	por !p0, !p0  }
0x50b: {  	s4 =	sshra.s32 s4, $0x6;
	s6 =	simm.s32 @!p0 $0x0  }
0x50c: {  	s4 =	ssub.s32 s4, s6  }
0x50d: {  	p0 =	slt.s32 s4, $0x1  }
.Ltmp35:
0x50e: {  	_ = 	snop;
	(pc) =	sbr.rel @p0 .LBB2_55-.Ltmp35, $3  }
0x50f: {  	_ =	sdelay $0x1  }
0x510: {  	[tilespmem:s5+$0x4780] =	vst.msk vm0, v3  }
0x511: {  	[tilespmem:s5+$0x5080] =	vst.msk vm0, v4  }
0x512: {  	s5 =	simm.s32 $0x47A0  }
0x513: {  	v3 =	vld [tilespmem:s5+$0xFFFFFFE0];
	_ =	sdelay $0x4  }
0x514: {  	s6 =	simm.s32 $0x50A0;
	[tilespmem:$0x5980] =	vst v3  }
0x515: {  	v3 =	vld [tilespmem:s6+$0xFFFFFFE0];
	_ =	sdelay $0x4  }
0x516: {  	[tilespmem:$0x5A00] =	vst v3  }
0x517: {  	v3 =	vld [tilespmem:s5+$0xFFFFFFF0];
	_ =	sdelay $0x4  }
0x518: {  	[tilespmem:$0x5990] =	vst v3  }
0x519: {  	v3 =	vld [tilespmem:s6+$0xFFFFFFF0];
	_ =	sdelay $0x4  }
0x51a: {  	[tilespmem:$0x5A10] =	vst v3  }
0x51b: {  	v3 =	vld [tilespmem:s5+$0x0];
	_ =	sdelay $0x4  }
0x51c: {  	[tilespmem:$0x59A0] =	vst v3  }
0x51d: {  	v3 =	vld [tilespmem:s6+$0x0];
	_ =	sdelay $0x4  }
0x51e: {  	[tilespmem:$0x5A20] =	vst v3  }
0x51f: {  	v3 =	vld [tilespmem:s5+$0x10];
	_ =	sdelay $0x4  }
0x520: {  	[tilespmem:$0x59B0] =	vst v3  }
0x521: {  	v3 =	vld [tilespmem:s6+$0x10];
	_ =	sdelay $0x4  }
0x522: {  	[tilespmem:$0x5A30] =	vst v3  }
0x523: {  	[tilespmem:s17], [sflag:$0x4] =	stream.indirect.gather [hbm4b:s21+s25], $0x80, s28, s25, $0xb8;
	[tilespmem:$0xFE88] =	vst v63  }
0x524: {  	_ =	swait.ge [sflag:s29], $0x2000  }
0x525: {  	[sflag:s29] =	ssyncset.done $0x0  }
0x526: {  	[sflag:s29] =	ssyncadd.s32 $0xFFFFE000  }
0x527: {  	[spmem:s23] =	stream.indirect.scatter.add.f32 [tilespmem:s17], [sflag:$0x5], $0x80, s30, s25, $0xb8;
	[tilespmem:$0xFE88] =	vst v63  }
0x528: {  	p0 =	sne.s32 s4, $0x1;
	_ =	swait.ge [sflag:s16], $0x2000  }
.Ltmp36:
0x529: {  	[sflag:s16] =	ssyncset.done $0x0;
	(pc) =	sbr.rel @!p0 .LBB2_54-.Ltmp36, $4  }
0x52a: {  	[sflag:s16] =	ssyncadd.s32 $0xFFFFE000  }
0x52b: {  	[spmem:s26] =	stream.indirect.scatter.add.f32 [tilespmem:s15], [sflag:$0x5], $0x1, s30, s25, $0xb8;
	[tilespmem:$0xFE88] =	vst v63  }
0x52c: {  	_ =	swait.ge [sflag:s16], $0x40  }
0x52d: {  	s7 =	sadd.s32 $0xFFFFFFFF, s4;
	[sflag:s16] =	ssyncset.done $0x0  }
.LBB2_53:
0x52e: {  	[sflag:s16] =	ssyncadd.s32 $0xFFFFFFC0;
	s6 =	sadd.s32 $0x40, s6;
	s5 =	sadd.s32 $0x40, s5  }
0x52f: {  	p0 =	sne.s32 s7, $0x1;
	s7 =	sadd.s32 $0xFFFFFFFF, s7;
	v3 =	vld [tilespmem:s5+$0xFFFFFFE0];
	_ =	sdelay $0x4  }
0x530: {  	[tilespmem:$0x5980] =	vst v3  }
0x531: {  	v3 =	vld [tilespmem:s6+$0xFFFFFFE0];
	_ =	sdelay $0x4  }
0x532: {  	[tilespmem:$0x5A00] =	vst v3  }
0x533: {  	v3 =	vld [tilespmem:s5+$0xFFFFFFF0];
	_ =	sdelay $0x4  }
0x534: {  	[tilespmem:$0x5990] =	vst v3  }
0x535: {  	v3 =	vld [tilespmem:s6+$0xFFFFFFF0];
	_ =	sdelay $0x4  }
0x536: {  	[tilespmem:$0x5A10] =	vst v3  }
0x537: {  	v3 =	vld [tilespmem:s5+$0x0];
	_ =	sdelay $0x4  }
0x538: {  	[tilespmem:$0x59A0] =	vst v3  }
0x539: {  	v3 =	vld [tilespmem:s6+$0x0];
	_ =	sdelay $0x4  }
0x53a: {  	[tilespmem:$0x5A20] =	vst v3  }
0x53b: {  	v3 =	vld [tilespmem:s5+$0x10];
	_ =	sdelay $0x4  }
0x53c: {  	[tilespmem:$0x59B0] =	vst v3  }
0x53d: {  	v3 =	vld [tilespmem:s6+$0x10];
	_ =	sdelay $0x4  }
0x53e: {  	[tilespmem:$0x5A30] =	vst v3  }
0x53f: {  	[tilespmem:s17], [sflag:$0x4] =	stream.indirect.gather [hbm4b:s21+s25], $0x80, s28, s25, $0xb8;
	[tilespmem:$0xFE88] =	vst v63  }
0x540: {  	_ =	swait.ge [sflag:s29], $0x2000  }
0x541: {  	[sflag:s29] =	ssyncset.done $0x0  }
0x542: {  	[sflag:s29] =	ssyncadd.s32 $0xFFFFE000  }
0x543: {  	[spmem:s23] =	stream.indirect.scatter.add.f32 [tilespmem:s17], [sflag:$0x5], $0x80, s30, s25, $0xb8;
	[tilespmem:$0xFE88] =	vst v63  }
0x544: {  	_ =	swait.ge [sflag:s16], $0x2000  }
.Ltmp37:
0x545: {  	[sflag:s16] =	ssyncset.done $0x0;
	(pc) =	sbr.rel @p0 .LBB2_53-.Ltmp37, $4  }
0x546: {  	[sflag:s16] =	ssyncadd.s32 $0xFFFFE000  }
0x547: {  	[spmem:s26] =	stream.indirect.scatter.add.f32 [tilespmem:s15], [sflag:$0x5], $0x1, s30, s25, $0xb8;
	[tilespmem:$0xFE88] =	vst v63  }
0x548: {  	_ =	swait.ge [sflag:s16], $0x40  }
0x549: {  	[sflag:s16] =	ssyncset.done $0x0  }
.LBB2_54:
0x54a: {  	[sflag:s16] =	ssyncadd.s32 $0xFFFFFFC0  }
.LBB2_55:
0x54b: {  	s4 =	sshll.u32 s4, $0x6  }
0x54c: {  	v3 =	vld [tilespmem:s4+$0x4780]  }
0x54d: {  	v4 =	vld [tilespmem:s4+$0x5080];
	_ =	sdelay $0x3  }
0x54e: {  	[tilespmem:$0x4780] =	vst v3  }
0x54f: {  	[tilespmem:$0x5080] =	vst v4  }
0x550: {  	v3 =	vld [tilespmem:s4+$0x4790]  }
0x551: {  	v4 =	vld [tilespmem:s4+$0x5090];
	_ =	sdelay $0x3  }
0x552: {  	[tilespmem:$0x4790] =	vst v3  }
0x553: {  	[tilespmem:$0x5090] =	vst v4  }
0x554: {  	v3 =	vld [tilespmem:s4+$0x47A0]  }
0x555: {  	v4 =	vld [tilespmem:s4+$0x50A0];
	_ =	sdelay $0x3  }
0x556: {  	[tilespmem:$0x47A0] =	vst v3  }
0x557: {  	[tilespmem:$0x50A0] =	vst v4  }
0x558: {  	v3 =	vld [tilespmem:s4+$0x47B0]  }
0x559: {  	v4 =	vld [tilespmem:s4+$0x50B0];
	_ =	sdelay $0x3  }
0x55a: {  	[tilespmem:$0x47B0] =	vst v3  }
0x55b: {  	[tilespmem:$0x50B0] =	vst v4  }
0x55c: {  	_ =	swait.ge [sflag:s31], $0x7D0  }
0x55d: {  	[sflag:s31] =	ssyncset.done $0x0  }
0x55e: {  	[sflag:s31] =	ssyncadd.s32 $0xFFFFF830  }
0x55f: {  	_ =	swait.ge [sflag:s31], $0x7D0  }
0x560: {  	[sflag:s31] =	ssyncset.done $0x0  }
0x561: {  	s5 =	simm.s32 $0x0;
	[sflag:s31] =	ssyncadd.s32 $0xFFFFF830  }
0x562: {  	v3 =	vld [tilespmem:s5+$0x3F80];
	_ =	sdelay $0x4  }
0x563: {  	v4 =	vshrl.u32 v3, $0x3;
	_ =	sdelay $0x4  }
0x564: {  	v4 =	vld.idx.msk [tilespmem:v4+s1+$0x0], $0xffff;
	_ =	sdelay $0x4  }
0x565: {  	v6 =	vld [tilespmem:s5+$0x3780];
	v5 =	vand.u32 $0x1, v4  }
0x566: {  	vm0 =	vgt.s32 v4, $0xFFFFFFFF;
	vm1 =	veq.s32 v5, v0  }
0x567: {  	v4 =	vshll.u32 v4, $0x2;
	vm0 =	vmand vm0, vm1  }
0x568: {  	v3 =	vand.u32 $0x7, v3;
	v4 =	vand.u32 $0xFFFFFFF8, v4;
	v5 =	vsel vm0, $0x1, v1  }
0x569: {  	s2 =	ssub.s32 s2, s4;
	v3 =	vor.u32 v3, v4;
	(xrf0) =	vadd.scan.msk.s32 $0xffff, v5  }
0x56a: {  	v3 =	vnsel vm0, $0x1000, v3;
	[tilespmem:s2+$0x4780] =	vst.msk vm0, v6  }
0x56b: {  	s7 =	simm.s32 $0x10;
	[tilespmem:s2+$0x5080] =	vst.msk vm0, v3  }
0x56c: {  	v3 =	vld [tilespmem:s7+$0x3F80];
	_ =	sdelay $0x2  }
0x56d: {  	v4, _, _ =	vpop (xrf0)  }
0x56e: {  	(v2sf) =	vpush v4, $0xF  }
0x56f: {  	v4 =	vshrl.u32 v3, $0x3;
	_ =	sdelay $0x4  }
0x570: {  	v4 =	vld.idx.msk [tilespmem:v4+s1+$0x0], $0xffff;
	_ =	sdelay $0x4  }
0x571: {  	v3 =	vand.u32 $0x7, v3;
	v6 =	vshll.u32 v4, $0x2  }
0x572: {  	v5 =	vand.u32 $0x1, v4;
	vm0 =	vgt.s32 v4, $0xFFFFFFFF;
	v4 =	vand.u32 $0xFFFFFFF8, v6  }
0x573: {  	vm1 =	veq.s32 v5, v0;
	v4 =	vor.u32 v3, v4;
	v3 =	vld [tilespmem:s7+$0x3780]  }
0x574: {  	vm0 =	vmand vm0, vm1  }
0x575: {  	s4 =	simm.s32 $0x80;
	v4 =	vnsel vm0, $0x1000, v4;
	v5 =	vsel vm0, $0x1, v1;
	s5 =	spop (v2sf)  }
.LBB2_56:
0x576: {  	p0 =	sne.s32 s4, $0x1F00  }
0x577: {  	(xrf0) =	vadd.scan.msk.s32 $0xffff, v5;
	s2 =	sadd.s32 s2, s5;
	s5 =	smov.u32 s4;
	s4 =	sadd.s32 $0x40, s4  }
0x578: {  	[tilespmem:s2+$0x4780] =	vst.msk vm0, v3  }
0x579: {  	s5 =	sshra.s32 s5, $0x2;
	[tilespmem:s2+$0x5080] =	vst.msk vm0, v4  }
0x57a: {  	v4 =	vld [tilespmem:s5+$0x3F80];
	_ =	sdelay $0x2  }
0x57b: {  	v3, _, _ =	vpop (xrf0)  }
0x57c: {  	(v2sf) =	vpush v3, $0xF  }
0x57d: {  	v3 =	vshrl.u32 v4, $0x3;
	_ =	sdelay $0x4  }
0x57e: {  	v5 =	vld.idx.msk [tilespmem:v3+s1+$0x0], $0xffff;
	_ =	sdelay $0x4  }
.Ltmp38:
0x57f: {  	(pc) =	sbr.rel @p0 .LBB2_56-.Ltmp38, $4  }
0x580: {  	v4 =	vand.u32 $0x7, v4;
	v6 =	vand.u32 $0x1, v5;
	v7 =	vshll.u32 v5, $0x2;
	v3 =	vld [tilespmem:s5+$0x3780]  }
0x581: {  	vm0 =	vgt.s32 v5, $0xFFFFFFFF;
	vm1 =	veq.s32 v6, v0;
	v5 =	vand.u32 $0xFFFFFFF8, v7  }
0x582: {  	vm0 =	vmand vm0, vm1;
	v4 =	vor.u32 v4, v5  }
0x583: {  	v4 =	vnsel vm0, $0x1000, v4;
	v5 =	vsel vm0, $0x1, v1;
	s5 =	spop (v2sf)  }
0x584: {  	(xrf0) =	vadd.scan.msk.s32 $0xffff, v5;
	_ =	sdelay $0x5  }
0x585: {  	v5, _, _ =	vpop (xrf0)  }
0x586: {  	(v2sf) =	vpush v5, $0xF;
	_ =	sdelay $0xe  }
0x587: {  	s5 =	sadd.s32 s2, s5;
	s6 =	spop (v2sf)  }
0x588: {  	s2 =	sadd.s32 s5, s6  }
0x589: {  	s4 =	sand.u32 $0x3F, s2  }
0x58a: {  	s6 =	sshra.s32 s2, $0x1F;
	p0 =	slt.s32 s2, $0x1;
	p1 =	sne.s32 s4, $0x0  }
0x58b: {  	s7 =	sshrl.u32 s6, $0x1A;
	p0 =	por !p0, !p1  }
0x58c: {  	s6 =	simm.s32 $0x1;
	s4 =	sadd.s32 s7, s2;
	p0 =	por !p0, !p0  }
0x58d: {  	s4 =	sshra.s32 s4, $0x6;
	s6 =	simm.s32 @!p0 $0x0  }
0x58e: {  	s4 =	ssub.s32 s4, s6  }
0x58f: {  	p0 =	slt.s32 s4, $0x1  }
.Ltmp39:
0x590: {  	_ = 	snop;
	(pc) =	sbr.rel @p0 .LBB2_61-.Ltmp39, $3  }
0x591: {  	_ =	sdelay $0x1  }
0x592: {  	[tilespmem:s5+$0x4780] =	vst.msk vm0, v3  }
0x593: {  	[tilespmem:s5+$0x5080] =	vst.msk vm0, v4  }
0x594: {  	s5 =	simm.s32 $0x47A0  }
0x595: {  	v3 =	vld [tilespmem:s5+$0xFFFFFFE0];
	_ =	sdelay $0x4  }
0x596: {  	s6 =	simm.s32 $0x50A0;
	[tilespmem:$0x5980] =	vst v3  }
0x597: {  	v3 =	vld [tilespmem:s6+$0xFFFFFFE0];
	_ =	sdelay $0x4  }
0x598: {  	[tilespmem:$0x5A00] =	vst v3  }
0x599: {  	v3 =	vld [tilespmem:s5+$0xFFFFFFF0];
	_ =	sdelay $0x4  }
0x59a: {  	[tilespmem:$0x5990] =	vst v3  }
0x59b: {  	v3 =	vld [tilespmem:s6+$0xFFFFFFF0];
	_ =	sdelay $0x4  }
0x59c: {  	[tilespmem:$0x5A10] =	vst v3  }
0x59d: {  	v3 =	vld [tilespmem:s5+$0x0];
	_ =	sdelay $0x4  }
0x59e: {  	[tilespmem:$0x59A0] =	vst v3  }
0x59f: {  	v3 =	vld [tilespmem:s6+$0x0];
	_ =	sdelay $0x4  }
0x5a0: {  	[tilespmem:$0x5A20] =	vst v3  }
0x5a1: {  	v3 =	vld [tilespmem:s5+$0x10];
	_ =	sdelay $0x4  }
0x5a2: {  	[tilespmem:$0x59B0] =	vst v3  }
0x5a3: {  	v3 =	vld [tilespmem:s6+$0x10];
	_ =	sdelay $0x4  }
0x5a4: {  	[tilespmem:$0x5A30] =	vst v3  }
0x5a5: {  	[tilespmem:s17], [sflag:$0x4] =	stream.indirect.gather [hbm4b:s21+s25], $0x80, s28, s25, $0xb8;
	[tilespmem:$0xFE88] =	vst v63  }
0x5a6: {  	_ =	swait.ge [sflag:s29], $0x2000  }
0x5a7: {  	[sflag:s29] =	ssyncset.done $0x0  }
0x5a8: {  	[sflag:s29] =	ssyncadd.s32 $0xFFFFE000  }
0x5a9: {  	[spmem:s23] =	stream.indirect.scatter.add.f32 [tilespmem:s17], [sflag:$0x5], $0x80, s30, s25, $0xb8;
	[tilespmem:$0xFE88] =	vst v63  }
0x5aa: {  	p0 =	sne.s32 s4, $0x1;
	_ =	swait.ge [sflag:s16], $0x2000  }
.Ltmp40:
0x5ab: {  	[sflag:s16] =	ssyncset.done $0x0;
	(pc) =	sbr.rel @!p0 .LBB2_60-.Ltmp40, $4  }
0x5ac: {  	[sflag:s16] =	ssyncadd.s32 $0xFFFFE000  }
0x5ad: {  	[spmem:s26] =	stream.indirect.scatter.add.f32 [tilespmem:s15], [sflag:$0x5], $0x1, s30, s25, $0xb8;
	[tilespmem:$0xFE88] =	vst v63  }
0x5ae: {  	_ =	swait.ge [sflag:s16], $0x40  }
0x5af: {  	s7 =	sadd.s32 $0xFFFFFFFF, s4;
	[sflag:s16] =	ssyncset.done $0x0  }
.LBB2_59:
0x5b0: {  	[sflag:s16] =	ssyncadd.s32 $0xFFFFFFC0;
	s6 =	sadd.s32 $0x40, s6;
	s5 =	sadd.s32 $0x40, s5  }
0x5b1: {  	p0 =	sne.s32 s7, $0x1;
	s7 =	sadd.s32 $0xFFFFFFFF, s7;
	v3 =	vld [tilespmem:s5+$0xFFFFFFE0];
	_ =	sdelay $0x4  }
0x5b2: {  	[tilespmem:$0x5980] =	vst v3  }
0x5b3: {  	v3 =	vld [tilespmem:s6+$0xFFFFFFE0];
	_ =	sdelay $0x4  }
0x5b4: {  	[tilespmem:$0x5A00] =	vst v3  }
0x5b5: {  	v3 =	vld [tilespmem:s5+$0xFFFFFFF0];
	_ =	sdelay $0x4  }
0x5b6: {  	[tilespmem:$0x5990] =	vst v3  }
0x5b7: {  	v3 =	vld [tilespmem:s6+$0xFFFFFFF0];
	_ =	sdelay $0x4  }
0x5b8: {  	[tilespmem:$0x5A10] =	vst v3  }
0x5b9: {  	v3 =	vld [tilespmem:s5+$0x0];
	_ =	sdelay $0x4  }
0x5ba: {  	[tilespmem:$0x59A0] =	vst v3  }
0x5bb: {  	v3 =	vld [tilespmem:s6+$0x0];
	_ =	sdelay $0x4  }
0x5bc: {  	[tilespmem:$0x5A20] =	vst v3  }
0x5bd: {  	v3 =	vld [tilespmem:s5+$0x10];
	_ =	sdelay $0x4  }
0x5be: {  	[tilespmem:$0x59B0] =	vst v3  }
0x5bf: {  	v3 =	vld [tilespmem:s6+$0x10];
	_ =	sdelay $0x4  }
0x5c0: {  	[tilespmem:$0x5A30] =	vst v3  }
0x5c1: {  	[tilespmem:s17], [sflag:$0x4] =	stream.indirect.gather [hbm4b:s21+s25], $0x80, s28, s25, $0xb8;
	[tilespmem:$0xFE88] =	vst v63  }
0x5c2: {  	_ =	swait.ge [sflag:s29], $0x2000  }
0x5c3: {  	[sflag:s29] =	ssyncset.done $0x0  }
0x5c4: {  	[sflag:s29] =	ssyncadd.s32 $0xFFFFE000  }
0x5c5: {  	[spmem:s23] =	stream.indirect.scatter.add.f32 [tilespmem:s17], [sflag:$0x5], $0x80, s30, s25, $0xb8;
	[tilespmem:$0xFE88] =	vst v63  }
0x5c6: {  	_ =	swait.ge [sflag:s16], $0x2000  }
.Ltmp41:
0x5c7: {  	[sflag:s16] =	ssyncset.done $0x0;
	(pc) =	sbr.rel @p0 .LBB2_59-.Ltmp41, $4  }
0x5c8: {  	[sflag:s16] =	ssyncadd.s32 $0xFFFFE000  }
0x5c9: {  	[spmem:s26] =	stream.indirect.scatter.add.f32 [tilespmem:s15], [sflag:$0x5], $0x1, s30, s25, $0xb8;
	[tilespmem:$0xFE88] =	vst v63  }
0x5ca: {  	_ =	swait.ge [sflag:s16], $0x40  }
0x5cb: {  	[sflag:s16] =	ssyncset.done $0x0  }
.Ltmp42:
0x5cc: {  	_ = 	snop;
	(pc) =	sbr.rel .LBB2_60-.Ltmp42, $1  }
0x5cd: {  	_ =	sdelay $0x3  }
.LBB2_62:
0x5ce: {  	_ =	sfence.sel $0x180000  }
0x5cf: {  	[bflag:$0x0] =	sbarrier.arrive $0xFFFF  }
0x5d0: {  	_ =	strace $0x90000047  }
0x5d1: {  	s0 =	stileid.u32;
	[bflag:$0x2] =	sbarrier.arrive $0xFFFF  }
0x5d2: {  	p0 =	sne.s32 s0, $0x0;
	s0 =	rddreg [dreg:$0x5]  }
0x5d3: {  	s0 =	sadd.s32 @!p0 $0x100000, s0  }
0x5d4: {  	[sflag:s0] =	ssyncadd.tile.s32 @!p0 $0x1;
	_ =	shalt  }
.Lfunc_end2:
_tile_overlayer_lowered:
.L_overlay_start_2:
0x5d5: {  	(tag) =	ssettag $0x2  }
0x5d6: {  	s0 =	rddreg [dreg:$0x0];
	s2 =	stileid.u32  }
0x5d7: {  	s1 =	rddreg [dreg:$0x1];
	p0 =	sne.s32 s2, $0x0  }
0x5d8: {  	s3 =	rddreg [dreg:$0x2];
	[bflag:$0x3] =	sbarrier.arrive $0xFFFF;
	s2 =	simm.s32 @!p0 $0x1C05  }
0x5d9: {  	[timem:s3], [sflag:s2] =	dma.local @!p0 [hbm:s0], s1  }
0x5da: {  	s0 =	simm.s32 @!p0 $0x5  }
0x5db: {  	_ =	swait.ge @!p0 [sflag:s0], s1  }
0x5dc: {  	s1 =	ssub.s32 @!p0 $0x0, s1;
	[sflag:s0] =	ssyncset.done @!p0 $0x0  }
0x5dd: {  	[sflag:s0] =	ssyncadd.s32 @!p0 s1  }
0x5de: {  	[bflag:$0x3] =	sbarrier.arrive $0xFFFF  }
0x5df: {  	_ =	shalt  }

</sc_bundles>
